<compile_context>
chip_gen: v7x
topology: tpu7x:2x2x1
jax: 0.10.2.dev20260603
libtpu: 0.0.44.dev20260713+nightly
codegen_flags: <defaults>
</compile_context>

<pallas_src>
import functools

import jax
import jax.numpy as jnp
from jax import lax
from jax.experimental import pallas as pl
from jax.experimental.pallas import tpu as pltpu
from jax.experimental.pallas import tpu_sc as plsc

NVOX = 128 * 128 * 128
NW = 32
EW = NVOX // NW
PB = 14
P = 1 << PB
NBT = P + 1
NBPAD = 16400
BPW = P // NW
CHUNK = 2048
BUKMAX = 768
BUFW = 6928
TBITS = 16


def _iota16():
    return lax.broadcasted_iota(jnp.int32, (16,), 0)


def _gather16(x, idx):
    dnums = lax.GatherDimensionNumbers(
        offset_dims=(), collapsed_slice_dims=(0,), start_index_map=(0,))
    return lax.gather(x, idx[:, None], dnums, (1,),
                      mode=lax.GatherScatterMode.PROMISE_IN_BOUNDS)


def _shift_up(x, pos):
    return _gather16(x, jnp.maximum(pos - 1, 0))


def _shift_down(x, pos):
    return _gather16(x, jnp.minimum(pos + 1, 15))


def _run_info(sb):
    pos = _iota16()
    prev = _shift_up(sb, pos)
    nxt = _shift_down(sb, pos)
    newseg = (pos == 0) | (sb != prev)
    islast = (pos == 15) | (sb != nxt)
    segstart = plsc.cummax(jnp.where(newseg, pos, 0))
    rank = pos - segstart
    total = rank + 1
    return pos, newseg, islast, rank, total


def _wid():
    return lax.axis_index("s") * 2 + lax.axis_index("c")


def _zero_ref(ref, nwords):
    z = jnp.zeros((16,), jnp.int32)

    def body(i, _):
        ref[pl.ds(i * 16, 16)] = z
        return 0

    lax.fori_loop(0, nwords // 16, body, 0)


def _make_a1():
    mesh = plsc.VectorSubcoreMesh(core_axis_name="c", subcore_axis_name="s")

    @functools.partial(
        pl.kernel,
        out_type=jax.ShapeDtypeStruct((NW, NBPAD), jnp.int32),
        mesh=mesh,
        compiler_params=pltpu.CompilerParams(needs_layout_passes=False),
        scratch_types=[
            pltpu.VMEM((NBPAD,), jnp.int32),
            pltpu.VMEM((CHUNK,), jnp.int32),
        ],
    )
    def a1(bucket_hbm, counts_hbm, cnt_v, buf):
        w = _wid()
        _zero_ref(cnt_v, NBPAD)

        def chunk_body(i, _):
            st = pl.multiple_of(w * EW + i * CHUNK, 8)
            pltpu.sync_copy(bucket_hbm.at[pl.ds(st, CHUNK)], buf)

            def vreg_body(k, _):
                b = buf[pl.ds(k * 16, 16)]
                sb, _sl = plsc.sort_key_val(b, b)
                _pos, _ns, islast, _rank, total = _run_info(sb)
                cur = plsc.load_gather(cnt_v, [sb])
                plsc.store_scatter(cnt_v, [sb], cur + total, mask=islast)
                return 0

            lax.fori_loop(0, CHUNK // 16, vreg_body, 0)
            return 0

        lax.fori_loop(0, EW // CHUNK, chunk_body, 0)
        pltpu.sync_copy(cnt_v, counts_hbm.at[w])

    return a1


def _make_a2():
    mesh = plsc.VectorSubcoreMesh(core_axis_name="c", subcore_axis_name="s")
    SUP = 4096

    @functools.partial(
        pl.kernel,
        out_type=jax.ShapeDtypeStruct((NVOX + 8192,), jnp.int32),
        mesh=mesh,
        compiler_params=pltpu.CompilerParams(needs_layout_passes=False),
        scratch_types=[
            pltpu.VMEM((NBPAD,), jnp.int32),
            pltpu.VMEM((SUP,), jnp.int32),
            pltpu.VMEM((SUP,), jnp.int32),
            pltpu.VMEM((SUP,), jnp.int32),
            pltpu.VMEM((SUP,), jnp.int32),
            pltpu.VMEM((SUP,), jnp.int32),
            pltpu.VMEM((SUP,), jnp.int32),
            pltpu.VMEM((SUP,), jnp.int32),
            pltpu.VMEM((SUP,), jnp.int32),
            pltpu.SemaphoreType.DMA,
            pltpu.SemaphoreType.DMA,
            pltpu.SemaphoreType.DMA,
            pltpu.SemaphoreType.DMA,
        ],
    )
    def a2(bucket_hbm, pv_hbm, offw_hbm, cells_hbm, pos_v,
           bbufa, pvbufa, bbufb, pvbufb, didxa, dvala, didxb, dvalb,
           semina, seminb, semsca, semscb):
        w = _wid()
        pltpu.sync_copy(offw_hbm.at[w], pos_v)
        nsup = EW // SUP

        def issue_in(c, bbuf, pvbuf, semin):
            base = pl.multiple_of(w * EW + c * SUP, 8)
            pltpu.async_copy(bucket_hbm.at[pl.ds(base, SUP)], bbuf, semin)
            pltpu.async_copy(pv_hbm.at[pl.ds(base, SUP)], pvbuf, semin)

        def wait_in(c, bbuf, pvbuf, semin):
            base = pl.multiple_of(w * EW + c * SUP, 8)
            pltpu.make_async_copy(
                bucket_hbm.at[pl.ds(base, SUP)], bbuf, semin).wait()
            pltpu.make_async_copy(
                pv_hbm.at[pl.ds(base, SUP)], pvbuf, semin).wait()

        def compute(bbuf, pvbuf, didx, dval):
            def batch(t, _):
                for j in range(8):
                    off = t * 128 + j * 16
                    b = bbuf[pl.ds(off, 16)]
                    pv = pvbuf[pl.ds(off, 16)]
                    sb, spv = plsc.sort_key_val(b, pv)
                    _pos, _ns, islast, rank, total = _run_info(sb)
                    cur = plsc.load_gather(pos_v, [sb])
                    plsc.store_scatter(pos_v, [sb], cur + total, mask=islast)
                    didx[pl.ds(off, 16)] = cur + rank
                    dval[pl.ds(off, 16)] = spv
                return 0

            lax.fori_loop(0, SUP // 128, batch, 0)

        issue_in(0, bbufa, pvbufa, semina)

        def pair_body(i, _):
            wait_in(2 * i, bbufa, pvbufa, semina)
            issue_in(2 * i + 1, bbufb, pvbufb, seminb)

            @pl.when(i > 0)
            def _():
                pltpu.make_async_copy(dvala, cells_hbm.at[didxa],
                                      semsca).wait()

            compute(bbufa, pvbufa, didxa, dvala)
            pltpu.async_copy(dvala, cells_hbm.at[didxa], semsca)

            wait_in(2 * i + 1, bbufb, pvbufb, seminb)
            issue_in(jnp.minimum(2 * i + 2, nsup - 1), bbufa, pvbufa, semina)

            @pl.when(i > 0)
            def _():
                pltpu.make_async_copy(dvalb, cells_hbm.at[didxb],
                                      semscb).wait()

            compute(bbufb, pvbufb, didxb, dvalb)
            pltpu.async_copy(dvalb, cells_hbm.at[didxb], semscb)
            return 0

        lax.fori_loop(0, nsup // 2, pair_body, 0)
        wait_in(nsup - 1, bbufa, pvbufa, semina)
        pltpu.make_async_copy(dvala, cells_hbm.at[didxa], semsca).wait()
        pltpu.make_async_copy(dvalb, cells_hbm.at[didxb], semscb).wait()

    return a2


def _make_b():
    mesh = plsc.VectorSubcoreMesh(core_axis_name="c", subcore_axis_name="s")

    @functools.partial(
        pl.kernel,
        out_type=jax.ShapeDtypeStruct((NW, 16), jnp.int32),
        mesh=mesh,
        compiler_params=pltpu.CompilerParams(needs_layout_passes=False),
        scratch_types=[
            pltpu.VMEM((1 << TBITS,), jnp.int32),
            pltpu.VMEM((528,), jnp.int32),
            pltpu.VMEM((16,), jnp.int32),
            pltpu.VMEM((BUFW,), jnp.int32),
            pltpu.VMEM((BUFW,), jnp.int32),
            pltpu.VMEM((16,), jnp.int32),
            pltpu.SemaphoreType.DMA,
            pltpu.SemaphoreType.DMA,
        ],
    )
    def bk(cells_hbm, starts_hbm, tp_hbm, stats_hbm, table, base_v, tpv,
           bufa, bufb, orow, sema, semb):
        w = _wid()
        _zero_ref(table, 1 << TBITS)
        pltpu.sync_copy(starts_hbm.at[pl.ds(w * BPW, 528)], base_v)
        pltpu.sync_copy(tp_hbm, tpv)
        tpbits = tpv[...][0]
        pos = _iota16()
        zero16 = jnp.zeros((16,), jnp.int32)

        SB = 6144
        w_s = base_v[pl.ds(0, 16)][0]
        sal = w_s & ~7
        NCH = 12

        def issue(buf, sem, c):
            ab = pl.multiple_of(jnp.minimum(sal + c * SB, NVOX), 8)
            return pltpu.async_copy(cells_hbm.at[pl.ds(ab, BUFW)], buf, sem)

        def waitc(buf, sem, c):
            ab = pl.multiple_of(jnp.minimum(sal + c * SB, NVOX), 8)
            pltpu.make_async_copy(cells_hbm.at[pl.ds(ab, BUFW)], buf,
                                  sem).wait()

        def proc_bucket(buf, off0, n_b, accs):
            nv = (n_b + 15) // 16

            def vreg_body(k, accs):
                pvv = buf[pl.ds(off0 + k * 16, 16)]
                rem = n_b - k * 16
                valid = pos < rem
                skey = jnp.where(valid, (pvv >> 4) & 0xFFFF, 65536 + pos)
                sk, spv = plsc.sort_key_val(skey, pvv)
                vs = sk < 65536
                _p, _ns, _il, rank, _tot = _run_info(sk)
                maxrank = jnp.max(jnp.where(vs, rank, 0))
                slab = spv & 15

                def cond(c):
                    return c[0] <= maxrank

                def rmw(c):
                    r = c[0]
                    (a1_, a2_, a3_, a4_, a5_, a6_, a7_, a8_, afp) = c[1]
                    act = vs & (rank == r)
                    old = plsc.load_gather(table, [sk], mask=act)
                    ocnt = old & 0xFFFF
                    omask = (old >> 16) & 0x1FF
                    labbit = jnp.int32(1) << slab
                    nmask = omask | labbit
                    ncnt = ocnt + 1
                    plsc.store_scatter(table, [sk], (nmask << 16) | ncnt,
                                       mask=act)
                    isnew = ocnt == 0
                    oldfp = jnp.where((~isnew) & ((omask & tpbits) == 0), 1, 0)
                    newfp = jnp.where((nmask & tpbits) == 0, 1, 0)
                    afp = afp + jnp.where(act, newfp - oldfp, 0)
                    outs = []
                    for c_i, acc in zip(range(1, 9),
                                        (a1_, a2_, a3_, a4_, a5_, a6_, a7_, a8_)):
                        inmask = (omask >> c_i) & 1
                        addc = inmask + jnp.where(
                            (slab == c_i) & (inmask == 0), ncnt, 0)
                        outs.append(acc + jnp.where(act, addc, 0))
                    return (r + 1, (outs[0], outs[1], outs[2], outs[3],
                                    outs[4], outs[5], outs[6], outs[7], afp))

                _, accs = lax.while_loop(cond, rmw, (jnp.int32(0), accs))
                return accs

            accs = lax.fori_loop(0, nv, vreg_body, accs)

            def clear_body(k, _):
                pvv = buf[pl.ds(off0 + k * 16, 16)]
                rem = n_b - k * 16
                valid = pos < rem
                addr = (pvv >> 4) & 0xFFFF
                plsc.store_scatter(table, [addr], zero16, mask=valid)
                return 0

            lax.fori_loop(0, nv, clear_body, 0)
            return accs

        def proc_chunk(buf, c, carry):
            bi, s_bi, accs = carry
            ab = jnp.minimum(sal + c * SB, NVOX)
            lim = w_s + (c + 1) * SB

            def bcond(carry):
                bi, s_bi, accs = carry
                return (bi < BPW) & (s_bi < lim)

            def bbody(carry):
                bi, s_bi, accs = carry
                e_bi = base_v[pl.ds(bi + 1, 16)][0]
                n_b = jnp.minimum(e_bi - s_bi, BUKMAX)
                accs = proc_bucket(buf, s_bi - ab, n_b, accs)
                return (bi + 1, e_bi, accs)

            return lax.while_loop(bcond, bbody, (bi, s_bi, accs))

        accs = tuple(jnp.zeros((16,), jnp.int32) for _ in range(9))
        issue(bufa, sema, 0)

        def pair_loop(i, carry):
            waitc(bufa, sema, 2 * i)
            issue(bufb, semb, 2 * i + 1)
            carry = proc_chunk(bufa, 2 * i, carry)
            waitc(bufb, semb, 2 * i + 1)
            issue(bufa, sema, jnp.minimum(2 * i + 2, NCH - 1))
            carry = proc_chunk(bufb, 2 * i + 1, carry)
            return carry

        carry = lax.fori_loop(0, NCH // 2, pair_loop,
                              (jnp.int32(0), w_s, accs))
        _bi, _sb, accs = carry
        waitc(bufa, sema, NCH - 1)

        row = zero16
        for idx, acc in enumerate(accs):
            tot = jnp.sum(acc)
            row = jnp.where(pos == idx, tot, row)
        orow[...] = row
        pltpu.sync_copy(orow, stats_hbm.at[w])

    return bk


def _prepass_kernel(pred_ref, gt_ref, bucket_ref, pv_ref, hist_ref):
    step = pl.program_id(0)
    s = jax.nn.sigmoid(pred_ref[...])
    g = gt_ref[...]
    key = lax.bitcast_convert_type(s, jnp.int32)
    valid = key != 0
    bucket = jnp.where(valid, key & (P - 1), P)
    pv = ((key >> PB) << 4) | g
    bucket_ref[...] = bucket
    pv_ref[...] = pv

    rows = lax.broadcasted_iota(jnp.int32, (8, 128), 0)
    cols = lax.broadcasted_iota(jnp.int32, (8, 128), 1)
    hist = jnp.zeros((8, 128), jnp.int32)
    for c in range(9):
        m = g == c
        gc = jnp.sum(m.astype(jnp.int32))
        hc = jnp.sum((m & valid).astype(jnp.int32))
        hist = hist + jnp.where((rows == 0) & (cols == c), gc, 0)
        hist = hist + jnp.where((rows == 1) & (cols == c), hc, 0)

    @pl.when(step == 0)
    def _():
        hist_ref[...] = hist

    @pl.when(step != 0)
    def _():
        hist_ref[...] += hist


def _final_kernel(stats_ref, out_ref):
    row = stats_ref[0, :]
    gtcnt = row[0:9]
    hitcnt = row[16:25]
    predsum = row[32:41]
    n_gt = row[48]
    fp_count = row[49]
    c = jnp.arange(9, dtype=jnp.int32).astype(jnp.float32)
    active = (hitcnt > 0) & (c >= 1) & (c <= n_gt)
    dice = 2.0 * hitcnt / (predsum + gtcnt + 1.0)
    dice_sum = jnp.sum(jnp.where(active, dice, 0.0))
    out_ref[...] = (dice_sum / (n_gt + fp_count)).reshape(1, 1)


_A1 = _make_a1()
_A2 = _make_a2()
_B = _make_b()


def kernel(pred, gt):
    pred2 = pred.reshape(P, 128)
    gt2 = gt.reshape(P, 128).astype(jnp.int32)
    grid = 16
    bucket, pv, hist = pl.pallas_call(
        _prepass_kernel,
        grid=(grid,),
        in_specs=[
            pl.BlockSpec((P // grid, 128), lambda i: (i, 0)),
            pl.BlockSpec((P // grid, 128), lambda i: (i, 0)),
        ],
        out_specs=[
            pl.BlockSpec((P // grid, 128), lambda i: (i, 0)),
            pl.BlockSpec((P // grid, 128), lambda i: (i, 0)),
            pl.BlockSpec((8, 128), lambda i: (0, 0)),
        ],
        out_shape=[
            jax.ShapeDtypeStruct((P, 128), jnp.int32),
            jax.ShapeDtypeStruct((P, 128), jnp.int32),
            jax.ShapeDtypeStruct((8, 128), jnp.int32),
        ],
    )(pred2, gt2)

    bucket1 = bucket.reshape(NVOX)
    pv1 = pv.reshape(NVOX)
    gtcnt = hist[0, :9]
    hitcnt = hist[1, :9]
    n_gt = jnp.sum((gtcnt[1:9] > 0).astype(jnp.int32))
    tpbits = ((jnp.int32(1) << (n_gt + 1)) - 2).astype(jnp.int32)
    tpvec = jnp.full((16,), tpbits, jnp.int32)

    counts = _A1(bucket1)
    cnt = counts[:, :NBT]
    flat = cnt.T.reshape(-1)
    csum = jnp.cumsum(flat)
    offs = csum - flat
    offs_bw = offs.reshape(NBT, NW)
    offw = jnp.pad(offs_bw.T, ((0, 0), (0, NBPAD - NBT)))
    starts = jnp.pad(
        jnp.concatenate([offs_bw[:, 0], jnp.array([NVOX], jnp.int32)]),
        (0, NBPAD - NBT - 1))

    cells = _A2(bucket1, pv1, offw)
    stats = _B(cells, starts, tpvec)

    predsum = jnp.sum(stats[:, :8], axis=0)
    fp_count = jnp.sum(stats[:, 8])

    row = jnp.zeros(128, jnp.float32)
    row = row.at[0:9].set(gtcnt.astype(jnp.float32))
    row = row.at[16:25].set(hitcnt.astype(jnp.float32))
    row = row.at[33:41].set(predsum.astype(jnp.float32))
    row = row.at[48].set(n_gt.astype(jnp.float32))
    row = row.at[49].set(fp_count.astype(jnp.float32))

    out = pl.pallas_call(
        _final_kernel,
        out_shape=jax.ShapeDtypeStruct((1, 1), jnp.float32),
    )(row.reshape(1, 128))
    return out[0, 0]

# --- scband reference (transcript-rebuilt; emitter-appended) ---
"""Pipeline reference for scband-instance-dice-loss-90821378441236 (READ-ONLY COPY).

The authoritative reference and input builder live on the scoring server;
editing this copy changes nothing except your own understanding.
"""

import jax, jax.numpy as jnp
import numpy as np


def _isin(a, b):
    # sort-based isin, equivalent to torch.isin for our value sets
    if int(b.shape[0]) == 0:
        return jnp.zeros(a.shape, dtype=bool)
    sb = jnp.sort(b)
    idx = jnp.clip(jnp.searchsorted(sb, a), 0, sb.shape[0] - 1)
    return sb[idx] == a


def setup_inputs(seed: int = 0) -> dict:
    key = jax.random.key(seed)
    k1, k2 = jax.random.split(key)
    pred = jax.random.normal(k1, (128, 128, 128), dtype=jnp.float32)
    gt = jax.random.randint(k2, (128, 128, 128), 0, 9, dtype=jnp.int32)
    return {"pred": pred, "gt": gt}


def reference(pred, gt):
    smooth = 1.0
    pred_label_cc = jax.nn.sigmoid(pred)
    gt_label_cc = gt

    present = jnp.stack([jnp.any(gt_label_cc == v) for v in range(1, 9)])
    num_gt_lesions = jnp.sum(present).astype(jnp.int32)

    sentinel = jnp.float32(jnp.inf)
    lesion_dice_scores = jnp.float32(0.0)
    for gtcomp in range(1, 9):
        gt_tmp = gt_label_cc == gtcomp
        hit = gt_tmp & (pred_label_cc != 0)
        b = jnp.where(hit, pred_label_cc, sentinel).ravel()
        active = jnp.any(hit) & (gtcomp <= num_gt_lesions)
        pred_tmp = jnp.where(_isin(pred_label_cc, b),
                             jnp.float32(1.0), jnp.float32(0.0))
        intersection = jnp.sum(pred_tmp * gt_tmp)
        union = jnp.sum(pred_tmp) + jnp.sum(gt_tmp)
        dice_score = 2.0 * intersection / (union + smooth)
        lesion_dice_scores = lesion_dice_scores + jnp.where(
            active, dice_score, jnp.float32(0.0))

    tp_vox = (gt_label_cc >= 1) & (gt_label_cc <= num_gt_lesions) & (pred_label_cc != 0)
    tp_vals = jnp.where(tp_vox, pred_label_cc, sentinel).ravel()
    in_tp = _isin(pred_label_cc, tp_vals)

    mask = (pred_label_cc != 0) & (~in_tp)
    fp_vals = jnp.sort(jnp.where(mask, pred_label_cc, sentinel).ravel())
    is_new = jnp.concatenate([jnp.array([True]), fp_vals[1:] != fp_vals[:-1]])
    fp_count = jnp.sum((fp_vals != sentinel) & is_new).astype(jnp.int32)
    return lesion_dice_scores / (num_gt_lesions + fp_count)

if __name__ == "__main__":
    import jax
    _d = setup_inputs()
    print(jax.jit(kernel)(*tuple(_d.values())))

</pallas_src>

<mosaic_0001>
#map = affine_map<(d0, d1) -> (0)>
#map1 = affine_map<(d0, d1) -> (0, 0)>
module attributes {stable_mosaic.version = 14 : i64} {
  func.func @a1(%arg0: i32, %arg1: i32, %arg2: memref<2097152xi32, #tpu.memory_space<hbm>>, %arg3: memref<32x16400xi32, #tpu.memory_space<hbm>>, %arg4: memref<16400xi32, #tpu.memory_space<vmem>>, %arg5: memref<2048xi32, #tpu.memory_space<vmem>>) attributes {dimension_semantics = [#tpu.dimension_semantics<core_parallel>, #tpu.dimension_semantics<subcore_parallel>], iteration_bounds = array<i64: 2, 16>, scalar_prefetch = 0 : i64, scratch_operands = 2 : i64, tpu.core_type = #tpu.core_type<sc_vector_subcore>, window_params = [{transform_indices = #map}, {transform_indices = #map1}]} {
    %mul3A = arith.constant 2 : i32
    %mul3A_0 = arith.muli %arg1, %mul3A : i32
    %add3A = arith.addi %mul3A_0, %arg0 : i32
    %broadcast_in_dim3A = arith.constant 0 : i32
    %broadcast_in_dim3A_1 = vector.broadcast %broadcast_in_dim3A : i32 to vector<16xi32>
    %scan3A = arith.constant 0 : i32
    %scan3A_2 = arith.constant 0 : i32
    %scan3A_3 = arith.constant 1025 : i32
    %scan3A_4 = arith.addi %scan3A_2, %scan3A_3 : i32
    %scan3A_5 = arith.constant 1 : i32
    %scan3A_6 = scf.for %scan3A_15 = %scan3A_2 to %scan3A_4 step %scan3A_5 iter_args(%scan3A_16 = %scan3A) -> (i32)  : i32 {
      %mul3A_17 = arith.constant 16 : i32
      %mul3A_18 = arith.muli %scan3A_15, %mul3A_17 : i32
      %swap3A = arith.index_cast %mul3A_18 : i32 to index
      %swap3A_19 = tpu.vector_load %arg4[%swap3A] {strides = array<i32>} : memref<16400xi32, #tpu.memory_space<vmem>>, vector<16xi32>,
      tpu.vector_store %arg4[%swap3A], %broadcast_in_dim3A_1 {strides = array<i32>} : memref<16400xi32, #tpu.memory_space<vmem>>, vector<16xi32>,
      %scan3A_20 = arith.constant 0 : i32
      scf.yield %scan3A_20 : i32
    }
    %scan3A_7 = arith.constant 1025 : i32
    %scan3A_8 = arith.constant 0 : i32
    %scan3A_9 = arith.constant 0 : i32
    %scan3A_10 = arith.constant 32 : i32
    %scan3A_11 = arith.addi %scan3A_9, %scan3A_10 : i32
    %scan3A_12 = arith.constant 1 : i32
    %scan3A_13 = scf.for %scan3A_15 = %scan3A_9 to %scan3A_11 step %scan3A_12 iter_args(%scan3A_16 = %scan3A_8) -> (i32)  : i32 {
      %mul3A_17 = arith.constant 65536 : i32
      %mul3A_18 = arith.muli %add3A, %mul3A_17 : i32
      %mul3A_19 = arith.constant 2048 : i32
      %mul3A_20 = arith.muli %scan3A_15, %mul3A_19 : i32
      %add3A_21 = arith.addi %mul3A_18, %mul3A_20 : i32
      %multiple_of3A = tpu.assume_multiple %add3A_21, 8 : i32
      "tpu.region"() ({
        %run_scoped3A = tpu.sem_alloc : memref<!tpu.dma_semaphore, #tpu.memory_space<semaphore_mem>>
        %dma_start3A = tpu.memref_slice %arg2[%multiple_of3A] : memref<2097152xi32, #tpu.memory_space<hbm>> -> memref<2048xi32, #tpu.memory_space<hbm>>
        %dma_start3A_30 = tpu.memref_slice %arg2[%multiple_of3A] : memref<2097152xi32, #tpu.memory_space<hbm>> -> memref<2048xi32, #tpu.memory_space<hbm>>
        tpu.enqueue_dma source(%dma_start3A_30 : memref<2048xi32, #tpu.memory_space<hbm>>) target(%arg5 : memref<2048xi32, #tpu.memory_space<vmem>>) target_semaphore(%run_scoped3A : memref<!tpu.dma_semaphore, #tpu.memory_space<semaphore_mem>>)
        %dma_wait3A = tpu.memref_slice %arg2[%multiple_of3A] : memref<2097152xi32, #tpu.memory_space<hbm>> -> memref<2048xi32, #tpu.memory_space<hbm>>
        %dma_wait3A_31 = tpu.memref_slice %arg2[%multiple_of3A] : memref<2097152xi32, #tpu.memory_space<hbm>> -> memref<2048xi32, #tpu.memory_space<hbm>>
        tpu.wait_dma2 semaphore(%run_scoped3A : memref<!tpu.dma_semaphore, #tpu.memory_space<semaphore_mem>>) src(%dma_wait3A_31 : memref<2048xi32, #tpu.memory_space<hbm>>) dst(%arg5 : memref<2048xi32, #tpu.memory_space<vmem>>)
        tpu.yield
      }) : () -> ()
      %scan3A_22 = arith.constant 0 : i32
      %scan3A_23 = arith.constant 0 : i32
      %scan3A_24 = arith.constant 128 : i32
      %scan3A_25 = arith.addi %scan3A_23, %scan3A_24 : i32
      %scan3A_26 = arith.constant 1 : i32
      %scan3A_27 = scf.for %scan3A_30 = %scan3A_23 to %scan3A_25 step %scan3A_26 iter_args(%scan3A_31 = %scan3A_22) -> (i32)  : i32 {
        %mul3A_32 = arith.constant 16 : i32
        %mul3A_33 = arith.muli %scan3A_30, %mul3A_32 : i32
        %get3A = arith.index_cast %mul3A_33 : i32 to index
        %get3A_34 = tpu.vector_load %arg5[%get3A] {strides = array<i32>} : memref<2048xi32, #tpu.memory_space<vmem>>, vector<16xi32>,
        %masked_sort3A = arith.constant dense<true> : vector<16xi1>
        %masked_sort3A_35 = arith.constant -2147483648 : i32
        %masked_sort3A_36 = vector.broadcast %masked_sort3A_35 : i32 to vector<16xi32>
        %masked_sort3A_37 = arith.xori %get3A_34, %masked_sort3A_36 : vector<16xi32>
        %masked_sort3A_38, %masked_sort3A_39, %masked_sort3A_40 = tpu.sort %masked_sort3A_37, %get3A_34 masked %masked_sort3A : (vector<16xi32>, vector<16xi32>, vector<16xi1>) -> (vector<16xi1>, vector<16xi32>, vector<16xi32>)
        %masked_sort3A_41 = arith.xori %masked_sort3A_39, %masked_sort3A_36 : vector<16xi32>
        %iota3A = tpu.iota {dimensions = array<i32: 0>} : vector<16xi32>
        %sub3A = arith.constant 1 : i32
        %sub3A_42 = vector.broadcast %sub3A : i32 to vector<16xi32>
        %sub3A_43 = arith.subi %iota3A, %sub3A_42 : vector<16xi32>
        %max3A = arith.constant 0 : i32
        %max3A_44 = vector.broadcast %max3A : i32 to vector<16xi32>
        %max3A_45 = arith.maxsi %sub3A_43, %max3A_44 : vector<16xi32>
        %broadcast_in_dim3A_46 = vector.shape_cast %max3A_45 : vector<16xi32> to vector<16x1xi32>
        %gather3A = vector.shape_cast %broadcast_in_dim3A_46 : vector<16x1xi32> to vector<16xi32>
        %gather3A_47 = tpu.dynamic_gather %masked_sort3A_41[%gather3A] in [0] : vector<16xi32>, vector<16xi32> -> vector<16xi32>
        %add3A_48 = arith.constant 1 : i32
        %add3A_49 = vector.broadcast %add3A_48 : i32 to vector<16xi32>
        %add3A_50 = arith.addi %iota3A, %add3A_49 : vector<16xi32>
        %min3A = arith.constant 15 : i32
        %min3A_51 = vector.broadcast %min3A : i32 to vector<16xi32>
        %min3A_52 = arith.minsi %add3A_50, %min3A_51 : vector<16xi32>
        %broadcast_in_dim3A_53 = vector.shape_cast %min3A_52 : vector<16xi32> to vector<16x1xi32>
        %gather3A_54 = vector.shape_cast %broadcast_in_dim3A_53 : vector<16x1xi32> to vector<16xi32>
        %gather3A_55 = tpu.dynamic_gather %masked_sort3A_41[%gather3A_54] in [0] : vector<16xi32>, vector<16xi32> -> vector<16xi32>
        %eq3A = arith.constant 0 : i32
        %eq3A_56 = vector.broadcast %eq3A : i32 to vector<16xi32>
        %eq3A_57 = arith.cmpi eq, %iota3A, %eq3A_56 : vector<16xi32>
        %ne3A = arith.cmpi ne, %masked_sort3A_41, %gather3A_47 : vector<16xi32>
        %or3A = arith.ori %eq3A_57, %ne3A : vector<16xi1>
        %eq3A_58 = arith.constant 15 : i32
        %eq3A_59 = vector.broadcast %eq3A_58 : i32 to vector<16xi32>
        %eq3A_60 = arith.cmpi eq, %iota3A, %eq3A_59 : vector<16xi32>
        %ne3A_61 = arith.cmpi ne, %masked_sort3A_41, %gather3A_55 : vector<16xi32>
        %or3A_62 = arith.ori %eq3A_60, %ne3A_61 : vector<16xi1>
        %jit3A = arith.constant 0 : i32
        %broadcast_in_dim3A_63 = vector.broadcast %jit3A : i32 to vector<16xi32>
        %select_n3A = arith.select %or3A, %iota3A, %broadcast_in_dim3A_63 : vector<16xi1>, vector<16xi32>
        %broadcast_in_dim3A_64 = arith.constant true
        %broadcast_in_dim3A_65 = vector.broadcast %broadcast_in_dim3A_64 : i1 to vector<16xi1>
        %masked_cummax3A = arith.constant -2147483648 : i32
        %masked_cummax3A_66 = vector.broadcast %masked_cummax3A : i32 to vector<16xi32>
        %masked_cummax3A_67 = arith.xori %select_n3A, %masked_cummax3A_66 : vector<16xi32>
        %masked_cummax3A_68 = tpu.scan <max>, %masked_cummax3A_67 masked %broadcast_in_dim3A_65 : vector<16xi32>, vector<16xi1> -> vector<16xi32>
        %masked_cummax3A_69 = arith.xori %masked_cummax3A_68, %masked_cummax3A_66 : vector<16xi32>
        %sub3A_70 = arith.subi %iota3A, %masked_cummax3A_69 : vector<16xi32>
        %add3A_71 = arith.constant 1 : i32
        %add3A_72 = vector.broadcast %add3A_71 : i32 to vector<16xi32>
        %add3A_73 = arith.addi %sub3A_70, %add3A_72 : vector<16xi32>
        %gather3A_74 = tpu.vector_load_idx %arg4[%masked_sort3A_41] : memref<16400xi32, #tpu.memory_space<vmem>>[vector<16xi32>], vector<16xi32>,
        %add3A_75 = arith.addi %gather3A_74, %add3A_73 : vector<16xi32>
        tpu.vector_store_idx %arg4[%masked_sort3A_41], %add3A_75 masked %or3A_62 : memref<16400xi32, #tpu.memory_space<vmem>>[vector<16xi32>], vector<16xi32>, vector<16xi1>
        %scan3A_76 = arith.constant 0 : i32
        scf.yield %scan3A_76 : i32
      }
      %scan3A_28 = arith.constant 128 : i32
      %scan3A_29 = arith.constant 0 : i32
      scf.yield %scan3A_29 : i32
    }
    %scan3A_14 = arith.constant 32 : i32
    "tpu.region"() ({
      %run_scoped3A = tpu.sem_alloc : memref<!tpu.dma_semaphore, #tpu.memory_space<semaphore_mem>>
      %dma_start3A = arith.constant 0 : i32
      %dma_start3A_15 = tpu.memref_slice %arg3[%add3A, %dma_start3A] : memref<32x16400xi32, #tpu.memory_space<hbm>> -> memref<1x16400xi32, #tpu.memory_space<hbm>>
      %dma_start3A_16 = tpu.memref_squeeze %dma_start3A_15 : memref<1x16400xi32, #tpu.memory_space<hbm>> -> memref<16400xi32, #tpu.memory_space<hbm>>
      %dma_start3A_17 = arith.constant 0 : i32
      %dma_start3A_18 = tpu.memref_slice %arg3[%add3A, %dma_start3A_17] : memref<32x16400xi32, #tpu.memory_space<hbm>> -> memref<1x16400xi32, #tpu.memory_space<hbm>>
      %dma_start3A_19 = tpu.memref_squeeze %dma_start3A_18 : memref<1x16400xi32, #tpu.memory_space<hbm>> -> memref<16400xi32, #tpu.memory_space<hbm>>
      tpu.enqueue_dma source(%arg4 : memref<16400xi32, #tpu.memory_space<vmem>>) target(%dma_start3A_19 : memref<16400xi32, #tpu.memory_space<hbm>>) target_semaphore(%run_scoped3A : memref<!tpu.dma_semaphore, #tpu.memory_space<semaphore_mem>>)
      %dma_wait3A = arith.constant 0 : i32
      %dma_wait3A_20 = tpu.memref_slice %arg3[%add3A, %dma_wait3A] : memref<32x16400xi32, #tpu.memory_space<hbm>> -> memref<1x16400xi32, #tpu.memory_space<hbm>>
      %dma_wait3A_21 = tpu.memref_squeeze %dma_wait3A_20 : memref<1x16400xi32, #tpu.memory_space<hbm>> -> memref<16400xi32, #tpu.memory_space<hbm>>
      %dma_wait3A_22 = arith.constant 0 : i32
      %dma_wait3A_23 = tpu.memref_slice %arg3[%add3A, %dma_wait3A_22] : memref<32x16400xi32, #tpu.memory_space<hbm>> -> memref<1x16400xi32, #tpu.memory_space<hbm>>
      %dma_wait3A_24 = tpu.memref_squeeze %dma_wait3A_23 : memref<1x16400xi32, #tpu.memory_space<hbm>> -> memref<16400xi32, #tpu.memory_space<hbm>>
      tpu.wait_dma2 semaphore(%run_scoped3A : memref<!tpu.dma_semaphore, #tpu.memory_space<semaphore_mem>>) src(%arg4 : memref<16400xi32, #tpu.memory_space<vmem>>) dst(%dma_wait3A_24 : memref<16400xi32, #tpu.memory_space<hbm>>)
      tpu.yield
    }) : () -> ()
    return
  }
}

#map = affine_map<(d0, d1) -> (0)>
#map1 = affine_map<(d0, d1) -> (0, 0)>
module attributes {stable_mosaic.version = 14 : i64} {
  func.func @a2(%arg0: i32, %arg1: i32, %arg2: memref<2097152xi32, #tpu.memory_space<hbm>>, %arg3: memref<2097152xi32, #tpu.memory_space<hbm>>, %arg4: memref<32x16400xi32, #tpu.memory_space<hbm>>, %arg5: memref<2105344xi32, #tpu.memory_space<hbm>>, %arg6: memref<16400xi32, #tpu.memory_space<vmem>>, %arg7: memref<4096xi32, #tpu.memory_space<vmem>>, %arg8: memref<4096xi32, #tpu.memory_space<vmem>>, %arg9: memref<4096xi32, #tpu.memory_space<vmem>>, %arg10: memref<4096xi32, #tpu.memory_space<vmem>>, %arg11: memref<4096xi32, #tpu.memory_space<vmem>>, %arg12: memref<4096xi32, #tpu.memory_space<vmem>>, %arg13: memref<4096xi32, #tpu.memory_space<vmem>>, %arg14: memref<4096xi32, #tpu.memory_space<vmem>>, %arg15: memref<!tpu.dma_semaphore, #tpu.memory_space<semaphore_mem>>, %arg16: memref<!tpu.dma_semaphore, #tpu.memory_space<semaphore_mem>>, %arg17: memref<!tpu.dma_semaphore, #tpu.memory_space<semaphore_mem>>, %arg18: memref<!tpu.dma_semaphore, #tpu.memory_space<semaphore_mem>>) attributes {dimension_semantics = [#tpu.dimension_semantics<core_parallel>, #tpu.dimension_semantics<subcore_parallel>], iteration_bounds = array<i64: 2, 16>, scalar_prefetch = 0 : i64, scratch_operands = 13 : i64, tpu.core_type = #tpu.core_type<sc_vector_subcore>, window_params = [{transform_indices = #map}, {transform_indices = #map}, {transform_indices = #map1}, {transform_indices = #map}]} {
    %mul3A = arith.constant 2 : i32
    %mul3A_0 = arith.muli %arg1, %mul3A : i32
    %add3A = arith.addi %mul3A_0, %arg0 : i32
    "tpu.region"() ({
      %run_scoped3A = tpu.sem_alloc : memref<!tpu.dma_semaphore, #tpu.memory_space<semaphore_mem>>
      %dma_start3A_26 = arith.constant 0 : i32
      %dma_start3A_27 = tpu.memref_slice %arg4[%add3A, %dma_start3A_26] : memref<32x16400xi32, #tpu.memory_space<hbm>> -> memref<1x16400xi32, #tpu.memory_space<hbm>>
      %dma_start3A_28 = tpu.memref_squeeze %dma_start3A_27 : memref<1x16400xi32, #tpu.memory_space<hbm>> -> memref<16400xi32, #tpu.memory_space<hbm>>
      %dma_start3A_29 = arith.constant 0 : i32
      %dma_start3A_30 = tpu.memref_slice %arg4[%add3A, %dma_start3A_29] : memref<32x16400xi32, #tpu.memory_space<hbm>> -> memref<1x16400xi32, #tpu.memory_space<hbm>>
      %dma_start3A_31 = tpu.memref_squeeze %dma_start3A_30 : memref<1x16400xi32, #tpu.memory_space<hbm>> -> memref<16400xi32, #tpu.memory_space<hbm>>
      tpu.enqueue_dma source(%dma_start3A_31 : memref<16400xi32, #tpu.memory_space<hbm>>) target(%arg6 : memref<16400xi32, #tpu.memory_space<vmem>>) target_semaphore(%run_scoped3A : memref<!tpu.dma_semaphore, #tpu.memory_space<semaphore_mem>>)
      %dma_wait3A_32 = arith.constant 0 : i32
      %dma_wait3A_33 = tpu.memref_slice %arg4[%add3A, %dma_wait3A_32] : memref<32x16400xi32, #tpu.memory_space<hbm>> -> memref<1x16400xi32, #tpu.memory_space<hbm>>
      %dma_wait3A_34 = tpu.memref_squeeze %dma_wait3A_33 : memref<1x16400xi32, #tpu.memory_space<hbm>> -> memref<16400xi32, #tpu.memory_space<hbm>>
      %dma_wait3A_35 = arith.constant 0 : i32
      %dma_wait3A_36 = tpu.memref_slice %arg4[%add3A, %dma_wait3A_35] : memref<32x16400xi32, #tpu.memory_space<hbm>> -> memref<1x16400xi32, #tpu.memory_space<hbm>>
      %dma_wait3A_37 = tpu.memref_squeeze %dma_wait3A_36 : memref<1x16400xi32, #tpu.memory_space<hbm>> -> memref<16400xi32, #tpu.memory_space<hbm>>
      tpu.wait_dma2 semaphore(%run_scoped3A : memref<!tpu.dma_semaphore, #tpu.memory_space<semaphore_mem>>) src(%dma_wait3A_37 : memref<16400xi32, #tpu.memory_space<hbm>>) dst(%arg6 : memref<16400xi32, #tpu.memory_space<vmem>>)
      tpu.yield
    }) : () -> ()
    %mul3A_1 = arith.constant 65536 : i32
    %mul3A_2 = arith.muli %add3A, %mul3A_1 : i32
    %add3A_3 = arith.constant 0 : i32
    %add3A_4 = arith.addi %mul3A_2, %add3A_3 : i32
    %multiple_of3A = tpu.assume_multiple %add3A_4, 8 : i32
    %dma_start3A = tpu.memref_slice %arg2[%multiple_of3A] : memref<2097152xi32, #tpu.memory_space<hbm>> -> memref<4096xi32, #tpu.memory_space<hbm>>
    %dma_start3A_5 = tpu.memref_slice %arg2[%multiple_of3A] : memref<2097152xi32, #tpu.memory_space<hbm>> -> memref<4096xi32, #tpu.memory_space<hbm>>
    tpu.enqueue_dma source(%dma_start3A_5 : memref<4096xi32, #tpu.memory_space<hbm>>) target(%arg7 : memref<4096xi32, #tpu.memory_space<vmem>>) target_semaphore(%arg15 : memref<!tpu.dma_semaphore, #tpu.memory_space<semaphore_mem>>)
    %dma_start3A_6 = tpu.memref_slice %arg3[%multiple_of3A] : memref<2097152xi32, #tpu.memory_space<hbm>> -> memref<4096xi32, #tpu.memory_space<hbm>>
    %dma_start3A_7 = tpu.memref_slice %arg3[%multiple_of3A] : memref<2097152xi32, #tpu.memory_space<hbm>> -> memref<4096xi32, #tpu.memory_space<hbm>>
    tpu.enqueue_dma source(%dma_start3A_7 : memref<4096xi32, #tpu.memory_space<hbm>>) target(%arg8 : memref<4096xi32, #tpu.memory_space<vmem>>) target_semaphore(%arg15 : memref<!tpu.dma_semaphore, #tpu.memory_space<semaphore_mem>>)
    %scan3A = arith.constant 0 : i32
    %scan3A_8 = arith.constant 0 : i32
    %scan3A_9 = arith.constant 8 : i32
    %scan3A_10 = arith.addi %scan3A_8, %scan3A_9 : i32
    %scan3A_11 = arith.constant 1 : i32
    %scan3A_12 = scf.for %scan3A_26 = %scan3A_8 to %scan3A_10 step %scan3A_11 iter_args(%scan3A_27 = %scan3A) -> (i32)  : i32 {
      %mul3A_28 = arith.constant 2 : i32
      %mul3A_29 = arith.muli %mul3A_28, %scan3A_26 : i32
      %mul3A_30 = arith.constant 65536 : i32
      %mul3A_31 = arith.muli %add3A, %mul3A_30 : i32
      %mul3A_32 = arith.constant 4096 : i32
      %mul3A_33 = arith.muli %mul3A_29, %mul3A_32 : i32
      %add3A_34 = arith.addi %mul3A_31, %mul3A_33 : i32
      %multiple_of3A_35 = tpu.assume_multiple %add3A_34, 8 : i32
      %dma_wait3A_36 = tpu.memref_slice %arg2[%multiple_of3A_35] : memref<2097152xi32, #tpu.memory_space<hbm>> -> memref<4096xi32, #tpu.memory_space<hbm>>
      %dma_wait3A_37 = tpu.memref_slice %arg2[%multiple_of3A_35] : memref<2097152xi32, #tpu.memory_space<hbm>> -> memref<4096xi32, #tpu.memory_space<hbm>>
      tpu.wait_dma2 semaphore(%arg15 : memref<!tpu.dma_semaphore, #tpu.memory_space<semaphore_mem>>) src(%dma_wait3A_37 : memref<4096xi32, #tpu.memory_space<hbm>>) dst(%arg7 : memref<4096xi32, #tpu.memory_space<vmem>>)
      %dma_wait3A_38 = tpu.memref_slice %arg3[%multiple_of3A_35] : memref<2097152xi32, #tpu.memory_space<hbm>> -> memref<4096xi32, #tpu.memory_space<hbm>>
      %dma_wait3A_39 = tpu.memref_slice %arg3[%multiple_of3A_35] : memref<2097152xi32, #tpu.memory_space<hbm>> -> memref<4096xi32, #tpu.memory_space<hbm>>
      tpu.wait_dma2 semaphore(%arg15 : memref<!tpu.dma_semaphore, #tpu.memory_space<semaphore_mem>>) src(%dma_wait3A_39 : memref<4096xi32, #tpu.memory_space<hbm>>) dst(%arg8 : memref<4096xi32, #tpu.memory_space<vmem>>)
      %mul3A_40 = arith.constant 2 : i32
      %mul3A_41 = arith.muli %mul3A_40, %scan3A_26 : i32
      %add3A_42 = arith.constant 1 : i32
      %add3A_43 = arith.addi %mul3A_41, %add3A_42 : i32
      %mul3A_44 = arith.constant 65536 : i32
      %mul3A_45 = arith.muli %add3A, %mul3A_44 : i32
      %mul3A_46 = arith.constant 4096 : i32
      %mul3A_47 = arith.muli %add3A_43, %mul3A_46 : i32
      %add3A_48 = arith.addi %mul3A_45, %mul3A_47 : i32
      %multiple_of3A_49 = tpu.assume_multiple %add3A_48, 8 : i32
      %dma_start3A_50 = tpu.memref_slice %arg2[%multiple_of3A_49] : memref<2097152xi32, #tpu.memory_space<hbm>> -> memref<4096xi32, #tpu.memory_space<hbm>>
      %dma_start3A_51 = tpu.memref_slice %arg2[%multiple_of3A_49] : memref<2097152xi32, #tpu.memory_space<hbm>> -> memref<4096xi32, #tpu.memory_space<hbm>>
      tpu.enqueue_dma source(%dma_start3A_51 : memref<4096xi32, #tpu.memory_space<hbm>>) target(%arg9 : memref<4096xi32, #tpu.memory_space<vmem>>) target_semaphore(%arg16 : memref<!tpu.dma_semaphore, #tpu.memory_space<semaphore_mem>>)
      %dma_start3A_52 = tpu.memref_slice %arg3[%multiple_of3A_49] : memref<2097152xi32, #tpu.memory_space<hbm>> -> memref<4096xi32, #tpu.memory_space<hbm>>
      %dma_start3A_53 = tpu.memref_slice %arg3[%multiple_of3A_49] : memref<2097152xi32, #tpu.memory_space<hbm>> -> memref<4096xi32, #tpu.memory_space<hbm>>
      tpu.enqueue_dma source(%dma_start3A_53 : memref<4096xi32, #tpu.memory_space<hbm>>) target(%arg10 : memref<4096xi32, #tpu.memory_space<vmem>>) target_semaphore(%arg16 : memref<!tpu.dma_semaphore, #tpu.memory_space<semaphore_mem>>)
      %gt3A = arith.constant 0 : i32
      %gt3A_54 = arith.cmpi sgt, %scan3A_26, %gt3A : i32
      %convert_element_type3A = arith.extui %gt3A_54 : i1 to i32
      %cond3A = arith.constant 0 : i32
      %cond3A_55 = arith.cmpi ne, %convert_element_type3A, %cond3A : i32
      scf.if %cond3A_55 {
        %dma_wait3A_109 = arith.constant 0 : i32
        %dma_wait3A_110 = tpu.memref_slice %arg5[%dma_wait3A_109] : memref<2105344xi32, #tpu.memory_space<hbm>> -> memref<2105344xi32, #tpu.memory_space<hbm>>
        tpu.wait_indirect_dma semaphore(%arg17 : memref<!tpu.dma_semaphore, #tpu.memory_space<semaphore_mem>>) src(%arg12 : memref<4096xi32, #tpu.memory_space<vmem>>) dst(%dma_wait3A_110 : memref<2105344xi32, #tpu.memory_space<hbm>>)
      } else {
      }
      %scan3A_56 = arith.constant 0 : i32
      %scan3A_57 = arith.constant 0 : i32
      %scan3A_58 = arith.constant 32 : i32
      %scan3A_59 = arith.addi %scan3A_57, %scan3A_58 : i32
      %scan3A_60 = arith.constant 1 : i32
      %scan3A_61 = scf.for %scan3A_109 = %scan3A_57 to %scan3A_59 step %scan3A_60 iter_args(%scan3A_110 = %scan3A_56) -> (i32)  : i32 {
        %mul3A_111 = arith.constant 128 : i32
        %mul3A_112 = arith.muli %scan3A_109, %mul3A_111 : i32
        %add3A_113 = arith.constant 0 : i32
        %add3A_114 = arith.addi %mul3A_112, %add3A_113 : i32
        %get3A = arith.index_cast %add3A_114 : i32 to index
        %get3A_115 = tpu.vector_load %arg7[%get3A] {strides = array<i32>} : memref<4096xi32, #tpu.memory_space<vmem>>, vector<16xi32>,
        %get3A_116 = arith.index_cast %add3A_114 : i32 to index
        %get3A_117 = tpu.vector_load %arg8[%get3A_116] {strides = array<i32>} : memref<4096xi32, #tpu.memory_space<vmem>>, vector<16xi32>,
        %masked_sort3A = arith.constant dense<true> : vector<16xi1>
        %masked_sort3A_118 = arith.constant -2147483648 : i32
        %masked_sort3A_119 = vector.broadcast %masked_sort3A_118 : i32 to vector<16xi32>
        %masked_sort3A_120 = arith.xori %get3A_115, %masked_sort3A_119 : vector<16xi32>
        %masked_sort3A_121, %masked_sort3A_122, %masked_sort3A_123 = tpu.sort %masked_sort3A_120, %get3A_117 masked %masked_sort3A : (vector<16xi32>, vector<16xi32>, vector<16xi1>) -> (vector<16xi1>, vector<16xi32>, vector<16xi32>)
        %masked_sort3A_124 = arith.xori %masked_sort3A_122, %masked_sort3A_119 : vector<16xi32>
        %iota3A = tpu.iota {dimensions = array<i32: 0>} : vector<16xi32>
        %sub3A = arith.constant 1 : i32
        %sub3A_125 = vector.broadcast %sub3A : i32 to vector<16xi32>
        %sub3A_126 = arith.subi %iota3A, %sub3A_125 : vector<16xi32>
        %max3A = arith.constant 0 : i32
        %max3A_127 = vector.broadcast %max3A : i32 to vector<16xi32>
        %max3A_128 = arith.maxsi %sub3A_126, %max3A_127 : vector<16xi32>
        %broadcast_in_dim3A = vector.shape_cast %max3A_128 : vector<16xi32> to vector<16x1xi32>
        %gather3A = vector.shape_cast %broadcast_in_dim3A : vector<16x1xi32> to vector<16xi32>
        %gather3A_129 = tpu.dynamic_gather %masked_sort3A_124[%gather3A] in [0] : vector<16xi32>, vector<16xi32> -> vector<16xi32>
        %add3A_130 = arith.constant 1 : i32
        %add3A_131 = vector.broadcast %add3A_130 : i32 to vector<16xi32>
        %add3A_132 = arith.addi %iota3A, %add3A_131 : vector<16xi32>
        %min3A_133 = arith.constant 15 : i32
        %min3A_134 = vector.broadcast %min3A_133 : i32 to vector<16xi32>
        %min3A_135 = arith.minsi %add3A_132, %min3A_134 : vector<16xi32>
        %broadcast_in_dim3A_136 = vector.shape_cast %min3A_135 : vector<16xi32> to vector<16x1xi32>
        %gather3A_137 = vector.shape_cast %broadcast_in_dim3A_136 : vector<16x1xi32> to vector<16xi32>
        %gather3A_138 = tpu.dynamic_gather %masked_sort3A_124[%gather3A_137] in [0] : vector<16xi32>, vector<16xi32> -> vector<16xi32>
        %eq3A = arith.constant 0 : i32
        %eq3A_139 = vector.broadcast %eq3A : i32 to vector<16xi32>
        %eq3A_140 = arith.cmpi eq, %iota3A, %eq3A_139 : vector<16xi32>
        %ne3A = arith.cmpi ne, %masked_sort3A_124, %gather3A_129 : vector<16xi32>
        %or3A = arith.ori %eq3A_140, %ne3A : vector<16xi1>
        %eq3A_141 = arith.constant 15 : i32
        %eq3A_142 = vector.broadcast %eq3A_141 : i32 to vector<16xi32>
        %eq3A_143 = arith.cmpi eq, %iota3A, %eq3A_142 : vector<16xi32>
        %ne3A_144 = arith.cmpi ne, %masked_sort3A_124, %gather3A_138 : vector<16xi32>
        %or3A_145 = arith.ori %eq3A_143, %ne3A_144 : vector<16xi1>
        %jit3A = arith.constant 0 : i32
        %broadcast_in_dim3A_146 = vector.broadcast %jit3A : i32 to vector<16xi32>
        %select_n3A = arith.select %or3A, %iota3A, %broadcast_in_dim3A_146 : vector<16xi1>, vector<16xi32>
        %broadcast_in_dim3A_147 = arith.constant true
        %broadcast_in_dim3A_148 = vector.broadcast %broadcast_in_dim3A_147 : i1 to vector<16xi1>
        %masked_cummax3A = arith.constant -2147483648 : i32
        %masked_cummax3A_149 = vector.broadcast %masked_cummax3A : i32 to vector<16xi32>
        %masked_cummax3A_150 = arith.xori %select_n3A, %masked_cummax3A_149 : vector<16xi32>
        %masked_cummax3A_151 = tpu.scan <max>, %masked_cummax3A_150 masked %broadcast_in_dim3A_148 : vector<16xi32>, vector<16xi1> -> vector<16xi32>
        %masked_cummax3A_152 = arith.xori %masked_cummax3A_151, %masked_cummax3A_149 : vector<16xi32>
        %sub3A_153 = arith.subi %iota3A, %masked_cummax3A_152 : vector<16xi32>
        %add3A_154 = arith.constant 1 : i32
        %add3A_155 = vector.broadcast %add3A_154 : i32 to vector<16xi32>
        %add3A_156 = arith.addi %sub3A_153, %add3A_155 : vector<16xi32>
        %gather3A_157 = tpu.vector_load_idx %arg6[%masked_sort3A_124] : memref<16400xi32, #tpu.memory_space<vmem>>[vector<16xi32>], vector<16xi32>,
        %add3A_158 = arith.addi %gather3A_157, %add3A_156 : vector<16xi32>
        tpu.vector_store_idx %arg6[%masked_sort3A_124], %add3A_158 masked %or3A_145 : memref<16400xi32, #tpu.memory_space<vmem>>[vector<16xi32>], vector<16xi32>, vector<16xi1>
        %add3A_159 = arith.addi %gather3A_157, %sub3A_153 : vector<16xi32>
        %swap3A = arith.index_cast %add3A_114 : i32 to index
        %swap3A_160 = tpu.vector_load %arg11[%swap3A] {strides = array<i32>} : memref<4096xi32, #tpu.memory_space<vmem>>, vector<16xi32>,
        tpu.vector_store %arg11[%swap3A], %add3A_159 {strides = array<i32>} : memref<4096xi32, #tpu.memory_space<vmem>>, vector<16xi32>,
        %swap3A_161 = arith.index_cast %add3A_114 : i32 to index
        %swap3A_162 = tpu.vector_load %arg12[%swap3A_161] {strides = array<i32>} : memref<4096xi32, #tpu.memory_space<vmem>>, vector<16xi32>,
        tpu.vector_store %arg12[%swap3A_161], %masked_sort3A_123 {strides = array<i32>} : memref<4096xi32, #tpu.memory_space<vmem>>, vector<16xi32>,
        %mul3A_163 = arith.constant 128 : i32
        %mul3A_164 = arith.muli %scan3A_109, %mul3A_163 : i32
        %add3A_165 = arith.constant 16 : i32
        %add3A_166 = arith.addi %mul3A_164, %add3A_165 : i32
        %get3A_167 = arith.index_cast %add3A_166 : i32 to index
        %get3A_168 = tpu.vector_load %arg7[%get3A_167] {strides = array<i32>} : memref<4096xi32, #tpu.memory_space<vmem>>, vector<16xi32>,
        %get3A_169 = arith.index_cast %add3A_166 : i32 to index
        %get3A_170 = tpu.vector_load %arg8[%get3A_169] {strides = array<i32>} : memref<4096xi32, #tpu.memory_space<vmem>>, vector<16xi32>,
        %masked_sort3A_171 = arith.constant dense<true> : vector<16xi1>
        %masked_sort3A_172 = arith.constant -2147483648 : i32
        %masked_sort3A_173 = vector.broadcast %masked_sort3A_172 : i32 to vector<16xi32>
        %masked_sort3A_174 = arith.xori %get3A_168, %masked_sort3A_173 : vector<16xi32>
        %masked_sort3A_175, %masked_sort3A_176, %masked_sort3A_177 = tpu.sort %masked_sort3A_174, %get3A_170 masked %masked_sort3A_171 : (vector<16xi32>, vector<16xi32>, vector<16xi1>) -> (vector<16xi1>, vector<16xi32>, vector<16xi32>)
        %masked_sort3A_178 = arith.xori %masked_sort3A_176, %masked_sort3A_173 : vector<16xi32>
        %iota3A_179 = tpu.iota {dimensions = array<i32: 0>} : vector<16xi32>
        %sub3A_180 = arith.constant 1 : i32
        %sub3A_181 = vector.broadcast %sub3A_180 : i32 to vector<16xi32>
        %sub3A_182 = arith.subi %iota3A_179, %sub3A_181 : vector<16xi32>
        %max3A_183 = arith.constant 0 : i32
        %max3A_184 = vector.broadcast %max3A_183 : i32 to vector<16xi32>
        %max3A_185 = arith.maxsi %sub3A_182, %max3A_184 : vector<16xi32>
        %broadcast_in_dim3A_186 = vector.shape_cast %max3A_185 : vector<16xi32> to vector<16x1xi32>
        %gather3A_187 = vector.shape_cast %broadcast_in_dim3A_186 : vector<16x1xi32> to vector<16xi32>
        %gather3A_188 = tpu.dynamic_gather %masked_sort3A_178[%gather3A_187] in [0] : vector<16xi32>, vector<16xi32> -> vector<16xi32>
        %add3A_189 = arith.constant 1 : i32
        %add3A_190 = vector.broadcast %add3A_189 : i32 to vector<16xi32>
        %add3A_191 = arith.addi %iota3A_179, %add3A_190 : vector<16xi32>
        %min3A_192 = arith.constant 15 : i32
        %min3A_193 = vector.broadcast %min3A_192 : i32 to vector<16xi32>
        %min3A_194 = arith.minsi %add3A_191, %min3A_193 : vector<16xi32>
        %broadcast_in_dim3A_195 = vector.shape_cast %min3A_194 : vector<16xi32> to vector<16x1xi32>
        %gather3A_196 = vector.shape_cast %broadcast_in_dim3A_195 : vector<16x1xi32> to vector<16xi32>
        %gather3A_197 = tpu.dynamic_gather %masked_sort3A_178[%gather3A_196] in [0] : vector<16xi32>, vector<16xi32> -> vector<16xi32>
        %eq3A_198 = arith.constant 0 : i32
        %eq3A_199 = vector.broadcast %eq3A_198 : i32 to vector<16xi32>
        %eq3A_200 = arith.cmpi eq, %iota3A_179, %eq3A_199 : vector<16xi32>
        %ne3A_201 = arith.cmpi ne, %masked_sort3A_178, %gather3A_188 : vector<16xi32>
        %or3A_202 = arith.ori %eq3A_200, %ne3A_201 : vector<16xi1>
        %eq3A_203 = arith.constant 15 : i32
        %eq3A_204 = vector.broadcast %eq3A_203 : i32 to vector<16xi32>
        %eq3A_205 = arith.cmpi eq, %iota3A_179, %eq3A_204 : vector<16xi32>
        %ne3A_206 = arith.cmpi ne, %masked_sort3A_178, %gather3A_197 : vector<16xi32>
        %or3A_207 = arith.ori %eq3A_205, %ne3A_206 : vector<16xi1>
        %jit3A_208 = arith.constant 0 : i32
        %broadcast_in_dim3A_209 = vector.broadcast %jit3A_208 : i32 to vector<16xi32>
        %select_n3A_210 = arith.select %or3A_202, %iota3A_179, %broadcast_in_dim3A_209 : vector<16xi1>, vector<16xi32>
        %broadcast_in_dim3A_211 = arith.constant true
        %broadcast_in_dim3A_212 = vector.broadcast %broadcast_in_dim3A_211 : i1 to vector<16xi1>
        %masked_cummax3A_213 = arith.constant -2147483648 : i32
        %masked_cummax3A_214 = vector.broadcast %masked_cummax3A_213 : i32 to vector<16xi32>
        %masked_cummax3A_215 = arith.xori %select_n3A_210, %masked_cummax3A_214 : vector<16xi32>
        %masked_cummax3A_216 = tpu.scan <max>, %masked_cummax3A_215 masked %broadcast_in_dim3A_212 : vector<16xi32>, vector<16xi1> -> vector<16xi32>
        %masked_cummax3A_217 = arith.xori %masked_cummax3A_216, %masked_cummax3A_214 : vector<16xi32>
        %sub3A_218 = arith.subi %iota3A_179, %masked_cummax3A_217 : vector<16xi32>
        %add3A_219 = arith.constant 1 : i32
        %add3A_220 = vector.broadcast %add3A_219 : i32 to vector<16xi32>
        %add3A_221 = arith.addi %sub3A_218, %add3A_220 : vector<16xi32>
        %gather3A_222 = tpu.vector_load_idx %arg6[%masked_sort3A_178] : memref<16400xi32, #tpu.memory_space<vmem>>[vector<16xi32>], vector<16xi32>,
        %add3A_223 = arith.addi %gather3A_222, %add3A_221 : vector<16xi32>
        tpu.vector_store_idx %arg6[%masked_sort3A_178], %add3A_223 masked %or3A_207 : memref<16400xi32, #tpu.memory_space<vmem>>[vector<16xi32>], vector<16xi32>, vector<16xi1>
        %add3A_224 = arith.addi %gather3A_222, %sub3A_218 : vector<16xi32>
        %swap3A_225 = arith.index_cast %add3A_166 : i32 to index
        %swap3A_226 = tpu.vector_load %arg11[%swap3A_225] {strides = array<i32>} : memref<4096xi32, #tpu.memory_space<vmem>>, vector<16xi32>,
        tpu.vector_store %arg11[%swap3A_225], %add3A_224 {strides = array<i32>} : memref<4096xi32, #tpu.memory_space<vmem>>, vector<16xi32>,
        %swap3A_227 = arith.index_cast %add3A_166 : i32 to index
        %swap3A_228 = tpu.vector_load %arg12[%swap3A_227] {strides = array<i32>} : memref<4096xi32, #tpu.memory_space<vmem>>, vector<16xi32>,
        tpu.vector_store %arg12[%swap3A_227], %masked_sort3A_177 {strides = array<i32>} : memref<4096xi32, #tpu.memory_space<vmem>>, vector<16xi32>,
        %mul3A_229 = arith.constant 128 : i32
        %mul3A_230 = arith.muli %scan3A_109, %mul3A_229 : i32
        %add3A_231 = arith.constant 32 : i32
        %add3A_232 = arith.addi %mul3A_230, %add3A_231 : i32
        %get3A_233 = arith.index_cast %add3A_232 : i32 to index
        %get3A_234 = tpu.vector_load %arg7[%get3A_233] {strides = array<i32>} : memref<4096xi32, #tpu.memory_space<vmem>>, vector<16xi32>,
        %get3A_235 = arith.index_cast %add3A_232 : i32 to index
        %get3A_236 = tpu.vector_load %arg8[%get3A_235] {strides = array<i32>} : memref<4096xi32, #tpu.memory_space<vmem>>, vector<16xi32>,
        %masked_sort3A_237 = arith.constant dense<true> : vector<16xi1>
        %masked_sort3A_238 = arith.constant -2147483648 : i32
        %masked_sort3A_239 = vector.broadcast %masked_sort3A_238 : i32 to vector<16xi32>
        %masked_sort3A_240 = arith.xori %get3A_234, %masked_sort3A_239 : vector<16xi32>
        %masked_sort3A_241, %masked_sort3A_242, %masked_sort3A_243 = tpu.sort %masked_sort3A_240, %get3A_236 masked %masked_sort3A_237 : (vector<16xi32>, vector<16xi32>, vector<16xi1>) -> (vector<16xi1>, vector<16xi32>, vector<16xi32>)
        %masked_sort3A_244 = arith.xori %masked_sort3A_242, %masked_sort3A_239 : vector<16xi32>
        %iota3A_245 = tpu.iota {dimensions = array<i32: 0>} : vector<16xi32>
        %sub3A_246 = arith.constant 1 : i32
        %sub3A_247 = vector.broadcast %sub3A_246 : i32 to vector<16xi32>
        %sub3A_248 = arith.subi %iota3A_245, %sub3A_247 : vector<16xi32>
        %max3A_249 = arith.constant 0 : i32
        %max3A_250 = vector.broadcast %max3A_249 : i32 to vector<16xi32>
        %max3A_251 = arith.maxsi %sub3A_248, %max3A_250 : vector<16xi32>
        %broadcast_in_dim3A_252 = vector.shape_cast %max3A_251 : vector<16xi32> to vector<16x1xi32>
        %gather3A_253 = vector.shape_cast %broadcast_in_dim3A_252 : vector<16x1xi32> to vector<16xi32>
        %gather3A_254 = tpu.dynamic_gather %masked_sort3A_244[%gather3A_253] in [0] : vector<16xi32>, vector<16xi32> -> vector<16xi32>
        %add3A_255 = arith.constant 1 : i32
        %add3A_256 = vector.broadcast %add3A_255 : i32 to vector<16xi32>
        %add3A_257 = arith.addi %iota3A_245, %add3A_256 : vector<16xi32>
        %min3A_258 = arith.constant 15 : i32
        %min3A_259 = vector.broadcast %min3A_258 : i32 to vector<16xi32>
        %min3A_260 = arith.minsi %add3A_257, %min3A_259 : vector<16xi32>
        %broadcast_in_dim3A_261 = vector.shape_cast %min3A_260 : vector<16xi32> to vector<16x1xi32>
        %gather3A_262 = vector.shape_cast %broadcast_in_dim3A_261 : vector<16x1xi32> to vector<16xi32>
        %gather3A_263 = tpu.dynamic_gather %masked_sort3A_244[%gather3A_262] in [0] : vector<16xi32>, vector<16xi32> -> vector<16xi32>
        %eq3A_264 = arith.constant 0 : i32
        %eq3A_265 = vector.broadcast %eq3A_264 : i32 to vector<16xi32>
        %eq3A_266 = arith.cmpi eq, %iota3A_245, %eq3A_265 : vector<16xi32>
        %ne3A_267 = arith.cmpi ne, %masked_sort3A_244, %gather3A_254 : vector<16xi32>
        %or3A_268 = arith.ori %eq3A_266, %ne3A_267 : vector<16xi1>
        %eq3A_269 = arith.constant 15 : i32
        %eq3A_270 = vector.broadcast %eq3A_269 : i32 to vector<16xi32>
        %eq3A_271 = arith.cmpi eq, %iota3A_245, %eq3A_270 : vector<16xi32>
        %ne3A_272 = arith.cmpi ne, %masked_sort3A_244, %gather3A_263 : vector<16xi32>
        %or3A_273 = arith.ori %eq3A_271, %ne3A_272 : vector<16xi1>
        %jit3A_274 = arith.constant 0 : i32
        %broadcast_in_dim3A_275 = vector.broadcast %jit3A_274 : i32 to vector<16xi32>
        %select_n3A_276 = arith.select %or3A_268, %iota3A_245, %broadcast_in_dim3A_275 : vector<16xi1>, vector<16xi32>
        %broadcast_in_dim3A_277 = arith.constant true
        %broadcast_in_dim3A_278 = vector.broadcast %broadcast_in_dim3A_277 : i1 to vector<16xi1>
        %masked_cummax3A_279 = arith.constant -2147483648 : i32
        %masked_cummax3A_280 = vector.broadcast %masked_cummax3A_279 : i32 to vector<16xi32>
        %masked_cummax3A_281 = arith.xori %select_n3A_276, %masked_cummax3A_280 : vector<16xi32>
        %masked_cummax3A_282 = tpu.scan <max>, %masked_cummax3A_281 masked %broadcast_in_dim3A_278 : vector<16xi32>, vector<16xi1> -> vector<16xi32>
        %masked_cummax3A_283 = arith.xori %masked_cummax3A_282, %masked_cummax3A_280 : vector<16xi32>
        %sub3A_284 = arith.subi %iota3A_245, %masked_cummax3A_283 : vector<16xi32>
        %add3A_285 = arith.constant 1 : i32
        %add3A_286 = vector.broadcast %add3A_285 : i32 to vector<16xi32>
        %add3A_287 = arith.addi %sub3A_284, %add3A_286 : vector<16xi32>
        %gather3A_288 = tpu.vector_load_idx %arg6[%masked_sort3A_244] : memref<16400xi32, #tpu.memory_space<vmem>>[vector<16xi32>], vector<16xi32>,
        %add3A_289 = arith.addi %gather3A_288, %add3A_287 : vector<16xi32>
        tpu.vector_store_idx %arg6[%masked_sort3A_244], %add3A_289 masked %or3A_273 : memref<16400xi32, #tpu.memory_space<vmem>>[vector<16xi32>], vector<16xi32>, vector<16xi1>
        %add3A_290 = arith.addi %gather3A_288, %sub3A_284 : vector<16xi32>
        %swap3A_291 = arith.index_cast %add3A_232 : i32 to index
        %swap3A_292 = tpu.vector_load %arg11[%swap3A_291] {strides = array<i32>} : memref<4096xi32, #tpu.memory_space<vmem>>, vector<16xi32>,
        tpu.vector_store %arg11[%swap3A_291], %add3A_290 {strides = array<i32>} : memref<4096xi32, #tpu.memory_space<vmem>>, vector<16xi32>,
        %swap3A_293 = arith.index_cast %add3A_232 : i32 to index
        %swap3A_294 = tpu.vector_load %arg12[%swap3A_293] {strides = array<i32>} : memref<4096xi32, #tpu.memory_space<vmem>>, vector<16xi32>,
        tpu.vector_store %arg12[%swap3A_293], %masked_sort3A_243 {strides = array<i32>} : memref<4096xi32, #tpu.memory_space<vmem>>, vector<16xi32>,
        %mul3A_295 = arith.constant 128 : i32
        %mul3A_296 = arith.muli %scan3A_109, %mul3A_295 : i32
        %add3A_297 = arith.constant 48 : i32
        %add3A_298 = arith.addi %mul3A_296, %add3A_297 : i32
        %get3A_299 = arith.index_cast %add3A_298 : i32 to index
        %get3A_300 = tpu.vector_load %arg7[%get3A_299] {strides = array<i32>} : memref<4096xi32, #tpu.memory_space<vmem>>, vector<16xi32>,
        %get3A_301 = arith.index_cast %add3A_298 : i32 to index
        %get3A_302 = tpu.vector_load %arg8[%get3A_301] {strides = array<i32>} : memref<4096xi32, #tpu.memory_space<vmem>>, vector<16xi32>,
        %masked_sort3A_303 = arith.constant dense<true> : vector<16xi1>
        %masked_sort3A_304 = arith.constant -2147483648 : i32
        %masked_sort3A_305 = vector.broadcast %masked_sort3A_304 : i32 to vector<16xi32>
        %masked_sort3A_306 = arith.xori %get3A_300, %masked_sort3A_305 : vector<16xi32>
        %masked_sort3A_307, %masked_sort3A_308, %masked_sort3A_309 = tpu.sort %masked_sort3A_306, %get3A_302 masked %masked_sort3A_303 : (vector<16xi32>, vector<16xi32>, vector<16xi1>) -> (vector<16xi1>, vector<16xi32>, vector<16xi32>)
        %masked_sort3A_310 = arith.xori %masked_sort3A_308, %masked_sort3A_305 : vector<16xi32>
        %iota3A_311 = tpu.iota {dimensions = array<i32: 0>} : vector<16xi32>
        %sub3A_312 = arith.constant 1 : i32
        %sub3A_313 = vector.broadcast %sub3A_312 : i32 to vector<16xi32>
        %sub3A_314 = arith.subi %iota3A_311, %sub3A_313 : vector<16xi32>
        %max3A_315 = arith.constant 0 : i32
        %max3A_316 = vector.broadcast %max3A_315 : i32 to vector<16xi32>
        %max3A_317 = arith.maxsi %sub3A_314, %max3A_316 : vector<16xi32>
        %broadcast_in_dim3A_318 = vector.shape_cast %max3A_317 : vector<16xi32> to vector<16x1xi32>
        %gather3A_319 = vector.shape_cast %broadcast_in_dim3A_318 : vector<16x1xi32> to vector<16xi32>
        %gather3A_320 = tpu.dynamic_gather %masked_sort3A_310[%gather3A_319] in [0] : vector<16xi32>, vector<16xi32> -> vector<16xi32>
        %add3A_321 = arith.constant 1 : i32
        %add3A_322 = vector.broadcast %add3A_321 : i32 to vector<16xi32>
        %add3A_323 = arith.addi %iota3A_311, %add3A_322 : vector<16xi32>
        %min3A_324 = arith.constant 15 : i32
        %min3A_325 = vector.broadcast %min3A_324 : i32 to vector<16xi32>
        %min3A_326 = arith.minsi %add3A_323, %min3A_325 : vector<16xi32>
        %broadcast_in_dim3A_327 = vector.shape_cast %min3A_326 : vector<16xi32> to vector<16x1xi32>
        %gather3A_328 = vector.shape_cast %broadcast_in_dim3A_327 : vector<16x1xi32> to vector<16xi32>
        %gather3A_329 = tpu.dynamic_gather %masked_sort3A_310[%gather3A_328] in [0] : vector<16xi32>, vector<16xi32> -> vector<16xi32>
        %eq3A_330 = arith.constant 0 : i32
        %eq3A_331 = vector.broadcast %eq3A_330 : i32 to vector<16xi32>
        %eq3A_332 = arith.cmpi eq, %iota3A_311, %eq3A_331 : vector<16xi32>
        %ne3A_333 = arith.cmpi ne, %masked_sort3A_310, %gather3A_320 : vector<16xi32>
        %or3A_334 = arith.ori %eq3A_332, %ne3A_333 : vector<16xi1>
        %eq3A_335 = arith.constant 15 : i32
        %eq3A_336 = vector.broadcast %eq3A_335 : i32 to vector<16xi32>
        %eq3A_337 = arith.cmpi eq, %iota3A_311, %eq3A_336 : vector<16xi32>
        %ne3A_338 = arith.cmpi ne, %masked_sort3A_310, %gather3A_329 : vector<16xi32>
        %or3A_339 = arith.ori %eq3A_337, %ne3A_338 : vector<16xi1>
        %jit3A_340 = arith.constant 0 : i32
        %broadcast_in_dim3A_341 = vector.broadcast %jit3A_340 : i32 to vector<16xi32>
        %select_n3A_342 = arith.select %or3A_334, %iota3A_311, %broadcast_in_dim3A_341 : vector<16xi1>, vector<16xi32>
        %broadcast_in_dim3A_343 = arith.constant true
        %broadcast_in_dim3A_344 = vector.broadcast %broadcast_in_dim3A_343 : i1 to vector<16xi1>
        %masked_cummax3A_345 = arith.constant -2147483648 : i32
        %masked_cummax3A_346 = vector.broadcast %masked_cummax3A_345 : i32 to vector<16xi32>
        %masked_cummax3A_347 = arith.xori %select_n3A_342, %masked_cummax3A_346 : vector<16xi32>
        %masked_cummax3A_348 = tpu.scan <max>, %masked_cummax3A_347 masked %broadcast_in_dim3A_344 : vector<16xi32>, vector<16xi1> -> vector<16xi32>
        %masked_cummax3A_349 = arith.xori %masked_cummax3A_348, %masked_cummax3A_346 : vector<16xi32>
        %sub3A_350 = arith.subi %iota3A_311, %masked_cummax3A_349 : vector<16xi32>
        %add3A_351 = arith.constant 1 : i32
        %add3A_352 = vector.broadcast %add3A_351 : i32 to vector<16xi32>
        %add3A_353 = arith.addi %sub3A_350, %add3A_352 : vector<16xi32>
        %gather3A_354 = tpu.vector_load_idx %arg6[%masked_sort3A_310] : memref<16400xi32, #tpu.memory_space<vmem>>[vector<16xi32>], vector<16xi32>,
        %add3A_355 = arith.addi %gather3A_354, %add3A_353 : vector<16xi32>
        tpu.vector_store_idx %arg6[%masked_sort3A_310], %add3A_355 masked %or3A_339 : memref<16400xi32, #tpu.memory_space<vmem>>[vector<16xi32>], vector<16xi32>, vector<16xi1>
        %add3A_356 = arith.addi %gather3A_354, %sub3A_350 : vector<16xi32>
        %swap3A_357 = arith.index_cast %add3A_298 : i32 to index
        %swap3A_358 = tpu.vector_load %arg11[%swap3A_357] {strides = array<i32>} : memref<4096xi32, #tpu.memory_space<vmem>>, vector<16xi32>,
        tpu.vector_store %arg11[%swap3A_357], %add3A_356 {strides = array<i32>} : memref<4096xi32, #tpu.memory_space<vmem>>, vector<16xi32>,
        %swap3A_359 = arith.index_cast %add3A_298 : i32 to index
        %swap3A_360 = tpu.vector_load %arg12[%swap3A_359] {strides = array<i32>} : memref<4096xi32, #tpu.memory_space<vmem>>, vector<16xi32>,
        tpu.vector_store %arg12[%swap3A_359], %masked_sort3A_309 {strides = array<i32>} : memref<4096xi32, #tpu.memory_space<vmem>>, vector<16xi32>,
        %mul3A_361 = arith.constant 128 : i32
        %mul3A_362 = arith.muli %scan3A_109, %mul3A_361 : i32
        %add3A_363 = arith.constant 64 : i32
        %add3A_364 = arith.addi %mul3A_362, %add3A_363 : i32
        %get3A_365 = arith.index_cast %add3A_364 : i32 to index
        %get3A_366 = tpu.vector_load %arg7[%get3A_365] {strides = array<i32>} : memref<4096xi32, #tpu.memory_space<vmem>>, vector<16xi32>,
        %get3A_367 = arith.index_cast %add3A_364 : i32 to index
        %get3A_368 = tpu.vector_load %arg8[%get3A_367] {strides = array<i32>} : memref<4096xi32, #tpu.memory_space<vmem>>, vector<16xi32>,
        %masked_sort3A_369 = arith.constant dense<true> : vector<16xi1>
        %masked_sort3A_370 = arith.constant -2147483648 : i32
        %masked_sort3A_371 = vector.broadcast %masked_sort3A_370 : i32 to vector<16xi32>
        %masked_sort3A_372 = arith.xori %get3A_366, %masked_sort3A_371 : vector<16xi32>
        %masked_sort3A_373, %masked_sort3A_374, %masked_sort3A_375 = tpu.sort %masked_sort3A_372, %get3A_368 masked %masked_sort3A_369 : (vector<16xi32>, vector<16xi32>, vector<16xi1>) -> (vector<16xi1>, vector<16xi32>, vector<16xi32>)
        %masked_sort3A_376 = arith.xori %masked_sort3A_374, %masked_sort3A_371 : vector<16xi32>
        %iota3A_377 = tpu.iota {dimensions = array<i32: 0>} : vector<16xi32>
        %sub3A_378 = arith.constant 1 : i32
        %sub3A_379 = vector.broadcast %sub3A_378 : i32 to vector<16xi32>
        %sub3A_380 = arith.subi %iota3A_377, %sub3A_379 : vector<16xi32>
        %max3A_381 = arith.constant 0 : i32
        %max3A_382 = vector.broadcast %max3A_381 : i32 to vector<16xi32>
        %max3A_383 = arith.maxsi %sub3A_380, %max3A_382 : vector<16xi32>
        %broadcast_in_dim3A_384 = vector.shape_cast %max3A_383 : vector<16xi32> to vector<16x1xi32>
        %gather3A_385 = vector.shape_cast %broadcast_in_dim3A_384 : vector<16x1xi32> to vector<16xi32>
        %gather3A_386 = tpu.dynamic_gather %masked_sort3A_376[%gather3A_385] in [0] : vector<16xi32>, vector<16xi32> -> vector<16xi32>
        %add3A_387 = arith.constant 1 : i32
        %add3A_388 = vector.broadcast %add3A_387 : i32 to vector<16xi32>
        %add3A_389 = arith.addi %iota3A_377, %add3A_388 : vector<16xi32>
        %min3A_390 = arith.constant 15 : i32
        %min3A_391 = vector.broadcast %min3A_390 : i32 to vector<16xi32>
        %min3A_392 = arith.minsi %add3A_389, %min3A_391 : vector<16xi32>
        %broadcast_in_dim3A_393 = vector.shape_cast %min3A_392 : vector<16xi32> to vector<16x1xi32>
        %gather3A_394 = vector.shape_cast %broadcast_in_dim3A_393 : vector<16x1xi32> to vector<16xi32>
        %gather3A_395 = tpu.dynamic_gather %masked_sort3A_376[%gather3A_394] in [0] : vector<16xi32>, vector<16xi32> -> vector<16xi32>
        %eq3A_396 = arith.constant 0 : i32
        %eq3A_397 = vector.broadcast %eq3A_396 : i32 to vector<16xi32>
        %eq3A_398 = arith.cmpi eq, %iota3A_377, %eq3A_397 : vector<16xi32>
        %ne3A_399 = arith.cmpi ne, %masked_sort3A_376, %gather3A_386 : vector<16xi32>
        %or3A_400 = arith.ori %eq3A_398, %ne3A_399 : vector<16xi1>
        %eq3A_401 = arith.constant 15 : i32
        %eq3A_402 = vector.broadcast %eq3A_401 : i32 to vector<16xi32>
        %eq3A_403 = arith.cmpi eq, %iota3A_377, %eq3A_402 : vector<16xi32>
        %ne3A_404 = arith.cmpi ne, %masked_sort3A_376, %gather3A_395 : vector<16xi32>
        %or3A_405 = arith.ori %eq3A_403, %ne3A_404 : vector<16xi1>
        %jit3A_406 = arith.constant 0 : i32
        %broadcast_in_dim3A_407 = vector.broadcast %jit3A_406 : i32 to vector<16xi32>
        %select_n3A_408 = arith.select %or3A_400, %iota3A_377, %broadcast_in_dim3A_407 : vector<16xi1>, vector<16xi32>
        %broadcast_in_dim3A_409 = arith.constant true
        %broadcast_in_dim3A_410 = vector.broadcast %broadcast_in_dim3A_409 : i1 to vector<16xi1>
        %masked_cummax3A_411 = arith.constant -2147483648 : i32
        %masked_cummax3A_412 = vector.broadcast %masked_cummax3A_411 : i32 to vector<16xi32>
        %masked_cummax3A_413 = arith.xori %select_n3A_408, %masked_cummax3A_412 : vector<16xi32>
        %masked_cummax3A_414 = tpu.scan <max>, %masked_cummax3A_413 masked %broadcast_in_dim3A_410 : vector<16xi32>, vector<16xi1> -> vector<16xi32>
        %masked_cummax3A_415 = arith.xori %masked_cummax3A_414, %masked_cummax3A_412 : vector<16xi32>
        %sub3A_416 = arith.subi %iota3A_377, %masked_cummax3A_415 : vector<16xi32>
        %add3A_417 = arith.constant 1 : i32
        %add3A_418 = vector.broadcast %add3A_417 : i32 to vector<16xi32>
        %add3A_419 = arith.addi %sub3A_416, %add3A_418 : vector<16xi32>
        %gather3A_420 = tpu.vector_load_idx %arg6[%masked_sort3A_376] : memref<16400xi32, #tpu.memory_space<vmem>>[vector<16xi32>], vector<16xi32>,
        %add3A_421 = arith.addi %gather3A_420, %add3A_419 : vector<16xi32>
        tpu.vector_store_idx %arg6[%masked_sort3A_376], %add3A_421 masked %or3A_405 : memref<16400xi32, #tpu.memory_space<vmem>>[vector<16xi32>], vector<16xi32>, vector<16xi1>
        %add3A_422 = arith.addi %gather3A_420, %sub3A_416 : vector<16xi32>
        %swap3A_423 = arith.index_cast %add3A_364 : i32 to index
        %swap3A_424 = tpu.vector_load %arg11[%swap3A_423] {strides = array<i32>} : memref<4096xi32, #tpu.memory_space<vmem>>, vector<16xi32>,
        tpu.vector_store %arg11[%swap3A_423], %add3A_422 {strides = array<i32>} : memref<4096xi32, #tpu.memory_space<vmem>>, vector<16xi32>,
        %swap3A_425 = arith.index_cast %add3A_364 : i32 to index
        %swap3A_426 = tpu.vector_load %arg12[%swap3A_425] {strides = array<i32>} : memref<4096xi32, #tpu.memory_space<vmem>>, vector<16xi32>,
        tpu.vector_store %arg12[%swap3A_425], %masked_sort3A_375 {strides = array<i32>} : memref<4096xi32, #tpu.memory_space<vmem>>, vector<16xi32>,
        %mul3A_427 = arith.constant 128 : i32
        %mul3A_428 = arith.muli %scan3A_109, %mul3A_427 : i32
        %add3A_429 = arith.constant 80 : i32
        %add3A_430 = arith.addi %mul3A_428, %add3A_429 : i32
        %get3A_431 = arith.index_cast %add3A_430 : i32 to index
        %get3A_432 = tpu.vector_load %arg7[%get3A_431] {strides = array<i32>} : memref<4096xi32, #tpu.memory_space<vmem>>, vector<16xi32>,
        %get3A_433 = arith.index_cast %add3A_430 : i32 to index
        %get3A_434 = tpu.vector_load %arg8[%get3A_433] {strides = array<i32>} : memref<4096xi32, #tpu.memory_space<vmem>>, vector<16xi32>,
        %masked_sort3A_435 = arith.constant dense<true> : vector<16xi1>
        %masked_sort3A_436 = arith.constant -2147483648 : i32
        %masked_sort3A_437 = vector.broadcast %masked_sort3A_436 : i32 to vector<16xi32>
        %masked_sort3A_438 = arith.xori %get3A_432, %masked_sort3A_437 : vector<16xi32>
        %masked_sort3A_439, %masked_sort3A_440, %masked_sort3A_441 = tpu.sort %masked_sort3A_438, %get3A_434 masked %masked_sort3A_435 : (vector<16xi32>, vector<16xi32>, vector<16xi1>) -> (vector<16xi1>, vector<16xi32>, vector<16xi32>)
        %masked_sort3A_442 = arith.xori %masked_sort3A_440, %masked_sort3A_437 : vector<16xi32>
        %iota3A_443 = tpu.iota {dimensions = array<i32: 0>} : vector<16xi32>
        %sub3A_444 = arith.constant 1 : i32
        %sub3A_445 = vector.broadcast %sub3A_444 : i32 to vector<16xi32>
        %sub3A_446 = arith.subi %iota3A_443, %sub3A_445 : vector<16xi32>
        %max3A_447 = arith.constant 0 : i32
        %max3A_448 = vector.broadcast %max3A_447 : i32 to vector<16xi32>
        %max3A_449 = arith.maxsi %sub3A_446, %max3A_448 : vector<16xi32>
        %broadcast_in_dim3A_450 = vector.shape_cast %max3A_449 : vector<16xi32> to vector<16x1xi32>
        %gather3A_451 = vector.shape_cast %broadcast_in_dim3A_450 : vector<16x1xi32> to vector<16xi32>
        %gather3A_452 = tpu.dynamic_gather %masked_sort3A_442[%gather3A_451] in [0] : vector<16xi32>, vector<16xi32> -> vector<16xi32>
        %add3A_453 = arith.constant 1 : i32
        %add3A_454 = vector.broadcast %add3A_453 : i32 to vector<16xi32>
        %add3A_455 = arith.addi %iota3A_443, %add3A_454 : vector<16xi32>
        %min3A_456 = arith.constant 15 : i32
        %min3A_457 = vector.broadcast %min3A_456 : i32 to vector<16xi32>
        %min3A_458 = arith.minsi %add3A_455, %min3A_457 : vector<16xi32>
        %broadcast_in_dim3A_459 = vector.shape_cast %min3A_458 : vector<16xi32> to vector<16x1xi32>
        %gather3A_460 = vector.shape_cast %broadcast_in_dim3A_459 : vector<16x1xi32> to vector<16xi32>
        %gather3A_461 = tpu.dynamic_gather %masked_sort3A_442[%gather3A_460] in [0] : vector<16xi32>, vector<16xi32> -> vector<16xi32>
        %eq3A_462 = arith.constant 0 : i32
        %eq3A_463 = vector.broadcast %eq3A_462 : i32 to vector<16xi32>
        %eq3A_464 = arith.cmpi eq, %iota3A_443, %eq3A_463 : vector<16xi32>
        %ne3A_465 = arith.cmpi ne, %masked_sort3A_442, %gather3A_452 : vector<16xi32>
        %or3A_466 = arith.ori %eq3A_464, %ne3A_465 : vector<16xi1>
        %eq3A_467 = arith.constant 15 : i32
        %eq3A_468 = vector.broadcast %eq3A_467 : i32 to vector<16xi32>
        %eq3A_469 = arith.cmpi eq, %iota3A_443, %eq3A_468 : vector<16xi32>
        %ne3A_470 = arith.cmpi ne, %masked_sort3A_442, %gather3A_461 : vector<16xi32>
        %or3A_471 = arith.ori %eq3A_469, %ne3A_470 : vector<16xi1>
        %jit3A_472 = arith.constant 0 : i32
        %broadcast_in_dim3A_473 = vector.broadcast %jit3A_472 : i32 to vector<16xi32>
        %select_n3A_474 = arith.select %or3A_466, %iota3A_443, %broadcast_in_dim3A_473 : vector<16xi1>, vector<16xi32>
        %broadcast_in_dim3A_475 = arith.constant true
        %broadcast_in_dim3A_476 = vector.broadcast %broadcast_in_dim3A_475 : i1 to vector<16xi1>
        %masked_cummax3A_477 = arith.constant -2147483648 : i32
        %masked_cummax3A_478 = vector.broadcast %masked_cummax3A_477 : i32 to vector<16xi32>
        %masked_cummax3A_479 = arith.xori %select_n3A_474, %masked_cummax3A_478 : vector<16xi32>
        %masked_cummax3A_480 = tpu.scan <max>, %masked_cummax3A_479 masked %broadcast_in_dim3A_476 : vector<16xi32>, vector<16xi1> -> vector<16xi32>
        %masked_cummax3A_481 = arith.xori %masked_cummax3A_480, %masked_cummax3A_478 : vector<16xi32>
        %sub3A_482 = arith.subi %iota3A_443, %masked_cummax3A_481 : vector<16xi32>
        %add3A_483 = arith.constant 1 : i32
        %add3A_484 = vector.broadcast %add3A_483 : i32 to vector<16xi32>
        %add3A_485 = arith.addi %sub3A_482, %add3A_484 : vector<16xi32>
        %gather3A_486 = tpu.vector_load_idx %arg6[%masked_sort3A_442] : memref<16400xi32, #tpu.memory_space<vmem>>[vector<16xi32>], vector<16xi32>,
        %add3A_487 = arith.addi %gather3A_486, %add3A_485 : vector<16xi32>
        tpu.vector_store_idx %arg6[%masked_sort3A_442], %add3A_487 masked %or3A_471 : memref<16400xi32, #tpu.memory_space<vmem>>[vector<16xi32>], vector<16xi32>, vector<16xi1>
        %add3A_488 = arith.addi %gather3A_486, %sub3A_482 : vector<16xi32>
        %swap3A_489 = arith.index_cast %add3A_430 : i32 to index
        %swap3A_490 = tpu.vector_load %arg11[%swap3A_489] {strides = array<i32>} : memref<4096xi32, #tpu.memory_space<vmem>>, vector<16xi32>,
        tpu.vector_store %arg11[%swap3A_489], %add3A_488 {strides = array<i32>} : memref<4096xi32, #tpu.memory_space<vmem>>, vector<16xi32>,
        %swap3A_491 = arith.index_cast %add3A_430 : i32 to index
        %swap3A_492 = tpu.vector_load %arg12[%swap3A_491] {strides = array<i32>} : memref<4096xi32, #tpu.memory_space<vmem>>, vector<16xi32>,
        tpu.vector_store %arg12[%swap3A_491], %masked_sort3A_441 {strides = array<i32>} : memref<4096xi32, #tpu.memory_space<vmem>>, vector<16xi32>,
        %mul3A_493 = arith.constant 128 : i32
        %mul3A_494 = arith.muli %scan3A_109, %mul3A_493 : i32
        %add3A_495 = arith.constant 96 : i32
        %add3A_496 = arith.addi %mul3A_494, %add3A_495 : i32
        %get3A_497 = arith.index_cast %add3A_496 : i32 to index
        %get3A_498 = tpu.vector_load %arg7[%get3A_497] {strides = array<i32>} : memref<4096xi32, #tpu.memory_space<vmem>>, vector<16xi32>,
        %get3A_499 = arith.index_cast %add3A_496 : i32 to index
        %get3A_500 = tpu.vector_load %arg8[%get3A_499] {strides = array<i32>} : memref<4096xi32, #tpu.memory_space<vmem>>, vector<16xi32>,
        %masked_sort3A_501 = arith.constant dense<true> : vector<16xi1>
        %masked_sort3A_502 = arith.constant -2147483648 : i32
        %masked_sort3A_503 = vector.broadcast %masked_sort3A_502 : i32 to vector<16xi32>
        %masked_sort3A_504 = arith.xori %get3A_498, %masked_sort3A_503 : vector<16xi32>
        %masked_sort3A_505, %masked_sort3A_506, %masked_sort3A_507 = tpu.sort %masked_sort3A_504, %get3A_500 masked %masked_sort3A_501 : (vector<16xi32>, vector<16xi32>, vector<16xi1>) -> (vector<16xi1>, vector<16xi32>, vector<16xi32>)
        %masked_sort3A_508 = arith.xori %masked_sort3A_506, %masked_sort3A_503 : vector<16xi32>
        %iota3A_509 = tpu.iota {dimensions = array<i32: 0>} : vector<16xi32>
        %sub3A_510 = arith.constant 1 : i32
        %sub3A_511 = vector.broadcast %sub3A_510 : i32 to vector<16xi32>
        %sub3A_512 = arith.subi %iota3A_509, %sub3A_511 : vector<16xi32>
        %max3A_513 = arith.constant 0 : i32
        %max3A_514 = vector.broadcast %max3A_513 : i32 to vector<16xi32>
        %max3A_515 = arith.maxsi %sub3A_512, %max3A_514 : vector<16xi32>
        %broadcast_in_dim3A_516 = vector.shape_cast %max3A_515 : vector<16xi32> to vector<16x1xi32>
        %gather3A_517 = vector.shape_cast %broadcast_in_dim3A_516 : vector<16x1xi32> to vector<16xi32>
        %gather3A_518 = tpu.dynamic_gather %masked_sort3A_508[%gather3A_517] in [0] : vector<16xi32>, vector<16xi32> -> vector<16xi32>
        %add3A_519 = arith.constant 1 : i32
        %add3A_520 = vector.broadcast %add3A_519 : i32 to vector<16xi32>
        %add3A_521 = arith.addi %iota3A_509, %add3A_520 : vector<16xi32>
        %min3A_522 = arith.constant 15 : i32
        %min3A_523 = vector.broadcast %min3A_522 : i32 to vector<16xi32>
        %min3A_524 = arith.minsi %add3A_521, %min3A_523 : vector<16xi32>
        %broadcast_in_dim3A_525 = vector.shape_cast %min3A_524 : vector<16xi32> to vector<16x1xi32>
        %gather3A_526 = vector.shape_cast %broadcast_in_dim3A_525 : vector<16x1xi32> to vector<16xi32>
        %gather3A_527 = tpu.dynamic_gather %masked_sort3A_508[%gather3A_526] in [0] : vector<16xi32>, vector<16xi32> -> vector<16xi32>
        %eq3A_528 = arith.constant 0 : i32
        %eq3A_529 = vector.broadcast %eq3A_528 : i32 to vector<16xi32>
        %eq3A_530 = arith.cmpi eq, %iota3A_509, %eq3A_529 : vector<16xi32>
        %ne3A_531 = arith.cmpi ne, %masked_sort3A_508, %gather3A_518 : vector<16xi32>
        %or3A_532 = arith.ori %eq3A_530, %ne3A_531 : vector<16xi1>
        %eq3A_533 = arith.constant 15 : i32
        %eq3A_534 = vector.broadcast %eq3A_533 : i32 to vector<16xi32>
        %eq3A_535 = arith.cmpi eq, %iota3A_509, %eq3A_534 : vector<16xi32>
        %ne3A_536 = arith.cmpi ne, %masked_sort3A_508, %gather3A_527 : vector<16xi32>
        %or3A_537 = arith.ori %eq3A_535, %ne3A_536 : vector<16xi1>
        %jit3A_538 = arith.constant 0 : i32
        %broadcast_in_dim3A_539 = vector.broadcast %jit3A_538 : i32 to vector<16xi32>
        %select_n3A_540 = arith.select %or3A_532, %iota3A_509, %broadcast_in_dim3A_539 : vector<16xi1>, vector<16xi32>
        %broadcast_in_dim3A_541 = arith.constant true
        %broadcast_in_dim3A_542 = vector.broadcast %broadcast_in_dim3A_541 : i1 to vector<16xi1>
        %masked_cummax3A_543 = arith.constant -2147483648 : i32
        %masked_cummax3A_544 = vector.broadcast %masked_cummax3A_543 : i32 to vector<16xi32>
        %masked_cummax3A_545 = arith.xori %select_n3A_540, %masked_cummax3A_544 : vector<16xi32>
        %masked_cummax3A_546 = tpu.scan <max>, %masked_cummax3A_545 masked %broadcast_in_dim3A_542 : vector<16xi32>, vector<16xi1> -> vector<16xi32>
        %masked_cummax3A_547 = arith.xori %masked_cummax3A_546, %masked_cummax3A_544 : vector<16xi32>
        %sub3A_548 = arith.subi %iota3A_509, %masked_cummax3A_547 : vector<16xi32>
        %add3A_549 = arith.constant 1 : i32
        %add3A_550 = vector.broadcast %add3A_549 : i32 to vector<16xi32>
        %add3A_551 = arith.addi %sub3A_548, %add3A_550 : vector<16xi32>
        %gather3A_552 = tpu.vector_load_idx %arg6[%masked_sort3A_508] : memref<16400xi32, #tpu.memory_space<vmem>>[vector<16xi32>], vector<16xi32>,
        %add3A_553 = arith.addi %gather3A_552, %add3A_551 : vector<16xi32>
        tpu.vector_store_idx %arg6[%masked_sort3A_508], %add3A_553 masked %or3A_537 : memref<16400xi32, #tpu.memory_space<vmem>>[vector<16xi32>], vector<16xi32>, vector<16xi1>
        %add3A_554 = arith.addi %gather3A_552, %sub3A_548 : vector<16xi32>
        %swap3A_555 = arith.index_cast %add3A_496 : i32 to index
        %swap3A_556 = tpu.vector_load %arg11[%swap3A_555] {strides = array<i32>} : memref<4096xi32, #tpu.memory_space<vmem>>, vector<16xi32>,
        tpu.vector_store %arg11[%swap3A_555], %add3A_554 {strides = array<i32>} : memref<4096xi32, #tpu.memory_space<vmem>>, vector<16xi32>,
        %swap3A_557 = arith.index_cast %add3A_496 : i32 to index
        %swap3A_558 = tpu.vector_load %arg12[%swap3A_557] {strides = array<i32>} : memref<4096xi32, #tpu.memory_space<vmem>>, vector<16xi32>,
        tpu.vector_store %arg12[%swap3A_557], %masked_sort3A_507 {strides = array<i32>} : memref<4096xi32, #tpu.memory_space<vmem>>, vector<16xi32>,
        %mul3A_559 = arith.constant 128 : i32
        %mul3A_560 = arith.muli %scan3A_109, %mul3A_559 : i32
        %add3A_561 = arith.constant 112 : i32
        %add3A_562 = arith.addi %mul3A_560, %add3A_561 : i32
        %get3A_563 = arith.index_cast %add3A_562 : i32 to index
        %get3A_564 = tpu.vector_load %arg7[%get3A_563] {strides = array<i32>} : memref<4096xi32, #tpu.memory_space<vmem>>, vector<16xi32>,
        %get3A_565 = arith.index_cast %add3A_562 : i32 to index
        %get3A_566 = tpu.vector_load %arg8[%get3A_565] {strides = array<i32>} : memref<4096xi32, #tpu.memory_space<vmem>>, vector<16xi32>,
        %masked_sort3A_567 = arith.constant dense<true> : vector<16xi1>
        %masked_sort3A_568 = arith.constant -2147483648 : i32
        %masked_sort3A_569 = vector.broadcast %masked_sort3A_568 : i32 to vector<16xi32>
        %masked_sort3A_570 = arith.xori %get3A_564, %masked_sort3A_569 : vector<16xi32>
        %masked_sort3A_571, %masked_sort3A_572, %masked_sort3A_573 = tpu.sort %masked_sort3A_570, %get3A_566 masked %masked_sort3A_567 : (vector<16xi32>, vector<16xi32>, vector<16xi1>) -> (vector<16xi1>, vector<16xi32>, vector<16xi32>)
        %masked_sort3A_574 = arith.xori %masked_sort3A_572, %masked_sort3A_569 : vector<16xi32>
        %iota3A_575 = tpu.iota {dimensions = array<i32: 0>} : vector<16xi32>
        %sub3A_576 = arith.constant 1 : i32
        %sub3A_577 = vector.broadcast %sub3A_576 : i32 to vector<16xi32>
        %sub3A_578 = arith.subi %iota3A_575, %sub3A_577 : vector<16xi32>
        %max3A_579 = arith.constant 0 : i32
        %max3A_580 = vector.broadcast %max3A_579 : i32 to vector<16xi32>
        %max3A_581 = arith.maxsi %sub3A_578, %max3A_580 : vector<16xi32>
        %broadcast_in_dim3A_582 = vector.shape_cast %max3A_581 : vector<16xi32> to vector<16x1xi32>
        %gather3A_583 = vector.shape_cast %broadcast_in_dim3A_582 : vector<16x1xi32> to vector<16xi32>
        %gather3A_584 = tpu.dynamic_gather %masked_sort3A_574[%gather3A_583] in [0] : vector<16xi32>, vector<16xi32> -> vector<16xi32>
        %add3A_585 = arith.constant 1 : i32
        %add3A_586 = vector.broadcast %add3A_585 : i32 to vector<16xi32>
        %add3A_587 = arith.addi %iota3A_575, %add3A_586 : vector<16xi32>
        %min3A_588 = arith.constant 15 : i32
        %min3A_589 = vector.broadcast %min3A_588 : i32 to vector<16xi32>
        %min3A_590 = arith.minsi %add3A_587, %min3A_589 : vector<16xi32>
        %broadcast_in_dim3A_591 = vector.shape_cast %min3A_590 : vector<16xi32> to vector<16x1xi32>
        %gather3A_592 = vector.shape_cast %broadcast_in_dim3A_591 : vector<16x1xi32> to vector<16xi32>
        %gather3A_593 = tpu.dynamic_gather %masked_sort3A_574[%gather3A_592] in [0] : vector<16xi32>, vector<16xi32> -> vector<16xi32>
        %eq3A_594 = arith.constant 0 : i32
        %eq3A_595 = vector.broadcast %eq3A_594 : i32 to vector<16xi32>
        %eq3A_596 = arith.cmpi eq, %iota3A_575, %eq3A_595 : vector<16xi32>
        %ne3A_597 = arith.cmpi ne, %masked_sort3A_574, %gather3A_584 : vector<16xi32>
        %or3A_598 = arith.ori %eq3A_596, %ne3A_597 : vector<16xi1>
        %eq3A_599 = arith.constant 15 : i32
        %eq3A_600 = vector.broadcast %eq3A_599 : i32 to vector<16xi32>
        %eq3A_601 = arith.cmpi eq, %iota3A_575, %eq3A_600 : vector<16xi32>
        %ne3A_602 = arith.cmpi ne, %masked_sort3A_574, %gather3A_593 : vector<16xi32>
        %or3A_603 = arith.ori %eq3A_601, %ne3A_602 : vector<16xi1>
        %jit3A_604 = arith.constant 0 : i32
        %broadcast_in_dim3A_605 = vector.broadcast %jit3A_604 : i32 to vector<16xi32>
        %select_n3A_606 = arith.select %or3A_598, %iota3A_575, %broadcast_in_dim3A_605 : vector<16xi1>, vector<16xi32>
        %broadcast_in_dim3A_607 = arith.constant true
        %broadcast_in_dim3A_608 = vector.broadcast %broadcast_in_dim3A_607 : i1 to vector<16xi1>
        %masked_cummax3A_609 = arith.constant -2147483648 : i32
        %masked_cummax3A_610 = vector.broadcast %masked_cummax3A_609 : i32 to vector<16xi32>
        %masked_cummax3A_611 = arith.xori %select_n3A_606, %masked_cummax3A_610 : vector<16xi32>
        %masked_cummax3A_612 = tpu.scan <max>, %masked_cummax3A_611 masked %broadcast_in_dim3A_608 : vector<16xi32>, vector<16xi1> -> vector<16xi32>
        %masked_cummax3A_613 = arith.xori %masked_cummax3A_612, %masked_cummax3A_610 : vector<16xi32>
        %sub3A_614 = arith.subi %iota3A_575, %masked_cummax3A_613 : vector<16xi32>
        %add3A_615 = arith.constant 1 : i32
        %add3A_616 = vector.broadcast %add3A_615 : i32 to vector<16xi32>
        %add3A_617 = arith.addi %sub3A_614, %add3A_616 : vector<16xi32>
        %gather3A_618 = tpu.vector_load_idx %arg6[%masked_sort3A_574] : memref<16400xi32, #tpu.memory_space<vmem>>[vector<16xi32>], vector<16xi32>,
        %add3A_619 = arith.addi %gather3A_618, %add3A_617 : vector<16xi32>
        tpu.vector_store_idx %arg6[%masked_sort3A_574], %add3A_619 masked %or3A_603 : memref<16400xi32, #tpu.memory_space<vmem>>[vector<16xi32>], vector<16xi32>, vector<16xi1>
        %add3A_620 = arith.addi %gather3A_618, %sub3A_614 : vector<16xi32>
        %swap3A_621 = arith.index_cast %add3A_562 : i32 to index
        %swap3A_622 = tpu.vector_load %arg11[%swap3A_621] {strides = array<i32>} : memref<4096xi32, #tpu.memory_space<vmem>>, vector<16xi32>,
        tpu.vector_store %arg11[%swap3A_621], %add3A_620 {strides = array<i32>} : memref<4096xi32, #tpu.memory_space<vmem>>, vector<16xi32>,
        %swap3A_623 = arith.index_cast %add3A_562 : i32 to index
        %swap3A_624 = tpu.vector_load %arg12[%swap3A_623] {strides = array<i32>} : memref<4096xi32, #tpu.memory_space<vmem>>, vector<16xi32>,
        tpu.vector_store %arg12[%swap3A_623], %masked_sort3A_573 {strides = array<i32>} : memref<4096xi32, #tpu.memory_space<vmem>>, vector<16xi32>,
        %scan3A_625 = arith.constant 0 : i32
        scf.yield %scan3A_625 : i32
      }
      %scan3A_62 = arith.constant 32 : i32
      %dma_start3A_63 = arith.constant 0 : i32
      %dma_start3A_64 = tpu.memref_slice %arg5[%dma_start3A_63] : memref<2105344xi32, #tpu.memory_space<hbm>> -> memref<2105344xi32, #tpu.memory_space<hbm>>
      tpu.enqueue_indirect_dma source(%arg12 : memref<4096xi32, #tpu.memory_space<vmem>>) target(%dma_start3A_64 : memref<2105344xi32, #tpu.memory_space<hbm>>) offsets(%arg11 : memref<4096xi32, #tpu.memory_space<vmem>>) semaphore(%arg17 : memref<!tpu.dma_semaphore, #tpu.memory_space<semaphore_mem>>)
      %mul3A_65 = arith.constant 2 : i32
      %mul3A_66 = arith.muli %mul3A_65, %scan3A_26 : i32
      %add3A_67 = arith.constant 1 : i32
      %add3A_68 = arith.addi %mul3A_66, %add3A_67 : i32
      %mul3A_69 = arith.constant 65536 : i32
      %mul3A_70 = arith.muli %add3A, %mul3A_69 : i32
      %mul3A_71 = arith.constant 4096 : i32
      %mul3A_72 = arith.muli %add3A_68, %mul3A_71 : i32
      %add3A_73 = arith.addi %mul3A_70, %mul3A_72 : i32
      %multiple_of3A_74 = tpu.assume_multiple %add3A_73, 8 : i32
      %dma_wait3A_75 = tpu.memref_slice %arg2[%multiple_of3A_74] : memref<2097152xi32, #tpu.memory_space<hbm>> -> memref<4096xi32, #tpu.memory_space<hbm>>
      %dma_wait3A_76 = tpu.memref_slice %arg2[%multiple_of3A_74] : memref<2097152xi32, #tpu.memory_space<hbm>> -> memref<4096xi32, #tpu.memory_space<hbm>>
      tpu.wait_dma2 semaphore(%arg16 : memref<!tpu.dma_semaphore, #tpu.memory_space<semaphore_mem>>) src(%dma_wait3A_76 : memref<4096xi32, #tpu.memory_space<hbm>>) dst(%arg9 : memref<4096xi32, #tpu.memory_space<vmem>>)
      %dma_wait3A_77 = tpu.memref_slice %arg3[%multiple_of3A_74] : memref<2097152xi32, #tpu.memory_space<hbm>> -> memref<4096xi32, #tpu.memory_space<hbm>>
      %dma_wait3A_78 = tpu.memref_slice %arg3[%multiple_of3A_74] : memref<2097152xi32, #tpu.memory_space<hbm>> -> memref<4096xi32, #tpu.memory_space<hbm>>
      tpu.wait_dma2 semaphore(%arg16 : memref<!tpu.dma_semaphore, #tpu.memory_space<semaphore_mem>>) src(%dma_wait3A_78 : memref<4096xi32, #tpu.memory_space<hbm>>) dst(%arg10 : memref<4096xi32, #tpu.memory_space<vmem>>)
      %mul3A_79 = arith.constant 2 : i32
      %mul3A_80 = arith.muli %mul3A_79, %scan3A_26 : i32
      %add3A_81 = arith.constant 2 : i32
      %add3A_82 = arith.addi %mul3A_80, %add3A_81 : i32
      %min3A = arith.constant 15 : i32
      %min3A_83 = arith.minsi %add3A_82, %min3A : i32
      %mul3A_84 = arith.constant 65536 : i32
      %mul3A_85 = arith.muli %add3A, %mul3A_84 : i32
      %mul3A_86 = arith.constant 4096 : i32
      %mul3A_87 = arith.muli %min3A_83, %mul3A_86 : i32
      %add3A_88 = arith.addi %mul3A_85, %mul3A_87 : i32
      %multiple_of3A_89 = tpu.assume_multiple %add3A_88, 8 : i32
      %dma_start3A_90 = tpu.memref_slice %arg2[%multiple_of3A_89] : memref<2097152xi32, #tpu.memory_space<hbm>> -> memref<4096xi32, #tpu.memory_space<hbm>>
      %dma_start3A_91 = tpu.memref_slice %arg2[%multiple_of3A_89] : memref<2097152xi32, #tpu.memory_space<hbm>> -> memref<4096xi32, #tpu.memory_space<hbm>>
      tpu.enqueue_dma source(%dma_start3A_91 : memref<4096xi32, #tpu.memory_space<hbm>>) target(%arg7 : memref<4096xi32, #tpu.memory_space<vmem>>) target_semaphore(%arg15 : memref<!tpu.dma_semaphore, #tpu.memory_space<semaphore_mem>>)
      %dma_start3A_92 = tpu.memref_slice %arg3[%multiple_of3A_89] : memref<2097152xi32, #tpu.memory_space<hbm>> -> memref<4096xi32, #tpu.memory_space<hbm>>
      %dma_start3A_93 = tpu.memref_slice %arg3[%multiple_of3A_89] : memref<2097152xi32, #tpu.memory_space<hbm>> -> memref<4096xi32, #tpu.memory_space<hbm>>
      tpu.enqueue_dma source(%dma_start3A_93 : memref<4096xi32, #tpu.memory_space<hbm>>) target(%arg8 : memref<4096xi32, #tpu.memory_space<vmem>>) target_semaphore(%arg15 : memref<!tpu.dma_semaphore, #tpu.memory_space<semaphore_mem>>)
      %gt3A_94 = arith.constant 0 : i32
      %gt3A_95 = arith.cmpi sgt, %scan3A_26, %gt3A_94 : i32
      %convert_element_type3A_96 = arith.extui %gt3A_95 : i1 to i32
      %cond3A_97 = arith.constant 0 : i32
      %cond3A_98 = arith.cmpi ne, %convert_element_type3A_96, %cond3A_97 : i32
      scf.if %cond3A_98 {
        %dma_wait3A_109 = arith.constant 0 : i32
        %dma_wait3A_110 = tpu.memref_slice %arg5[%dma_wait3A_109] : memref<2105344xi32, #tpu.memory_space<hbm>> -> memref<2105344xi32, #tpu.memory_space<hbm>>
        tpu.wait_indirect_dma semaphore(%arg18 : memref<!tpu.dma_semaphore, #tpu.memory_space<semaphore_mem>>) src(%arg14 : memref<4096xi32, #tpu.memory_space<vmem>>) dst(%dma_wait3A_110 : memref<2105344xi32, #tpu.memory_space<hbm>>)
      } else {
      }
      %scan3A_99 = arith.constant 0 : i32
      %scan3A_100 = arith.constant 0 : i32
      %scan3A_101 = arith.constant 32 : i32
      %scan3A_102 = arith.addi %scan3A_100, %scan3A_101 : i32
      %scan3A_103 = arith.constant 1 : i32
      %scan3A_104 = scf.for %scan3A_109 = %scan3A_100 to %scan3A_102 step %scan3A_103 iter_args(%scan3A_110 = %scan3A_99) -> (i32)  : i32 {
        %mul3A_111 = arith.constant 128 : i32
        %mul3A_112 = arith.muli %scan3A_109, %mul3A_111 : i32
        %add3A_113 = arith.constant 0 : i32
        %add3A_114 = arith.addi %mul3A_112, %add3A_113 : i32
        %get3A = arith.index_cast %add3A_114 : i32 to index
        %get3A_115 = tpu.vector_load %arg9[%get3A] {strides = array<i32>} : memref<4096xi32, #tpu.memory_space<vmem>>, vector<16xi32>,
        %get3A_116 = arith.index_cast %add3A_114 : i32 to index
        %get3A_117 = tpu.vector_load %arg10[%get3A_116] {strides = array<i32>} : memref<4096xi32, #tpu.memory_space<vmem>>, vector<16xi32>,
        %masked_sort3A = arith.constant dense<true> : vector<16xi1>
        %masked_sort3A_118 = arith.constant -2147483648 : i32
        %masked_sort3A_119 = vector.broadcast %masked_sort3A_118 : i32 to vector<16xi32>
        %masked_sort3A_120 = arith.xori %get3A_115, %masked_sort3A_119 : vector<16xi32>
        %masked_sort3A_121, %masked_sort3A_122, %masked_sort3A_123 = tpu.sort %masked_sort3A_120, %get3A_117 masked %masked_sort3A : (vector<16xi32>, vector<16xi32>, vector<16xi1>) -> (vector<16xi1>, vector<16xi32>, vector<16xi32>)
        %masked_sort3A_124 = arith.xori %masked_sort3A_122, %masked_sort3A_119 : vector<16xi32>
        %iota3A = tpu.iota {dimensions = array<i32: 0>} : vector<16xi32>
        %sub3A = arith.constant 1 : i32
        %sub3A_125 = vector.broadcast %sub3A : i32 to vector<16xi32>
        %sub3A_126 = arith.subi %iota3A, %sub3A_125 : vector<16xi32>
        %max3A = arith.constant 0 : i32
        %max3A_127 = vector.broadcast %max3A : i32 to vector<16xi32>
        %max3A_128 = arith.maxsi %sub3A_126, %max3A_127 : vector<16xi32>
        %broadcast_in_dim3A = vector.shape_cast %max3A_128 : vector<16xi32> to vector<16x1xi32>
        %gather3A = vector.shape_cast %broadcast_in_dim3A : vector<16x1xi32> to vector<16xi32>
        %gather3A_129 = tpu.dynamic_gather %masked_sort3A_124[%gather3A] in [0] : vector<16xi32>, vector<16xi32> -> vector<16xi32>
        %add3A_130 = arith.constant 1 : i32
        %add3A_131 = vector.broadcast %add3A_130 : i32 to vector<16xi32>
        %add3A_132 = arith.addi %iota3A, %add3A_131 : vector<16xi32>
        %min3A_133 = arith.constant 15 : i32
        %min3A_134 = vector.broadcast %min3A_133 : i32 to vector<16xi32>
        %min3A_135 = arith.minsi %add3A_132, %min3A_134 : vector<16xi32>
        %broadcast_in_dim3A_136 = vector.shape_cast %min3A_135 : vector<16xi32> to vector<16x1xi32>
        %gather3A_137 = vector.shape_cast %broadcast_in_dim3A_136 : vector<16x1xi32> to vector<16xi32>
        %gather3A_138 = tpu.dynamic_gather %masked_sort3A_124[%gather3A_137] in [0] : vector<16xi32>, vector<16xi32> -> vector<16xi32>
        %eq3A = arith.constant 0 : i32
        %eq3A_139 = vector.broadcast %eq3A : i32 to vector<16xi32>
        %eq3A_140 = arith.cmpi eq, %iota3A, %eq3A_139 : vector<16xi32>
        %ne3A = arith.cmpi ne, %masked_sort3A_124, %gather3A_129 : vector<16xi32>
        %or3A = arith.ori %eq3A_140, %ne3A : vector<16xi1>
        %eq3A_141 = arith.constant 15 : i32
        %eq3A_142 = vector.broadcast %eq3A_141 : i32 to vector<16xi32>
        %eq3A_143 = arith.cmpi eq, %iota3A, %eq3A_142 : vector<16xi32>
        %ne3A_144 = arith.cmpi ne, %masked_sort3A_124, %gather3A_138 : vector<16xi32>
        %or3A_145 = arith.ori %eq3A_143, %ne3A_144 : vector<16xi1>
        %jit3A = arith.constant 0 : i32
        %broadcast_in_dim3A_146 = vector.broadcast %jit3A : i32 to vector<16xi32>
        %select_n3A = arith.select %or3A, %iota3A, %broadcast_in_dim3A_146 : vector<16xi1>, vector<16xi32>
        %broadcast_in_dim3A_147 = arith.constant true
        %broadcast_in_dim3A_148 = vector.broadcast %broadcast_in_dim3A_147 : i1 to vector<16xi1>
        %masked_cummax3A = arith.constant -2147483648 : i32
        %masked_cummax3A_149 = vector.broadcast %masked_cummax3A : i32 to vector<16xi32>
        %masked_cummax3A_150 = arith.xori %select_n3A, %masked_cummax3A_149 : vector<16xi32>
        %masked_cummax3A_151 = tpu.scan <max>, %masked_cummax3A_150 masked %broadcast_in_dim3A_148 : vector<16xi32>, vector<16xi1> -> vector<16xi32>
        %masked_cummax3A_152 = arith.xori %masked_cummax3A_151, %masked_cummax3A_149 : vector<16xi32>
        %sub3A_153 = arith.subi %iota3A, %masked_cummax3A_152 : vector<16xi32>
        %add3A_154 = arith.constant 1 : i32
        %add3A_155 = vector.broadcast %add3A_154 : i32 to vector<16xi32>
        %add3A_156 = arith.addi %sub3A_153, %add3A_155 : vector<16xi32>
        %gather3A_157 = tpu.vector_load_idx %arg6[%masked_sort3A_124] : memref<16400xi32, #tpu.memory_space<vmem>>[vector<16xi32>], vector<16xi32>,
        %add3A_158 = arith.addi %gather3A_157, %add3A_156 : vector<16xi32>
        tpu.vector_store_idx %arg6[%masked_sort3A_124], %add3A_158 masked %or3A_145 : memref<16400xi32, #tpu.memory_space<vmem>>[vector<16xi32>], vector<16xi32>, vector<16xi1>
        %add3A_159 = arith.addi %gather3A_157, %sub3A_153 : vector<16xi32>
        %swap3A = arith.index_cast %add3A_114 : i32 to index
        %swap3A_160 = tpu.vector_load %arg13[%swap3A] {strides = array<i32>} : memref<4096xi32, #tpu.memory_space<vmem>>, vector<16xi32>,
        tpu.vector_store %arg13[%swap3A], %add3A_159 {strides = array<i32>} : memref<4096xi32, #tpu.memory_space<vmem>>, vector<16xi32>,
        %swap3A_161 = arith.index_cast %add3A_114 : i32 to index
        %swap3A_162 = tpu.vector_load %arg14[%swap3A_161] {strides = array<i32>} : memref<4096xi32, #tpu.memory_space<vmem>>, vector<16xi32>,
        tpu.vector_store %arg14[%swap3A_161], %masked_sort3A_123 {strides = array<i32>} : memref<4096xi32, #tpu.memory_space<vmem>>, vector<16xi32>,
        %mul3A_163 = arith.constant 128 : i32
        %mul3A_164 = arith.muli %scan3A_109, %mul3A_163 : i32
        %add3A_165 = arith.constant 16 : i32
        %add3A_166 = arith.addi %mul3A_164, %add3A_165 : i32
        %get3A_167 = arith.index_cast %add3A_166 : i32 to index
        %get3A_168 = tpu.vector_load %arg9[%get3A_167] {strides = array<i32>} : memref<4096xi32, #tpu.memory_space<vmem>>, vector<16xi32>,
        %get3A_169 = arith.index_cast %add3A_166 : i32 to index
        %get3A_170 = tpu.vector_load %arg10[%get3A_169] {strides = array<i32>} : memref<4096xi32, #tpu.memory_space<vmem>>, vector<16xi32>,
        %masked_sort3A_171 = arith.constant dense<true> : vector<16xi1>
        %masked_sort3A_172 = arith.constant -2147483648 : i32
        %masked_sort3A_173 = vector.broadcast %masked_sort3A_172 : i32 to vector<16xi32>
        %masked_sort3A_174 = arith.xori %get3A_168, %masked_sort3A_173 : vector<16xi32>
        %masked_sort3A_175, %masked_sort3A_176, %masked_sort3A_177 = tpu.sort %masked_sort3A_174, %get3A_170 masked %masked_sort3A_171 : (vector<16xi32>, vector<16xi32>, vector<16xi1>) -> (vector<16xi1>, vector<16xi32>, vector<16xi32>)
        %masked_sort3A_178 = arith.xori %masked_sort3A_176, %masked_sort3A_173 : vector<16xi32>
        %iota3A_179 = tpu.iota {dimensions = array<i32: 0>} : vector<16xi32>
        %sub3A_180 = arith.constant 1 : i32
        %sub3A_181 = vector.broadcast %sub3A_180 : i32 to vector<16xi32>
        %sub3A_182 = arith.subi %iota3A_179, %sub3A_181 : vector<16xi32>
        %max3A_183 = arith.constant 0 : i32
        %max3A_184 = vector.broadcast %max3A_183 : i32 to vector<16xi32>
        %max3A_185 = arith.maxsi %sub3A_182, %max3A_184 : vector<16xi32>
        %broadcast_in_dim3A_186 = vector.shape_cast %max3A_185 : vector<16xi32> to vector<16x1xi32>
        %gather3A_187 = vector.shape_cast %broadcast_in_dim3A_186 : vector<16x1xi32> to vector<16xi32>
        %gather3A_188 = tpu.dynamic_gather %masked_sort3A_178[%gather3A_187] in [0] : vector<16xi32>, vector<16xi32> -> vector<16xi32>
        %add3A_189 = arith.constant 1 : i32
        %add3A_190 = vector.broadcast %add3A_189 : i32 to vector<16xi32>
        %add3A_191 = arith.addi %iota3A_179, %add3A_190 : vector<16xi32>
        %min3A_192 = arith.constant 15 : i32
        %min3A_193 = vector.broadcast %min3A_192 : i32 to vector<16xi32>
        %min3A_194 = arith.minsi %add3A_191, %min3A_193 : vector<16xi32>
        %broadcast_in_dim3A_195 = vector.shape_cast %min3A_194 : vector<16xi32> to vector<16x1xi32>
        %gather3A_196 = vector.shape_cast %broadcast_in_dim3A_195 : vector<16x1xi32> to vector<16xi32>
        %gather3A_197 = tpu.dynamic_gather %masked_sort3A_178[%gather3A_196] in [0] : vector<16xi32>, vector<16xi32> -> vector<16xi32>
        %eq3A_198 = arith.constant 0 : i32
        %eq3A_199 = vector.broadcast %eq3A_198 : i32 to vector<16xi32>
        %eq3A_200 = arith.cmpi eq, %iota3A_179, %eq3A_199 : vector<16xi32>
        %ne3A_201 = arith.cmpi ne, %masked_sort3A_178, %gather3A_188 : vector<16xi32>
        %or3A_202 = arith.ori %eq3A_200, %ne3A_201 : vector<16xi1>
        %eq3A_203 = arith.constant 15 : i32
        %eq3A_204 = vector.broadcast %eq3A_203 : i32 to vector<16xi32>
        %eq3A_205 = arith.cmpi eq, %iota3A_179, %eq3A_204 : vector<16xi32>
        %ne3A_206 = arith.cmpi ne, %masked_sort3A_178, %gather3A_197 : vector<16xi32>
        %or3A_207 = arith.ori %eq3A_205, %ne3A_206 : vector<16xi1>
        %jit3A_208 = arith.constant 0 : i32
        %broadcast_in_dim3A_209 = vector.broadcast %jit3A_208 : i32 to vector<16xi32>
        %select_n3A_210 = arith.select %or3A_202, %iota3A_179, %broadcast_in_dim3A_209 : vector<16xi1>, vector<16xi32>
        %broadcast_in_dim3A_211 = arith.constant true
        %broadcast_in_dim3A_212 = vector.broadcast %broadcast_in_dim3A_211 : i1 to vector<16xi1>
        %masked_cummax3A_213 = arith.constant -2147483648 : i32
        %masked_cummax3A_214 = vector.broadcast %masked_cummax3A_213 : i32 to vector<16xi32>
        %masked_cummax3A_215 = arith.xori %select_n3A_210, %masked_cummax3A_214 : vector<16xi32>
        %masked_cummax3A_216 = tpu.scan <max>, %masked_cummax3A_215 masked %broadcast_in_dim3A_212 : vector<16xi32>, vector<16xi1> -> vector<16xi32>
        %masked_cummax3A_217 = arith.xori %masked_cummax3A_216, %masked_cummax3A_214 : vector<16xi32>
        %sub3A_218 = arith.subi %iota3A_179, %masked_cummax3A_217 : vector<16xi32>
        %add3A_219 = arith.constant 1 : i32
        %add3A_220 = vector.broadcast %add3A_219 : i32 to vector<16xi32>
        %add3A_221 = arith.addi %sub3A_218, %add3A_220 : vector<16xi32>
        %gather3A_222 = tpu.vector_load_idx %arg6[%masked_sort3A_178] : memref<16400xi32, #tpu.memory_space<vmem>>[vector<16xi32>], vector<16xi32>,
        %add3A_223 = arith.addi %gather3A_222, %add3A_221 : vector<16xi32>
        tpu.vector_store_idx %arg6[%masked_sort3A_178], %add3A_223 masked %or3A_207 : memref<16400xi32, #tpu.memory_space<vmem>>[vector<16xi32>], vector<16xi32>, vector<16xi1>
        %add3A_224 = arith.addi %gather3A_222, %sub3A_218 : vector<16xi32>
        %swap3A_225 = arith.index_cast %add3A_166 : i32 to index
        %swap3A_226 = tpu.vector_load %arg13[%swap3A_225] {strides = array<i32>} : memref<4096xi32, #tpu.memory_space<vmem>>, vector<16xi32>,
        tpu.vector_store %arg13[%swap3A_225], %add3A_224 {strides = array<i32>} : memref<4096xi32, #tpu.memory_space<vmem>>, vector<16xi32>,
        %swap3A_227 = arith.index_cast %add3A_166 : i32 to index
        %swap3A_228 = tpu.vector_load %arg14[%swap3A_227] {strides = array<i32>} : memref<4096xi32, #tpu.memory_space<vmem>>, vector<16xi32>,
        tpu.vector_store %arg14[%swap3A_227], %masked_sort3A_177 {strides = array<i32>} : memref<4096xi32, #tpu.memory_space<vmem>>, vector<16xi32>,
        %mul3A_229 = arith.constant 128 : i32
        %mul3A_230 = arith.muli %scan3A_109, %mul3A_229 : i32
        %add3A_231 = arith.constant 32 : i32
        %add3A_232 = arith.addi %mul3A_230, %add3A_231 : i32
        %get3A_233 = arith.index_cast %add3A_232 : i32 to index
        %get3A_234 = tpu.vector_load %arg9[%get3A_233] {strides = array<i32>} : memref<4096xi32, #tpu.memory_space<vmem>>, vector<16xi32>,
        %get3A_235 = arith.index_cast %add3A_232 : i32 to index
        %get3A_236 = tpu.vector_load %arg10[%get3A_235] {strides = array<i32>} : memref<4096xi32, #tpu.memory_space<vmem>>, vector<16xi32>,
        %masked_sort3A_237 = arith.constant dense<true> : vector<16xi1>
        %masked_sort3A_238 = arith.constant -2147483648 : i32
        %masked_sort3A_239 = vector.broadcast %masked_sort3A_238 : i32 to vector<16xi32>
        %masked_sort3A_240 = arith.xori %get3A_234, %masked_sort3A_239 : vector<16xi32>
        %masked_sort3A_241, %masked_sort3A_242, %masked_sort3A_243 = tpu.sort %masked_sort3A_240, %get3A_236 masked %masked_sort3A_237 : (vector<16xi32>, vector<16xi32>, vector<16xi1>) -> (vector<16xi1>, vector<16xi32>, vector<16xi32>)
        %masked_sort3A_244 = arith.xori %masked_sort3A_242, %masked_sort3A_239 : vector<16xi32>
        %iota3A_245 = tpu.iota {dimensions = array<i32: 0>} : vector<16xi32>
        %sub3A_246 = arith.constant 1 : i32
        %sub3A_247 = vector.broadcast %sub3A_246 : i32 to vector<16xi32>
        %sub3A_248 = arith.subi %iota3A_245, %sub3A_247 : vector<16xi32>
        %max3A_249 = arith.constant 0 : i32
        %max3A_250 = vector.broadcast %max3A_249 : i32 to vector<16xi32>
        %max3A_251 = arith.maxsi %sub3A_248, %max3A_250 : vector<16xi32>
        %broadcast_in_dim3A_252 = vector.shape_cast %max3A_251 : vector<16xi32> to vector<16x1xi32>
        %gather3A_253 = vector.shape_cast %broadcast_in_dim3A_252 : vector<16x1xi32> to vector<16xi32>
        %gather3A_254 = tpu.dynamic_gather %masked_sort3A_244[%gather3A_253] in [0] : vector<16xi32>, vector<16xi32> -> vector<16xi32>
        %add3A_255 = arith.constant 1 : i32
        %add3A_256 = vector.broadcast %add3A_255 : i32 to vector<16xi32>
        %add3A_257 = arith.addi %iota3A_245, %add3A_256 : vector<16xi32>
        %min3A_258 = arith.constant 15 : i32
        %min3A_259 = vector.broadcast %min3A_258 : i32 to vector<16xi32>
        %min3A_260 = arith.minsi %add3A_257, %min3A_259 : vector<16xi32>
        %broadcast_in_dim3A_261 = vector.shape_cast %min3A_260 : vector<16xi32> to vector<16x1xi32>
        %gather3A_262 = vector.shape_cast %broadcast_in_dim3A_261 : vector<16x1xi32> to vector<16xi32>
        %gather3A_263 = tpu.dynamic_gather %masked_sort3A_244[%gather3A_262] in [0] : vector<16xi32>, vector<16xi32> -> vector<16xi32>
        %eq3A_264 = arith.constant 0 : i32
        %eq3A_265 = vector.broadcast %eq3A_264 : i32 to vector<16xi32>
        %eq3A_266 = arith.cmpi eq, %iota3A_245, %eq3A_265 : vector<16xi32>
        %ne3A_267 = arith.cmpi ne, %masked_sort3A_244, %gather3A_254 : vector<16xi32>
        %or3A_268 = arith.ori %eq3A_266, %ne3A_267 : vector<16xi1>
        %eq3A_269 = arith.constant 15 : i32
        %eq3A_270 = vector.broadcast %eq3A_269 : i32 to vector<16xi32>
        %eq3A_271 = arith.cmpi eq, %iota3A_245, %eq3A_270 : vector<16xi32>
        %ne3A_272 = arith.cmpi ne, %masked_sort3A_244, %gather3A_263 : vector<16xi32>
        %or3A_273 = arith.ori %eq3A_271, %ne3A_272 : vector<16xi1>
        %jit3A_274 = arith.constant 0 : i32
        %broadcast_in_dim3A_275 = vector.broadcast %jit3A_274 : i32 to vector<16xi32>
        %select_n3A_276 = arith.select %or3A_268, %iota3A_245, %broadcast_in_dim3A_275 : vector<16xi1>, vector<16xi32>
        %broadcast_in_dim3A_277 = arith.constant true
        %broadcast_in_dim3A_278 = vector.broadcast %broadcast_in_dim3A_277 : i1 to vector<16xi1>
        %masked_cummax3A_279 = arith.constant -2147483648 : i32
        %masked_cummax3A_280 = vector.broadcast %masked_cummax3A_279 : i32 to vector<16xi32>
        %masked_cummax3A_281 = arith.xori %select_n3A_276, %masked_cummax3A_280 : vector<16xi32>
        %masked_cummax3A_282 = tpu.scan <max>, %masked_cummax3A_281 masked %broadcast_in_dim3A_278 : vector<16xi32>, vector<16xi1> -> vector<16xi32>
        %masked_cummax3A_283 = arith.xori %masked_cummax3A_282, %masked_cummax3A_280 : vector<16xi32>
        %sub3A_284 = arith.subi %iota3A_245, %masked_cummax3A_283 : vector<16xi32>
        %add3A_285 = arith.constant 1 : i32
        %add3A_286 = vector.broadcast %add3A_285 : i32 to vector<16xi32>
        %add3A_287 = arith.addi %sub3A_284, %add3A_286 : vector<16xi32>
        %gather3A_288 = tpu.vector_load_idx %arg6[%masked_sort3A_244] : memref<16400xi32, #tpu.memory_space<vmem>>[vector<16xi32>], vector<16xi32>,
        %add3A_289 = arith.addi %gather3A_288, %add3A_287 : vector<16xi32>
        tpu.vector_store_idx %arg6[%masked_sort3A_244], %add3A_289 masked %or3A_273 : memref<16400xi32, #tpu.memory_space<vmem>>[vector<16xi32>], vector<16xi32>, vector<16xi1>
        %add3A_290 = arith.addi %gather3A_288, %sub3A_284 : vector<16xi32>
        %swap3A_291 = arith.index_cast %add3A_232 : i32 to index
        %swap3A_292 = tpu.vector_load %arg13[%swap3A_291] {strides = array<i32>} : memref<4096xi32, #tpu.memory_space<vmem>>, vector<16xi32>,
        tpu.vector_store %arg13[%swap3A_291], %add3A_290 {strides = array<i32>} : memref<4096xi32, #tpu.memory_space<vmem>>, vector<16xi32>,
        %swap3A_293 = arith.index_cast %add3A_232 : i32 to index
        %swap3A_294 = tpu.vector_load %arg14[%swap3A_293] {strides = array<i32>} : memref<4096xi32, #tpu.memory_space<vmem>>, vector<16xi32>,
        tpu.vector_store %arg14[%swap3A_293], %masked_sort3A_243 {strides = array<i32>} : memref<4096xi32, #tpu.memory_space<vmem>>, vector<16xi32>,
        %mul3A_295 = arith.constant 128 : i32
        %mul3A_296 = arith.muli %scan3A_109, %mul3A_295 : i32
        %add3A_297 = arith.constant 48 : i32
        %add3A_298 = arith.addi %mul3A_296, %add3A_297 : i32
        %get3A_299 = arith.index_cast %add3A_298 : i32 to index
        %get3A_300 = tpu.vector_load %arg9[%get3A_299] {strides = array<i32>} : memref<4096xi32, #tpu.memory_space<vmem>>, vector<16xi32>,
        %get3A_301 = arith.index_cast %add3A_298 : i32 to index
        %get3A_302 = tpu.vector_load %arg10[%get3A_301] {strides = array<i32>} : memref<4096xi32, #tpu.memory_space<vmem>>, vector<16xi32>,
        %masked_sort3A_303 = arith.constant dense<true> : vector<16xi1>
        %masked_sort3A_304 = arith.constant -2147483648 : i32
        %masked_sort3A_305 = vector.broadcast %masked_sort3A_304 : i32 to vector<16xi32>
        %masked_sort3A_306 = arith.xori %get3A_300, %masked_sort3A_305 : vector<16xi32>
        %masked_sort3A_307, %masked_sort3A_308, %masked_sort3A_309 = tpu.sort %masked_sort3A_306, %get3A_302 masked %masked_sort3A_303 : (vector<16xi32>, vector<16xi32>, vector<16xi1>) -> (vector<16xi1>, vector<16xi32>, vector<16xi32>)
        %masked_sort3A_310 = arith.xori %masked_sort3A_308, %masked_sort3A_305 : vector<16xi32>
        %iota3A_311 = tpu.iota {dimensions = array<i32: 0>} : vector<16xi32>
        %sub3A_312 = arith.constant 1 : i32
        %sub3A_313 = vector.broadcast %sub3A_312 : i32 to vector<16xi32>
        %sub3A_314 = arith.subi %iota3A_311, %sub3A_313 : vector<16xi32>
        %max3A_315 = arith.constant 0 : i32
        %max3A_316 = vector.broadcast %max3A_315 : i32 to vector<16xi32>
        %max3A_317 = arith.maxsi %sub3A_314, %max3A_316 : vector<16xi32>
        %broadcast_in_dim3A_318 = vector.shape_cast %max3A_317 : vector<16xi32> to vector<16x1xi32>
        %gather3A_319 = vector.shape_cast %broadcast_in_dim3A_318 : vector<16x1xi32> to vector<16xi32>
        %gather3A_320 = tpu.dynamic_gather %masked_sort3A_310[%gather3A_319] in [0] : vector<16xi32>, vector<16xi32> -> vector<16xi32>
        %add3A_321 = arith.constant 1 : i32
        %add3A_322 = vector.broadcast %add3A_321 : i32 to vector<16xi32>
        %add3A_323 = arith.addi %iota3A_311, %add3A_322 : vector<16xi32>
        %min3A_324 = arith.constant 15 : i32
        %min3A_325 = vector.broadcast %min3A_324 : i32 to vector<16xi32>
        %min3A_326 = arith.minsi %add3A_323, %min3A_325 : vector<16xi32>
        %broadcast_in_dim3A_327 = vector.shape_cast %min3A_326 : vector<16xi32> to vector<16x1xi32>
        %gather3A_328 = vector.shape_cast %broadcast_in_dim3A_327 : vector<16x1xi32> to vector<16xi32>
        %gather3A_329 = tpu.dynamic_gather %masked_sort3A_310[%gather3A_328] in [0] : vector<16xi32>, vector<16xi32> -> vector<16xi32>
        %eq3A_330 = arith.constant 0 : i32
        %eq3A_331 = vector.broadcast %eq3A_330 : i32 to vector<16xi32>
        %eq3A_332 = arith.cmpi eq, %iota3A_311, %eq3A_331 : vector<16xi32>
        %ne3A_333 = arith.cmpi ne, %masked_sort3A_310, %gather3A_320 : vector<16xi32>
        %or3A_334 = arith.ori %eq3A_332, %ne3A_333 : vector<16xi1>
        %eq3A_335 = arith.constant 15 : i32
        %eq3A_336 = vector.broadcast %eq3A_335 : i32 to vector<16xi32>
        %eq3A_337 = arith.cmpi eq, %iota3A_311, %eq3A_336 : vector<16xi32>
        %ne3A_338 = arith.cmpi ne, %masked_sort3A_310, %gather3A_329 : vector<16xi32>
        %or3A_339 = arith.ori %eq3A_337, %ne3A_338 : vector<16xi1>
        %jit3A_340 = arith.constant 0 : i32
        %broadcast_in_dim3A_341 = vector.broadcast %jit3A_340 : i32 to vector<16xi32>
        %select_n3A_342 = arith.select %or3A_334, %iota3A_311, %broadcast_in_dim3A_341 : vector<16xi1>, vector<16xi32>
        %broadcast_in_dim3A_343 = arith.constant true
        %broadcast_in_dim3A_344 = vector.broadcast %broadcast_in_dim3A_343 : i1 to vector<16xi1>
        %masked_cummax3A_345 = arith.constant -2147483648 : i32
        %masked_cummax3A_346 = vector.broadcast %masked_cummax3A_345 : i32 to vector<16xi32>
        %masked_cummax3A_347 = arith.xori %select_n3A_342, %masked_cummax3A_346 : vector<16xi32>
        %masked_cummax3A_348 = tpu.scan <max>, %masked_cummax3A_347 masked %broadcast_in_dim3A_344 : vector<16xi32>, vector<16xi1> -> vector<16xi32>
        %masked_cummax3A_349 = arith.xori %masked_cummax3A_348, %masked_cummax3A_346 : vector<16xi32>
        %sub3A_350 = arith.subi %iota3A_311, %masked_cummax3A_349 : vector<16xi32>
        %add3A_351 = arith.constant 1 : i32
        %add3A_352 = vector.broadcast %add3A_351 : i32 to vector<16xi32>
        %add3A_353 = arith.addi %sub3A_350, %add3A_352 : vector<16xi32>
        %gather3A_354 = tpu.vector_load_idx %arg6[%masked_sort3A_310] : memref<16400xi32, #tpu.memory_space<vmem>>[vector<16xi32>], vector<16xi32>,
        %add3A_355 = arith.addi %gather3A_354, %add3A_353 : vector<16xi32>
        tpu.vector_store_idx %arg6[%masked_sort3A_310], %add3A_355 masked %or3A_339 : memref<16400xi32, #tpu.memory_space<vmem>>[vector<16xi32>], vector<16xi32>, vector<16xi1>
        %add3A_356 = arith.addi %gather3A_354, %sub3A_350 : vector<16xi32>
        %swap3A_357 = arith.index_cast %add3A_298 : i32 to index
        %swap3A_358 = tpu.vector_load %arg13[%swap3A_357] {strides = array<i32>} : memref<4096xi32, #tpu.memory_space<vmem>>, vector<16xi32>,
        tpu.vector_store %arg13[%swap3A_357], %add3A_356 {strides = array<i32>} : memref<4096xi32, #tpu.memory_space<vmem>>, vector<16xi32>,
        %swap3A_359 = arith.index_cast %add3A_298 : i32 to index
        %swap3A_360 = tpu.vector_load %arg14[%swap3A_359] {strides = array<i32>} : memref<4096xi32, #tpu.memory_space<vmem>>, vector<16xi32>,
        tpu.vector_store %arg14[%swap3A_359], %masked_sort3A_309 {strides = array<i32>} : memref<4096xi32, #tpu.memory_space<vmem>>, vector<16xi32>,
        %mul3A_361 = arith.constant 128 : i32
        %mul3A_362 = arith.muli %scan3A_109, %mul3A_361 : i32
        %add3A_363 = arith.constant 64 : i32
        %add3A_364 = arith.addi %mul3A_362, %add3A_363 : i32
        %get3A_365 = arith.index_cast %add3A_364 : i32 to index
        %get3A_366 = tpu.vector_load %arg9[%get3A_365] {strides = array<i32>} : memref<4096xi32, #tpu.memory_space<vmem>>, vector<16xi32>,
        %get3A_367 = arith.index_cast %add3A_364 : i32 to index
        %get3A_368 = tpu.vector_load %arg10[%get3A_367] {strides = array<i32>} : memref<4096xi32, #tpu.memory_space<vmem>>, vector<16xi32>,
        %masked_sort3A_369 = arith.constant dense<true> : vector<16xi1>
        %masked_sort3A_370 = arith.constant -2147483648 : i32
        %masked_sort3A_371 = vector.broadcast %masked_sort3A_370 : i32 to vector<16xi32>
        %masked_sort3A_372 = arith.xori %get3A_366, %masked_sort3A_371 : vector<16xi32>
        %masked_sort3A_373, %masked_sort3A_374, %masked_sort3A_375 = tpu.sort %masked_sort3A_372, %get3A_368 masked %masked_sort3A_369 : (vector<16xi32>, vector<16xi32>, vector<16xi1>) -> (vector<16xi1>, vector<16xi32>, vector<16xi32>)
        %masked_sort3A_376 = arith.xori %masked_sort3A_374, %masked_sort3A_371 : vector<16xi32>
        %iota3A_377 = tpu.iota {dimensions = array<i32: 0>} : vector<16xi32>
        %sub3A_378 = arith.constant 1 : i32
        %sub3A_379 = vector.broadcast %sub3A_378 : i32 to vector<16xi32>
        %sub3A_380 = arith.subi %iota3A_377, %sub3A_379 : vector<16xi32>
        %max3A_381 = arith.constant 0 : i32
        %max3A_382 = vector.broadcast %max3A_381 : i32 to vector<16xi32>
        %max3A_383 = arith.maxsi %sub3A_380, %max3A_382 : vector<16xi32>
        %broadcast_in_dim3A_384 = vector.shape_cast %max3A_383 : vector<16xi32> to vector<16x1xi32>
        %gather3A_385 = vector.shape_cast %broadcast_in_dim3A_384 : vector<16x1xi32> to vector<16xi32>
        %gather3A_386 = tpu.dynamic_gather %masked_sort3A_376[%gather3A_385] in [0] : vector<16xi32>, vector<16xi32> -> vector<16xi32>
        %add3A_387 = arith.constant 1 : i32
        %add3A_388 = vector.broadcast %add3A_387 : i32 to vector<16xi32>
        %add3A_389 = arith.addi %iota3A_377, %add3A_388 : vector<16xi32>
        %min3A_390 = arith.constant 15 : i32
        %min3A_391 = vector.broadcast %min3A_390 : i32 to vector<16xi32>
        %min3A_392 = arith.minsi %add3A_389, %min3A_391 : vector<16xi32>
        %broadcast_in_dim3A_393 = vector.shape_cast %min3A_392 : vector<16xi32> to vector<16x1xi32>
        %gather3A_394 = vector.shape_cast %broadcast_in_dim3A_393 : vector<16x1xi32> to vector<16xi32>
        %gather3A_395 = tpu.dynamic_gather %masked_sort3A_376[%gather3A_394] in [0] : vector<16xi32>, vector<16xi32> -> vector<16xi32>
        %eq3A_396 = arith.constant 0 : i32
        %eq3A_397 = vector.broadcast %eq3A_396 : i32 to vector<16xi32>
        %eq3A_398 = arith.cmpi eq, %iota3A_377, %eq3A_397 : vector<16xi32>
        %ne3A_399 = arith.cmpi ne, %masked_sort3A_376, %gather3A_386 : vector<16xi32>
        %or3A_400 = arith.ori %eq3A_398, %ne3A_399 : vector<16xi1>
        %eq3A_401 = arith.constant 15 : i32
        %eq3A_402 = vector.broadcast %eq3A_401 : i32 to vector<16xi32>
        %eq3A_403 = arith.cmpi eq, %iota3A_377, %eq3A_402 : vector<16xi32>
        %ne3A_404 = arith.cmpi ne, %masked_sort3A_376, %gather3A_395 : vector<16xi32>
        %or3A_405 = arith.ori %eq3A_403, %ne3A_404 : vector<16xi1>
        %jit3A_406 = arith.constant 0 : i32
        %broadcast_in_dim3A_407 = vector.broadcast %jit3A_406 : i32 to vector<16xi32>
        %select_n3A_408 = arith.select %or3A_400, %iota3A_377, %broadcast_in_dim3A_407 : vector<16xi1>, vector<16xi32>
        %broadcast_in_dim3A_409 = arith.constant true
        %broadcast_in_dim3A_410 = vector.broadcast %broadcast_in_dim3A_409 : i1 to vector<16xi1>
        %masked_cummax3A_411 = arith.constant -2147483648 : i32
        %masked_cummax3A_412 = vector.broadcast %masked_cummax3A_411 : i32 to vector<16xi32>
        %masked_cummax3A_413 = arith.xori %select_n3A_408, %masked_cummax3A_412 : vector<16xi32>
        %masked_cummax3A_414 = tpu.scan <max>, %masked_cummax3A_413 masked %broadcast_in_dim3A_410 : vector<16xi32>, vector<16xi1> -> vector<16xi32>
        %masked_cummax3A_415 = arith.xori %masked_cummax3A_414, %masked_cummax3A_412 : vector<16xi32>
        %sub3A_416 = arith.subi %iota3A_377, %masked_cummax3A_415 : vector<16xi32>
        %add3A_417 = arith.constant 1 : i32
        %add3A_418 = vector.broadcast %add3A_417 : i32 to vector<16xi32>
        %add3A_419 = arith.addi %sub3A_416, %add3A_418 : vector<16xi32>
        %gather3A_420 = tpu.vector_load_idx %arg6[%masked_sort3A_376] : memref<16400xi32, #tpu.memory_space<vmem>>[vector<16xi32>], vector<16xi32>,
        %add3A_421 = arith.addi %gather3A_420, %add3A_419 : vector<16xi32>
        tpu.vector_store_idx %arg6[%masked_sort3A_376], %add3A_421 masked %or3A_405 : memref<16400xi32, #tpu.memory_space<vmem>>[vector<16xi32>], vector<16xi32>, vector<16xi1>
        %add3A_422 = arith.addi %gather3A_420, %sub3A_416 : vector<16xi32>
        %swap3A_423 = arith.index_cast %add3A_364 : i32 to index
        %swap3A_424 = tpu.vector_load %arg13[%swap3A_423] {strides = array<i32>} : memref<4096xi32, #tpu.memory_space<vmem>>, vector<16xi32>,
        tpu.vector_store %arg13[%swap3A_423], %add3A_422 {strides = array<i32>} : memref<4096xi32, #tpu.memory_space<vmem>>, vector<16xi32>,
        %swap3A_425 = arith.index_cast %add3A_364 : i32 to index
        %swap3A_426 = tpu.vector_load %arg14[%swap3A_425] {strides = array<i32>} : memref<4096xi32, #tpu.memory_space<vmem>>, vector<16xi32>,
        tpu.vector_store %arg14[%swap3A_425], %masked_sort3A_375 {strides = array<i32>} : memref<4096xi32, #tpu.memory_space<vmem>>, vector<16xi32>,
        %mul3A_427 = arith.constant 128 : i32
        %mul3A_428 = arith.muli %scan3A_109, %mul3A_427 : i32
        %add3A_429 = arith.constant 80 : i32
        %add3A_430 = arith.addi %mul3A_428, %add3A_429 : i32
        %get3A_431 = arith.index_cast %add3A_430 : i32 to index
        %get3A_432 = tpu.vector_load %arg9[%get3A_431] {strides = array<i32>} : memref<4096xi32, #tpu.memory_space<vmem>>, vector<16xi32>,
        %get3A_433 = arith.index_cast %add3A_430 : i32 to index
        %get3A_434 = tpu.vector_load %arg10[%get3A_433] {strides = array<i32>} : memref<4096xi32, #tpu.memory_space<vmem>>, vector<16xi32>,
        %masked_sort3A_435 = arith.constant dense<true> : vector<16xi1>
        %masked_sort3A_436 = arith.constant -2147483648 : i32
        %masked_sort3A_437 = vector.broadcast %masked_sort3A_436 : i32 to vector<16xi32>
        %masked_sort3A_438 = arith.xori %get3A_432, %masked_sort3A_437 : vector<16xi32>
        %masked_sort3A_439, %masked_sort3A_440, %masked_sort3A_441 = tpu.sort %masked_sort3A_438, %get3A_434 masked %masked_sort3A_435 : (vector<16xi32>, vector<16xi32>, vector<16xi1>) -> (vector<16xi1>, vector<16xi32>, vector<16xi32>)
        %masked_sort3A_442 = arith.xori %masked_sort3A_440, %masked_sort3A_437 : vector<16xi32>
        %iota3A_443 = tpu.iota {dimensions = array<i32: 0>} : vector<16xi32>
        %sub3A_444 = arith.constant 1 : i32
        %sub3A_445 = vector.broadcast %sub3A_444 : i32 to vector<16xi32>
        %sub3A_446 = arith.subi %iota3A_443, %sub3A_445 : vector<16xi32>
        %max3A_447 = arith.constant 0 : i32
        %max3A_448 = vector.broadcast %max3A_447 : i32 to vector<16xi32>
        %max3A_449 = arith.maxsi %sub3A_446, %max3A_448 : vector<16xi32>
        %broadcast_in_dim3A_450 = vector.shape_cast %max3A_449 : vector<16xi32> to vector<16x1xi32>
        %gather3A_451 = vector.shape_cast %broadcast_in_dim3A_450 : vector<16x1xi32> to vector<16xi32>
        %gather3A_452 = tpu.dynamic_gather %masked_sort3A_442[%gather3A_451] in [0] : vector<16xi32>, vector<16xi32> -> vector<16xi32>
        %add3A_453 = arith.constant 1 : i32
        %add3A_454 = vector.broadcast %add3A_453 : i32 to vector<16xi32>
        %add3A_455 = arith.addi %iota3A_443, %add3A_454 : vector<16xi32>
        %min3A_456 = arith.constant 15 : i32
        %min3A_457 = vector.broadcast %min3A_456 : i32 to vector<16xi32>
        %min3A_458 = arith.minsi %add3A_455, %min3A_457 : vector<16xi32>
        %broadcast_in_dim3A_459 = vector.shape_cast %min3A_458 : vector<16xi32> to vector<16x1xi32>
        %gather3A_460 = vector.shape_cast %broadcast_in_dim3A_459 : vector<16x1xi32> to vector<16xi32>
        %gather3A_461 = tpu.dynamic_gather %masked_sort3A_442[%gather3A_460] in [0] : vector<16xi32>, vector<16xi32> -> vector<16xi32>
        %eq3A_462 = arith.constant 0 : i32
        %eq3A_463 = vector.broadcast %eq3A_462 : i32 to vector<16xi32>
        %eq3A_464 = arith.cmpi eq, %iota3A_443, %eq3A_463 : vector<16xi32>
        %ne3A_465 = arith.cmpi ne, %masked_sort3A_442, %gather3A_452 : vector<16xi32>
        %or3A_466 = arith.ori %eq3A_464, %ne3A_465 : vector<16xi1>
        %eq3A_467 = arith.constant 15 : i32
        %eq3A_468 = vector.broadcast %eq3A_467 : i32 to vector<16xi32>
        %eq3A_469 = arith.cmpi eq, %iota3A_443, %eq3A_468 : vector<16xi32>
        %ne3A_470 = arith.cmpi ne, %masked_sort3A_442, %gather3A_461 : vector<16xi32>
        %or3A_471 = arith.ori %eq3A_469, %ne3A_470 : vector<16xi1>
        %jit3A_472 = arith.constant 0 : i32
        %broadcast_in_dim3A_473 = vector.broadcast %jit3A_472 : i32 to vector<16xi32>
        %select_n3A_474 = arith.select %or3A_466, %iota3A_443, %broadcast_in_dim3A_473 : vector<16xi1>, vector<16xi32>
        %broadcast_in_dim3A_475 = arith.constant true
        %broadcast_in_dim3A_476 = vector.broadcast %broadcast_in_dim3A_475 : i1 to vector<16xi1>
        %masked_cummax3A_477 = arith.constant -2147483648 : i32
        %masked_cummax3A_478 = vector.broadcast %masked_cummax3A_477 : i32 to vector<16xi32>
        %masked_cummax3A_479 = arith.xori %select_n3A_474, %masked_cummax3A_478 : vector<16xi32>
        %masked_cummax3A_480 = tpu.scan <max>, %masked_cummax3A_479 masked %broadcast_in_dim3A_476 : vector<16xi32>, vector<16xi1> -> vector<16xi32>
        %masked_cummax3A_481 = arith.xori %masked_cummax3A_480, %masked_cummax3A_478 : vector<16xi32>
        %sub3A_482 = arith.subi %iota3A_443, %masked_cummax3A_481 : vector<16xi32>
        %add3A_483 = arith.constant 1 : i32
        %add3A_484 = vector.broadcast %add3A_483 : i32 to vector<16xi32>
        %add3A_485 = arith.addi %sub3A_482, %add3A_484 : vector<16xi32>
        %gather3A_486 = tpu.vector_load_idx %arg6[%masked_sort3A_442] : memref<16400xi32, #tpu.memory_space<vmem>>[vector<16xi32>], vector<16xi32>,
        %add3A_487 = arith.addi %gather3A_486, %add3A_485 : vector<16xi32>
        tpu.vector_store_idx %arg6[%masked_sort3A_442], %add3A_487 masked %or3A_471 : memref<16400xi32, #tpu.memory_space<vmem>>[vector<16xi32>], vector<16xi32>, vector<16xi1>
        %add3A_488 = arith.addi %gather3A_486, %sub3A_482 : vector<16xi32>
        %swap3A_489 = arith.index_cast %add3A_430 : i32 to index
        %swap3A_490 = tpu.vector_load %arg13[%swap3A_489] {strides = array<i32>} : memref<4096xi32, #tpu.memory_space<vmem>>, vector<16xi32>,
        tpu.vector_store %arg13[%swap3A_489], %add3A_488 {strides = array<i32>} : memref<4096xi32, #tpu.memory_space<vmem>>, vector<16xi32>,
        %swap3A_491 = arith.index_cast %add3A_430 : i32 to index
        %swap3A_492 = tpu.vector_load %arg14[%swap3A_491] {strides = array<i32>} : memref<4096xi32, #tpu.memory_space<vmem>>, vector<16xi32>,
        tpu.vector_store %arg14[%swap3A_491], %masked_sort3A_441 {strides = array<i32>} : memref<4096xi32, #tpu.memory_space<vmem>>, vector<16xi32>,
        %mul3A_493 = arith.constant 128 : i32
        %mul3A_494 = arith.muli %scan3A_109, %mul3A_493 : i32
        %add3A_495 = arith.constant 96 : i32
        %add3A_496 = arith.addi %mul3A_494, %add3A_495 : i32
        %get3A_497 = arith.index_cast %add3A_496 : i32 to index
        %get3A_498 = tpu.vector_load %arg9[%get3A_497] {strides = array<i32>} : memref<4096xi32, #tpu.memory_space<vmem>>, vector<16xi32>,
        %get3A_499 = arith.index_cast %add3A_496 : i32 to index
        %get3A_500 = tpu.vector_load %arg10[%get3A_499] {strides = array<i32>} : memref<4096xi32, #tpu.memory_space<vmem>>, vector<16xi32>,
        %masked_sort3A_501 = arith.constant dense<true> : vector<16xi1>
        %masked_sort3A_502 = arith.constant -2147483648 : i32
        %masked_sort3A_503 = vector.broadcast %masked_sort3A_502 : i32 to vector<16xi32>
        %masked_sort3A_504 = arith.xori %get3A_498, %masked_sort3A_503 : vector<16xi32>
        %masked_sort3A_505, %masked_sort3A_506, %masked_sort3A_507 = tpu.sort %masked_sort3A_504, %get3A_500 masked %masked_sort3A_501 : (vector<16xi32>, vector<16xi32>, vector<16xi1>) -> (vector<16xi1>, vector<16xi32>, vector<16xi32>)
        %masked_sort3A_508 = arith.xori %masked_sort3A_506, %masked_sort3A_503 : vector<16xi32>
        %iota3A_509 = tpu.iota {dimensions = array<i32: 0>} : vector<16xi32>
        %sub3A_510 = arith.constant 1 : i32
        %sub3A_511 = vector.broadcast %sub3A_510 : i32 to vector<16xi32>
        %sub3A_512 = arith.subi %iota3A_509, %sub3A_511 : vector<16xi32>
        %max3A_513 = arith.constant 0 : i32
        %max3A_514 = vector.broadcast %max3A_513 : i32 to vector<16xi32>
        %max3A_515 = arith.maxsi %sub3A_512, %max3A_514 : vector<16xi32>
        %broadcast_in_dim3A_516 = vector.shape_cast %max3A_515 : vector<16xi32> to vector<16x1xi32>
        %gather3A_517 = vector.shape_cast %broadcast_in_dim3A_516 : vector<16x1xi32> to vector<16xi32>
        %gather3A_518 = tpu.dynamic_gather %masked_sort3A_508[%gather3A_517] in [0] : vector<16xi32>, vector<16xi32> -> vector<16xi32>
        %add3A_519 = arith.constant 1 : i32
        %add3A_520 = vector.broadcast %add3A_519 : i32 to vector<16xi32>
        %add3A_521 = arith.addi %iota3A_509, %add3A_520 : vector<16xi32>
        %min3A_522 = arith.constant 15 : i32
        %min3A_523 = vector.broadcast %min3A_522 : i32 to vector<16xi32>
        %min3A_524 = arith.minsi %add3A_521, %min3A_523 : vector<16xi32>
        %broadcast_in_dim3A_525 = vector.shape_cast %min3A_524 : vector<16xi32> to vector<16x1xi32>
        %gather3A_526 = vector.shape_cast %broadcast_in_dim3A_525 : vector<16x1xi32> to vector<16xi32>
        %gather3A_527 = tpu.dynamic_gather %masked_sort3A_508[%gather3A_526] in [0] : vector<16xi32>, vector<16xi32> -> vector<16xi32>
        %eq3A_528 = arith.constant 0 : i32
        %eq3A_529 = vector.broadcast %eq3A_528 : i32 to vector<16xi32>
        %eq3A_530 = arith.cmpi eq, %iota3A_509, %eq3A_529 : vector<16xi32>
        %ne3A_531 = arith.cmpi ne, %masked_sort3A_508, %gather3A_518 : vector<16xi32>
        %or3A_532 = arith.ori %eq3A_530, %ne3A_531 : vector<16xi1>
        %eq3A_533 = arith.constant 15 : i32
        %eq3A_534 = vector.broadcast %eq3A_533 : i32 to vector<16xi32>
        %eq3A_535 = arith.cmpi eq, %iota3A_509, %eq3A_534 : vector<16xi32>
        %ne3A_536 = arith.cmpi ne, %masked_sort3A_508, %gather3A_527 : vector<16xi32>
        %or3A_537 = arith.ori %eq3A_535, %ne3A_536 : vector<16xi1>
        %jit3A_538 = arith.constant 0 : i32
        %broadcast_in_dim3A_539 = vector.broadcast %jit3A_538 : i32 to vector<16xi32>
        %select_n3A_540 = arith.select %or3A_532, %iota3A_509, %broadcast_in_dim3A_539 : vector<16xi1>, vector<16xi32>
        %broadcast_in_dim3A_541 = arith.constant true
        %broadcast_in_dim3A_542 = vector.broadcast %broadcast_in_dim3A_541 : i1 to vector<16xi1>
        %masked_cummax3A_543 = arith.constant -2147483648 : i32
        %masked_cummax3A_544 = vector.broadcast %masked_cummax3A_543 : i32 to vector<16xi32>
        %masked_cummax3A_545 = arith.xori %select_n3A_540, %masked_cummax3A_544 : vector<16xi32>
        %masked_cummax3A_546 = tpu.scan <max>, %masked_cummax3A_545 masked %broadcast_in_dim3A_542 : vector<16xi32>, vector<16xi1> -> vector<16xi32>
        %masked_cummax3A_547 = arith.xori %masked_cummax3A_546, %masked_cummax3A_544 : vector<16xi32>
        %sub3A_548 = arith.subi %iota3A_509, %masked_cummax3A_547 : vector<16xi32>
        %add3A_549 = arith.constant 1 : i32
        %add3A_550 = vector.broadcast %add3A_549 : i32 to vector<16xi32>
        %add3A_551 = arith.addi %sub3A_548, %add3A_550 : vector<16xi32>
        %gather3A_552 = tpu.vector_load_idx %arg6[%masked_sort3A_508] : memref<16400xi32, #tpu.memory_space<vmem>>[vector<16xi32>], vector<16xi32>,
        %add3A_553 = arith.addi %gather3A_552, %add3A_551 : vector<16xi32>
        tpu.vector_store_idx %arg6[%masked_sort3A_508], %add3A_553 masked %or3A_537 : memref<16400xi32, #tpu.memory_space<vmem>>[vector<16xi32>], vector<16xi32>, vector<16xi1>
        %add3A_554 = arith.addi %gather3A_552, %sub3A_548 : vector<16xi32>
        %swap3A_555 = arith.index_cast %add3A_496 : i32 to index
        %swap3A_556 = tpu.vector_load %arg13[%swap3A_555] {strides = array<i32>} : memref<4096xi32, #tpu.memory_space<vmem>>, vector<16xi32>,
        tpu.vector_store %arg13[%swap3A_555], %add3A_554 {strides = array<i32>} : memref<4096xi32, #tpu.memory_space<vmem>>, vector<16xi32>,
        %swap3A_557 = arith.index_cast %add3A_496 : i32 to index
        %swap3A_558 = tpu.vector_load %arg14[%swap3A_557] {strides = array<i32>} : memref<4096xi32, #tpu.memory_space<vmem>>, vector<16xi32>,
        tpu.vector_store %arg14[%swap3A_557], %masked_sort3A_507 {strides = array<i32>} : memref<4096xi32, #tpu.memory_space<vmem>>, vector<16xi32>,
        %mul3A_559 = arith.constant 128 : i32
        %mul3A_560 = arith.muli %scan3A_109, %mul3A_559 : i32
        %add3A_561 = arith.constant 112 : i32
        %add3A_562 = arith.addi %mul3A_560, %add3A_561 : i32
        %get3A_563 = arith.index_cast %add3A_562 : i32 to index
        %get3A_564 = tpu.vector_load %arg9[%get3A_563] {strides = array<i32>} : memref<4096xi32, #tpu.memory_space<vmem>>, vector<16xi32>,
        %get3A_565 = arith.index_cast %add3A_562 : i32 to index
        %get3A_566 = tpu.vector_load %arg10[%get3A_565] {strides = array<i32>} : memref<4096xi32, #tpu.memory_space<vmem>>, vector<16xi32>,
        %masked_sort3A_567 = arith.constant dense<true> : vector<16xi1>
        %masked_sort3A_568 = arith.constant -2147483648 : i32
        %masked_sort3A_569 = vector.broadcast %masked_sort3A_568 : i32 to vector<16xi32>
        %masked_sort3A_570 = arith.xori %get3A_564, %masked_sort3A_569 : vector<16xi32>
        %masked_sort3A_571, %masked_sort3A_572, %masked_sort3A_573 = tpu.sort %masked_sort3A_570, %get3A_566 masked %masked_sort3A_567 : (vector<16xi32>, vector<16xi32>, vector<16xi1>) -> (vector<16xi1>, vector<16xi32>, vector<16xi32>)
        %masked_sort3A_574 = arith.xori %masked_sort3A_572, %masked_sort3A_569 : vector<16xi32>
        %iota3A_575 = tpu.iota {dimensions = array<i32: 0>} : vector<16xi32>
        %sub3A_576 = arith.constant 1 : i32
        %sub3A_577 = vector.broadcast %sub3A_576 : i32 to vector<16xi32>
        %sub3A_578 = arith.subi %iota3A_575, %sub3A_577 : vector<16xi32>
        %max3A_579 = arith.constant 0 : i32
        %max3A_580 = vector.broadcast %max3A_579 : i32 to vector<16xi32>
        %max3A_581 = arith.maxsi %sub3A_578, %max3A_580 : vector<16xi32>
        %broadcast_in_dim3A_582 = vector.shape_cast %max3A_581 : vector<16xi32> to vector<16x1xi32>
        %gather3A_583 = vector.shape_cast %broadcast_in_dim3A_582 : vector<16x1xi32> to vector<16xi32>
        %gather3A_584 = tpu.dynamic_gather %masked_sort3A_574[%gather3A_583] in [0] : vector<16xi32>, vector<16xi32> -> vector<16xi32>
        %add3A_585 = arith.constant 1 : i32
        %add3A_586 = vector.broadcast %add3A_585 : i32 to vector<16xi32>
        %add3A_587 = arith.addi %iota3A_575, %add3A_586 : vector<16xi32>
        %min3A_588 = arith.constant 15 : i32
        %min3A_589 = vector.broadcast %min3A_588 : i32 to vector<16xi32>
        %min3A_590 = arith.minsi %add3A_587, %min3A_589 : vector<16xi32>
        %broadcast_in_dim3A_591 = vector.shape_cast %min3A_590 : vector<16xi32> to vector<16x1xi32>
        %gather3A_592 = vector.shape_cast %broadcast_in_dim3A_591 : vector<16x1xi32> to vector<16xi32>
        %gather3A_593 = tpu.dynamic_gather %masked_sort3A_574[%gather3A_592] in [0] : vector<16xi32>, vector<16xi32> -> vector<16xi32>
        %eq3A_594 = arith.constant 0 : i32
        %eq3A_595 = vector.broadcast %eq3A_594 : i32 to vector<16xi32>
        %eq3A_596 = arith.cmpi eq, %iota3A_575, %eq3A_595 : vector<16xi32>
        %ne3A_597 = arith.cmpi ne, %masked_sort3A_574, %gather3A_584 : vector<16xi32>
        %or3A_598 = arith.ori %eq3A_596, %ne3A_597 : vector<16xi1>
        %eq3A_599 = arith.constant 15 : i32
        %eq3A_600 = vector.broadcast %eq3A_599 : i32 to vector<16xi32>
        %eq3A_601 = arith.cmpi eq, %iota3A_575, %eq3A_600 : vector<16xi32>
        %ne3A_602 = arith.cmpi ne, %masked_sort3A_574, %gather3A_593 : vector<16xi32>
        %or3A_603 = arith.ori %eq3A_601, %ne3A_602 : vector<16xi1>
        %jit3A_604 = arith.constant 0 : i32
        %broadcast_in_dim3A_605 = vector.broadcast %jit3A_604 : i32 to vector<16xi32>
        %select_n3A_606 = arith.select %or3A_598, %iota3A_575, %broadcast_in_dim3A_605 : vector<16xi1>, vector<16xi32>
        %broadcast_in_dim3A_607 = arith.constant true
        %broadcast_in_dim3A_608 = vector.broadcast %broadcast_in_dim3A_607 : i1 to vector<16xi1>
        %masked_cummax3A_609 = arith.constant -2147483648 : i32
        %masked_cummax3A_610 = vector.broadcast %masked_cummax3A_609 : i32 to vector<16xi32>
        %masked_cummax3A_611 = arith.xori %select_n3A_606, %masked_cummax3A_610 : vector<16xi32>
        %masked_cummax3A_612 = tpu.scan <max>, %masked_cummax3A_611 masked %broadcast_in_dim3A_608 : vector<16xi32>, vector<16xi1> -> vector<16xi32>
        %masked_cummax3A_613 = arith.xori %masked_cummax3A_612, %masked_cummax3A_610 : vector<16xi32>
        %sub3A_614 = arith.subi %iota3A_575, %masked_cummax3A_613 : vector<16xi32>
        %add3A_615 = arith.constant 1 : i32
        %add3A_616 = vector.broadcast %add3A_615 : i32 to vector<16xi32>
        %add3A_617 = arith.addi %sub3A_614, %add3A_616 : vector<16xi32>
        %gather3A_618 = tpu.vector_load_idx %arg6[%masked_sort3A_574] : memref<16400xi32, #tpu.memory_space<vmem>>[vector<16xi32>], vector<16xi32>,
        %add3A_619 = arith.addi %gather3A_618, %add3A_617 : vector<16xi32>
        tpu.vector_store_idx %arg6[%masked_sort3A_574], %add3A_619 masked %or3A_603 : memref<16400xi32, #tpu.memory_space<vmem>>[vector<16xi32>], vector<16xi32>, vector<16xi1>
        %add3A_620 = arith.addi %gather3A_618, %sub3A_614 : vector<16xi32>
        %swap3A_621 = arith.index_cast %add3A_562 : i32 to index
        %swap3A_622 = tpu.vector_load %arg13[%swap3A_621] {strides = array<i32>} : memref<4096xi32, #tpu.memory_space<vmem>>, vector<16xi32>,
        tpu.vector_store %arg13[%swap3A_621], %add3A_620 {strides = array<i32>} : memref<4096xi32, #tpu.memory_space<vmem>>, vector<16xi32>,
        %swap3A_623 = arith.index_cast %add3A_562 : i32 to index
        %swap3A_624 = tpu.vector_load %arg14[%swap3A_623] {strides = array<i32>} : memref<4096xi32, #tpu.memory_space<vmem>>, vector<16xi32>,
        tpu.vector_store %arg14[%swap3A_623], %masked_sort3A_573 {strides = array<i32>} : memref<4096xi32, #tpu.memory_space<vmem>>, vector<16xi32>,
        %scan3A_625 = arith.constant 0 : i32
        scf.yield %scan3A_625 : i32
      }
      %scan3A_105 = arith.constant 32 : i32
      %dma_start3A_106 = arith.constant 0 : i32
      %dma_start3A_107 = tpu.memref_slice %arg5[%dma_start3A_106] : memref<2105344xi32, #tpu.memory_space<hbm>> -> memref<2105344xi32, #tpu.memory_space<hbm>>
      tpu.enqueue_indirect_dma source(%arg14 : memref<4096xi32, #tpu.memory_space<vmem>>) target(%dma_start3A_107 : memref<2105344xi32, #tpu.memory_space<hbm>>) offsets(%arg13 : memref<4096xi32, #tpu.memory_space<vmem>>) semaphore(%arg18 : memref<!tpu.dma_semaphore, #tpu.memory_space<semaphore_mem>>)
      %scan3A_108 = arith.constant 0 : i32
      scf.yield %scan3A_108 : i32
    }
    %scan3A_13 = arith.constant 8 : i32
    %mul3A_14 = arith.constant 65536 : i32
    %mul3A_15 = arith.muli %add3A, %mul3A_14 : i32
    %add3A_16 = arith.constant 61440 : i32
    %add3A_17 = arith.addi %mul3A_15, %add3A_16 : i32
    %multiple_of3A_18 = tpu.assume_multiple %add3A_17, 8 : i32
    %dma_wait3A = tpu.memref_slice %arg2[%multiple_of3A_18] : memref<2097152xi32, #tpu.memory_space<hbm>> -> memref<4096xi32, #tpu.memory_space<hbm>>
    %dma_wait3A_19 = tpu.memref_slice %arg2[%multiple_of3A_18] : memref<2097152xi32, #tpu.memory_space<hbm>> -> memref<4096xi32, #tpu.memory_space<hbm>>
    tpu.wait_dma2 semaphore(%arg15 : memref<!tpu.dma_semaphore, #tpu.memory_space<semaphore_mem>>) src(%dma_wait3A_19 : memref<4096xi32, #tpu.memory_space<hbm>>) dst(%arg7 : memref<4096xi32, #tpu.memory_space<vmem>>)
    %dma_wait3A_20 = tpu.memref_slice %arg3[%multiple_of3A_18] : memref<2097152xi32, #tpu.memory_space<hbm>> -> memref<4096xi32, #tpu.memory_space<hbm>>
    %dma_wait3A_21 = tpu.memref_slice %arg3[%multiple_of3A_18] : memref<2097152xi32, #tpu.memory_space<hbm>> -> memref<4096xi32, #tpu.memory_space<hbm>>
    tpu.wait_dma2 semaphore(%arg15 : memref<!tpu.dma_semaphore, #tpu.memory_space<semaphore_mem>>) src(%dma_wait3A_21 : memref<4096xi32, #tpu.memory_space<hbm>>) dst(%arg8 : memref<4096xi32, #tpu.memory_space<vmem>>)
    %dma_wait3A_22 = arith.constant 0 : i32
    %dma_wait3A_23 = tpu.memref_slice %arg5[%dma_wait3A_22] : memref<2105344xi32, #tpu.memory_space<hbm>> -> memref<2105344xi32, #tpu.memory_space<hbm>>
    tpu.wait_indirect_dma semaphore(%arg17 : memref<!tpu.dma_semaphore, #tpu.memory_space<semaphore_mem>>) src(%arg12 : memref<4096xi32, #tpu.memory_space<vmem>>) dst(%dma_wait3A_23 : memref<2105344xi32, #tpu.memory_space<hbm>>)
    %dma_wait3A_24 = arith.constant 0 : i32
    %dma_wait3A_25 = tpu.memref_slice %arg5[%dma_wait3A_24] : memref<2105344xi32, #tpu.memory_space<hbm>> -> memref<2105344xi32, #tpu.memory_space<hbm>>
    tpu.wait_indirect_dma semaphore(%arg18 : memref<!tpu.dma_semaphore, #tpu.memory_space<semaphore_mem>>) src(%arg14 : memref<4096xi32, #tpu.memory_space<vmem>>) dst(%dma_wait3A_25 : memref<2105344xi32, #tpu.memory_space<hbm>>)
    return
  }
}

#map = affine_map<(d0, d1) -> (0)>
#map1 = affine_map<(d0, d1) -> (0, 0)>
module attributes {stable_mosaic.version = 14 : i64} {
  func.func @bk(%arg0: i32, %arg1: i32, %arg2: memref<2105344xi32, #tpu.memory_space<hbm>>, %arg3: memref<16400xi32, #tpu.memory_space<hbm>>, %arg4: memref<16xi32, #tpu.memory_space<hbm>>, %arg5: memref<32x16xi32, #tpu.memory_space<hbm>>, %arg6: memref<65536xi32, #tpu.memory_space<vmem>>, %arg7: memref<528xi32, #tpu.memory_space<vmem>>, %arg8: memref<16xi32, #tpu.memory_space<vmem>>, %arg9: memref<6928xi32, #tpu.memory_space<vmem>>, %arg10: memref<6928xi32, #tpu.memory_space<vmem>>, %arg11: memref<16xi32, #tpu.memory_space<vmem>>, %arg12: memref<!tpu.dma_semaphore, #tpu.memory_space<semaphore_mem>>, %arg13: memref<!tpu.dma_semaphore, #tpu.memory_space<semaphore_mem>>) attributes {dimension_semantics = [#tpu.dimension_semantics<core_parallel>, #tpu.dimension_semantics<subcore_parallel>], iteration_bounds = array<i64: 2, 16>, scalar_prefetch = 0 : i64, scratch_operands = 8 : i64, tpu.core_type = #tpu.core_type<sc_vector_subcore>, window_params = [{transform_indices = #map}, {transform_indices = #map}, {transform_indices = #map}, {transform_indices = #map1}]} {
    %mul3A = arith.constant 2 : i32
    %mul3A_0 = arith.muli %arg1, %mul3A : i32
    %add3A = arith.addi %mul3A_0, %arg0 : i32
    %broadcast_in_dim3A = arith.constant 0 : i32
    %broadcast_in_dim3A_1 = vector.broadcast %broadcast_in_dim3A : i32 to vector<16xi32>
    %scan3A = arith.constant 0 : i32
    %scan3A_2 = arith.constant 0 : i32
    %scan3A_3 = arith.constant 4096 : i32
    %scan3A_4 = arith.addi %scan3A_2, %scan3A_3 : i32
    %scan3A_5 = arith.constant 1 : i32
    %scan3A_6 = scf.for %scan3A_132 = %scan3A_2 to %scan3A_4 step %scan3A_5 iter_args(%scan3A_133 = %scan3A) -> (i32)  : i32 {
      %mul3A_134 = arith.constant 16 : i32
      %mul3A_135 = arith.muli %scan3A_132, %mul3A_134 : i32
      %swap3A_136 = arith.index_cast %mul3A_135 : i32 to index
      %swap3A_137 = tpu.vector_load %arg6[%swap3A_136] {strides = array<i32>} : memref<65536xi32, #tpu.memory_space<vmem>>, vector<16xi32>,
      tpu.vector_store %arg6[%swap3A_136], %broadcast_in_dim3A_1 {strides = array<i32>} : memref<65536xi32, #tpu.memory_space<vmem>>, vector<16xi32>,
      %scan3A_138 = arith.constant 0 : i32
      scf.yield %scan3A_138 : i32
    }
    %scan3A_7 = arith.constant 4096 : i32
    %mul3A_8 = arith.constant 512 : i32
    %mul3A_9 = arith.muli %add3A, %mul3A_8 : i32
    "tpu.region"() ({
      %run_scoped3A = tpu.sem_alloc : memref<!tpu.dma_semaphore, #tpu.memory_space<semaphore_mem>>
      %dma_start3A_132 = tpu.memref_slice %arg3[%mul3A_9] : memref<16400xi32, #tpu.memory_space<hbm>> -> memref<528xi32, #tpu.memory_space<hbm>>
      %dma_start3A_133 = tpu.memref_slice %arg3[%mul3A_9] : memref<16400xi32, #tpu.memory_space<hbm>> -> memref<528xi32, #tpu.memory_space<hbm>>
      tpu.enqueue_dma source(%dma_start3A_133 : memref<528xi32, #tpu.memory_space<hbm>>) target(%arg7 : memref<528xi32, #tpu.memory_space<vmem>>) target_semaphore(%run_scoped3A : memref<!tpu.dma_semaphore, #tpu.memory_space<semaphore_mem>>)
      %dma_wait3A_134 = tpu.memref_slice %arg3[%mul3A_9] : memref<16400xi32, #tpu.memory_space<hbm>> -> memref<528xi32, #tpu.memory_space<hbm>>
      %dma_wait3A_135 = tpu.memref_slice %arg3[%mul3A_9] : memref<16400xi32, #tpu.memory_space<hbm>> -> memref<528xi32, #tpu.memory_space<hbm>>
      tpu.wait_dma2 semaphore(%run_scoped3A : memref<!tpu.dma_semaphore, #tpu.memory_space<semaphore_mem>>) src(%dma_wait3A_135 : memref<528xi32, #tpu.memory_space<hbm>>) dst(%arg7 : memref<528xi32, #tpu.memory_space<vmem>>)
      tpu.yield
    }) : () -> ()
    "tpu.region"() ({
      %run_scoped3A = tpu.sem_alloc : memref<!tpu.dma_semaphore, #tpu.memory_space<semaphore_mem>>
      tpu.enqueue_dma source(%arg4 : memref<16xi32, #tpu.memory_space<hbm>>) target(%arg8 : memref<16xi32, #tpu.memory_space<vmem>>) target_semaphore(%run_scoped3A : memref<!tpu.dma_semaphore, #tpu.memory_space<semaphore_mem>>)
      tpu.wait_dma2 semaphore(%run_scoped3A : memref<!tpu.dma_semaphore, #tpu.memory_space<semaphore_mem>>) src(%arg4 : memref<16xi32, #tpu.memory_space<hbm>>) dst(%arg8 : memref<16xi32, #tpu.memory_space<vmem>>)
      tpu.yield
    }) : () -> ()
    %get3A = arith.constant 0 : index
    %get3A_10 = tpu.vector_load %arg8[%get3A] {strides = array<i32>} : memref<16xi32, #tpu.memory_space<vmem>>, vector<16xi32>,
    %slice3A = vector.extract_strided_slice %get3A_10 {offsets = [0], sizes = [1], strides = [1]} : vector<16xi32> to vector<1xi32>
    %squeeze3A = vector.extract %slice3A[0] : i32 from vector<1xi32>
    %iota3A = tpu.iota {dimensions = array<i32: 0>} : vector<16xi32>
    %broadcast_in_dim3A_11 = arith.constant 0 : i32
    %broadcast_in_dim3A_12 = vector.broadcast %broadcast_in_dim3A_11 : i32 to vector<16xi32>
    %get3A_13 = arith.constant 0 : index
    %get3A_14 = tpu.vector_load %arg7[%get3A_13] {strides = array<i32>} : memref<528xi32, #tpu.memory_space<vmem>>, vector<16xi32>,
    %slice3A_15 = vector.extract_strided_slice %get3A_14 {offsets = [0], sizes = [1], strides = [1]} : vector<16xi32> to vector<1xi32>
    %squeeze3A_16 = vector.extract %slice3A_15[0] : i32 from vector<1xi32>
    %and3A = arith.constant -8 : i32
    %and3A_17 = arith.andi %squeeze3A_16, %and3A : i32
    %broadcast_in_dim3A_18 = arith.constant 0 : i32
    %broadcast_in_dim3A_19 = vector.broadcast %broadcast_in_dim3A_18 : i32 to vector<16xi32>
    %broadcast_in_dim3A_20 = arith.constant 0 : i32
    %broadcast_in_dim3A_21 = vector.broadcast %broadcast_in_dim3A_20 : i32 to vector<16xi32>
    %broadcast_in_dim3A_22 = arith.constant 0 : i32
    %broadcast_in_dim3A_23 = vector.broadcast %broadcast_in_dim3A_22 : i32 to vector<16xi32>
    %broadcast_in_dim3A_24 = arith.constant 0 : i32
    %broadcast_in_dim3A_25 = vector.broadcast %broadcast_in_dim3A_24 : i32 to vector<16xi32>
    %broadcast_in_dim3A_26 = arith.constant 0 : i32
    %broadcast_in_dim3A_27 = vector.broadcast %broadcast_in_dim3A_26 : i32 to vector<16xi32>
    %broadcast_in_dim3A_28 = arith.constant 0 : i32
    %broadcast_in_dim3A_29 = vector.broadcast %broadcast_in_dim3A_28 : i32 to vector<16xi32>
    %broadcast_in_dim3A_30 = arith.constant 0 : i32
    %broadcast_in_dim3A_31 = vector.broadcast %broadcast_in_dim3A_30 : i32 to vector<16xi32>
    %broadcast_in_dim3A_32 = arith.constant 0 : i32
    %broadcast_in_dim3A_33 = vector.broadcast %broadcast_in_dim3A_32 : i32 to vector<16xi32>
    %broadcast_in_dim3A_34 = arith.constant 0 : i32
    %broadcast_in_dim3A_35 = vector.broadcast %broadcast_in_dim3A_34 : i32 to vector<16xi32>
    %add3A_36 = arith.constant 0 : i32
    %add3A_37 = arith.addi %and3A_17, %add3A_36 : i32
    %min3A = arith.constant 2097152 : i32
    %min3A_38 = arith.minsi %add3A_37, %min3A : i32
    %multiple_of3A = tpu.assume_multiple %min3A_38, 8 : i32
    %dma_start3A = tpu.memref_slice %arg2[%multiple_of3A] : memref<2105344xi32, #tpu.memory_space<hbm>> -> memref<6928xi32, #tpu.memory_space<hbm>>
    %dma_start3A_39 = tpu.memref_slice %arg2[%multiple_of3A] : memref<2105344xi32, #tpu.memory_space<hbm>> -> memref<6928xi32, #tpu.memory_space<hbm>>
    tpu.enqueue_dma source(%dma_start3A_39 : memref<6928xi32, #tpu.memory_space<hbm>>) target(%arg9 : memref<6928xi32, #tpu.memory_space<vmem>>) target_semaphore(%arg12 : memref<!tpu.dma_semaphore, #tpu.memory_space<semaphore_mem>>)
    %scan3A_40 = arith.constant 0 : i32
    %scan3A_41 = arith.constant 0 : i32
    %scan3A_42 = arith.constant 6 : i32
    %scan3A_43 = arith.addi %scan3A_41, %scan3A_42 : i32
    %scan3A_44 = arith.constant 1 : i32
    %scan3A_45:11 = scf.for %scan3A_132 = %scan3A_41 to %scan3A_43 step %scan3A_44 iter_args(%scan3A_133 = %scan3A_40, %scan3A_134 = %squeeze3A_16, %scan3A_135 = %broadcast_in_dim3A_19, %scan3A_136 = %broadcast_in_dim3A_21, %scan3A_137 = %broadcast_in_dim3A_23, %scan3A_138 = %broadcast_in_dim3A_25, %scan3A_139 = %broadcast_in_dim3A_27, %scan3A_140 = %broadcast_in_dim3A_29, %scan3A_141 = %broadcast_in_dim3A_31, %scan3A_142 = %broadcast_in_dim3A_33, %scan3A_143 = %broadcast_in_dim3A_35) -> (i32, i32, vector<16xi32>, vector<16xi32>, vector<16xi32>, vector<16xi32>, vector<16xi32>, vector<16xi32>, vector<16xi32>, vector<16xi32>, vector<16xi32>)  : i32 {
      %mul3A_144 = arith.constant 2 : i32
      %mul3A_145 = arith.muli %mul3A_144, %scan3A_132 : i32
      %mul3A_146 = arith.constant 6144 : i32
      %mul3A_147 = arith.muli %mul3A_145, %mul3A_146 : i32
      %add3A_148 = arith.addi %and3A_17, %mul3A_147 : i32
      %min3A_149 = arith.constant 2097152 : i32
      %min3A_150 = arith.minsi %add3A_148, %min3A_149 : i32
      %multiple_of3A_151 = tpu.assume_multiple %min3A_150, 8 : i32
      %dma_wait3A_152 = tpu.memref_slice %arg2[%multiple_of3A_151] : memref<2105344xi32, #tpu.memory_space<hbm>> -> memref<6928xi32, #tpu.memory_space<hbm>>
      %dma_wait3A_153 = tpu.memref_slice %arg2[%multiple_of3A_151] : memref<2105344xi32, #tpu.memory_space<hbm>> -> memref<6928xi32, #tpu.memory_space<hbm>>
      tpu.wait_dma2 semaphore(%arg12 : memref<!tpu.dma_semaphore, #tpu.memory_space<semaphore_mem>>) src(%dma_wait3A_153 : memref<6928xi32, #tpu.memory_space<hbm>>) dst(%arg9 : memref<6928xi32, #tpu.memory_space<vmem>>)
      %mul3A_154 = arith.constant 2 : i32
      %mul3A_155 = arith.muli %mul3A_154, %scan3A_132 : i32
      %add3A_156 = arith.constant 1 : i32
      %add3A_157 = arith.addi %mul3A_155, %add3A_156 : i32
      %mul3A_158 = arith.constant 6144 : i32
      %mul3A_159 = arith.muli %add3A_157, %mul3A_158 : i32
      %add3A_160 = arith.addi %and3A_17, %mul3A_159 : i32
      %min3A_161 = arith.constant 2097152 : i32
      %min3A_162 = arith.minsi %add3A_160, %min3A_161 : i32
      %multiple_of3A_163 = tpu.assume_multiple %min3A_162, 8 : i32
      %dma_start3A_164 = tpu.memref_slice %arg2[%multiple_of3A_163] : memref<2105344xi32, #tpu.memory_space<hbm>> -> memref<6928xi32, #tpu.memory_space<hbm>>
      %dma_start3A_165 = tpu.memref_slice %arg2[%multiple_of3A_163] : memref<2105344xi32, #tpu.memory_space<hbm>> -> memref<6928xi32, #tpu.memory_space<hbm>>
      tpu.enqueue_dma source(%dma_start3A_165 : memref<6928xi32, #tpu.memory_space<hbm>>) target(%arg10 : memref<6928xi32, #tpu.memory_space<vmem>>) target_semaphore(%arg13 : memref<!tpu.dma_semaphore, #tpu.memory_space<semaphore_mem>>)
      %mul3A_166 = arith.constant 2 : i32
      %mul3A_167 = arith.muli %mul3A_166, %scan3A_132 : i32
      %mul3A_168 = arith.constant 6144 : i32
      %mul3A_169 = arith.muli %mul3A_167, %mul3A_168 : i32
      %add3A_170 = arith.addi %and3A_17, %mul3A_169 : i32
      %min3A_171 = arith.constant 2097152 : i32
      %min3A_172 = arith.minsi %add3A_170, %min3A_171 : i32
      %add3A_173 = arith.constant 1 : i32
      %add3A_174 = arith.addi %mul3A_167, %add3A_173 : i32
      %mul3A_175 = arith.constant 6144 : i32
      %mul3A_176 = arith.muli %add3A_174, %mul3A_175 : i32
      %add3A_177 = arith.addi %squeeze3A_16, %mul3A_176 : i32
      %while3A:11 = scf.while (%while3A_219 = %scan3A_133, %while3A_220 = %scan3A_134, %while3A_221 = %scan3A_135, %while3A_222 = %scan3A_136, %while3A_223 = %scan3A_137, %while3A_224 = %scan3A_138, %while3A_225 = %scan3A_139, %while3A_226 = %scan3A_140, %while3A_227 = %scan3A_141, %while3A_228 = %scan3A_142, %while3A_229 = %scan3A_143) : (i32, i32, vector<16xi32>, vector<16xi32>, vector<16xi32>, vector<16xi32>, vector<16xi32>, vector<16xi32>, vector<16xi32>, vector<16xi32>, vector<16xi32>) -> (i32, i32, vector<16xi32>, vector<16xi32>, vector<16xi32>, vector<16xi32>, vector<16xi32>, vector<16xi32>, vector<16xi32>, vector<16xi32>, vector<16xi32>) {
        %lt3A = arith.constant 512 : i32
        %lt3A_230 = arith.cmpi slt, %while3A_219, %lt3A : i32
        %lt3A_231 = arith.cmpi slt, %while3A_220, %add3A_177 : i32
        %and3A_232 = arith.andi %lt3A_230, %lt3A_231 : i1
        scf.condition(%and3A_232) %while3A_219, %while3A_220, %while3A_221, %while3A_222, %while3A_223, %while3A_224, %while3A_225, %while3A_226, %while3A_227, %while3A_228, %while3A_229 : i32, i32, vector<16xi32>, vector<16xi32>, vector<16xi32>, vector<16xi32>, vector<16xi32>, vector<16xi32>, vector<16xi32>, vector<16xi32>, vector<16xi32>
      } do {
      ^bb0(%while3A_219: i32, %while3A_220: i32, %while3A_221: vector<16xi32>, %while3A_222: vector<16xi32>, %while3A_223: vector<16xi32>, %while3A_224: vector<16xi32>, %while3A_225: vector<16xi32>, %while3A_226: vector<16xi32>, %while3A_227: vector<16xi32>, %while3A_228: vector<16xi32>, %while3A_229: vector<16xi32>):
        %add3A_230 = arith.constant 1 : i32
        %add3A_231 = arith.addi %while3A_219, %add3A_230 : i32
        %get3A_232 = arith.index_cast %add3A_231 : i32 to index
        %get3A_233 = tpu.vector_load %arg7[%get3A_232] {strides = array<i32>} : memref<528xi32, #tpu.memory_space<vmem>>, vector<16xi32>,
        %slice3A_234 = vector.extract_strided_slice %get3A_233 {offsets = [0], sizes = [1], strides = [1]} : vector<16xi32> to vector<1xi32>
        %squeeze3A_235 = vector.extract %slice3A_234[0] : i32 from vector<1xi32>
        %sub3A = arith.subi %squeeze3A_235, %while3A_220 : i32
        %min3A_236 = arith.constant 768 : i32
        %min3A_237 = arith.minsi %sub3A, %min3A_236 : i32
        %sub3A_238 = arith.subi %while3A_220, %min3A_172 : i32
        %add3A_239 = arith.constant 15 : i32
        %add3A_240 = arith.addi %min3A_237, %add3A_239 : i32
        %jit3A = arith.constant 16 : i32
        %div3A = arith.divsi %add3A_240, %jit3A : i32
        %sign3A = arith.constant 0 : i32
        %sign3A_241 = arith.cmpi sgt, %add3A_240, %sign3A : i32
        %sign3A_242 = arith.extui %sign3A_241 : i1 to i32
        %sign3A_243 = arith.constant 0 : i32
        %sign3A_244 = arith.cmpi slt, %add3A_240, %sign3A_243 : i32
        %sign3A_245 = arith.extui %sign3A_244 : i1 to i32
        %sign3A_246 = arith.subi %sign3A_242, %sign3A_245 : i32
        %sign3A_247 = arith.constant 0 : i32
        %sign3A_248 = arith.cmpi sgt, %jit3A, %sign3A_247 : i32
        %sign3A_249 = arith.extui %sign3A_248 : i1 to i32
        %sign3A_250 = arith.constant 0 : i32
        %sign3A_251 = arith.cmpi slt, %jit3A, %sign3A_250 : i32
        %sign3A_252 = arith.extui %sign3A_251 : i1 to i32
        %sign3A_253 = arith.subi %sign3A_249, %sign3A_252 : i32
        %ne3A = arith.cmpi ne, %sign3A_246, %sign3A_253 : i32
        %rem3A = arith.remsi %add3A_240, %jit3A : i32
        %ne3A_254 = arith.constant 0 : i32
        %ne3A_255 = arith.cmpi ne, %rem3A, %ne3A_254 : i32
        %and3A_256 = arith.andi %ne3A, %ne3A_255 : i1
        %sub3A_257 = arith.constant 1 : i32
        %sub3A_258 = arith.subi %div3A, %sub3A_257 : i32
        %select_n3A_259 = arith.select %and3A_256, %sub3A_258, %div3A : i32
        %while3A_260 = arith.constant 0 : i32
        %while3A_261 = arith.subi %select_n3A_259, %while3A_260 : i32
        %while3A_262 = arith.addi %while3A_260, %while3A_261 : i32
        %while3A_263 = arith.constant 1 : i32
        %while3A_264 = arith.divsi %while3A_261, %while3A_263 : i32
        %while3A_265 = arith.muli %while3A_264, %while3A_263 : i32
        %while3A_266 = arith.addi %while3A_260, %while3A_265 : i32
        %while3A_267 = arith.constant 1 : i32
        %while3A_268:9 = scf.for %while3A_285 = %while3A_260 to %while3A_266 step %while3A_267 iter_args(%while3A_286 = %while3A_221, %while3A_287 = %while3A_222, %while3A_288 = %while3A_223, %while3A_289 = %while3A_224, %while3A_290 = %while3A_225, %while3A_291 = %while3A_226, %while3A_292 = %while3A_227, %while3A_293 = %while3A_228, %while3A_294 = %while3A_229) -> (vector<16xi32>, vector<16xi32>, vector<16xi32>, vector<16xi32>, vector<16xi32>, vector<16xi32>, vector<16xi32>, vector<16xi32>, vector<16xi32>)  : i32 {
          %mul3A_295 = arith.constant 16 : i32
          %mul3A_296 = arith.muli %while3A_285, %mul3A_295 : i32
          %add3A_297 = arith.addi %sub3A_238, %mul3A_296 : i32
          %get3A_298 = arith.index_cast %add3A_297 : i32 to index
          %get3A_299 = tpu.vector_load %arg9[%get3A_298] {strides = array<i32>} : memref<6928xi32, #tpu.memory_space<vmem>>, vector<16xi32>,
          %mul3A_300 = arith.constant 16 : i32
          %mul3A_301 = arith.muli %while3A_285, %mul3A_300 : i32
          %sub3A_302 = arith.subi %min3A_237, %mul3A_301 : i32
          %lt3A = vector.broadcast %sub3A_302 : i32 to vector<16xi32>
          %lt3A_303 = arith.cmpi slt, %iota3A, %lt3A : vector<16xi32>
          %shift_right_arithmetic3A = arith.constant 4 : i32
          %shift_right_arithmetic3A_304 = vector.broadcast %shift_right_arithmetic3A : i32 to vector<16xi32>
          %shift_right_arithmetic3A_305 = arith.shrsi %get3A_299, %shift_right_arithmetic3A_304 : vector<16xi32>
          %and3A_306 = arith.constant 65535 : i32
          %and3A_307 = vector.broadcast %and3A_306 : i32 to vector<16xi32>
          %and3A_308 = arith.andi %shift_right_arithmetic3A_305, %and3A_307 : vector<16xi32>
          %add3A_309 = arith.constant 65536 : i32
          %add3A_310 = vector.broadcast %add3A_309 : i32 to vector<16xi32>
          %add3A_311 = arith.addi %add3A_310, %iota3A : vector<16xi32>
          %select_n3A_312 = arith.select %lt3A_303, %and3A_308, %add3A_311 : vector<16xi1>, vector<16xi32>
          %masked_sort3A = arith.constant dense<true> : vector<16xi1>
          %masked_sort3A_313 = arith.constant -2147483648 : i32
          %masked_sort3A_314 = vector.broadcast %masked_sort3A_313 : i32 to vector<16xi32>
          %masked_sort3A_315 = arith.xori %select_n3A_312, %masked_sort3A_314 : vector<16xi32>
          %masked_sort3A_316, %masked_sort3A_317, %masked_sort3A_318 = tpu.sort %masked_sort3A_315, %get3A_299 masked %masked_sort3A : (vector<16xi32>, vector<16xi32>, vector<16xi1>) -> (vector<16xi1>, vector<16xi32>, vector<16xi32>)
          %masked_sort3A_319 = arith.xori %masked_sort3A_317, %masked_sort3A_314 : vector<16xi32>
          %lt3A_320 = arith.constant 65536 : i32
          %lt3A_321 = vector.broadcast %lt3A_320 : i32 to vector<16xi32>
          %lt3A_322 = arith.cmpi slt, %masked_sort3A_319, %lt3A_321 : vector<16xi32>
          %iota3A_323 = tpu.iota {dimensions = array<i32: 0>} : vector<16xi32>
          %sub3A_324 = arith.constant 1 : i32
          %sub3A_325 = vector.broadcast %sub3A_324 : i32 to vector<16xi32>
          %sub3A_326 = arith.subi %iota3A_323, %sub3A_325 : vector<16xi32>
          %max3A = arith.constant 0 : i32
          %max3A_327 = vector.broadcast %max3A : i32 to vector<16xi32>
          %max3A_328 = arith.maxsi %sub3A_326, %max3A_327 : vector<16xi32>
          %broadcast_in_dim3A_329 = vector.shape_cast %max3A_328 : vector<16xi32> to vector<16x1xi32>
          %gather3A = vector.shape_cast %broadcast_in_dim3A_329 : vector<16x1xi32> to vector<16xi32>
          %gather3A_330 = tpu.dynamic_gather %masked_sort3A_319[%gather3A] in [0] : vector<16xi32>, vector<16xi32> -> vector<16xi32>
          %add3A_331 = arith.constant 1 : i32
          %add3A_332 = vector.broadcast %add3A_331 : i32 to vector<16xi32>
          %add3A_333 = arith.addi %iota3A_323, %add3A_332 : vector<16xi32>
          %min3A_334 = arith.constant 15 : i32
          %min3A_335 = vector.broadcast %min3A_334 : i32 to vector<16xi32>
          %min3A_336 = arith.minsi %add3A_333, %min3A_335 : vector<16xi32>
          %broadcast_in_dim3A_337 = vector.shape_cast %min3A_336 : vector<16xi32> to vector<16x1xi32>
          %gather3A_338 = vector.shape_cast %broadcast_in_dim3A_337 : vector<16x1xi32> to vector<16xi32>
          %gather3A_339 = tpu.dynamic_gather %masked_sort3A_319[%gather3A_338] in [0] : vector<16xi32>, vector<16xi32> -> vector<16xi32>
          %eq3A_340 = arith.constant 0 : i32
          %eq3A_341 = vector.broadcast %eq3A_340 : i32 to vector<16xi32>
          %eq3A_342 = arith.cmpi eq, %iota3A_323, %eq3A_341 : vector<16xi32>
          %ne3A_343 = arith.cmpi ne, %masked_sort3A_319, %gather3A_330 : vector<16xi32>
          %or3A = arith.ori %eq3A_342, %ne3A_343 : vector<16xi1>
          %eq3A_344 = arith.constant 15 : i32
          %eq3A_345 = vector.broadcast %eq3A_344 : i32 to vector<16xi32>
          %eq3A_346 = arith.cmpi eq, %iota3A_323, %eq3A_345 : vector<16xi32>
          %ne3A_347 = arith.cmpi ne, %masked_sort3A_319, %gather3A_339 : vector<16xi32>
          %or3A_348 = arith.ori %eq3A_346, %ne3A_347 : vector<16xi1>
          %jit3A_349 = arith.constant 0 : i32
          %broadcast_in_dim3A_350 = vector.broadcast %jit3A_349 : i32 to vector<16xi32>
          %select_n3A_351 = arith.select %or3A, %iota3A_323, %broadcast_in_dim3A_350 : vector<16xi1>, vector<16xi32>
          %broadcast_in_dim3A_352 = arith.constant true
          %broadcast_in_dim3A_353 = vector.broadcast %broadcast_in_dim3A_352 : i1 to vector<16xi1>
          %masked_cummax3A = arith.constant -2147483648 : i32
          %masked_cummax3A_354 = vector.broadcast %masked_cummax3A : i32 to vector<16xi32>
          %masked_cummax3A_355 = arith.xori %select_n3A_351, %masked_cummax3A_354 : vector<16xi32>
          %masked_cummax3A_356 = tpu.scan <max>, %masked_cummax3A_355 masked %broadcast_in_dim3A_353 : vector<16xi32>, vector<16xi1> -> vector<16xi32>
          %masked_cummax3A_357 = arith.xori %masked_cummax3A_356, %masked_cummax3A_354 : vector<16xi32>
          %sub3A_358 = arith.subi %iota3A_323, %masked_cummax3A_357 : vector<16xi32>
          %add3A_359 = arith.constant 1 : i32
          %add3A_360 = vector.broadcast %add3A_359 : i32 to vector<16xi32>
          %add3A_361 = arith.addi %sub3A_358, %add3A_360 : vector<16xi32>
          %jit3A_362 = arith.constant 0 : i32
          %broadcast_in_dim3A_363 = vector.broadcast %jit3A_362 : i32 to vector<16xi32>
          %select_n3A_364 = arith.select %lt3A_322, %sub3A_358, %broadcast_in_dim3A_363 : vector<16xi1>, vector<16xi32>
          %reduce_max3A = arith.constant true
          %reduce_max3A_365 = vector.broadcast %reduce_max3A : i1 to vector<16xi1>
          %reduce_max3A_366 = arith.constant -2147483648 : i32
          %reduce_max3A_367 = vector.broadcast %reduce_max3A_366 : i32 to vector<16xi32>
          %reduce_max3A_368 = arith.xori %select_n3A_364, %reduce_max3A_367 : vector<16xi32>
          %reduce_max3A_369 = tpu.scan <max>, %reduce_max3A_368 masked %reduce_max3A_365 : vector<16xi32>, vector<16xi1> -> vector<16xi32>
          %reduce_max3A_370 = arith.xori %reduce_max3A_369, %reduce_max3A_367 : vector<16xi32>
          %reduce_max3A_371 = vector.extract %reduce_max3A_370[15] : i32 from vector<16xi32>
          %and3A_372 = arith.constant 15 : i32
          %and3A_373 = vector.broadcast %and3A_372 : i32 to vector<16xi32>
          %and3A_374 = arith.andi %masked_sort3A_318, %and3A_373 : vector<16xi32>
          %while3A_375 = arith.constant 0 : i32
          %while3A_376:10 = scf.while (%while3A_377 = %while3A_375, %while3A_378 = %while3A_286, %while3A_379 = %while3A_287, %while3A_380 = %while3A_288, %while3A_381 = %while3A_289, %while3A_382 = %while3A_290, %while3A_383 = %while3A_291, %while3A_384 = %while3A_292, %while3A_385 = %while3A_293, %while3A_386 = %while3A_294) : (i32, vector<16xi32>, vector<16xi32>, vector<16xi32>, vector<16xi32>, vector<16xi32>, vector<16xi32>, vector<16xi32>, vector<16xi32>, vector<16xi32>) -> (i32, vector<16xi32>, vector<16xi32>, vector<16xi32>, vector<16xi32>, vector<16xi32>, vector<16xi32>, vector<16xi32>, vector<16xi32>, vector<16xi32>) {
            %le3A = arith.cmpi sle, %while3A_377, %reduce_max3A_371 : i32
            scf.condition(%le3A) %while3A_377, %while3A_378, %while3A_379, %while3A_380, %while3A_381, %while3A_382, %while3A_383, %while3A_384, %while3A_385, %while3A_386 : i32, vector<16xi32>, vector<16xi32>, vector<16xi32>, vector<16xi32>, vector<16xi32>, vector<16xi32>, vector<16xi32>, vector<16xi32>, vector<16xi32>
          } do {
          ^bb0(%while3A_377: i32, %while3A_378: vector<16xi32>, %while3A_379: vector<16xi32>, %while3A_380: vector<16xi32>, %while3A_381: vector<16xi32>, %while3A_382: vector<16xi32>, %while3A_383: vector<16xi32>, %while3A_384: vector<16xi32>, %while3A_385: vector<16xi32>, %while3A_386: vector<16xi32>):
            %eq3A_387 = vector.broadcast %while3A_377 : i32 to vector<16xi32>
            %eq3A_388 = arith.cmpi eq, %sub3A_358, %eq3A_387 : vector<16xi32>
            %and3A_389 = arith.andi %lt3A_322, %eq3A_388 : vector<16xi1>
            %gather3A_390 = tpu.vector_load_idx %arg6[%masked_sort3A_319] masked %and3A_389 : memref<65536xi32, #tpu.memory_space<vmem>>[vector<16xi32>], vector<16xi32>, vector<16xi1>
            %and3A_391 = arith.constant 65535 : i32
            %and3A_392 = vector.broadcast %and3A_391 : i32 to vector<16xi32>
            %and3A_393 = arith.andi %gather3A_390, %and3A_392 : vector<16xi32>
            %shift_right_arithmetic3A_394 = arith.constant 16 : i32
            %shift_right_arithmetic3A_395 = vector.broadcast %shift_right_arithmetic3A_394 : i32 to vector<16xi32>
            %shift_right_arithmetic3A_396 = arith.shrsi %gather3A_390, %shift_right_arithmetic3A_395 : vector<16xi32>
            %and3A_397 = arith.constant 511 : i32
            %and3A_398 = vector.broadcast %and3A_397 : i32 to vector<16xi32>
            %and3A_399 = arith.andi %shift_right_arithmetic3A_396, %and3A_398 : vector<16xi32>
            %shift_left3A = arith.constant 1 : i32
            %shift_left3A_400 = vector.broadcast %shift_left3A : i32 to vector<16xi32>
            %shift_left3A_401 = arith.shli %shift_left3A_400, %and3A_374 : vector<16xi32>
            %or3A_402 = arith.ori %and3A_399, %shift_left3A_401 : vector<16xi32>
            %add3A_403 = arith.constant 1 : i32
            %add3A_404 = vector.broadcast %add3A_403 : i32 to vector<16xi32>
            %add3A_405 = arith.addi %and3A_393, %add3A_404 : vector<16xi32>
            %shift_left3A_406 = arith.constant 16 : i32
            %shift_left3A_407 = vector.broadcast %shift_left3A_406 : i32 to vector<16xi32>
            %shift_left3A_408 = arith.shli %or3A_402, %shift_left3A_407 : vector<16xi32>
            %or3A_409 = arith.ori %shift_left3A_408, %add3A_405 : vector<16xi32>
            tpu.vector_store_idx %arg6[%masked_sort3A_319], %or3A_409 masked %and3A_389 : memref<65536xi32, #tpu.memory_space<vmem>>[vector<16xi32>], vector<16xi32>, vector<16xi1>
            %eq3A_410 = arith.constant 0 : i32
            %eq3A_411 = vector.broadcast %eq3A_410 : i32 to vector<16xi32>
            %eq3A_412 = arith.cmpi eq, %and3A_393, %eq3A_411 : vector<16xi32>
            %not3A = arith.constant dense<true> : vector<16xi1>
            %not3A_413 = arith.xori %eq3A_412, %not3A : vector<16xi1>
            %and3A_414 = vector.broadcast %squeeze3A : i32 to vector<16xi32>
            %and3A_415 = arith.andi %and3A_399, %and3A_414 : vector<16xi32>
            %eq3A_416 = arith.constant 0 : i32
            %eq3A_417 = vector.broadcast %eq3A_416 : i32 to vector<16xi32>
            %eq3A_418 = arith.cmpi eq, %and3A_415, %eq3A_417 : vector<16xi32>
            %and3A_419 = arith.andi %not3A_413, %eq3A_418 : vector<16xi1>
            %jit3A_420 = arith.constant 1 : i32
            %jit3A_421 = arith.constant 0 : i32
            %broadcast_in_dim3A_422 = vector.broadcast %jit3A_420 : i32 to vector<16xi32>
            %broadcast_in_dim3A_423 = vector.broadcast %jit3A_421 : i32 to vector<16xi32>
            %select_n3A_424 = arith.select %and3A_419, %broadcast_in_dim3A_422, %broadcast_in_dim3A_423 : vector<16xi1>, vector<16xi32>
            %and3A_425 = vector.broadcast %squeeze3A : i32 to vector<16xi32>
            %and3A_426 = arith.andi %or3A_402, %and3A_425 : vector<16xi32>
            %eq3A_427 = arith.constant 0 : i32
            %eq3A_428 = vector.broadcast %eq3A_427 : i32 to vector<16xi32>
            %eq3A_429 = arith.cmpi eq, %and3A_426, %eq3A_428 : vector<16xi32>
            %jit3A_430 = arith.constant 1 : i32
            %jit3A_431 = arith.constant 0 : i32
            %broadcast_in_dim3A_432 = vector.broadcast %jit3A_430 : i32 to vector<16xi32>
            %broadcast_in_dim3A_433 = vector.broadcast %jit3A_431 : i32 to vector<16xi32>
            %select_n3A_434 = arith.select %eq3A_429, %broadcast_in_dim3A_432, %broadcast_in_dim3A_433 : vector<16xi1>, vector<16xi32>
            %sub3A_435 = arith.subi %select_n3A_434, %select_n3A_424 : vector<16xi32>
            %jit3A_436 = arith.constant 0 : i32
            %broadcast_in_dim3A_437 = vector.broadcast %jit3A_436 : i32 to vector<16xi32>
            %select_n3A_438 = arith.select %and3A_389, %sub3A_435, %broadcast_in_dim3A_437 : vector<16xi1>, vector<16xi32>
            %add3A_439 = arith.addi %while3A_386, %select_n3A_438 : vector<16xi32>
            %shift_right_arithmetic3A_440 = arith.constant 1 : i32
            %shift_right_arithmetic3A_441 = vector.broadcast %shift_right_arithmetic3A_440 : i32 to vector<16xi32>
            %shift_right_arithmetic3A_442 = arith.shrsi %and3A_399, %shift_right_arithmetic3A_441 : vector<16xi32>
            %and3A_443 = arith.constant 1 : i32
            %and3A_444 = vector.broadcast %and3A_443 : i32 to vector<16xi32>
            %and3A_445 = arith.andi %shift_right_arithmetic3A_442, %and3A_444 : vector<16xi32>
            %eq3A_446 = arith.constant 1 : i32
            %eq3A_447 = vector.broadcast %eq3A_446 : i32 to vector<16xi32>
            %eq3A_448 = arith.cmpi eq, %and3A_374, %eq3A_447 : vector<16xi32>
            %eq3A_449 = arith.constant 0 : i32
            %eq3A_450 = vector.broadcast %eq3A_449 : i32 to vector<16xi32>
            %eq3A_451 = arith.cmpi eq, %and3A_445, %eq3A_450 : vector<16xi32>
            %and3A_452 = arith.andi %eq3A_448, %eq3A_451 : vector<16xi1>
            %jit3A_453 = arith.constant 0 : i32
            %broadcast_in_dim3A_454 = vector.broadcast %jit3A_453 : i32 to vector<16xi32>
            %select_n3A_455 = arith.select %and3A_452, %add3A_405, %broadcast_in_dim3A_454 : vector<16xi1>, vector<16xi32>
            %add3A_456 = arith.addi %and3A_445, %select_n3A_455 : vector<16xi32>
            %jit3A_457 = arith.constant 0 : i32
            %broadcast_in_dim3A_458 = vector.broadcast %jit3A_457 : i32 to vector<16xi32>
            %select_n3A_459 = arith.select %and3A_389, %add3A_456, %broadcast_in_dim3A_458 : vector<16xi1>, vector<16xi32>
            %add3A_460 = arith.addi %while3A_378, %select_n3A_459 : vector<16xi32>
            %shift_right_arithmetic3A_461 = arith.constant 2 : i32
            %shift_right_arithmetic3A_462 = vector.broadcast %shift_right_arithmetic3A_461 : i32 to vector<16xi32>
            %shift_right_arithmetic3A_463 = arith.shrsi %and3A_399, %shift_right_arithmetic3A_462 : vector<16xi32>
            %and3A_464 = arith.constant 1 : i32
            %and3A_465 = vector.broadcast %and3A_464 : i32 to vector<16xi32>
            %and3A_466 = arith.andi %shift_right_arithmetic3A_463, %and3A_465 : vector<16xi32>
            %eq3A_467 = arith.constant 2 : i32
            %eq3A_468 = vector.broadcast %eq3A_467 : i32 to vector<16xi32>
            %eq3A_469 = arith.cmpi eq, %and3A_374, %eq3A_468 : vector<16xi32>
            %eq3A_470 = arith.constant 0 : i32
            %eq3A_471 = vector.broadcast %eq3A_470 : i32 to vector<16xi32>
            %eq3A_472 = arith.cmpi eq, %and3A_466, %eq3A_471 : vector<16xi32>
            %and3A_473 = arith.andi %eq3A_469, %eq3A_472 : vector<16xi1>
            %jit3A_474 = arith.constant 0 : i32
            %broadcast_in_dim3A_475 = vector.broadcast %jit3A_474 : i32 to vector<16xi32>
            %select_n3A_476 = arith.select %and3A_473, %add3A_405, %broadcast_in_dim3A_475 : vector<16xi1>, vector<16xi32>
            %add3A_477 = arith.addi %and3A_466, %select_n3A_476 : vector<16xi32>
            %jit3A_478 = arith.constant 0 : i32
            %broadcast_in_dim3A_479 = vector.broadcast %jit3A_478 : i32 to vector<16xi32>
            %select_n3A_480 = arith.select %and3A_389, %add3A_477, %broadcast_in_dim3A_479 : vector<16xi1>, vector<16xi32>
            %add3A_481 = arith.addi %while3A_379, %select_n3A_480 : vector<16xi32>
            %shift_right_arithmetic3A_482 = arith.constant 3 : i32
            %shift_right_arithmetic3A_483 = vector.broadcast %shift_right_arithmetic3A_482 : i32 to vector<16xi32>
            %shift_right_arithmetic3A_484 = arith.shrsi %and3A_399, %shift_right_arithmetic3A_483 : vector<16xi32>
            %and3A_485 = arith.constant 1 : i32
            %and3A_486 = vector.broadcast %and3A_485 : i32 to vector<16xi32>
            %and3A_487 = arith.andi %shift_right_arithmetic3A_484, %and3A_486 : vector<16xi32>
            %eq3A_488 = arith.constant 3 : i32
            %eq3A_489 = vector.broadcast %eq3A_488 : i32 to vector<16xi32>
            %eq3A_490 = arith.cmpi eq, %and3A_374, %eq3A_489 : vector<16xi32>
            %eq3A_491 = arith.constant 0 : i32
            %eq3A_492 = vector.broadcast %eq3A_491 : i32 to vector<16xi32>
            %eq3A_493 = arith.cmpi eq, %and3A_487, %eq3A_492 : vector<16xi32>
            %and3A_494 = arith.andi %eq3A_490, %eq3A_493 : vector<16xi1>
            %jit3A_495 = arith.constant 0 : i32
            %broadcast_in_dim3A_496 = vector.broadcast %jit3A_495 : i32 to vector<16xi32>
            %select_n3A_497 = arith.select %and3A_494, %add3A_405, %broadcast_in_dim3A_496 : vector<16xi1>, vector<16xi32>
            %add3A_498 = arith.addi %and3A_487, %select_n3A_497 : vector<16xi32>
            %jit3A_499 = arith.constant 0 : i32
            %broadcast_in_dim3A_500 = vector.broadcast %jit3A_499 : i32 to vector<16xi32>
            %select_n3A_501 = arith.select %and3A_389, %add3A_498, %broadcast_in_dim3A_500 : vector<16xi1>, vector<16xi32>
            %add3A_502 = arith.addi %while3A_380, %select_n3A_501 : vector<16xi32>
            %shift_right_arithmetic3A_503 = arith.constant 4 : i32
            %shift_right_arithmetic3A_504 = vector.broadcast %shift_right_arithmetic3A_503 : i32 to vector<16xi32>
            %shift_right_arithmetic3A_505 = arith.shrsi %and3A_399, %shift_right_arithmetic3A_504 : vector<16xi32>
            %and3A_506 = arith.constant 1 : i32
            %and3A_507 = vector.broadcast %and3A_506 : i32 to vector<16xi32>
            %and3A_508 = arith.andi %shift_right_arithmetic3A_505, %and3A_507 : vector<16xi32>
            %eq3A_509 = arith.constant 4 : i32
            %eq3A_510 = vector.broadcast %eq3A_509 : i32 to vector<16xi32>
            %eq3A_511 = arith.cmpi eq, %and3A_374, %eq3A_510 : vector<16xi32>
            %eq3A_512 = arith.constant 0 : i32
            %eq3A_513 = vector.broadcast %eq3A_512 : i32 to vector<16xi32>
            %eq3A_514 = arith.cmpi eq, %and3A_508, %eq3A_513 : vector<16xi32>
            %and3A_515 = arith.andi %eq3A_511, %eq3A_514 : vector<16xi1>
            %jit3A_516 = arith.constant 0 : i32
            %broadcast_in_dim3A_517 = vector.broadcast %jit3A_516 : i32 to vector<16xi32>
            %select_n3A_518 = arith.select %and3A_515, %add3A_405, %broadcast_in_dim3A_517 : vector<16xi1>, vector<16xi32>
            %add3A_519 = arith.addi %and3A_508, %select_n3A_518 : vector<16xi32>
            %jit3A_520 = arith.constant 0 : i32
            %broadcast_in_dim3A_521 = vector.broadcast %jit3A_520 : i32 to vector<16xi32>
            %select_n3A_522 = arith.select %and3A_389, %add3A_519, %broadcast_in_dim3A_521 : vector<16xi1>, vector<16xi32>
            %add3A_523 = arith.addi %while3A_381, %select_n3A_522 : vector<16xi32>
            %shift_right_arithmetic3A_524 = arith.constant 5 : i32
            %shift_right_arithmetic3A_525 = vector.broadcast %shift_right_arithmetic3A_524 : i32 to vector<16xi32>
            %shift_right_arithmetic3A_526 = arith.shrsi %and3A_399, %shift_right_arithmetic3A_525 : vector<16xi32>
            %and3A_527 = arith.constant 1 : i32
            %and3A_528 = vector.broadcast %and3A_527 : i32 to vector<16xi32>
            %and3A_529 = arith.andi %shift_right_arithmetic3A_526, %and3A_528 : vector<16xi32>
            %eq3A_530 = arith.constant 5 : i32
            %eq3A_531 = vector.broadcast %eq3A_530 : i32 to vector<16xi32>
            %eq3A_532 = arith.cmpi eq, %and3A_374, %eq3A_531 : vector<16xi32>
            %eq3A_533 = arith.constant 0 : i32
            %eq3A_534 = vector.broadcast %eq3A_533 : i32 to vector<16xi32>
            %eq3A_535 = arith.cmpi eq, %and3A_529, %eq3A_534 : vector<16xi32>
            %and3A_536 = arith.andi %eq3A_532, %eq3A_535 : vector<16xi1>
            %jit3A_537 = arith.constant 0 : i32
            %broadcast_in_dim3A_538 = vector.broadcast %jit3A_537 : i32 to vector<16xi32>
            %select_n3A_539 = arith.select %and3A_536, %add3A_405, %broadcast_in_dim3A_538 : vector<16xi1>, vector<16xi32>
            %add3A_540 = arith.addi %and3A_529, %select_n3A_539 : vector<16xi32>
            %jit3A_541 = arith.constant 0 : i32
            %broadcast_in_dim3A_542 = vector.broadcast %jit3A_541 : i32 to vector<16xi32>
            %select_n3A_543 = arith.select %and3A_389, %add3A_540, %broadcast_in_dim3A_542 : vector<16xi1>, vector<16xi32>
            %add3A_544 = arith.addi %while3A_382, %select_n3A_543 : vector<16xi32>
            %shift_right_arithmetic3A_545 = arith.constant 6 : i32
            %shift_right_arithmetic3A_546 = vector.broadcast %shift_right_arithmetic3A_545 : i32 to vector<16xi32>
            %shift_right_arithmetic3A_547 = arith.shrsi %and3A_399, %shift_right_arithmetic3A_546 : vector<16xi32>
            %and3A_548 = arith.constant 1 : i32
            %and3A_549 = vector.broadcast %and3A_548 : i32 to vector<16xi32>
            %and3A_550 = arith.andi %shift_right_arithmetic3A_547, %and3A_549 : vector<16xi32>
            %eq3A_551 = arith.constant 6 : i32
            %eq3A_552 = vector.broadcast %eq3A_551 : i32 to vector<16xi32>
            %eq3A_553 = arith.cmpi eq, %and3A_374, %eq3A_552 : vector<16xi32>
            %eq3A_554 = arith.constant 0 : i32
            %eq3A_555 = vector.broadcast %eq3A_554 : i32 to vector<16xi32>
            %eq3A_556 = arith.cmpi eq, %and3A_550, %eq3A_555 : vector<16xi32>
            %and3A_557 = arith.andi %eq3A_553, %eq3A_556 : vector<16xi1>
            %jit3A_558 = arith.constant 0 : i32
            %broadcast_in_dim3A_559 = vector.broadcast %jit3A_558 : i32 to vector<16xi32>
            %select_n3A_560 = arith.select %and3A_557, %add3A_405, %broadcast_in_dim3A_559 : vector<16xi1>, vector<16xi32>
            %add3A_561 = arith.addi %and3A_550, %select_n3A_560 : vector<16xi32>
            %jit3A_562 = arith.constant 0 : i32
            %broadcast_in_dim3A_563 = vector.broadcast %jit3A_562 : i32 to vector<16xi32>
            %select_n3A_564 = arith.select %and3A_389, %add3A_561, %broadcast_in_dim3A_563 : vector<16xi1>, vector<16xi32>
            %add3A_565 = arith.addi %while3A_383, %select_n3A_564 : vector<16xi32>
            %shift_right_arithmetic3A_566 = arith.constant 7 : i32
            %shift_right_arithmetic3A_567 = vector.broadcast %shift_right_arithmetic3A_566 : i32 to vector<16xi32>
            %shift_right_arithmetic3A_568 = arith.shrsi %and3A_399, %shift_right_arithmetic3A_567 : vector<16xi32>
            %and3A_569 = arith.constant 1 : i32
            %and3A_570 = vector.broadcast %and3A_569 : i32 to vector<16xi32>
            %and3A_571 = arith.andi %shift_right_arithmetic3A_568, %and3A_570 : vector<16xi32>
            %eq3A_572 = arith.constant 7 : i32
            %eq3A_573 = vector.broadcast %eq3A_572 : i32 to vector<16xi32>
            %eq3A_574 = arith.cmpi eq, %and3A_374, %eq3A_573 : vector<16xi32>
            %eq3A_575 = arith.constant 0 : i32
            %eq3A_576 = vector.broadcast %eq3A_575 : i32 to vector<16xi32>
            %eq3A_577 = arith.cmpi eq, %and3A_571, %eq3A_576 : vector<16xi32>
            %and3A_578 = arith.andi %eq3A_574, %eq3A_577 : vector<16xi1>
            %jit3A_579 = arith.constant 0 : i32
            %broadcast_in_dim3A_580 = vector.broadcast %jit3A_579 : i32 to vector<16xi32>
            %select_n3A_581 = arith.select %and3A_578, %add3A_405, %broadcast_in_dim3A_580 : vector<16xi1>, vector<16xi32>
            %add3A_582 = arith.addi %and3A_571, %select_n3A_581 : vector<16xi32>
            %jit3A_583 = arith.constant 0 : i32
            %broadcast_in_dim3A_584 = vector.broadcast %jit3A_583 : i32 to vector<16xi32>
            %select_n3A_585 = arith.select %and3A_389, %add3A_582, %broadcast_in_dim3A_584 : vector<16xi1>, vector<16xi32>
            %add3A_586 = arith.addi %while3A_384, %select_n3A_585 : vector<16xi32>
            %shift_right_arithmetic3A_587 = arith.constant 8 : i32
            %shift_right_arithmetic3A_588 = vector.broadcast %shift_right_arithmetic3A_587 : i32 to vector<16xi32>
            %shift_right_arithmetic3A_589 = arith.shrsi %and3A_399, %shift_right_arithmetic3A_588 : vector<16xi32>
            %and3A_590 = arith.constant 1 : i32
            %and3A_591 = vector.broadcast %and3A_590 : i32 to vector<16xi32>
            %and3A_592 = arith.andi %shift_right_arithmetic3A_589, %and3A_591 : vector<16xi32>
            %eq3A_593 = arith.constant 8 : i32
            %eq3A_594 = vector.broadcast %eq3A_593 : i32 to vector<16xi32>
            %eq3A_595 = arith.cmpi eq, %and3A_374, %eq3A_594 : vector<16xi32>
            %eq3A_596 = arith.constant 0 : i32
            %eq3A_597 = vector.broadcast %eq3A_596 : i32 to vector<16xi32>
            %eq3A_598 = arith.cmpi eq, %and3A_592, %eq3A_597 : vector<16xi32>
            %and3A_599 = arith.andi %eq3A_595, %eq3A_598 : vector<16xi1>
            %jit3A_600 = arith.constant 0 : i32
            %broadcast_in_dim3A_601 = vector.broadcast %jit3A_600 : i32 to vector<16xi32>
            %select_n3A_602 = arith.select %and3A_599, %add3A_405, %broadcast_in_dim3A_601 : vector<16xi1>, vector<16xi32>
            %add3A_603 = arith.addi %and3A_592, %select_n3A_602 : vector<16xi32>
            %jit3A_604 = arith.constant 0 : i32
            %broadcast_in_dim3A_605 = vector.broadcast %jit3A_604 : i32 to vector<16xi32>
            %select_n3A_606 = arith.select %and3A_389, %add3A_603, %broadcast_in_dim3A_605 : vector<16xi1>, vector<16xi32>
            %add3A_607 = arith.addi %while3A_385, %select_n3A_606 : vector<16xi32>
            %add3A_608 = arith.constant 1 : i32
            %add3A_609 = arith.addi %while3A_377, %add3A_608 : i32
            scf.yield %add3A_609, %add3A_460, %add3A_481, %add3A_502, %add3A_523, %add3A_544, %add3A_565, %add3A_586, %add3A_607, %add3A_439 : i32, vector<16xi32>, vector<16xi32>, vector<16xi32>, vector<16xi32>, vector<16xi32>, vector<16xi32>, vector<16xi32>, vector<16xi32>, vector<16xi32>
          }
          scf.yield %while3A_376#1, %while3A_376#2, %while3A_376#3, %while3A_376#4, %while3A_376#5, %while3A_376#6, %while3A_376#7, %while3A_376#8, %while3A_376#9 : vector<16xi32>, vector<16xi32>, vector<16xi32>, vector<16xi32>, vector<16xi32>, vector<16xi32>, vector<16xi32>, vector<16xi32>, vector<16xi32>
        }
        %while3A_269 = arith.constant 1 : i32
        %while3A_270:9 = scf.for %while3A_285 = %while3A_266 to %while3A_262 step %while3A_269 iter_args(%while3A_286 = %while3A_268#0, %while3A_287 = %while3A_268#1, %while3A_288 = %while3A_268#2, %while3A_289 = %while3A_268#3, %while3A_290 = %while3A_268#4, %while3A_291 = %while3A_268#5, %while3A_292 = %while3A_268#6, %while3A_293 = %while3A_268#7, %while3A_294 = %while3A_268#8) -> (vector<16xi32>, vector<16xi32>, vector<16xi32>, vector<16xi32>, vector<16xi32>, vector<16xi32>, vector<16xi32>, vector<16xi32>, vector<16xi32>)  : i32 {
          %mul3A_295 = arith.constant 16 : i32
          %mul3A_296 = arith.muli %while3A_285, %mul3A_295 : i32
          %add3A_297 = arith.addi %sub3A_238, %mul3A_296 : i32
          %get3A_298 = arith.index_cast %add3A_297 : i32 to index
          %get3A_299 = tpu.vector_load %arg9[%get3A_298] {strides = array<i32>} : memref<6928xi32, #tpu.memory_space<vmem>>, vector<16xi32>,
          %mul3A_300 = arith.constant 16 : i32
          %mul3A_301 = arith.muli %while3A_285, %mul3A_300 : i32
          %sub3A_302 = arith.subi %min3A_237, %mul3A_301 : i32
          %lt3A = vector.broadcast %sub3A_302 : i32 to vector<16xi32>
          %lt3A_303 = arith.cmpi slt, %iota3A, %lt3A : vector<16xi32>
          %shift_right_arithmetic3A = arith.constant 4 : i32
          %shift_right_arithmetic3A_304 = vector.broadcast %shift_right_arithmetic3A : i32 to vector<16xi32>
          %shift_right_arithmetic3A_305 = arith.shrsi %get3A_299, %shift_right_arithmetic3A_304 : vector<16xi32>
          %and3A_306 = arith.constant 65535 : i32
          %and3A_307 = vector.broadcast %and3A_306 : i32 to vector<16xi32>
          %and3A_308 = arith.andi %shift_right_arithmetic3A_305, %and3A_307 : vector<16xi32>
          %add3A_309 = arith.constant 65536 : i32
          %add3A_310 = vector.broadcast %add3A_309 : i32 to vector<16xi32>
          %add3A_311 = arith.addi %add3A_310, %iota3A : vector<16xi32>
          %select_n3A_312 = arith.select %lt3A_303, %and3A_308, %add3A_311 : vector<16xi1>, vector<16xi32>
          %masked_sort3A = arith.constant dense<true> : vector<16xi1>
          %masked_sort3A_313 = arith.constant -2147483648 : i32
          %masked_sort3A_314 = vector.broadcast %masked_sort3A_313 : i32 to vector<16xi32>
          %masked_sort3A_315 = arith.xori %select_n3A_312, %masked_sort3A_314 : vector<16xi32>
          %masked_sort3A_316, %masked_sort3A_317, %masked_sort3A_318 = tpu.sort %masked_sort3A_315, %get3A_299 masked %masked_sort3A : (vector<16xi32>, vector<16xi32>, vector<16xi1>) -> (vector<16xi1>, vector<16xi32>, vector<16xi32>)
          %masked_sort3A_319 = arith.xori %masked_sort3A_317, %masked_sort3A_314 : vector<16xi32>
          %lt3A_320 = arith.constant 65536 : i32
          %lt3A_321 = vector.broadcast %lt3A_320 : i32 to vector<16xi32>
          %lt3A_322 = arith.cmpi slt, %masked_sort3A_319, %lt3A_321 : vector<16xi32>
          %iota3A_323 = tpu.iota {dimensions = array<i32: 0>} : vector<16xi32>
          %sub3A_324 = arith.constant 1 : i32
          %sub3A_325 = vector.broadcast %sub3A_324 : i32 to vector<16xi32>
          %sub3A_326 = arith.subi %iota3A_323, %sub3A_325 : vector<16xi32>
          %max3A = arith.constant 0 : i32
          %max3A_327 = vector.broadcast %max3A : i32 to vector<16xi32>
          %max3A_328 = arith.maxsi %sub3A_326, %max3A_327 : vector<16xi32>
          %broadcast_in_dim3A_329 = vector.shape_cast %max3A_328 : vector<16xi32> to vector<16x1xi32>
          %gather3A = vector.shape_cast %broadcast_in_dim3A_329 : vector<16x1xi32> to vector<16xi32>
          %gather3A_330 = tpu.dynamic_gather %masked_sort3A_319[%gather3A] in [0] : vector<16xi32>, vector<16xi32> -> vector<16xi32>
          %add3A_331 = arith.constant 1 : i32
          %add3A_332 = vector.broadcast %add3A_331 : i32 to vector<16xi32>
          %add3A_333 = arith.addi %iota3A_323, %add3A_332 : vector<16xi32>
          %min3A_334 = arith.constant 15 : i32
          %min3A_335 = vector.broadcast %min3A_334 : i32 to vector<16xi32>
          %min3A_336 = arith.minsi %add3A_333, %min3A_335 : vector<16xi32>
          %broadcast_in_dim3A_337 = vector.shape_cast %min3A_336 : vector<16xi32> to vector<16x1xi32>
          %gather3A_338 = vector.shape_cast %broadcast_in_dim3A_337 : vector<16x1xi32> to vector<16xi32>
          %gather3A_339 = tpu.dynamic_gather %masked_sort3A_319[%gather3A_338] in [0] : vector<16xi32>, vector<16xi32> -> vector<16xi32>
          %eq3A_340 = arith.constant 0 : i32
          %eq3A_341 = vector.broadcast %eq3A_340 : i32 to vector<16xi32>
          %eq3A_342 = arith.cmpi eq, %iota3A_323, %eq3A_341 : vector<16xi32>
          %ne3A_343 = arith.cmpi ne, %masked_sort3A_319, %gather3A_330 : vector<16xi32>
          %or3A = arith.ori %eq3A_342, %ne3A_343 : vector<16xi1>
          %eq3A_344 = arith.constant 15 : i32
          %eq3A_345 = vector.broadcast %eq3A_344 : i32 to vector<16xi32>
          %eq3A_346 = arith.cmpi eq, %iota3A_323, %eq3A_345 : vector<16xi32>
          %ne3A_347 = arith.cmpi ne, %masked_sort3A_319, %gather3A_339 : vector<16xi32>
          %or3A_348 = arith.ori %eq3A_346, %ne3A_347 : vector<16xi1>
          %jit3A_349 = arith.constant 0 : i32
          %broadcast_in_dim3A_350 = vector.broadcast %jit3A_349 : i32 to vector<16xi32>
          %select_n3A_351 = arith.select %or3A, %iota3A_323, %broadcast_in_dim3A_350 : vector<16xi1>, vector<16xi32>
          %broadcast_in_dim3A_352 = arith.constant true
          %broadcast_in_dim3A_353 = vector.broadcast %broadcast_in_dim3A_352 : i1 to vector<16xi1>
          %masked_cummax3A = arith.constant -2147483648 : i32
          %masked_cummax3A_354 = vector.broadcast %masked_cummax3A : i32 to vector<16xi32>
          %masked_cummax3A_355 = arith.xori %select_n3A_351, %masked_cummax3A_354 : vector<16xi32>
          %masked_cummax3A_356 = tpu.scan <max>, %masked_cummax3A_355 masked %broadcast_in_dim3A_353 : vector<16xi32>, vector<16xi1> -> vector<16xi32>
          %masked_cummax3A_357 = arith.xori %masked_cummax3A_356, %masked_cummax3A_354 : vector<16xi32>
          %sub3A_358 = arith.subi %iota3A_323, %masked_cummax3A_357 : vector<16xi32>
          %add3A_359 = arith.constant 1 : i32
          %add3A_360 = vector.broadcast %add3A_359 : i32 to vector<16xi32>
          %add3A_361 = arith.addi %sub3A_358, %add3A_360 : vector<16xi32>
          %jit3A_362 = arith.constant 0 : i32
          %broadcast_in_dim3A_363 = vector.broadcast %jit3A_362 : i32 to vector<16xi32>
          %select_n3A_364 = arith.select %lt3A_322, %sub3A_358, %broadcast_in_dim3A_363 : vector<16xi1>, vector<16xi32>
          %reduce_max3A = arith.constant true
          %reduce_max3A_365 = vector.broadcast %reduce_max3A : i1 to vector<16xi1>
          %reduce_max3A_366 = arith.constant -2147483648 : i32
          %reduce_max3A_367 = vector.broadcast %reduce_max3A_366 : i32 to vector<16xi32>
          %reduce_max3A_368 = arith.xori %select_n3A_364, %reduce_max3A_367 : vector<16xi32>
          %reduce_max3A_369 = tpu.scan <max>, %reduce_max3A_368 masked %reduce_max3A_365 : vector<16xi32>, vector<16xi1> -> vector<16xi32>
          %reduce_max3A_370 = arith.xori %reduce_max3A_369, %reduce_max3A_367 : vector<16xi32>
          %reduce_max3A_371 = vector.extract %reduce_max3A_370[15] : i32 from vector<16xi32>
          %and3A_372 = arith.constant 15 : i32
          %and3A_373 = vector.broadcast %and3A_372 : i32 to vector<16xi32>
          %and3A_374 = arith.andi %masked_sort3A_318, %and3A_373 : vector<16xi32>
          %while3A_375 = arith.constant 0 : i32
          %while3A_376:10 = scf.while (%while3A_377 = %while3A_375, %while3A_378 = %while3A_286, %while3A_379 = %while3A_287, %while3A_380 = %while3A_288, %while3A_381 = %while3A_289, %while3A_382 = %while3A_290, %while3A_383 = %while3A_291, %while3A_384 = %while3A_292, %while3A_385 = %while3A_293, %while3A_386 = %while3A_294) : (i32, vector<16xi32>, vector<16xi32>, vector<16xi32>, vector<16xi32>, vector<16xi32>, vector<16xi32>, vector<16xi32>, vector<16xi32>, vector<16xi32>) -> (i32, vector<16xi32>, vector<16xi32>, vector<16xi32>, vector<16xi32>, vector<16xi32>, vector<16xi32>, vector<16xi32>, vector<16xi32>, vector<16xi32>) {
            %le3A = arith.cmpi sle, %while3A_377, %reduce_max3A_371 : i32
            scf.condition(%le3A) %while3A_377, %while3A_378, %while3A_379, %while3A_380, %while3A_381, %while3A_382, %while3A_383, %while3A_384, %while3A_385, %while3A_386 : i32, vector<16xi32>, vector<16xi32>, vector<16xi32>, vector<16xi32>, vector<16xi32>, vector<16xi32>, vector<16xi32>, vector<16xi32>, vector<16xi32>
          } do {
          ^bb0(%while3A_377: i32, %while3A_378: vector<16xi32>, %while3A_379: vector<16xi32>, %while3A_380: vector<16xi32>, %while3A_381: vector<16xi32>, %while3A_382: vector<16xi32>, %while3A_383: vector<16xi32>, %while3A_384: vector<16xi32>, %while3A_385: vector<16xi32>, %while3A_386: vector<16xi32>):
            %eq3A_387 = vector.broadcast %while3A_377 : i32 to vector<16xi32>
            %eq3A_388 = arith.cmpi eq, %sub3A_358, %eq3A_387 : vector<16xi32>
            %and3A_389 = arith.andi %lt3A_322, %eq3A_388 : vector<16xi1>
            %gather3A_390 = tpu.vector_load_idx %arg6[%masked_sort3A_319] masked %and3A_389 : memref<65536xi32, #tpu.memory_space<vmem>>[vector<16xi32>], vector<16xi32>, vector<16xi1>
            %and3A_391 = arith.constant 65535 : i32
            %and3A_392 = vector.broadcast %and3A_391 : i32 to vector<16xi32>
            %and3A_393 = arith.andi %gather3A_390, %and3A_392 : vector<16xi32>
            %shift_right_arithmetic3A_394 = arith.constant 16 : i32
            %shift_right_arithmetic3A_395 = vector.broadcast %shift_right_arithmetic3A_394 : i32 to vector<16xi32>
            %shift_right_arithmetic3A_396 = arith.shrsi %gather3A_390, %shift_right_arithmetic3A_395 : vector<16xi32>
            %and3A_397 = arith.constant 511 : i32
            %and3A_398 = vector.broadcast %and3A_397 : i32 to vector<16xi32>
            %and3A_399 = arith.andi %shift_right_arithmetic3A_396, %and3A_398 : vector<16xi32>
            %shift_left3A = arith.constant 1 : i32
            %shift_left3A_400 = vector.broadcast %shift_left3A : i32 to vector<16xi32>
            %shift_left3A_401 = arith.shli %shift_left3A_400, %and3A_374 : vector<16xi32>
            %or3A_402 = arith.ori %and3A_399, %shift_left3A_401 : vector<16xi32>
            %add3A_403 = arith.constant 1 : i32
            %add3A_404 = vector.broadcast %add3A_403 : i32 to vector<16xi32>
            %add3A_405 = arith.addi %and3A_393, %add3A_404 : vector<16xi32>
            %shift_left3A_406 = arith.constant 16 : i32
            %shift_left3A_407 = vector.broadcast %shift_left3A_406 : i32 to vector<16xi32>
            %shift_left3A_408 = arith.shli %or3A_402, %shift_left3A_407 : vector<16xi32>
            %or3A_409 = arith.ori %shift_left3A_408, %add3A_405 : vector<16xi32>
            tpu.vector_store_idx %arg6[%masked_sort3A_319], %or3A_409 masked %and3A_389 : memref<65536xi32, #tpu.memory_space<vmem>>[vector<16xi32>], vector<16xi32>, vector<16xi1>
            %eq3A_410 = arith.constant 0 : i32
            %eq3A_411 = vector.broadcast %eq3A_410 : i32 to vector<16xi32>
            %eq3A_412 = arith.cmpi eq, %and3A_393, %eq3A_411 : vector<16xi32>
            %not3A = arith.constant dense<true> : vector<16xi1>
            %not3A_413 = arith.xori %eq3A_412, %not3A : vector<16xi1>
            %and3A_414 = vector.broadcast %squeeze3A : i32 to vector<16xi32>
            %and3A_415 = arith.andi %and3A_399, %and3A_414 : vector<16xi32>
            %eq3A_416 = arith.constant 0 : i32
            %eq3A_417 = vector.broadcast %eq3A_416 : i32 to vector<16xi32>
            %eq3A_418 = arith.cmpi eq, %and3A_415, %eq3A_417 : vector<16xi32>
            %and3A_419 = arith.andi %not3A_413, %eq3A_418 : vector<16xi1>
            %jit3A_420 = arith.constant 1 : i32
            %jit3A_421 = arith.constant 0 : i32
            %broadcast_in_dim3A_422 = vector.broadcast %jit3A_420 : i32 to vector<16xi32>
            %broadcast_in_dim3A_423 = vector.broadcast %jit3A_421 : i32 to vector<16xi32>
            %select_n3A_424 = arith.select %and3A_419, %broadcast_in_dim3A_422, %broadcast_in_dim3A_423 : vector<16xi1>, vector<16xi32>
            %and3A_425 = vector.broadcast %squeeze3A : i32 to vector<16xi32>
            %and3A_426 = arith.andi %or3A_402, %and3A_425 : vector<16xi32>
            %eq3A_427 = arith.constant 0 : i32
            %eq3A_428 = vector.broadcast %eq3A_427 : i32 to vector<16xi32>
            %eq3A_429 = arith.cmpi eq, %and3A_426, %eq3A_428 : vector<16xi32>
            %jit3A_430 = arith.constant 1 : i32
            %jit3A_431 = arith.constant 0 : i32
            %broadcast_in_dim3A_432 = vector.broadcast %jit3A_430 : i32 to vector<16xi32>
            %broadcast_in_dim3A_433 = vector.broadcast %jit3A_431 : i32 to vector<16xi32>
            %select_n3A_434 = arith.select %eq3A_429, %broadcast_in_dim3A_432, %broadcast_in_dim3A_433 : vector<16xi1>, vector<16xi32>
            %sub3A_435 = arith.subi %select_n3A_434, %select_n3A_424 : vector<16xi32>
            %jit3A_436 = arith.constant 0 : i32
            %broadcast_in_dim3A_437 = vector.broadcast %jit3A_436 : i32 to vector<16xi32>
            %select_n3A_438 = arith.select %and3A_389, %sub3A_435, %broadcast_in_dim3A_437 : vector<16xi1>, vector<16xi32>
            %add3A_439 = arith.addi %while3A_386, %select_n3A_438 : vector<16xi32>
            %shift_right_arithmetic3A_440 = arith.constant 1 : i32
            %shift_right_arithmetic3A_441 = vector.broadcast %shift_right_arithmetic3A_440 : i32 to vector<16xi32>
            %shift_right_arithmetic3A_442 = arith.shrsi %and3A_399, %shift_right_arithmetic3A_441 : vector<16xi32>
            %and3A_443 = arith.constant 1 : i32
            %and3A_444 = vector.broadcast %and3A_443 : i32 to vector<16xi32>
            %and3A_445 = arith.andi %shift_right_arithmetic3A_442, %and3A_444 : vector<16xi32>
            %eq3A_446 = arith.constant 1 : i32
            %eq3A_447 = vector.broadcast %eq3A_446 : i32 to vector<16xi32>
            %eq3A_448 = arith.cmpi eq, %and3A_374, %eq3A_447 : vector<16xi32>
            %eq3A_449 = arith.constant 0 : i32
            %eq3A_450 = vector.broadcast %eq3A_449 : i32 to vector<16xi32>
            %eq3A_451 = arith.cmpi eq, %and3A_445, %eq3A_450 : vector<16xi32>
            %and3A_452 = arith.andi %eq3A_448, %eq3A_451 : vector<16xi1>
            %jit3A_453 = arith.constant 0 : i32
            %broadcast_in_dim3A_454 = vector.broadcast %jit3A_453 : i32 to vector<16xi32>
            %select_n3A_455 = arith.select %and3A_452, %add3A_405, %broadcast_in_dim3A_454 : vector<16xi1>, vector<16xi32>
            %add3A_456 = arith.addi %and3A_445, %select_n3A_455 : vector<16xi32>
            %jit3A_457 = arith.constant 0 : i32
            %broadcast_in_dim3A_458 = vector.broadcast %jit3A_457 : i32 to vector<16xi32>
            %select_n3A_459 = arith.select %and3A_389, %add3A_456, %broadcast_in_dim3A_458 : vector<16xi1>, vector<16xi32>
            %add3A_460 = arith.addi %while3A_378, %select_n3A_459 : vector<16xi32>
            %shift_right_arithmetic3A_461 = arith.constant 2 : i32
            %shift_right_arithmetic3A_462 = vector.broadcast %shift_right_arithmetic3A_461 : i32 to vector<16xi32>
            %shift_right_arithmetic3A_463 = arith.shrsi %and3A_399, %shift_right_arithmetic3A_462 : vector<16xi32>
            %and3A_464 = arith.constant 1 : i32
            %and3A_465 = vector.broadcast %and3A_464 : i32 to vector<16xi32>
            %and3A_466 = arith.andi %shift_right_arithmetic3A_463, %and3A_465 : vector<16xi32>
            %eq3A_467 = arith.constant 2 : i32
            %eq3A_468 = vector.broadcast %eq3A_467 : i32 to vector<16xi32>
            %eq3A_469 = arith.cmpi eq, %and3A_374, %eq3A_468 : vector<16xi32>
            %eq3A_470 = arith.constant 0 : i32
            %eq3A_471 = vector.broadcast %eq3A_470 : i32 to vector<16xi32>
            %eq3A_472 = arith.cmpi eq, %and3A_466, %eq3A_471 : vector<16xi32>
            %and3A_473 = arith.andi %eq3A_469, %eq3A_472 : vector<16xi1>
            %jit3A_474 = arith.constant 0 : i32
            %broadcast_in_dim3A_475 = vector.broadcast %jit3A_474 : i32 to vector<16xi32>
            %select_n3A_476 = arith.select %and3A_473, %add3A_405, %broadcast_in_dim3A_475 : vector<16xi1>, vector<16xi32>
            %add3A_477 = arith.addi %and3A_466, %select_n3A_476 : vector<16xi32>
            %jit3A_478 = arith.constant 0 : i32
            %broadcast_in_dim3A_479 = vector.broadcast %jit3A_478 : i32 to vector<16xi32>
            %select_n3A_480 = arith.select %and3A_389, %add3A_477, %broadcast_in_dim3A_479 : vector<16xi1>, vector<16xi32>
            %add3A_481 = arith.addi %while3A_379, %select_n3A_480 : vector<16xi32>
            %shift_right_arithmetic3A_482 = arith.constant 3 : i32
            %shift_right_arithmetic3A_483 = vector.broadcast %shift_right_arithmetic3A_482 : i32 to vector<16xi32>
            %shift_right_arithmetic3A_484 = arith.shrsi %and3A_399, %shift_right_arithmetic3A_483 : vector<16xi32>
            %and3A_485 = arith.constant 1 : i32
            %and3A_486 = vector.broadcast %and3A_485 : i32 to vector<16xi32>
            %and3A_487 = arith.andi %shift_right_arithmetic3A_484, %and3A_486 : vector<16xi32>
            %eq3A_488 = arith.constant 3 : i32
            %eq3A_489 = vector.broadcast %eq3A_488 : i32 to vector<16xi32>
            %eq3A_490 = arith.cmpi eq, %and3A_374, %eq3A_489 : vector<16xi32>
            %eq3A_491 = arith.constant 0 : i32
            %eq3A_492 = vector.broadcast %eq3A_491 : i32 to vector<16xi32>
            %eq3A_493 = arith.cmpi eq, %and3A_487, %eq3A_492 : vector<16xi32>
            %and3A_494 = arith.andi %eq3A_490, %eq3A_493 : vector<16xi1>
            %jit3A_495 = arith.constant 0 : i32
            %broadcast_in_dim3A_496 = vector.broadcast %jit3A_495 : i32 to vector<16xi32>
            %select_n3A_497 = arith.select %and3A_494, %add3A_405, %broadcast_in_dim3A_496 : vector<16xi1>, vector<16xi32>
            %add3A_498 = arith.addi %and3A_487, %select_n3A_497 : vector<16xi32>
            %jit3A_499 = arith.constant 0 : i32
            %broadcast_in_dim3A_500 = vector.broadcast %jit3A_499 : i32 to vector<16xi32>
            %select_n3A_501 = arith.select %and3A_389, %add3A_498, %broadcast_in_dim3A_500 : vector<16xi1>, vector<16xi32>
            %add3A_502 = arith.addi %while3A_380, %select_n3A_501 : vector<16xi32>
            %shift_right_arithmetic3A_503 = arith.constant 4 : i32
            %shift_right_arithmetic3A_504 = vector.broadcast %shift_right_arithmetic3A_503 : i32 to vector<16xi32>
            %shift_right_arithmetic3A_505 = arith.shrsi %and3A_399, %shift_right_arithmetic3A_504 : vector<16xi32>
            %and3A_506 = arith.constant 1 : i32
            %and3A_507 = vector.broadcast %and3A_506 : i32 to vector<16xi32>
            %and3A_508 = arith.andi %shift_right_arithmetic3A_505, %and3A_507 : vector<16xi32>
            %eq3A_509 = arith.constant 4 : i32
            %eq3A_510 = vector.broadcast %eq3A_509 : i32 to vector<16xi32>
            %eq3A_511 = arith.cmpi eq, %and3A_374, %eq3A_510 : vector<16xi32>
            %eq3A_512 = arith.constant 0 : i32
            %eq3A_513 = vector.broadcast %eq3A_512 : i32 to vector<16xi32>
            %eq3A_514 = arith.cmpi eq, %and3A_508, %eq3A_513 : vector<16xi32>
            %and3A_515 = arith.andi %eq3A_511, %eq3A_514 : vector<16xi1>
            %jit3A_516 = arith.constant 0 : i32
            %broadcast_in_dim3A_517 = vector.broadcast %jit3A_516 : i32 to vector<16xi32>
            %select_n3A_518 = arith.select %and3A_515, %add3A_405, %broadcast_in_dim3A_517 : vector<16xi1>, vector<16xi32>
            %add3A_519 = arith.addi %and3A_508, %select_n3A_518 : vector<16xi32>
            %jit3A_520 = arith.constant 0 : i32
            %broadcast_in_dim3A_521 = vector.broadcast %jit3A_520 : i32 to vector<16xi32>
            %select_n3A_522 = arith.select %and3A_389, %add3A_519, %broadcast_in_dim3A_521 : vector<16xi1>, vector<16xi32>
            %add3A_523 = arith.addi %while3A_381, %select_n3A_522 : vector<16xi32>
            %shift_right_arithmetic3A_524 = arith.constant 5 : i32
            %shift_right_arithmetic3A_525 = vector.broadcast %shift_right_arithmetic3A_524 : i32 to vector<16xi32>
            %shift_right_arithmetic3A_526 = arith.shrsi %and3A_399, %shift_right_arithmetic3A_525 : vector<16xi32>
            %and3A_527 = arith.constant 1 : i32
            %and3A_528 = vector.broadcast %and3A_527 : i32 to vector<16xi32>
            %and3A_529 = arith.andi %shift_right_arithmetic3A_526, %and3A_528 : vector<16xi32>
            %eq3A_530 = arith.constant 5 : i32
            %eq3A_531 = vector.broadcast %eq3A_530 : i32 to vector<16xi32>
            %eq3A_532 = arith.cmpi eq, %and3A_374, %eq3A_531 : vector<16xi32>
            %eq3A_533 = arith.constant 0 : i32
            %eq3A_534 = vector.broadcast %eq3A_533 : i32 to vector<16xi32>
            %eq3A_535 = arith.cmpi eq, %and3A_529, %eq3A_534 : vector<16xi32>
            %and3A_536 = arith.andi %eq3A_532, %eq3A_535 : vector<16xi1>
            %jit3A_537 = arith.constant 0 : i32
            %broadcast_in_dim3A_538 = vector.broadcast %jit3A_537 : i32 to vector<16xi32>
            %select_n3A_539 = arith.select %and3A_536, %add3A_405, %broadcast_in_dim3A_538 : vector<16xi1>, vector<16xi32>
            %add3A_540 = arith.addi %and3A_529, %select_n3A_539 : vector<16xi32>
            %jit3A_541 = arith.constant 0 : i32
            %broadcast_in_dim3A_542 = vector.broadcast %jit3A_541 : i32 to vector<16xi32>
            %select_n3A_543 = arith.select %and3A_389, %add3A_540, %broadcast_in_dim3A_542 : vector<16xi1>, vector<16xi32>
            %add3A_544 = arith.addi %while3A_382, %select_n3A_543 : vector<16xi32>
            %shift_right_arithmetic3A_545 = arith.constant 6 : i32
            %shift_right_arithmetic3A_546 = vector.broadcast %shift_right_arithmetic3A_545 : i32 to vector<16xi32>
            %shift_right_arithmetic3A_547 = arith.shrsi %and3A_399, %shift_right_arithmetic3A_546 : vector<16xi32>
            %and3A_548 = arith.constant 1 : i32
            %and3A_549 = vector.broadcast %and3A_548 : i32 to vector<16xi32>
            %and3A_550 = arith.andi %shift_right_arithmetic3A_547, %and3A_549 : vector<16xi32>
            %eq3A_551 = arith.constant 6 : i32
            %eq3A_552 = vector.broadcast %eq3A_551 : i32 to vector<16xi32>
            %eq3A_553 = arith.cmpi eq, %and3A_374, %eq3A_552 : vector<16xi32>
            %eq3A_554 = arith.constant 0 : i32
            %eq3A_555 = vector.broadcast %eq3A_554 : i32 to vector<16xi32>
            %eq3A_556 = arith.cmpi eq, %and3A_550, %eq3A_555 : vector<16xi32>
            %and3A_557 = arith.andi %eq3A_553, %eq3A_556 : vector<16xi1>
            %jit3A_558 = arith.constant 0 : i32
            %broadcast_in_dim3A_559 = vector.broadcast %jit3A_558 : i32 to vector<16xi32>
            %select_n3A_560 = arith.select %and3A_557, %add3A_405, %broadcast_in_dim3A_559 : vector<16xi1>, vector<16xi32>
            %add3A_561 = arith.addi %and3A_550, %select_n3A_560 : vector<16xi32>
            %jit3A_562 = arith.constant 0 : i32
            %broadcast_in_dim3A_563 = vector.broadcast %jit3A_562 : i32 to vector<16xi32>
            %select_n3A_564 = arith.select %and3A_389, %add3A_561, %broadcast_in_dim3A_563 : vector<16xi1>, vector<16xi32>
            %add3A_565 = arith.addi %while3A_383, %select_n3A_564 : vector<16xi32>
            %shift_right_arithmetic3A_566 = arith.constant 7 : i32
            %shift_right_arithmetic3A_567 = vector.broadcast %shift_right_arithmetic3A_566 : i32 to vector<16xi32>
            %shift_right_arithmetic3A_568 = arith.shrsi %and3A_399, %shift_right_arithmetic3A_567 : vector<16xi32>
            %and3A_569 = arith.constant 1 : i32
            %and3A_570 = vector.broadcast %and3A_569 : i32 to vector<16xi32>
            %and3A_571 = arith.andi %shift_right_arithmetic3A_568, %and3A_570 : vector<16xi32>
            %eq3A_572 = arith.constant 7 : i32
            %eq3A_573 = vector.broadcast %eq3A_572 : i32 to vector<16xi32>
            %eq3A_574 = arith.cmpi eq, %and3A_374, %eq3A_573 : vector<16xi32>
            %eq3A_575 = arith.constant 0 : i32
            %eq3A_576 = vector.broadcast %eq3A_575 : i32 to vector<16xi32>
            %eq3A_577 = arith.cmpi eq, %and3A_571, %eq3A_576 : vector<16xi32>
            %and3A_578 = arith.andi %eq3A_574, %eq3A_577 : vector<16xi1>
            %jit3A_579 = arith.constant 0 : i32
            %broadcast_in_dim3A_580 = vector.broadcast %jit3A_579 : i32 to vector<16xi32>
            %select_n3A_581 = arith.select %and3A_578, %add3A_405, %broadcast_in_dim3A_580 : vector<16xi1>, vector<16xi32>
            %add3A_582 = arith.addi %and3A_571, %select_n3A_581 : vector<16xi32>
            %jit3A_583 = arith.constant 0 : i32
            %broadcast_in_dim3A_584 = vector.broadcast %jit3A_583 : i32 to vector<16xi32>
            %select_n3A_585 = arith.select %and3A_389, %add3A_582, %broadcast_in_dim3A_584 : vector<16xi1>, vector<16xi32>
            %add3A_586 = arith.addi %while3A_384, %select_n3A_585 : vector<16xi32>
            %shift_right_arithmetic3A_587 = arith.constant 8 : i32
            %shift_right_arithmetic3A_588 = vector.broadcast %shift_right_arithmetic3A_587 : i32 to vector<16xi32>
            %shift_right_arithmetic3A_589 = arith.shrsi %and3A_399, %shift_right_arithmetic3A_588 : vector<16xi32>
            %and3A_590 = arith.constant 1 : i32
            %and3A_591 = vector.broadcast %and3A_590 : i32 to vector<16xi32>
            %and3A_592 = arith.andi %shift_right_arithmetic3A_589, %and3A_591 : vector<16xi32>
            %eq3A_593 = arith.constant 8 : i32
            %eq3A_594 = vector.broadcast %eq3A_593 : i32 to vector<16xi32>
            %eq3A_595 = arith.cmpi eq, %and3A_374, %eq3A_594 : vector<16xi32>
            %eq3A_596 = arith.constant 0 : i32
            %eq3A_597 = vector.broadcast %eq3A_596 : i32 to vector<16xi32>
            %eq3A_598 = arith.cmpi eq, %and3A_592, %eq3A_597 : vector<16xi32>
            %and3A_599 = arith.andi %eq3A_595, %eq3A_598 : vector<16xi1>
            %jit3A_600 = arith.constant 0 : i32
            %broadcast_in_dim3A_601 = vector.broadcast %jit3A_600 : i32 to vector<16xi32>
            %select_n3A_602 = arith.select %and3A_599, %add3A_405, %broadcast_in_dim3A_601 : vector<16xi1>, vector<16xi32>
            %add3A_603 = arith.addi %and3A_592, %select_n3A_602 : vector<16xi32>
            %jit3A_604 = arith.constant 0 : i32
            %broadcast_in_dim3A_605 = vector.broadcast %jit3A_604 : i32 to vector<16xi32>
            %select_n3A_606 = arith.select %and3A_389, %add3A_603, %broadcast_in_dim3A_605 : vector<16xi1>, vector<16xi32>
            %add3A_607 = arith.addi %while3A_385, %select_n3A_606 : vector<16xi32>
            %add3A_608 = arith.constant 1 : i32
            %add3A_609 = arith.addi %while3A_377, %add3A_608 : i32
            scf.yield %add3A_609, %add3A_460, %add3A_481, %add3A_502, %add3A_523, %add3A_544, %add3A_565, %add3A_586, %add3A_607, %add3A_439 : i32, vector<16xi32>, vector<16xi32>, vector<16xi32>, vector<16xi32>, vector<16xi32>, vector<16xi32>, vector<16xi32>, vector<16xi32>, vector<16xi32>
          }
          scf.yield %while3A_376#1, %while3A_376#2, %while3A_376#3, %while3A_376#4, %while3A_376#5, %while3A_376#6, %while3A_376#7, %while3A_376#8, %while3A_376#9 : vector<16xi32>, vector<16xi32>, vector<16xi32>, vector<16xi32>, vector<16xi32>, vector<16xi32>, vector<16xi32>, vector<16xi32>, vector<16xi32>
        }
        %while3A_271 = arith.constant 0 : i32
        %while3A_272 = arith.constant 0 : i32
        %while3A_273 = arith.subi %select_n3A_259, %while3A_271 : i32
        %while3A_274 = arith.addi %while3A_271, %while3A_273 : i32
        %while3A_275 = arith.constant 1 : i32
        %while3A_276 = arith.divsi %while3A_273, %while3A_275 : i32
        %while3A_277 = arith.muli %while3A_276, %while3A_275 : i32
        %while3A_278 = arith.addi %while3A_271, %while3A_277 : i32
        %while3A_279 = arith.constant 1 : i32
        %while3A_280 = scf.for %while3A_285 = %while3A_271 to %while3A_278 step %while3A_279 iter_args(%while3A_286 = %while3A_272) -> (i32)  : i32 {
          %mul3A_287 = arith.constant 16 : i32
          %mul3A_288 = arith.muli %while3A_285, %mul3A_287 : i32
          %add3A_289 = arith.addi %sub3A_238, %mul3A_288 : i32
          %get3A_290 = arith.index_cast %add3A_289 : i32 to index
          %get3A_291 = tpu.vector_load %arg9[%get3A_290] {strides = array<i32>} : memref<6928xi32, #tpu.memory_space<vmem>>, vector<16xi32>,
          %mul3A_292 = arith.constant 16 : i32
          %mul3A_293 = arith.muli %while3A_285, %mul3A_292 : i32
          %sub3A_294 = arith.subi %min3A_237, %mul3A_293 : i32
          %lt3A = vector.broadcast %sub3A_294 : i32 to vector<16xi32>
          %lt3A_295 = arith.cmpi slt, %iota3A, %lt3A : vector<16xi32>
          %shift_right_arithmetic3A = arith.constant 4 : i32
          %shift_right_arithmetic3A_296 = vector.broadcast %shift_right_arithmetic3A : i32 to vector<16xi32>
          %shift_right_arithmetic3A_297 = arith.shrsi %get3A_291, %shift_right_arithmetic3A_296 : vector<16xi32>
          %and3A_298 = arith.constant 65535 : i32
          %and3A_299 = vector.broadcast %and3A_298 : i32 to vector<16xi32>
          %and3A_300 = arith.andi %shift_right_arithmetic3A_297, %and3A_299 : vector<16xi32>
          tpu.vector_store_idx %arg6[%and3A_300], %broadcast_in_dim3A_12 masked %lt3A_295 : memref<65536xi32, #tpu.memory_space<vmem>>[vector<16xi32>], vector<16xi32>, vector<16xi1>
          %while3A_301 = arith.constant 0 : i32
          scf.yield %while3A_301 : i32
        }
        %while3A_281 = arith.constant 1 : i32
        %while3A_282 = scf.for %while3A_285 = %while3A_278 to %while3A_274 step %while3A_281 iter_args(%while3A_286 = %while3A_280) -> (i32)  : i32 {
          %mul3A_287 = arith.constant 16 : i32
          %mul3A_288 = arith.muli %while3A_285, %mul3A_287 : i32
          %add3A_289 = arith.addi %sub3A_238, %mul3A_288 : i32
          %get3A_290 = arith.index_cast %add3A_289 : i32 to index
          %get3A_291 = tpu.vector_load %arg9[%get3A_290] {strides = array<i32>} : memref<6928xi32, #tpu.memory_space<vmem>>, vector<16xi32>,
          %mul3A_292 = arith.constant 16 : i32
          %mul3A_293 = arith.muli %while3A_285, %mul3A_292 : i32
          %sub3A_294 = arith.subi %min3A_237, %mul3A_293 : i32
          %lt3A = vector.broadcast %sub3A_294 : i32 to vector<16xi32>
          %lt3A_295 = arith.cmpi slt, %iota3A, %lt3A : vector<16xi32>
          %shift_right_arithmetic3A = arith.constant 4 : i32
          %shift_right_arithmetic3A_296 = vector.broadcast %shift_right_arithmetic3A : i32 to vector<16xi32>
          %shift_right_arithmetic3A_297 = arith.shrsi %get3A_291, %shift_right_arithmetic3A_296 : vector<16xi32>
          %and3A_298 = arith.constant 65535 : i32
          %and3A_299 = vector.broadcast %and3A_298 : i32 to vector<16xi32>
          %and3A_300 = arith.andi %shift_right_arithmetic3A_297, %and3A_299 : vector<16xi32>
          tpu.vector_store_idx %arg6[%and3A_300], %broadcast_in_dim3A_12 masked %lt3A_295 : memref<65536xi32, #tpu.memory_space<vmem>>[vector<16xi32>], vector<16xi32>, vector<16xi1>
          %while3A_301 = arith.constant 0 : i32
          scf.yield %while3A_301 : i32
        }
        %add3A_283 = arith.constant 1 : i32
        %add3A_284 = arith.addi %while3A_219, %add3A_283 : i32
        scf.yield %add3A_284, %squeeze3A_235, %while3A_270#0, %while3A_270#1, %while3A_270#2, %while3A_270#3, %while3A_270#4, %while3A_270#5, %while3A_270#6, %while3A_270#7, %while3A_270#8 : i32, i32, vector<16xi32>, vector<16xi32>, vector<16xi32>, vector<16xi32>, vector<16xi32>, vector<16xi32>, vector<16xi32>, vector<16xi32>, vector<16xi32>
      }
      %mul3A_178 = arith.constant 2 : i32
      %mul3A_179 = arith.muli %mul3A_178, %scan3A_132 : i32
      %add3A_180 = arith.constant 1 : i32
      %add3A_181 = arith.addi %mul3A_179, %add3A_180 : i32
      %mul3A_182 = arith.constant 6144 : i32
      %mul3A_183 = arith.muli %add3A_181, %mul3A_182 : i32
      %add3A_184 = arith.addi %and3A_17, %mul3A_183 : i32
      %min3A_185 = arith.constant 2097152 : i32
      %min3A_186 = arith.minsi %add3A_184, %min3A_185 : i32
      %multiple_of3A_187 = tpu.assume_multiple %min3A_186, 8 : i32
      %dma_wait3A_188 = tpu.memref_slice %arg2[%multiple_of3A_187] : memref<2105344xi32, #tpu.memory_space<hbm>> -> memref<6928xi32, #tpu.memory_space<hbm>>
      %dma_wait3A_189 = tpu.memref_slice %arg2[%multiple_of3A_187] : memref<2105344xi32, #tpu.memory_space<hbm>> -> memref<6928xi32, #tpu.memory_space<hbm>>
      tpu.wait_dma2 semaphore(%arg13 : memref<!tpu.dma_semaphore, #tpu.memory_space<semaphore_mem>>) src(%dma_wait3A_189 : memref<6928xi32, #tpu.memory_space<hbm>>) dst(%arg10 : memref<6928xi32, #tpu.memory_space<vmem>>)
      %mul3A_190 = arith.constant 2 : i32
      %mul3A_191 = arith.muli %mul3A_190, %scan3A_132 : i32
      %add3A_192 = arith.constant 2 : i32
      %add3A_193 = arith.addi %mul3A_191, %add3A_192 : i32
      %min3A_194 = arith.constant 11 : i32
      %min3A_195 = arith.minsi %add3A_193, %min3A_194 : i32
      %mul3A_196 = arith.constant 6144 : i32
      %mul3A_197 = arith.muli %min3A_195, %mul3A_196 : i32
      %add3A_198 = arith.addi %and3A_17, %mul3A_197 : i32
      %min3A_199 = arith.constant 2097152 : i32
      %min3A_200 = arith.minsi %add3A_198, %min3A_199 : i32
      %multiple_of3A_201 = tpu.assume_multiple %min3A_200, 8 : i32
      %dma_start3A_202 = tpu.memref_slice %arg2[%multiple_of3A_201] : memref<2105344xi32, #tpu.memory_space<hbm>> -> memref<6928xi32, #tpu.memory_space<hbm>>
      %dma_start3A_203 = tpu.memref_slice %arg2[%multiple_of3A_201] : memref<2105344xi32, #tpu.memory_space<hbm>> -> memref<6928xi32, #tpu.memory_space<hbm>>
      tpu.enqueue_dma source(%dma_start3A_203 : memref<6928xi32, #tpu.memory_space<hbm>>) target(%arg9 : memref<6928xi32, #tpu.memory_space<vmem>>) target_semaphore(%arg12 : memref<!tpu.dma_semaphore, #tpu.memory_space<semaphore_mem>>)
      %mul3A_204 = arith.constant 2 : i32
      %mul3A_205 = arith.muli %mul3A_204, %scan3A_132 : i32
      %add3A_206 = arith.constant 1 : i32
      %add3A_207 = arith.addi %mul3A_205, %add3A_206 : i32
      %mul3A_208 = arith.constant 6144 : i32
      %mul3A_209 = arith.muli %add3A_207, %mul3A_208 : i32
      %add3A_210 = arith.addi %and3A_17, %mul3A_209 : i32
      %min3A_211 = arith.constant 2097152 : i32
      %min3A_212 = arith.minsi %add3A_210, %min3A_211 : i32
      %add3A_213 = arith.constant 1 : i32
      %add3A_214 = arith.addi %add3A_207, %add3A_213 : i32
      %mul3A_215 = arith.constant 6144 : i32
      %mul3A_216 = arith.muli %add3A_214, %mul3A_215 : i32
      %add3A_217 = arith.addi %squeeze3A_16, %mul3A_216 : i32
      %while3A_218:11 = scf.while (%while3A_219 = %while3A#0, %while3A_220 = %while3A#1, %while3A_221 = %while3A#2, %while3A_222 = %while3A#3, %while3A_223 = %while3A#4, %while3A_224 = %while3A#5, %while3A_225 = %while3A#6, %while3A_226 = %while3A#7, %while3A_227 = %while3A#8, %while3A_228 = %while3A#9, %while3A_229 = %while3A#10) : (i32, i32, vector<16xi32>, vector<16xi32>, vector<16xi32>, vector<16xi32>, vector<16xi32>, vector<16xi32>, vector<16xi32>, vector<16xi32>, vector<16xi32>) -> (i32, i32, vector<16xi32>, vector<16xi32>, vector<16xi32>, vector<16xi32>, vector<16xi32>, vector<16xi32>, vector<16xi32>, vector<16xi32>, vector<16xi32>) {
        %lt3A = arith.constant 512 : i32
        %lt3A_230 = arith.cmpi slt, %while3A_219, %lt3A : i32
        %lt3A_231 = arith.cmpi slt, %while3A_220, %add3A_217 : i32
        %and3A_232 = arith.andi %lt3A_230, %lt3A_231 : i1
        scf.condition(%and3A_232) %while3A_219, %while3A_220, %while3A_221, %while3A_222, %while3A_223, %while3A_224, %while3A_225, %while3A_226, %while3A_227, %while3A_228, %while3A_229 : i32, i32, vector<16xi32>, vector<16xi32>, vector<16xi32>, vector<16xi32>, vector<16xi32>, vector<16xi32>, vector<16xi32>, vector<16xi32>, vector<16xi32>
      } do {
      ^bb0(%while3A_219: i32, %while3A_220: i32, %while3A_221: vector<16xi32>, %while3A_222: vector<16xi32>, %while3A_223: vector<16xi32>, %while3A_224: vector<16xi32>, %while3A_225: vector<16xi32>, %while3A_226: vector<16xi32>, %while3A_227: vector<16xi32>, %while3A_228: vector<16xi32>, %while3A_229: vector<16xi32>):
        %add3A_230 = arith.constant 1 : i32
        %add3A_231 = arith.addi %while3A_219, %add3A_230 : i32
        %get3A_232 = arith.index_cast %add3A_231 : i32 to index
        %get3A_233 = tpu.vector_load %arg7[%get3A_232] {strides = array<i32>} : memref<528xi32, #tpu.memory_space<vmem>>, vector<16xi32>,
        %slice3A_234 = vector.extract_strided_slice %get3A_233 {offsets = [0], sizes = [1], strides = [1]} : vector<16xi32> to vector<1xi32>
        %squeeze3A_235 = vector.extract %slice3A_234[0] : i32 from vector<1xi32>
        %sub3A = arith.subi %squeeze3A_235, %while3A_220 : i32
        %min3A_236 = arith.constant 768 : i32
        %min3A_237 = arith.minsi %sub3A, %min3A_236 : i32
        %sub3A_238 = arith.subi %while3A_220, %min3A_212 : i32
        %add3A_239 = arith.constant 15 : i32
        %add3A_240 = arith.addi %min3A_237, %add3A_239 : i32
        %jit3A = arith.constant 16 : i32
        %div3A = arith.divsi %add3A_240, %jit3A : i32
        %sign3A = arith.constant 0 : i32
        %sign3A_241 = arith.cmpi sgt, %add3A_240, %sign3A : i32
        %sign3A_242 = arith.extui %sign3A_241 : i1 to i32
        %sign3A_243 = arith.constant 0 : i32
        %sign3A_244 = arith.cmpi slt, %add3A_240, %sign3A_243 : i32
        %sign3A_245 = arith.extui %sign3A_244 : i1 to i32
        %sign3A_246 = arith.subi %sign3A_242, %sign3A_245 : i32
        %sign3A_247 = arith.constant 0 : i32
        %sign3A_248 = arith.cmpi sgt, %jit3A, %sign3A_247 : i32
        %sign3A_249 = arith.extui %sign3A_248 : i1 to i32
        %sign3A_250 = arith.constant 0 : i32
        %sign3A_251 = arith.cmpi slt, %jit3A, %sign3A_250 : i32
        %sign3A_252 = arith.extui %sign3A_251 : i1 to i32
        %sign3A_253 = arith.subi %sign3A_249, %sign3A_252 : i32
        %ne3A = arith.cmpi ne, %sign3A_246, %sign3A_253 : i32
        %rem3A = arith.remsi %add3A_240, %jit3A : i32
        %ne3A_254 = arith.constant 0 : i32
        %ne3A_255 = arith.cmpi ne, %rem3A, %ne3A_254 : i32
        %and3A_256 = arith.andi %ne3A, %ne3A_255 : i1
        %sub3A_257 = arith.constant 1 : i32
        %sub3A_258 = arith.subi %div3A, %sub3A_257 : i32
        %select_n3A_259 = arith.select %and3A_256, %sub3A_258, %div3A : i32
        %while3A_260 = arith.constant 0 : i32
        %while3A_261 = arith.subi %select_n3A_259, %while3A_260 : i32
        %while3A_262 = arith.addi %while3A_260, %while3A_261 : i32
        %while3A_263 = arith.constant 1 : i32
        %while3A_264 = arith.divsi %while3A_261, %while3A_263 : i32
        %while3A_265 = arith.muli %while3A_264, %while3A_263 : i32
        %while3A_266 = arith.addi %while3A_260, %while3A_265 : i32
        %while3A_267 = arith.constant 1 : i32
        %while3A_268:9 = scf.for %while3A_285 = %while3A_260 to %while3A_266 step %while3A_267 iter_args(%while3A_286 = %while3A_221, %while3A_287 = %while3A_222, %while3A_288 = %while3A_223, %while3A_289 = %while3A_224, %while3A_290 = %while3A_225, %while3A_291 = %while3A_226, %while3A_292 = %while3A_227, %while3A_293 = %while3A_228, %while3A_294 = %while3A_229) -> (vector<16xi32>, vector<16xi32>, vector<16xi32>, vector<16xi32>, vector<16xi32>, vector<16xi32>, vector<16xi32>, vector<16xi32>, vector<16xi32>)  : i32 {
          %mul3A_295 = arith.constant 16 : i32
          %mul3A_296 = arith.muli %while3A_285, %mul3A_295 : i32
          %add3A_297 = arith.addi %sub3A_238, %mul3A_296 : i32
          %get3A_298 = arith.index_cast %add3A_297 : i32 to index
          %get3A_299 = tpu.vector_load %arg10[%get3A_298] {strides = array<i32>} : memref<6928xi32, #tpu.memory_space<vmem>>, vector<16xi32>,
          %mul3A_300 = arith.constant 16 : i32
          %mul3A_301 = arith.muli %while3A_285, %mul3A_300 : i32
          %sub3A_302 = arith.subi %min3A_237, %mul3A_301 : i32
          %lt3A = vector.broadcast %sub3A_302 : i32 to vector<16xi32>
          %lt3A_303 = arith.cmpi slt, %iota3A, %lt3A : vector<16xi32>
          %shift_right_arithmetic3A = arith.constant 4 : i32
          %shift_right_arithmetic3A_304 = vector.broadcast %shift_right_arithmetic3A : i32 to vector<16xi32>
          %shift_right_arithmetic3A_305 = arith.shrsi %get3A_299, %shift_right_arithmetic3A_304 : vector<16xi32>
          %and3A_306 = arith.constant 65535 : i32
          %and3A_307 = vector.broadcast %and3A_306 : i32 to vector<16xi32>
          %and3A_308 = arith.andi %shift_right_arithmetic3A_305, %and3A_307 : vector<16xi32>
          %add3A_309 = arith.constant 65536 : i32
          %add3A_310 = vector.broadcast %add3A_309 : i32 to vector<16xi32>
          %add3A_311 = arith.addi %add3A_310, %iota3A : vector<16xi32>
          %select_n3A_312 = arith.select %lt3A_303, %and3A_308, %add3A_311 : vector<16xi1>, vector<16xi32>
          %masked_sort3A = arith.constant dense<true> : vector<16xi1>
          %masked_sort3A_313 = arith.constant -2147483648 : i32
          %masked_sort3A_314 = vector.broadcast %masked_sort3A_313 : i32 to vector<16xi32>
          %masked_sort3A_315 = arith.xori %select_n3A_312, %masked_sort3A_314 : vector<16xi32>
          %masked_sort3A_316, %masked_sort3A_317, %masked_sort3A_318 = tpu.sort %masked_sort3A_315, %get3A_299 masked %masked_sort3A : (vector<16xi32>, vector<16xi32>, vector<16xi1>) -> (vector<16xi1>, vector<16xi32>, vector<16xi32>)
          %masked_sort3A_319 = arith.xori %masked_sort3A_317, %masked_sort3A_314 : vector<16xi32>
          %lt3A_320 = arith.constant 65536 : i32
          %lt3A_321 = vector.broadcast %lt3A_320 : i32 to vector<16xi32>
          %lt3A_322 = arith.cmpi slt, %masked_sort3A_319, %lt3A_321 : vector<16xi32>
          %iota3A_323 = tpu.iota {dimensions = array<i32: 0>} : vector<16xi32>
          %sub3A_324 = arith.constant 1 : i32
          %sub3A_325 = vector.broadcast %sub3A_324 : i32 to vector<16xi32>
          %sub3A_326 = arith.subi %iota3A_323, %sub3A_325 : vector<16xi32>
          %max3A = arith.constant 0 : i32
          %max3A_327 = vector.broadcast %max3A : i32 to vector<16xi32>
          %max3A_328 = arith.maxsi %sub3A_326, %max3A_327 : vector<16xi32>
          %broadcast_in_dim3A_329 = vector.shape_cast %max3A_328 : vector<16xi32> to vector<16x1xi32>
          %gather3A = vector.shape_cast %broadcast_in_dim3A_329 : vector<16x1xi32> to vector<16xi32>
          %gather3A_330 = tpu.dynamic_gather %masked_sort3A_319[%gather3A] in [0] : vector<16xi32>, vector<16xi32> -> vector<16xi32>
          %add3A_331 = arith.constant 1 : i32
          %add3A_332 = vector.broadcast %add3A_331 : i32 to vector<16xi32>
          %add3A_333 = arith.addi %iota3A_323, %add3A_332 : vector<16xi32>
          %min3A_334 = arith.constant 15 : i32
          %min3A_335 = vector.broadcast %min3A_334 : i32 to vector<16xi32>
          %min3A_336 = arith.minsi %add3A_333, %min3A_335 : vector<16xi32>
          %broadcast_in_dim3A_337 = vector.shape_cast %min3A_336 : vector<16xi32> to vector<16x1xi32>
          %gather3A_338 = vector.shape_cast %broadcast_in_dim3A_337 : vector<16x1xi32> to vector<16xi32>
          %gather3A_339 = tpu.dynamic_gather %masked_sort3A_319[%gather3A_338] in [0] : vector<16xi32>, vector<16xi32> -> vector<16xi32>
          %eq3A_340 = arith.constant 0 : i32
          %eq3A_341 = vector.broadcast %eq3A_340 : i32 to vector<16xi32>
          %eq3A_342 = arith.cmpi eq, %iota3A_323, %eq3A_341 : vector<16xi32>
          %ne3A_343 = arith.cmpi ne, %masked_sort3A_319, %gather3A_330 : vector<16xi32>
          %or3A = arith.ori %eq3A_342, %ne3A_343 : vector<16xi1>
          %eq3A_344 = arith.constant 15 : i32
          %eq3A_345 = vector.broadcast %eq3A_344 : i32 to vector<16xi32>
          %eq3A_346 = arith.cmpi eq, %iota3A_323, %eq3A_345 : vector<16xi32>
          %ne3A_347 = arith.cmpi ne, %masked_sort3A_319, %gather3A_339 : vector<16xi32>
          %or3A_348 = arith.ori %eq3A_346, %ne3A_347 : vector<16xi1>
          %jit3A_349 = arith.constant 0 : i32
          %broadcast_in_dim3A_350 = vector.broadcast %jit3A_349 : i32 to vector<16xi32>
          %select_n3A_351 = arith.select %or3A, %iota3A_323, %broadcast_in_dim3A_350 : vector<16xi1>, vector<16xi32>
          %broadcast_in_dim3A_352 = arith.constant true
          %broadcast_in_dim3A_353 = vector.broadcast %broadcast_in_dim3A_352 : i1 to vector<16xi1>
          %masked_cummax3A = arith.constant -2147483648 : i32
          %masked_cummax3A_354 = vector.broadcast %masked_cummax3A : i32 to vector<16xi32>
          %masked_cummax3A_355 = arith.xori %select_n3A_351, %masked_cummax3A_354 : vector<16xi32>
          %masked_cummax3A_356 = tpu.scan <max>, %masked_cummax3A_355 masked %broadcast_in_dim3A_353 : vector<16xi32>, vector<16xi1> -> vector<16xi32>
          %masked_cummax3A_357 = arith.xori %masked_cummax3A_356, %masked_cummax3A_354 : vector<16xi32>
          %sub3A_358 = arith.subi %iota3A_323, %masked_cummax3A_357 : vector<16xi32>
          %add3A_359 = arith.constant 1 : i32
          %add3A_360 = vector.broadcast %add3A_359 : i32 to vector<16xi32>
          %add3A_361 = arith.addi %sub3A_358, %add3A_360 : vector<16xi32>
          %jit3A_362 = arith.constant 0 : i32
          %broadcast_in_dim3A_363 = vector.broadcast %jit3A_362 : i32 to vector<16xi32>
          %select_n3A_364 = arith.select %lt3A_322, %sub3A_358, %broadcast_in_dim3A_363 : vector<16xi1>, vector<16xi32>
          %reduce_max3A = arith.constant true
          %reduce_max3A_365 = vector.broadcast %reduce_max3A : i1 to vector<16xi1>
          %reduce_max3A_366 = arith.constant -2147483648 : i32
          %reduce_max3A_367 = vector.broadcast %reduce_max3A_366 : i32 to vector<16xi32>
          %reduce_max3A_368 = arith.xori %select_n3A_364, %reduce_max3A_367 : vector<16xi32>
          %reduce_max3A_369 = tpu.scan <max>, %reduce_max3A_368 masked %reduce_max3A_365 : vector<16xi32>, vector<16xi1> -> vector<16xi32>
          %reduce_max3A_370 = arith.xori %reduce_max3A_369, %reduce_max3A_367 : vector<16xi32>
          %reduce_max3A_371 = vector.extract %reduce_max3A_370[15] : i32 from vector<16xi32>
          %and3A_372 = arith.constant 15 : i32
          %and3A_373 = vector.broadcast %and3A_372 : i32 to vector<16xi32>
          %and3A_374 = arith.andi %masked_sort3A_318, %and3A_373 : vector<16xi32>
          %while3A_375 = arith.constant 0 : i32
          %while3A_376:10 = scf.while (%while3A_377 = %while3A_375, %while3A_378 = %while3A_286, %while3A_379 = %while3A_287, %while3A_380 = %while3A_288, %while3A_381 = %while3A_289, %while3A_382 = %while3A_290, %while3A_383 = %while3A_291, %while3A_384 = %while3A_292, %while3A_385 = %while3A_293, %while3A_386 = %while3A_294) : (i32, vector<16xi32>, vector<16xi32>, vector<16xi32>, vector<16xi32>, vector<16xi32>, vector<16xi32>, vector<16xi32>, vector<16xi32>, vector<16xi32>) -> (i32, vector<16xi32>, vector<16xi32>, vector<16xi32>, vector<16xi32>, vector<16xi32>, vector<16xi32>, vector<16xi32>, vector<16xi32>, vector<16xi32>) {
            %le3A = arith.cmpi sle, %while3A_377, %reduce_max3A_371 : i32
            scf.condition(%le3A) %while3A_377, %while3A_378, %while3A_379, %while3A_380, %while3A_381, %while3A_382, %while3A_383, %while3A_384, %while3A_385, %while3A_386 : i32, vector<16xi32>, vector<16xi32>, vector<16xi32>, vector<16xi32>, vector<16xi32>, vector<16xi32>, vector<16xi32>, vector<16xi32>, vector<16xi32>
          } do {
          ^bb0(%while3A_377: i32, %while3A_378: vector<16xi32>, %while3A_379: vector<16xi32>, %while3A_380: vector<16xi32>, %while3A_381: vector<16xi32>, %while3A_382: vector<16xi32>, %while3A_383: vector<16xi32>, %while3A_384: vector<16xi32>, %while3A_385: vector<16xi32>, %while3A_386: vector<16xi32>):
            %eq3A_387 = vector.broadcast %while3A_377 : i32 to vector<16xi32>
            %eq3A_388 = arith.cmpi eq, %sub3A_358, %eq3A_387 : vector<16xi32>
            %and3A_389 = arith.andi %lt3A_322, %eq3A_388 : vector<16xi1>
            %gather3A_390 = tpu.vector_load_idx %arg6[%masked_sort3A_319] masked %and3A_389 : memref<65536xi32, #tpu.memory_space<vmem>>[vector<16xi32>], vector<16xi32>, vector<16xi1>
            %and3A_391 = arith.constant 65535 : i32
            %and3A_392 = vector.broadcast %and3A_391 : i32 to vector<16xi32>
            %and3A_393 = arith.andi %gather3A_390, %and3A_392 : vector<16xi32>
            %shift_right_arithmetic3A_394 = arith.constant 16 : i32
            %shift_right_arithmetic3A_395 = vector.broadcast %shift_right_arithmetic3A_394 : i32 to vector<16xi32>
            %shift_right_arithmetic3A_396 = arith.shrsi %gather3A_390, %shift_right_arithmetic3A_395 : vector<16xi32>
            %and3A_397 = arith.constant 511 : i32
            %and3A_398 = vector.broadcast %and3A_397 : i32 to vector<16xi32>
            %and3A_399 = arith.andi %shift_right_arithmetic3A_396, %and3A_398 : vector<16xi32>
            %shift_left3A = arith.constant 1 : i32
            %shift_left3A_400 = vector.broadcast %shift_left3A : i32 to vector<16xi32>
            %shift_left3A_401 = arith.shli %shift_left3A_400, %and3A_374 : vector<16xi32>
            %or3A_402 = arith.ori %and3A_399, %shift_left3A_401 : vector<16xi32>
            %add3A_403 = arith.constant 1 : i32
            %add3A_404 = vector.broadcast %add3A_403 : i32 to vector<16xi32>
            %add3A_405 = arith.addi %and3A_393, %add3A_404 : vector<16xi32>
            %shift_left3A_406 = arith.constant 16 : i32
            %shift_left3A_407 = vector.broadcast %shift_left3A_406 : i32 to vector<16xi32>
            %shift_left3A_408 = arith.shli %or3A_402, %shift_left3A_407 : vector<16xi32>
            %or3A_409 = arith.ori %shift_left3A_408, %add3A_405 : vector<16xi32>
            tpu.vector_store_idx %arg6[%masked_sort3A_319], %or3A_409 masked %and3A_389 : memref<65536xi32, #tpu.memory_space<vmem>>[vector<16xi32>], vector<16xi32>, vector<16xi1>
            %eq3A_410 = arith.constant 0 : i32
            %eq3A_411 = vector.broadcast %eq3A_410 : i32 to vector<16xi32>
            %eq3A_412 = arith.cmpi eq, %and3A_393, %eq3A_411 : vector<16xi32>
            %not3A = arith.constant dense<true> : vector<16xi1>
            %not3A_413 = arith.xori %eq3A_412, %not3A : vector<16xi1>
            %and3A_414 = vector.broadcast %squeeze3A : i32 to vector<16xi32>
            %and3A_415 = arith.andi %and3A_399, %and3A_414 : vector<16xi32>
            %eq3A_416 = arith.constant 0 : i32
            %eq3A_417 = vector.broadcast %eq3A_416 : i32 to vector<16xi32>
            %eq3A_418 = arith.cmpi eq, %and3A_415, %eq3A_417 : vector<16xi32>
            %and3A_419 = arith.andi %not3A_413, %eq3A_418 : vector<16xi1>
            %jit3A_420 = arith.constant 1 : i32
            %jit3A_421 = arith.constant 0 : i32
            %broadcast_in_dim3A_422 = vector.broadcast %jit3A_420 : i32 to vector<16xi32>
            %broadcast_in_dim3A_423 = vector.broadcast %jit3A_421 : i32 to vector<16xi32>
            %select_n3A_424 = arith.select %and3A_419, %broadcast_in_dim3A_422, %broadcast_in_dim3A_423 : vector<16xi1>, vector<16xi32>
            %and3A_425 = vector.broadcast %squeeze3A : i32 to vector<16xi32>
            %and3A_426 = arith.andi %or3A_402, %and3A_425 : vector<16xi32>
            %eq3A_427 = arith.constant 0 : i32
            %eq3A_428 = vector.broadcast %eq3A_427 : i32 to vector<16xi32>
            %eq3A_429 = arith.cmpi eq, %and3A_426, %eq3A_428 : vector<16xi32>
            %jit3A_430 = arith.constant 1 : i32
            %jit3A_431 = arith.constant 0 : i32
            %broadcast_in_dim3A_432 = vector.broadcast %jit3A_430 : i32 to vector<16xi32>
            %broadcast_in_dim3A_433 = vector.broadcast %jit3A_431 : i32 to vector<16xi32>
            %select_n3A_434 = arith.select %eq3A_429, %broadcast_in_dim3A_432, %broadcast_in_dim3A_433 : vector<16xi1>, vector<16xi32>
            %sub3A_435 = arith.subi %select_n3A_434, %select_n3A_424 : vector<16xi32>
            %jit3A_436 = arith.constant 0 : i32
            %broadcast_in_dim3A_437 = vector.broadcast %jit3A_436 : i32 to vector<16xi32>
            %select_n3A_438 = arith.select %and3A_389, %sub3A_435, %broadcast_in_dim3A_437 : vector<16xi1>, vector<16xi32>
            %add3A_439 = arith.addi %while3A_386, %select_n3A_438 : vector<16xi32>
            %shift_right_arithmetic3A_440 = arith.constant 1 : i32
            %shift_right_arithmetic3A_441 = vector.broadcast %shift_right_arithmetic3A_440 : i32 to vector<16xi32>
            %shift_right_arithmetic3A_442 = arith.shrsi %and3A_399, %shift_right_arithmetic3A_441 : vector<16xi32>
            %and3A_443 = arith.constant 1 : i32
            %and3A_444 = vector.broadcast %and3A_443 : i32 to vector<16xi32>
            %and3A_445 = arith.andi %shift_right_arithmetic3A_442, %and3A_444 : vector<16xi32>
            %eq3A_446 = arith.constant 1 : i32
            %eq3A_447 = vector.broadcast %eq3A_446 : i32 to vector<16xi32>
            %eq3A_448 = arith.cmpi eq, %and3A_374, %eq3A_447 : vector<16xi32>
            %eq3A_449 = arith.constant 0 : i32
            %eq3A_450 = vector.broadcast %eq3A_449 : i32 to vector<16xi32>
            %eq3A_451 = arith.cmpi eq, %and3A_445, %eq3A_450 : vector<16xi32>
            %and3A_452 = arith.andi %eq3A_448, %eq3A_451 : vector<16xi1>
            %jit3A_453 = arith.constant 0 : i32
            %broadcast_in_dim3A_454 = vector.broadcast %jit3A_453 : i32 to vector<16xi32>
            %select_n3A_455 = arith.select %and3A_452, %add3A_405, %broadcast_in_dim3A_454 : vector<16xi1>, vector<16xi32>
            %add3A_456 = arith.addi %and3A_445, %select_n3A_455 : vector<16xi32>
            %jit3A_457 = arith.constant 0 : i32
            %broadcast_in_dim3A_458 = vector.broadcast %jit3A_457 : i32 to vector<16xi32>
            %select_n3A_459 = arith.select %and3A_389, %add3A_456, %broadcast_in_dim3A_458 : vector<16xi1>, vector<16xi32>
            %add3A_460 = arith.addi %while3A_378, %select_n3A_459 : vector<16xi32>
            %shift_right_arithmetic3A_461 = arith.constant 2 : i32
            %shift_right_arithmetic3A_462 = vector.broadcast %shift_right_arithmetic3A_461 : i32 to vector<16xi32>
            %shift_right_arithmetic3A_463 = arith.shrsi %and3A_399, %shift_right_arithmetic3A_462 : vector<16xi32>
            %and3A_464 = arith.constant 1 : i32
            %and3A_465 = vector.broadcast %and3A_464 : i32 to vector<16xi32>
            %and3A_466 = arith.andi %shift_right_arithmetic3A_463, %and3A_465 : vector<16xi32>
            %eq3A_467 = arith.constant 2 : i32
            %eq3A_468 = vector.broadcast %eq3A_467 : i32 to vector<16xi32>
            %eq3A_469 = arith.cmpi eq, %and3A_374, %eq3A_468 : vector<16xi32>
            %eq3A_470 = arith.constant 0 : i32
            %eq3A_471 = vector.broadcast %eq3A_470 : i32 to vector<16xi32>
            %eq3A_472 = arith.cmpi eq, %and3A_466, %eq3A_471 : vector<16xi32>
            %and3A_473 = arith.andi %eq3A_469, %eq3A_472 : vector<16xi1>
            %jit3A_474 = arith.constant 0 : i32
            %broadcast_in_dim3A_475 = vector.broadcast %jit3A_474 : i32 to vector<16xi32>
            %select_n3A_476 = arith.select %and3A_473, %add3A_405, %broadcast_in_dim3A_475 : vector<16xi1>, vector<16xi32>
            %add3A_477 = arith.addi %and3A_466, %select_n3A_476 : vector<16xi32>
            %jit3A_478 = arith.constant 0 : i32
            %broadcast_in_dim3A_479 = vector.broadcast %jit3A_478 : i32 to vector<16xi32>
            %select_n3A_480 = arith.select %and3A_389, %add3A_477, %broadcast_in_dim3A_479 : vector<16xi1>, vector<16xi32>
            %add3A_481 = arith.addi %while3A_379, %select_n3A_480 : vector<16xi32>
            %shift_right_arithmetic3A_482 = arith.constant 3 : i32
            %shift_right_arithmetic3A_483 = vector.broadcast %shift_right_arithmetic3A_482 : i32 to vector<16xi32>
            %shift_right_arithmetic3A_484 = arith.shrsi %and3A_399, %shift_right_arithmetic3A_483 : vector<16xi32>
            %and3A_485 = arith.constant 1 : i32
            %and3A_486 = vector.broadcast %and3A_485 : i32 to vector<16xi32>
            %and3A_487 = arith.andi %shift_right_arithmetic3A_484, %and3A_486 : vector<16xi32>
            %eq3A_488 = arith.constant 3 : i32
            %eq3A_489 = vector.broadcast %eq3A_488 : i32 to vector<16xi32>
            %eq3A_490 = arith.cmpi eq, %and3A_374, %eq3A_489 : vector<16xi32>
            %eq3A_491 = arith.constant 0 : i32
            %eq3A_492 = vector.broadcast %eq3A_491 : i32 to vector<16xi32>
            %eq3A_493 = arith.cmpi eq, %and3A_487, %eq3A_492 : vector<16xi32>
            %and3A_494 = arith.andi %eq3A_490, %eq3A_493 : vector<16xi1>
            %jit3A_495 = arith.constant 0 : i32
            %broadcast_in_dim3A_496 = vector.broadcast %jit3A_495 : i32 to vector<16xi32>
            %select_n3A_497 = arith.select %and3A_494, %add3A_405, %broadcast_in_dim3A_496 : vector<16xi1>, vector<16xi32>
            %add3A_498 = arith.addi %and3A_487, %select_n3A_497 : vector<16xi32>
            %jit3A_499 = arith.constant 0 : i32
            %broadcast_in_dim3A_500 = vector.broadcast %jit3A_499 : i32 to vector<16xi32>
            %select_n3A_501 = arith.select %and3A_389, %add3A_498, %broadcast_in_dim3A_500 : vector<16xi1>, vector<16xi32>
            %add3A_502 = arith.addi %while3A_380, %select_n3A_501 : vector<16xi32>
            %shift_right_arithmetic3A_503 = arith.constant 4 : i32
            %shift_right_arithmetic3A_504 = vector.broadcast %shift_right_arithmetic3A_503 : i32 to vector<16xi32>
            %shift_right_arithmetic3A_505 = arith.shrsi %and3A_399, %shift_right_arithmetic3A_504 : vector<16xi32>
            %and3A_506 = arith.constant 1 : i32
            %and3A_507 = vector.broadcast %and3A_506 : i32 to vector<16xi32>
            %and3A_508 = arith.andi %shift_right_arithmetic3A_505, %and3A_507 : vector<16xi32>
            %eq3A_509 = arith.constant 4 : i32
            %eq3A_510 = vector.broadcast %eq3A_509 : i32 to vector<16xi32>
            %eq3A_511 = arith.cmpi eq, %and3A_374, %eq3A_510 : vector<16xi32>
            %eq3A_512 = arith.constant 0 : i32
            %eq3A_513 = vector.broadcast %eq3A_512 : i32 to vector<16xi32>
            %eq3A_514 = arith.cmpi eq, %and3A_508, %eq3A_513 : vector<16xi32>
            %and3A_515 = arith.andi %eq3A_511, %eq3A_514 : vector<16xi1>
            %jit3A_516 = arith.constant 0 : i32
            %broadcast_in_dim3A_517 = vector.broadcast %jit3A_516 : i32 to vector<16xi32>
            %select_n3A_518 = arith.select %and3A_515, %add3A_405, %broadcast_in_dim3A_517 : vector<16xi1>, vector<16xi32>
            %add3A_519 = arith.addi %and3A_508, %select_n3A_518 : vector<16xi32>
            %jit3A_520 = arith.constant 0 : i32
            %broadcast_in_dim3A_521 = vector.broadcast %jit3A_520 : i32 to vector<16xi32>
            %select_n3A_522 = arith.select %and3A_389, %add3A_519, %broadcast_in_dim3A_521 : vector<16xi1>, vector<16xi32>
            %add3A_523 = arith.addi %while3A_381, %select_n3A_522 : vector<16xi32>
            %shift_right_arithmetic3A_524 = arith.constant 5 : i32
            %shift_right_arithmetic3A_525 = vector.broadcast %shift_right_arithmetic3A_524 : i32 to vector<16xi32>
            %shift_right_arithmetic3A_526 = arith.shrsi %and3A_399, %shift_right_arithmetic3A_525 : vector<16xi32>
            %and3A_527 = arith.constant 1 : i32
            %and3A_528 = vector.broadcast %and3A_527 : i32 to vector<16xi32>
            %and3A_529 = arith.andi %shift_right_arithmetic3A_526, %and3A_528 : vector<16xi32>
            %eq3A_530 = arith.constant 5 : i32
            %eq3A_531 = vector.broadcast %eq3A_530 : i32 to vector<16xi32>
            %eq3A_532 = arith.cmpi eq, %and3A_374, %eq3A_531 : vector<16xi32>
            %eq3A_533 = arith.constant 0 : i32
            %eq3A_534 = vector.broadcast %eq3A_533 : i32 to vector<16xi32>
            %eq3A_535 = arith.cmpi eq, %and3A_529, %eq3A_534 : vector<16xi32>
            %and3A_536 = arith.andi %eq3A_532, %eq3A_535 : vector<16xi1>
            %jit3A_537 = arith.constant 0 : i32
            %broadcast_in_dim3A_538 = vector.broadcast %jit3A_537 : i32 to vector<16xi32>
            %select_n3A_539 = arith.select %and3A_536, %add3A_405, %broadcast_in_dim3A_538 : vector<16xi1>, vector<16xi32>
            %add3A_540 = arith.addi %and3A_529, %select_n3A_539 : vector<16xi32>
            %jit3A_541 = arith.constant 0 : i32
            %broadcast_in_dim3A_542 = vector.broadcast %jit3A_541 : i32 to vector<16xi32>
            %select_n3A_543 = arith.select %and3A_389, %add3A_540, %broadcast_in_dim3A_542 : vector<16xi1>, vector<16xi32>
            %add3A_544 = arith.addi %while3A_382, %select_n3A_543 : vector<16xi32>
            %shift_right_arithmetic3A_545 = arith.constant 6 : i32
            %shift_right_arithmetic3A_546 = vector.broadcast %shift_right_arithmetic3A_545 : i32 to vector<16xi32>
            %shift_right_arithmetic3A_547 = arith.shrsi %and3A_399, %shift_right_arithmetic3A_546 : vector<16xi32>
            %and3A_548 = arith.constant 1 : i32
            %and3A_549 = vector.broadcast %and3A_548 : i32 to vector<16xi32>
            %and3A_550 = arith.andi %shift_right_arithmetic3A_547, %and3A_549 : vector<16xi32>
            %eq3A_551 = arith.constant 6 : i32
            %eq3A_552 = vector.broadcast %eq3A_551 : i32 to vector<16xi32>
            %eq3A_553 = arith.cmpi eq, %and3A_374, %eq3A_552 : vector<16xi32>
            %eq3A_554 = arith.constant 0 : i32
            %eq3A_555 = vector.broadcast %eq3A_554 : i32 to vector<16xi32>
            %eq3A_556 = arith.cmpi eq, %and3A_550, %eq3A_555 : vector<16xi32>
            %and3A_557 = arith.andi %eq3A_553, %eq3A_556 : vector<16xi1>
            %jit3A_558 = arith.constant 0 : i32
            %broadcast_in_dim3A_559 = vector.broadcast %jit3A_558 : i32 to vector<16xi32>
            %select_n3A_560 = arith.select %and3A_557, %add3A_405, %broadcast_in_dim3A_559 : vector<16xi1>, vector<16xi32>
            %add3A_561 = arith.addi %and3A_550, %select_n3A_560 : vector<16xi32>
            %jit3A_562 = arith.constant 0 : i32
            %broadcast_in_dim3A_563 = vector.broadcast %jit3A_562 : i32 to vector<16xi32>
            %select_n3A_564 = arith.select %and3A_389, %add3A_561, %broadcast_in_dim3A_563 : vector<16xi1>, vector<16xi32>
            %add3A_565 = arith.addi %while3A_383, %select_n3A_564 : vector<16xi32>
            %shift_right_arithmetic3A_566 = arith.constant 7 : i32
            %shift_right_arithmetic3A_567 = vector.broadcast %shift_right_arithmetic3A_566 : i32 to vector<16xi32>
            %shift_right_arithmetic3A_568 = arith.shrsi %and3A_399, %shift_right_arithmetic3A_567 : vector<16xi32>
            %and3A_569 = arith.constant 1 : i32
            %and3A_570 = vector.broadcast %and3A_569 : i32 to vector<16xi32>
            %and3A_571 = arith.andi %shift_right_arithmetic3A_568, %and3A_570 : vector<16xi32>
            %eq3A_572 = arith.constant 7 : i32
            %eq3A_573 = vector.broadcast %eq3A_572 : i32 to vector<16xi32>
            %eq3A_574 = arith.cmpi eq, %and3A_374, %eq3A_573 : vector<16xi32>
            %eq3A_575 = arith.constant 0 : i32
            %eq3A_576 = vector.broadcast %eq3A_575 : i32 to vector<16xi32>
            %eq3A_577 = arith.cmpi eq, %and3A_571, %eq3A_576 : vector<16xi32>
            %and3A_578 = arith.andi %eq3A_574, %eq3A_577 : vector<16xi1>
            %jit3A_579 = arith.constant 0 : i32
            %broadcast_in_dim3A_580 = vector.broadcast %jit3A_579 : i32 to vector<16xi32>
            %select_n3A_581 = arith.select %and3A_578, %add3A_405, %broadcast_in_dim3A_580 : vector<16xi1>, vector<16xi32>
            %add3A_582 = arith.addi %and3A_571, %select_n3A_581 : vector<16xi32>
            %jit3A_583 = arith.constant 0 : i32
            %broadcast_in_dim3A_584 = vector.broadcast %jit3A_583 : i32 to vector<16xi32>
            %select_n3A_585 = arith.select %and3A_389, %add3A_582, %broadcast_in_dim3A_584 : vector<16xi1>, vector<16xi32>
            %add3A_586 = arith.addi %while3A_384, %select_n3A_585 : vector<16xi32>
            %shift_right_arithmetic3A_587 = arith.constant 8 : i32
            %shift_right_arithmetic3A_588 = vector.broadcast %shift_right_arithmetic3A_587 : i32 to vector<16xi32>
            %shift_right_arithmetic3A_589 = arith.shrsi %and3A_399, %shift_right_arithmetic3A_588 : vector<16xi32>
            %and3A_590 = arith.constant 1 : i32
            %and3A_591 = vector.broadcast %and3A_590 : i32 to vector<16xi32>
            %and3A_592 = arith.andi %shift_right_arithmetic3A_589, %and3A_591 : vector<16xi32>
            %eq3A_593 = arith.constant 8 : i32
            %eq3A_594 = vector.broadcast %eq3A_593 : i32 to vector<16xi32>
            %eq3A_595 = arith.cmpi eq, %and3A_374, %eq3A_594 : vector<16xi32>
            %eq3A_596 = arith.constant 0 : i32
            %eq3A_597 = vector.broadcast %eq3A_596 : i32 to vector<16xi32>
            %eq3A_598 = arith.cmpi eq, %and3A_592, %eq3A_597 : vector<16xi32>
            %and3A_599 = arith.andi %eq3A_595, %eq3A_598 : vector<16xi1>
            %jit3A_600 = arith.constant 0 : i32
            %broadcast_in_dim3A_601 = vector.broadcast %jit3A_600 : i32 to vector<16xi32>
            %select_n3A_602 = arith.select %and3A_599, %add3A_405, %broadcast_in_dim3A_601 : vector<16xi1>, vector<16xi32>
            %add3A_603 = arith.addi %and3A_592, %select_n3A_602 : vector<16xi32>
            %jit3A_604 = arith.constant 0 : i32
            %broadcast_in_dim3A_605 = vector.broadcast %jit3A_604 : i32 to vector<16xi32>
            %select_n3A_606 = arith.select %and3A_389, %add3A_603, %broadcast_in_dim3A_605 : vector<16xi1>, vector<16xi32>
            %add3A_607 = arith.addi %while3A_385, %select_n3A_606 : vector<16xi32>
            %add3A_608 = arith.constant 1 : i32
            %add3A_609 = arith.addi %while3A_377, %add3A_608 : i32
            scf.yield %add3A_609, %add3A_460, %add3A_481, %add3A_502, %add3A_523, %add3A_544, %add3A_565, %add3A_586, %add3A_607, %add3A_439 : i32, vector<16xi32>, vector<16xi32>, vector<16xi32>, vector<16xi32>, vector<16xi32>, vector<16xi32>, vector<16xi32>, vector<16xi32>, vector<16xi32>
          }
          scf.yield %while3A_376#1, %while3A_376#2, %while3A_376#3, %while3A_376#4, %while3A_376#5, %while3A_376#6, %while3A_376#7, %while3A_376#8, %while3A_376#9 : vector<16xi32>, vector<16xi32>, vector<16xi32>, vector<16xi32>, vector<16xi32>, vector<16xi32>, vector<16xi32>, vector<16xi32>, vector<16xi32>
        }
        %while3A_269 = arith.constant 1 : i32
        %while3A_270:9 = scf.for %while3A_285 = %while3A_266 to %while3A_262 step %while3A_269 iter_args(%while3A_286 = %while3A_268#0, %while3A_287 = %while3A_268#1, %while3A_288 = %while3A_268#2, %while3A_289 = %while3A_268#3, %while3A_290 = %while3A_268#4, %while3A_291 = %while3A_268#5, %while3A_292 = %while3A_268#6, %while3A_293 = %while3A_268#7, %while3A_294 = %while3A_268#8) -> (vector<16xi32>, vector<16xi32>, vector<16xi32>, vector<16xi32>, vector<16xi32>, vector<16xi32>, vector<16xi32>, vector<16xi32>, vector<16xi32>)  : i32 {
          %mul3A_295 = arith.constant 16 : i32
          %mul3A_296 = arith.muli %while3A_285, %mul3A_295 : i32
          %add3A_297 = arith.addi %sub3A_238, %mul3A_296 : i32
          %get3A_298 = arith.index_cast %add3A_297 : i32 to index
          %get3A_299 = tpu.vector_load %arg10[%get3A_298] {strides = array<i32>} : memref<6928xi32, #tpu.memory_space<vmem>>, vector<16xi32>,
          %mul3A_300 = arith.constant 16 : i32
          %mul3A_301 = arith.muli %while3A_285, %mul3A_300 : i32
          %sub3A_302 = arith.subi %min3A_237, %mul3A_301 : i32
          %lt3A = vector.broadcast %sub3A_302 : i32 to vector<16xi32>
          %lt3A_303 = arith.cmpi slt, %iota3A, %lt3A : vector<16xi32>
          %shift_right_arithmetic3A = arith.constant 4 : i32
          %shift_right_arithmetic3A_304 = vector.broadcast %shift_right_arithmetic3A : i32 to vector<16xi32>
          %shift_right_arithmetic3A_305 = arith.shrsi %get3A_299, %shift_right_arithmetic3A_304 : vector<16xi32>
          %and3A_306 = arith.constant 65535 : i32
          %and3A_307 = vector.broadcast %and3A_306 : i32 to vector<16xi32>
          %and3A_308 = arith.andi %shift_right_arithmetic3A_305, %and3A_307 : vector<16xi32>
          %add3A_309 = arith.constant 65536 : i32
          %add3A_310 = vector.broadcast %add3A_309 : i32 to vector<16xi32>
          %add3A_311 = arith.addi %add3A_310, %iota3A : vector<16xi32>
          %select_n3A_312 = arith.select %lt3A_303, %and3A_308, %add3A_311 : vector<16xi1>, vector<16xi32>
          %masked_sort3A = arith.constant dense<true> : vector<16xi1>
          %masked_sort3A_313 = arith.constant -2147483648 : i32
          %masked_sort3A_314 = vector.broadcast %masked_sort3A_313 : i32 to vector<16xi32>
          %masked_sort3A_315 = arith.xori %select_n3A_312, %masked_sort3A_314 : vector<16xi32>
          %masked_sort3A_316, %masked_sort3A_317, %masked_sort3A_318 = tpu.sort %masked_sort3A_315, %get3A_299 masked %masked_sort3A : (vector<16xi32>, vector<16xi32>, vector<16xi1>) -> (vector<16xi1>, vector<16xi32>, vector<16xi32>)
          %masked_sort3A_319 = arith.xori %masked_sort3A_317, %masked_sort3A_314 : vector<16xi32>
          %lt3A_320 = arith.constant 65536 : i32
          %lt3A_321 = vector.broadcast %lt3A_320 : i32 to vector<16xi32>
          %lt3A_322 = arith.cmpi slt, %masked_sort3A_319, %lt3A_321 : vector<16xi32>
          %iota3A_323 = tpu.iota {dimensions = array<i32: 0>} : vector<16xi32>
          %sub3A_324 = arith.constant 1 : i32
          %sub3A_325 = vector.broadcast %sub3A_324 : i32 to vector<16xi32>
          %sub3A_326 = arith.subi %iota3A_323, %sub3A_325 : vector<16xi32>
          %max3A = arith.constant 0 : i32
          %max3A_327 = vector.broadcast %max3A : i32 to vector<16xi32>
          %max3A_328 = arith.maxsi %sub3A_326, %max3A_327 : vector<16xi32>
          %broadcast_in_dim3A_329 = vector.shape_cast %max3A_328 : vector<16xi32> to vector<16x1xi32>
          %gather3A = vector.shape_cast %broadcast_in_dim3A_329 : vector<16x1xi32> to vector<16xi32>
          %gather3A_330 = tpu.dynamic_gather %masked_sort3A_319[%gather3A] in [0] : vector<16xi32>, vector<16xi32> -> vector<16xi32>
          %add3A_331 = arith.constant 1 : i32
          %add3A_332 = vector.broadcast %add3A_331 : i32 to vector<16xi32>
          %add3A_333 = arith.addi %iota3A_323, %add3A_332 : vector<16xi32>
          %min3A_334 = arith.constant 15 : i32
          %min3A_335 = vector.broadcast %min3A_334 : i32 to vector<16xi32>
          %min3A_336 = arith.minsi %add3A_333, %min3A_335 : vector<16xi32>
          %broadcast_in_dim3A_337 = vector.shape_cast %min3A_336 : vector<16xi32> to vector<16x1xi32>
          %gather3A_338 = vector.shape_cast %broadcast_in_dim3A_337 : vector<16x1xi32> to vector<16xi32>
          %gather3A_339 = tpu.dynamic_gather %masked_sort3A_319[%gather3A_338] in [0] : vector<16xi32>, vector<16xi32> -> vector<16xi32>
          %eq3A_340 = arith.constant 0 : i32
          %eq3A_341 = vector.broadcast %eq3A_340 : i32 to vector<16xi32>
          %eq3A_342 = arith.cmpi eq, %iota3A_323, %eq3A_341 : vector<16xi32>
          %ne3A_343 = arith.cmpi ne, %masked_sort3A_319, %gather3A_330 : vector<16xi32>
          %or3A = arith.ori %eq3A_342, %ne3A_343 : vector<16xi1>
          %eq3A_344 = arith.constant 15 : i32
          %eq3A_345 = vector.broadcast %eq3A_344 : i32 to vector<16xi32>
          %eq3A_346 = arith.cmpi eq, %iota3A_323, %eq3A_345 : vector<16xi32>
          %ne3A_347 = arith.cmpi ne, %masked_sort3A_319, %gather3A_339 : vector<16xi32>
          %or3A_348 = arith.ori %eq3A_346, %ne3A_347 : vector<16xi1>
          %jit3A_349 = arith.constant 0 : i32
          %broadcast_in_dim3A_350 = vector.broadcast %jit3A_349 : i32 to vector<16xi32>
          %select_n3A_351 = arith.select %or3A, %iota3A_323, %broadcast_in_dim3A_350 : vector<16xi1>, vector<16xi32>
          %broadcast_in_dim3A_352 = arith.constant true
          %broadcast_in_dim3A_353 = vector.broadcast %broadcast_in_dim3A_352 : i1 to vector<16xi1>
          %masked_cummax3A = arith.constant -2147483648 : i32
          %masked_cummax3A_354 = vector.broadcast %masked_cummax3A : i32 to vector<16xi32>
          %masked_cummax3A_355 = arith.xori %select_n3A_351, %masked_cummax3A_354 : vector<16xi32>
          %masked_cummax3A_356 = tpu.scan <max>, %masked_cummax3A_355 masked %broadcast_in_dim3A_353 : vector<16xi32>, vector<16xi1> -> vector<16xi32>
          %masked_cummax3A_357 = arith.xori %masked_cummax3A_356, %masked_cummax3A_354 : vector<16xi32>
          %sub3A_358 = arith.subi %iota3A_323, %masked_cummax3A_357 : vector<16xi32>
          %add3A_359 = arith.constant 1 : i32
          %add3A_360 = vector.broadcast %add3A_359 : i32 to vector<16xi32>
          %add3A_361 = arith.addi %sub3A_358, %add3A_360 : vector<16xi32>
          %jit3A_362 = arith.constant 0 : i32
          %broadcast_in_dim3A_363 = vector.broadcast %jit3A_362 : i32 to vector<16xi32>
          %select_n3A_364 = arith.select %lt3A_322, %sub3A_358, %broadcast_in_dim3A_363 : vector<16xi1>, vector<16xi32>
          %reduce_max3A = arith.constant true
          %reduce_max3A_365 = vector.broadcast %reduce_max3A : i1 to vector<16xi1>
          %reduce_max3A_366 = arith.constant -2147483648 : i32
          %reduce_max3A_367 = vector.broadcast %reduce_max3A_366 : i32 to vector<16xi32>
          %reduce_max3A_368 = arith.xori %select_n3A_364, %reduce_max3A_367 : vector<16xi32>
          %reduce_max3A_369 = tpu.scan <max>, %reduce_max3A_368 masked %reduce_max3A_365 : vector<16xi32>, vector<16xi1> -> vector<16xi32>
          %reduce_max3A_370 = arith.xori %reduce_max3A_369, %reduce_max3A_367 : vector<16xi32>
          %reduce_max3A_371 = vector.extract %reduce_max3A_370[15] : i32 from vector<16xi32>
          %and3A_372 = arith.constant 15 : i32
          %and3A_373 = vector.broadcast %and3A_372 : i32 to vector<16xi32>
          %and3A_374 = arith.andi %masked_sort3A_318, %and3A_373 : vector<16xi32>
          %while3A_375 = arith.constant 0 : i32
          %while3A_376:10 = scf.while (%while3A_377 = %while3A_375, %while3A_378 = %while3A_286, %while3A_379 = %while3A_287, %while3A_380 = %while3A_288, %while3A_381 = %while3A_289, %while3A_382 = %while3A_290, %while3A_383 = %while3A_291, %while3A_384 = %while3A_292, %while3A_385 = %while3A_293, %while3A_386 = %while3A_294) : (i32, vector<16xi32>, vector<16xi32>, vector<16xi32>, vector<16xi32>, vector<16xi32>, vector<16xi32>, vector<16xi32>, vector<16xi32>, vector<16xi32>) -> (i32, vector<16xi32>, vector<16xi32>, vector<16xi32>, vector<16xi32>, vector<16xi32>, vector<16xi32>, vector<16xi32>, vector<16xi32>, vector<16xi32>) {
            %le3A = arith.cmpi sle, %while3A_377, %reduce_max3A_371 : i32
            scf.condition(%le3A) %while3A_377, %while3A_378, %while3A_379, %while3A_380, %while3A_381, %while3A_382, %while3A_383, %while3A_384, %while3A_385, %while3A_386 : i32, vector<16xi32>, vector<16xi32>, vector<16xi32>, vector<16xi32>, vector<16xi32>, vector<16xi32>, vector<16xi32>, vector<16xi32>, vector<16xi32>
          } do {
          ^bb0(%while3A_377: i32, %while3A_378: vector<16xi32>, %while3A_379: vector<16xi32>, %while3A_380: vector<16xi32>, %while3A_381: vector<16xi32>, %while3A_382: vector<16xi32>, %while3A_383: vector<16xi32>, %while3A_384: vector<16xi32>, %while3A_385: vector<16xi32>, %while3A_386: vector<16xi32>):
            %eq3A_387 = vector.broadcast %while3A_377 : i32 to vector<16xi32>
            %eq3A_388 = arith.cmpi eq, %sub3A_358, %eq3A_387 : vector<16xi32>
            %and3A_389 = arith.andi %lt3A_322, %eq3A_388 : vector<16xi1>
            %gather3A_390 = tpu.vector_load_idx %arg6[%masked_sort3A_319] masked %and3A_389 : memref<65536xi32, #tpu.memory_space<vmem>>[vector<16xi32>], vector<16xi32>, vector<16xi1>
            %and3A_391 = arith.constant 65535 : i32
            %and3A_392 = vector.broadcast %and3A_391 : i32 to vector<16xi32>
            %and3A_393 = arith.andi %gather3A_390, %and3A_392 : vector<16xi32>
            %shift_right_arithmetic3A_394 = arith.constant 16 : i32
            %shift_right_arithmetic3A_395 = vector.broadcast %shift_right_arithmetic3A_394 : i32 to vector<16xi32>
            %shift_right_arithmetic3A_396 = arith.shrsi %gather3A_390, %shift_right_arithmetic3A_395 : vector<16xi32>
            %and3A_397 = arith.constant 511 : i32
            %and3A_398 = vector.broadcast %and3A_397 : i32 to vector<16xi32>
            %and3A_399 = arith.andi %shift_right_arithmetic3A_396, %and3A_398 : vector<16xi32>
            %shift_left3A = arith.constant 1 : i32
            %shift_left3A_400 = vector.broadcast %shift_left3A : i32 to vector<16xi32>
            %shift_left3A_401 = arith.shli %shift_left3A_400, %and3A_374 : vector<16xi32>
            %or3A_402 = arith.ori %and3A_399, %shift_left3A_401 : vector<16xi32>
            %add3A_403 = arith.constant 1 : i32
            %add3A_404 = vector.broadcast %add3A_403 : i32 to vector<16xi32>
            %add3A_405 = arith.addi %and3A_393, %add3A_404 : vector<16xi32>
            %shift_left3A_406 = arith.constant 16 : i32
            %shift_left3A_407 = vector.broadcast %shift_left3A_406 : i32 to vector<16xi32>
            %shift_left3A_408 = arith.shli %or3A_402, %shift_left3A_407 : vector<16xi32>
            %or3A_409 = arith.ori %shift_left3A_408, %add3A_405 : vector<16xi32>
            tpu.vector_store_idx %arg6[%masked_sort3A_319], %or3A_409 masked %and3A_389 : memref<65536xi32, #tpu.memory_space<vmem>>[vector<16xi32>], vector<16xi32>, vector<16xi1>
            %eq3A_410 = arith.constant 0 : i32
            %eq3A_411 = vector.broadcast %eq3A_410 : i32 to vector<16xi32>
            %eq3A_412 = arith.cmpi eq, %and3A_393, %eq3A_411 : vector<16xi32>
            %not3A = arith.constant dense<true> : vector<16xi1>
            %not3A_413 = arith.xori %eq3A_412, %not3A : vector<16xi1>
            %and3A_414 = vector.broadcast %squeeze3A : i32 to vector<16xi32>
            %and3A_415 = arith.andi %and3A_399, %and3A_414 : vector<16xi32>
            %eq3A_416 = arith.constant 0 : i32
            %eq3A_417 = vector.broadcast %eq3A_416 : i32 to vector<16xi32>
            %eq3A_418 = arith.cmpi eq, %and3A_415, %eq3A_417 : vector<16xi32>
            %and3A_419 = arith.andi %not3A_413, %eq3A_418 : vector<16xi1>
            %jit3A_420 = arith.constant 1 : i32
            %jit3A_421 = arith.constant 0 : i32
            %broadcast_in_dim3A_422 = vector.broadcast %jit3A_420 : i32 to vector<16xi32>
            %broadcast_in_dim3A_423 = vector.broadcast %jit3A_421 : i32 to vector<16xi32>
            %select_n3A_424 = arith.select %and3A_419, %broadcast_in_dim3A_422, %broadcast_in_dim3A_423 : vector<16xi1>, vector<16xi32>
            %and3A_425 = vector.broadcast %squeeze3A : i32 to vector<16xi32>
            %and3A_426 = arith.andi %or3A_402, %and3A_425 : vector<16xi32>
            %eq3A_427 = arith.constant 0 : i32
            %eq3A_428 = vector.broadcast %eq3A_427 : i32 to vector<16xi32>
            %eq3A_429 = arith.cmpi eq, %and3A_426, %eq3A_428 : vector<16xi32>
            %jit3A_430 = arith.constant 1 : i32
            %jit3A_431 = arith.constant 0 : i32
            %broadcast_in_dim3A_432 = vector.broadcast %jit3A_430 : i32 to vector<16xi32>
            %broadcast_in_dim3A_433 = vector.broadcast %jit3A_431 : i32 to vector<16xi32>
            %select_n3A_434 = arith.select %eq3A_429, %broadcast_in_dim3A_432, %broadcast_in_dim3A_433 : vector<16xi1>, vector<16xi32>
            %sub3A_435 = arith.subi %select_n3A_434, %select_n3A_424 : vector<16xi32>
            %jit3A_436 = arith.constant 0 : i32
            %broadcast_in_dim3A_437 = vector.broadcast %jit3A_436 : i32 to vector<16xi32>
            %select_n3A_438 = arith.select %and3A_389, %sub3A_435, %broadcast_in_dim3A_437 : vector<16xi1>, vector<16xi32>
            %add3A_439 = arith.addi %while3A_386, %select_n3A_438 : vector<16xi32>
            %shift_right_arithmetic3A_440 = arith.constant 1 : i32
            %shift_right_arithmetic3A_441 = vector.broadcast %shift_right_arithmetic3A_440 : i32 to vector<16xi32>
            %shift_right_arithmetic3A_442 = arith.shrsi %and3A_399, %shift_right_arithmetic3A_441 : vector<16xi32>
            %and3A_443 = arith.constant 1 : i32
            %and3A_444 = vector.broadcast %and3A_443 : i32 to vector<16xi32>
            %and3A_445 = arith.andi %shift_right_arithmetic3A_442, %and3A_444 : vector<16xi32>
            %eq3A_446 = arith.constant 1 : i32
            %eq3A_447 = vector.broadcast %eq3A_446 : i32 to vector<16xi32>
            %eq3A_448 = arith.cmpi eq, %and3A_374, %eq3A_447 : vector<16xi32>
            %eq3A_449 = arith.constant 0 : i32
            %eq3A_450 = vector.broadcast %eq3A_449 : i32 to vector<16xi32>
            %eq3A_451 = arith.cmpi eq, %and3A_445, %eq3A_450 : vector<16xi32>
            %and3A_452 = arith.andi %eq3A_448, %eq3A_451 : vector<16xi1>
            %jit3A_453 = arith.constant 0 : i32
            %broadcast_in_dim3A_454 = vector.broadcast %jit3A_453 : i32 to vector<16xi32>
            %select_n3A_455 = arith.select %and3A_452, %add3A_405, %broadcast_in_dim3A_454 : vector<16xi1>, vector<16xi32>
            %add3A_456 = arith.addi %and3A_445, %select_n3A_455 : vector<16xi32>
            %jit3A_457 = arith.constant 0 : i32
            %broadcast_in_dim3A_458 = vector.broadcast %jit3A_457 : i32 to vector<16xi32>
            %select_n3A_459 = arith.select %and3A_389, %add3A_456, %broadcast_in_dim3A_458 : vector<16xi1>, vector<16xi32>
            %add3A_460 = arith.addi %while3A_378, %select_n3A_459 : vector<16xi32>
            %shift_right_arithmetic3A_461 = arith.constant 2 : i32
            %shift_right_arithmetic3A_462 = vector.broadcast %shift_right_arithmetic3A_461 : i32 to vector<16xi32>
            %shift_right_arithmetic3A_463 = arith.shrsi %and3A_399, %shift_right_arithmetic3A_462 : vector<16xi32>
            %and3A_464 = arith.constant 1 : i32
            %and3A_465 = vector.broadcast %and3A_464 : i32 to vector<16xi32>
            %and3A_466 = arith.andi %shift_right_arithmetic3A_463, %and3A_465 : vector<16xi32>
            %eq3A_467 = arith.constant 2 : i32
            %eq3A_468 = vector.broadcast %eq3A_467 : i32 to vector<16xi32>
            %eq3A_469 = arith.cmpi eq, %and3A_374, %eq3A_468 : vector<16xi32>
            %eq3A_470 = arith.constant 0 : i32
            %eq3A_471 = vector.broadcast %eq3A_470 : i32 to vector<16xi32>
            %eq3A_472 = arith.cmpi eq, %and3A_466, %eq3A_471 : vector<16xi32>
            %and3A_473 = arith.andi %eq3A_469, %eq3A_472 : vector<16xi1>
            %jit3A_474 = arith.constant 0 : i32
            %broadcast_in_dim3A_475 = vector.broadcast %jit3A_474 : i32 to vector<16xi32>
            %select_n3A_476 = arith.select %and3A_473, %add3A_405, %broadcast_in_dim3A_475 : vector<16xi1>, vector<16xi32>
            %add3A_477 = arith.addi %and3A_466, %select_n3A_476 : vector<16xi32>
            %jit3A_478 = arith.constant 0 : i32
            %broadcast_in_dim3A_479 = vector.broadcast %jit3A_478 : i32 to vector<16xi32>
            %select_n3A_480 = arith.select %and3A_389, %add3A_477, %broadcast_in_dim3A_479 : vector<16xi1>, vector<16xi32>
            %add3A_481 = arith.addi %while3A_379, %select_n3A_480 : vector<16xi32>
            %shift_right_arithmetic3A_482 = arith.constant 3 : i32
            %shift_right_arithmetic3A_483 = vector.broadcast %shift_right_arithmetic3A_482 : i32 to vector<16xi32>
            %shift_right_arithmetic3A_484 = arith.shrsi %and3A_399, %shift_right_arithmetic3A_483 : vector<16xi32>
            %and3A_485 = arith.constant 1 : i32
            %and3A_486 = vector.broadcast %and3A_485 : i32 to vector<16xi32>
            %and3A_487 = arith.andi %shift_right_arithmetic3A_484, %and3A_486 : vector<16xi32>
            %eq3A_488 = arith.constant 3 : i32
            %eq3A_489 = vector.broadcast %eq3A_488 : i32 to vector<16xi32>
            %eq3A_490 = arith.cmpi eq, %and3A_374, %eq3A_489 : vector<16xi32>
            %eq3A_491 = arith.constant 0 : i32
            %eq3A_492 = vector.broadcast %eq3A_491 : i32 to vector<16xi32>
            %eq3A_493 = arith.cmpi eq, %and3A_487, %eq3A_492 : vector<16xi32>
            %and3A_494 = arith.andi %eq3A_490, %eq3A_493 : vector<16xi1>
            %jit3A_495 = arith.constant 0 : i32
            %broadcast_in_dim3A_496 = vector.broadcast %jit3A_495 : i32 to vector<16xi32>
            %select_n3A_497 = arith.select %and3A_494, %add3A_405, %broadcast_in_dim3A_496 : vector<16xi1>, vector<16xi32>
            %add3A_498 = arith.addi %and3A_487, %select_n3A_497 : vector<16xi32>
            %jit3A_499 = arith.constant 0 : i32
            %broadcast_in_dim3A_500 = vector.broadcast %jit3A_499 : i32 to vector<16xi32>
            %select_n3A_501 = arith.select %and3A_389, %add3A_498, %broadcast_in_dim3A_500 : vector<16xi1>, vector<16xi32>
            %add3A_502 = arith.addi %while3A_380, %select_n3A_501 : vector<16xi32>
            %shift_right_arithmetic3A_503 = arith.constant 4 : i32
            %shift_right_arithmetic3A_504 = vector.broadcast %shift_right_arithmetic3A_503 : i32 to vector<16xi32>
            %shift_right_arithmetic3A_505 = arith.shrsi %and3A_399, %shift_right_arithmetic3A_504 : vector<16xi32>
            %and3A_506 = arith.constant 1 : i32
            %and3A_507 = vector.broadcast %and3A_506 : i32 to vector<16xi32>
            %and3A_508 = arith.andi %shift_right_arithmetic3A_505, %and3A_507 : vector<16xi32>
            %eq3A_509 = arith.constant 4 : i32
            %eq3A_510 = vector.broadcast %eq3A_509 : i32 to vector<16xi32>
            %eq3A_511 = arith.cmpi eq, %and3A_374, %eq3A_510 : vector<16xi32>
            %eq3A_512 = arith.constant 0 : i32
            %eq3A_513 = vector.broadcast %eq3A_512 : i32 to vector<16xi32>
            %eq3A_514 = arith.cmpi eq, %and3A_508, %eq3A_513 : vector<16xi32>
            %and3A_515 = arith.andi %eq3A_511, %eq3A_514 : vector<16xi1>
            %jit3A_516 = arith.constant 0 : i32
            %broadcast_in_dim3A_517 = vector.broadcast %jit3A_516 : i32 to vector<16xi32>
            %select_n3A_518 = arith.select %and3A_515, %add3A_405, %broadcast_in_dim3A_517 : vector<16xi1>, vector<16xi32>
            %add3A_519 = arith.addi %and3A_508, %select_n3A_518 : vector<16xi32>
            %jit3A_520 = arith.constant 0 : i32
            %broadcast_in_dim3A_521 = vector.broadcast %jit3A_520 : i32 to vector<16xi32>
            %select_n3A_522 = arith.select %and3A_389, %add3A_519, %broadcast_in_dim3A_521 : vector<16xi1>, vector<16xi32>
            %add3A_523 = arith.addi %while3A_381, %select_n3A_522 : vector<16xi32>
            %shift_right_arithmetic3A_524 = arith.constant 5 : i32
            %shift_right_arithmetic3A_525 = vector.broadcast %shift_right_arithmetic3A_524 : i32 to vector<16xi32>
            %shift_right_arithmetic3A_526 = arith.shrsi %and3A_399, %shift_right_arithmetic3A_525 : vector<16xi32>
            %and3A_527 = arith.constant 1 : i32
            %and3A_528 = vector.broadcast %and3A_527 : i32 to vector<16xi32>
            %and3A_529 = arith.andi %shift_right_arithmetic3A_526, %and3A_528 : vector<16xi32>
            %eq3A_530 = arith.constant 5 : i32
            %eq3A_531 = vector.broadcast %eq3A_530 : i32 to vector<16xi32>
            %eq3A_532 = arith.cmpi eq, %and3A_374, %eq3A_531 : vector<16xi32>
            %eq3A_533 = arith.constant 0 : i32
            %eq3A_534 = vector.broadcast %eq3A_533 : i32 to vector<16xi32>
            %eq3A_535 = arith.cmpi eq, %and3A_529, %eq3A_534 : vector<16xi32>
            %and3A_536 = arith.andi %eq3A_532, %eq3A_535 : vector<16xi1>
            %jit3A_537 = arith.constant 0 : i32
            %broadcast_in_dim3A_538 = vector.broadcast %jit3A_537 : i32 to vector<16xi32>
            %select_n3A_539 = arith.select %and3A_536, %add3A_405, %broadcast_in_dim3A_538 : vector<16xi1>, vector<16xi32>
            %add3A_540 = arith.addi %and3A_529, %select_n3A_539 : vector<16xi32>
            %jit3A_541 = arith.constant 0 : i32
            %broadcast_in_dim3A_542 = vector.broadcast %jit3A_541 : i32 to vector<16xi32>
            %select_n3A_543 = arith.select %and3A_389, %add3A_540, %broadcast_in_dim3A_542 : vector<16xi1>, vector<16xi32>
            %add3A_544 = arith.addi %while3A_382, %select_n3A_543 : vector<16xi32>
            %shift_right_arithmetic3A_545 = arith.constant 6 : i32
            %shift_right_arithmetic3A_546 = vector.broadcast %shift_right_arithmetic3A_545 : i32 to vector<16xi32>
            %shift_right_arithmetic3A_547 = arith.shrsi %and3A_399, %shift_right_arithmetic3A_546 : vector<16xi32>
            %and3A_548 = arith.constant 1 : i32
            %and3A_549 = vector.broadcast %and3A_548 : i32 to vector<16xi32>
            %and3A_550 = arith.andi %shift_right_arithmetic3A_547, %and3A_549 : vector<16xi32>
            %eq3A_551 = arith.constant 6 : i32
            %eq3A_552 = vector.broadcast %eq3A_551 : i32 to vector<16xi32>
            %eq3A_553 = arith.cmpi eq, %and3A_374, %eq3A_552 : vector<16xi32>
            %eq3A_554 = arith.constant 0 : i32
            %eq3A_555 = vector.broadcast %eq3A_554 : i32 to vector<16xi32>
            %eq3A_556 = arith.cmpi eq, %and3A_550, %eq3A_555 : vector<16xi32>
            %and3A_557 = arith.andi %eq3A_553, %eq3A_556 : vector<16xi1>
            %jit3A_558 = arith.constant 0 : i32
            %broadcast_in_dim3A_559 = vector.broadcast %jit3A_558 : i32 to vector<16xi32>
            %select_n3A_560 = arith.select %and3A_557, %add3A_405, %broadcast_in_dim3A_559 : vector<16xi1>, vector<16xi32>
            %add3A_561 = arith.addi %and3A_550, %select_n3A_560 : vector<16xi32>
            %jit3A_562 = arith.constant 0 : i32
            %broadcast_in_dim3A_563 = vector.broadcast %jit3A_562 : i32 to vector<16xi32>
            %select_n3A_564 = arith.select %and3A_389, %add3A_561, %broadcast_in_dim3A_563 : vector<16xi1>, vector<16xi32>
            %add3A_565 = arith.addi %while3A_383, %select_n3A_564 : vector<16xi32>
            %shift_right_arithmetic3A_566 = arith.constant 7 : i32
            %shift_right_arithmetic3A_567 = vector.broadcast %shift_right_arithmetic3A_566 : i32 to vector<16xi32>
            %shift_right_arithmetic3A_568 = arith.shrsi %and3A_399, %shift_right_arithmetic3A_567 : vector<16xi32>
            %and3A_569 = arith.constant 1 : i32
            %and3A_570 = vector.broadcast %and3A_569 : i32 to vector<16xi32>
            %and3A_571 = arith.andi %shift_right_arithmetic3A_568, %and3A_570 : vector<16xi32>
            %eq3A_572 = arith.constant 7 : i32
            %eq3A_573 = vector.broadcast %eq3A_572 : i32 to vector<16xi32>
            %eq3A_574 = arith.cmpi eq, %and3A_374, %eq3A_573 : vector<16xi32>
            %eq3A_575 = arith.constant 0 : i32
            %eq3A_576 = vector.broadcast %eq3A_575 : i32 to vector<16xi32>
            %eq3A_577 = arith.cmpi eq, %and3A_571, %eq3A_576 : vector<16xi32>
            %and3A_578 = arith.andi %eq3A_574, %eq3A_577 : vector<16xi1>
            %jit3A_579 = arith.constant 0 : i32
            %broadcast_in_dim3A_580 = vector.broadcast %jit3A_579 : i32 to vector<16xi32>
            %select_n3A_581 = arith.select %and3A_578, %add3A_405, %broadcast_in_dim3A_580 : vector<16xi1>, vector<16xi32>
            %add3A_582 = arith.addi %and3A_571, %select_n3A_581 : vector<16xi32>
            %jit3A_583 = arith.constant 0 : i32
            %broadcast_in_dim3A_584 = vector.broadcast %jit3A_583 : i32 to vector<16xi32>
            %select_n3A_585 = arith.select %and3A_389, %add3A_582, %broadcast_in_dim3A_584 : vector<16xi1>, vector<16xi32>
            %add3A_586 = arith.addi %while3A_384, %select_n3A_585 : vector<16xi32>
            %shift_right_arithmetic3A_587 = arith.constant 8 : i32
            %shift_right_arithmetic3A_588 = vector.broadcast %shift_right_arithmetic3A_587 : i32 to vector<16xi32>
            %shift_right_arithmetic3A_589 = arith.shrsi %and3A_399, %shift_right_arithmetic3A_588 : vector<16xi32>
            %and3A_590 = arith.constant 1 : i32
            %and3A_591 = vector.broadcast %and3A_590 : i32 to vector<16xi32>
            %and3A_592 = arith.andi %shift_right_arithmetic3A_589, %and3A_591 : vector<16xi32>
            %eq3A_593 = arith.constant 8 : i32
            %eq3A_594 = vector.broadcast %eq3A_593 : i32 to vector<16xi32>
            %eq3A_595 = arith.cmpi eq, %and3A_374, %eq3A_594 : vector<16xi32>
            %eq3A_596 = arith.constant 0 : i32
            %eq3A_597 = vector.broadcast %eq3A_596 : i32 to vector<16xi32>
            %eq3A_598 = arith.cmpi eq, %and3A_592, %eq3A_597 : vector<16xi32>
            %and3A_599 = arith.andi %eq3A_595, %eq3A_598 : vector<16xi1>
            %jit3A_600 = arith.constant 0 : i32
            %broadcast_in_dim3A_601 = vector.broadcast %jit3A_600 : i32 to vector<16xi32>
            %select_n3A_602 = arith.select %and3A_599, %add3A_405, %broadcast_in_dim3A_601 : vector<16xi1>, vector<16xi32>
            %add3A_603 = arith.addi %and3A_592, %select_n3A_602 : vector<16xi32>
            %jit3A_604 = arith.constant 0 : i32
            %broadcast_in_dim3A_605 = vector.broadcast %jit3A_604 : i32 to vector<16xi32>
            %select_n3A_606 = arith.select %and3A_389, %add3A_603, %broadcast_in_dim3A_605 : vector<16xi1>, vector<16xi32>
            %add3A_607 = arith.addi %while3A_385, %select_n3A_606 : vector<16xi32>
            %add3A_608 = arith.constant 1 : i32
            %add3A_609 = arith.addi %while3A_377, %add3A_608 : i32
            scf.yield %add3A_609, %add3A_460, %add3A_481, %add3A_502, %add3A_523, %add3A_544, %add3A_565, %add3A_586, %add3A_607, %add3A_439 : i32, vector<16xi32>, vector<16xi32>, vector<16xi32>, vector<16xi32>, vector<16xi32>, vector<16xi32>, vector<16xi32>, vector<16xi32>, vector<16xi32>
          }
          scf.yield %while3A_376#1, %while3A_376#2, %while3A_376#3, %while3A_376#4, %while3A_376#5, %while3A_376#6, %while3A_376#7, %while3A_376#8, %while3A_376#9 : vector<16xi32>, vector<16xi32>, vector<16xi32>, vector<16xi32>, vector<16xi32>, vector<16xi32>, vector<16xi32>, vector<16xi32>, vector<16xi32>
        }
        %while3A_271 = arith.constant 0 : i32
        %while3A_272 = arith.constant 0 : i32
        %while3A_273 = arith.subi %select_n3A_259, %while3A_271 : i32
        %while3A_274 = arith.addi %while3A_271, %while3A_273 : i32
        %while3A_275 = arith.constant 1 : i32
        %while3A_276 = arith.divsi %while3A_273, %while3A_275 : i32
        %while3A_277 = arith.muli %while3A_276, %while3A_275 : i32
        %while3A_278 = arith.addi %while3A_271, %while3A_277 : i32
        %while3A_279 = arith.constant 1 : i32
        %while3A_280 = scf.for %while3A_285 = %while3A_271 to %while3A_278 step %while3A_279 iter_args(%while3A_286 = %while3A_272) -> (i32)  : i32 {
          %mul3A_287 = arith.constant 16 : i32
          %mul3A_288 = arith.muli %while3A_285, %mul3A_287 : i32
          %add3A_289 = arith.addi %sub3A_238, %mul3A_288 : i32
          %get3A_290 = arith.index_cast %add3A_289 : i32 to index
          %get3A_291 = tpu.vector_load %arg10[%get3A_290] {strides = array<i32>} : memref<6928xi32, #tpu.memory_space<vmem>>, vector<16xi32>,
          %mul3A_292 = arith.constant 16 : i32
          %mul3A_293 = arith.muli %while3A_285, %mul3A_292 : i32
          %sub3A_294 = arith.subi %min3A_237, %mul3A_293 : i32
          %lt3A = vector.broadcast %sub3A_294 : i32 to vector<16xi32>
          %lt3A_295 = arith.cmpi slt, %iota3A, %lt3A : vector<16xi32>
          %shift_right_arithmetic3A = arith.constant 4 : i32
          %shift_right_arithmetic3A_296 = vector.broadcast %shift_right_arithmetic3A : i32 to vector<16xi32>
          %shift_right_arithmetic3A_297 = arith.shrsi %get3A_291, %shift_right_arithmetic3A_296 : vector<16xi32>
          %and3A_298 = arith.constant 65535 : i32
          %and3A_299 = vector.broadcast %and3A_298 : i32 to vector<16xi32>
          %and3A_300 = arith.andi %shift_right_arithmetic3A_297, %and3A_299 : vector<16xi32>
          tpu.vector_store_idx %arg6[%and3A_300], %broadcast_in_dim3A_12 masked %lt3A_295 : memref<65536xi32, #tpu.memory_space<vmem>>[vector<16xi32>], vector<16xi32>, vector<16xi1>
          %while3A_301 = arith.constant 0 : i32
          scf.yield %while3A_301 : i32
        }
        %while3A_281 = arith.constant 1 : i32
        %while3A_282 = scf.for %while3A_285 = %while3A_278 to %while3A_274 step %while3A_281 iter_args(%while3A_286 = %while3A_280) -> (i32)  : i32 {
          %mul3A_287 = arith.constant 16 : i32
          %mul3A_288 = arith.muli %while3A_285, %mul3A_287 : i32
          %add3A_289 = arith.addi %sub3A_238, %mul3A_288 : i32
          %get3A_290 = arith.index_cast %add3A_289 : i32 to index
          %get3A_291 = tpu.vector_load %arg10[%get3A_290] {strides = array<i32>} : memref<6928xi32, #tpu.memory_space<vmem>>, vector<16xi32>,
          %mul3A_292 = arith.constant 16 : i32
          %mul3A_293 = arith.muli %while3A_285, %mul3A_292 : i32
          %sub3A_294 = arith.subi %min3A_237, %mul3A_293 : i32
          %lt3A = vector.broadcast %sub3A_294 : i32 to vector<16xi32>
          %lt3A_295 = arith.cmpi slt, %iota3A, %lt3A : vector<16xi32>
          %shift_right_arithmetic3A = arith.constant 4 : i32
          %shift_right_arithmetic3A_296 = vector.broadcast %shift_right_arithmetic3A : i32 to vector<16xi32>
          %shift_right_arithmetic3A_297 = arith.shrsi %get3A_291, %shift_right_arithmetic3A_296 : vector<16xi32>
          %and3A_298 = arith.constant 65535 : i32
          %and3A_299 = vector.broadcast %and3A_298 : i32 to vector<16xi32>
          %and3A_300 = arith.andi %shift_right_arithmetic3A_297, %and3A_299 : vector<16xi32>
          tpu.vector_store_idx %arg6[%and3A_300], %broadcast_in_dim3A_12 masked %lt3A_295 : memref<65536xi32, #tpu.memory_space<vmem>>[vector<16xi32>], vector<16xi32>, vector<16xi1>
          %while3A_301 = arith.constant 0 : i32
          scf.yield %while3A_301 : i32
        }
        %add3A_283 = arith.constant 1 : i32
        %add3A_284 = arith.addi %while3A_219, %add3A_283 : i32
        scf.yield %add3A_284, %squeeze3A_235, %while3A_270#0, %while3A_270#1, %while3A_270#2, %while3A_270#3, %while3A_270#4, %while3A_270#5, %while3A_270#6, %while3A_270#7, %while3A_270#8 : i32, i32, vector<16xi32>, vector<16xi32>, vector<16xi32>, vector<16xi32>, vector<16xi32>, vector<16xi32>, vector<16xi32>, vector<16xi32>, vector<16xi32>
      }
      scf.yield %while3A_218#0, %while3A_218#1, %while3A_218#2, %while3A_218#3, %while3A_218#4, %while3A_218#5, %while3A_218#6, %while3A_218#7, %while3A_218#8, %while3A_218#9, %while3A_218#10 : i32, i32, vector<16xi32>, vector<16xi32>, vector<16xi32>, vector<16xi32>, vector<16xi32>, vector<16xi32>, vector<16xi32>, vector<16xi32>, vector<16xi32>
    }
    %scan3A_46 = arith.constant 6 : i32
    %add3A_47 = arith.constant 67584 : i32
    %add3A_48 = arith.addi %and3A_17, %add3A_47 : i32
    %min3A_49 = arith.constant 2097152 : i32
    %min3A_50 = arith.minsi %add3A_48, %min3A_49 : i32
    %multiple_of3A_51 = tpu.assume_multiple %min3A_50, 8 : i32
    %dma_wait3A = tpu.memref_slice %arg2[%multiple_of3A_51] : memref<2105344xi32, #tpu.memory_space<hbm>> -> memref<6928xi32, #tpu.memory_space<hbm>>
    %dma_wait3A_52 = tpu.memref_slice %arg2[%multiple_of3A_51] : memref<2105344xi32, #tpu.memory_space<hbm>> -> memref<6928xi32, #tpu.memory_space<hbm>>
    tpu.wait_dma2 semaphore(%arg12 : memref<!tpu.dma_semaphore, #tpu.memory_space<semaphore_mem>>) src(%dma_wait3A_52 : memref<6928xi32, #tpu.memory_space<hbm>>) dst(%arg9 : memref<6928xi32, #tpu.memory_space<vmem>>)
    %reduce_sum3A = arith.constant true
    %reduce_sum3A_53 = vector.broadcast %reduce_sum3A : i1 to vector<16xi1>
    %reduce_sum3A_54 = tpu.scan <sum>, %scan3A_45#2 masked %reduce_sum3A_53 : vector<16xi32>, vector<16xi1> -> vector<16xi32>
    %reduce_sum3A_55 = vector.extract %reduce_sum3A_54[15] : i32 from vector<16xi32>
    %eq3A = arith.constant 0 : i32
    %eq3A_56 = vector.broadcast %eq3A : i32 to vector<16xi32>
    %eq3A_57 = arith.cmpi eq, %iota3A, %eq3A_56 : vector<16xi32>
    %broadcast_in_dim3A_58 = vector.broadcast %reduce_sum3A_55 : i32 to vector<16xi32>
    %select_n3A = arith.select %eq3A_57, %broadcast_in_dim3A_58, %broadcast_in_dim3A_12 : vector<16xi1>, vector<16xi32>
    %reduce_sum3A_59 = arith.constant true
    %reduce_sum3A_60 = vector.broadcast %reduce_sum3A_59 : i1 to vector<16xi1>
    %reduce_sum3A_61 = tpu.scan <sum>, %scan3A_45#3 masked %reduce_sum3A_60 : vector<16xi32>, vector<16xi1> -> vector<16xi32>
    %reduce_sum3A_62 = vector.extract %reduce_sum3A_61[15] : i32 from vector<16xi32>
    %eq3A_63 = arith.constant 1 : i32
    %eq3A_64 = vector.broadcast %eq3A_63 : i32 to vector<16xi32>
    %eq3A_65 = arith.cmpi eq, %iota3A, %eq3A_64 : vector<16xi32>
    %broadcast_in_dim3A_66 = vector.broadcast %reduce_sum3A_62 : i32 to vector<16xi32>
    %select_n3A_67 = arith.select %eq3A_65, %broadcast_in_dim3A_66, %select_n3A : vector<16xi1>, vector<16xi32>
    %reduce_sum3A_68 = arith.constant true
    %reduce_sum3A_69 = vector.broadcast %reduce_sum3A_68 : i1 to vector<16xi1>
    %reduce_sum3A_70 = tpu.scan <sum>, %scan3A_45#4 masked %reduce_sum3A_69 : vector<16xi32>, vector<16xi1> -> vector<16xi32>
    %reduce_sum3A_71 = vector.extract %reduce_sum3A_70[15] : i32 from vector<16xi32>
    %eq3A_72 = arith.constant 2 : i32
    %eq3A_73 = vector.broadcast %eq3A_72 : i32 to vector<16xi32>
    %eq3A_74 = arith.cmpi eq, %iota3A, %eq3A_73 : vector<16xi32>
    %broadcast_in_dim3A_75 = vector.broadcast %reduce_sum3A_71 : i32 to vector<16xi32>
    %select_n3A_76 = arith.select %eq3A_74, %broadcast_in_dim3A_75, %select_n3A_67 : vector<16xi1>, vector<16xi32>
    %reduce_sum3A_77 = arith.constant true
    %reduce_sum3A_78 = vector.broadcast %reduce_sum3A_77 : i1 to vector<16xi1>
    %reduce_sum3A_79 = tpu.scan <sum>, %scan3A_45#5 masked %reduce_sum3A_78 : vector<16xi32>, vector<16xi1> -> vector<16xi32>
    %reduce_sum3A_80 = vector.extract %reduce_sum3A_79[15] : i32 from vector<16xi32>
    %eq3A_81 = arith.constant 3 : i32
    %eq3A_82 = vector.broadcast %eq3A_81 : i32 to vector<16xi32>
    %eq3A_83 = arith.cmpi eq, %iota3A, %eq3A_82 : vector<16xi32>
    %broadcast_in_dim3A_84 = vector.broadcast %reduce_sum3A_80 : i32 to vector<16xi32>
    %select_n3A_85 = arith.select %eq3A_83, %broadcast_in_dim3A_84, %select_n3A_76 : vector<16xi1>, vector<16xi32>
    %reduce_sum3A_86 = arith.constant true
    %reduce_sum3A_87 = vector.broadcast %reduce_sum3A_86 : i1 to vector<16xi1>
    %reduce_sum3A_88 = tpu.scan <sum>, %scan3A_45#6 masked %reduce_sum3A_87 : vector<16xi32>, vector<16xi1> -> vector<16xi32>
    %reduce_sum3A_89 = vector.extract %reduce_sum3A_88[15] : i32 from vector<16xi32>
    %eq3A_90 = arith.constant 4 : i32
    %eq3A_91 = vector.broadcast %eq3A_90 : i32 to vector<16xi32>
    %eq3A_92 = arith.cmpi eq, %iota3A, %eq3A_91 : vector<16xi32>
    %broadcast_in_dim3A_93 = vector.broadcast %reduce_sum3A_89 : i32 to vector<16xi32>
    %select_n3A_94 = arith.select %eq3A_92, %broadcast_in_dim3A_93, %select_n3A_85 : vector<16xi1>, vector<16xi32>
    %reduce_sum3A_95 = arith.constant true
    %reduce_sum3A_96 = vector.broadcast %reduce_sum3A_95 : i1 to vector<16xi1>
    %reduce_sum3A_97 = tpu.scan <sum>, %scan3A_45#7 masked %reduce_sum3A_96 : vector<16xi32>, vector<16xi1> -> vector<16xi32>
    %reduce_sum3A_98 = vector.extract %reduce_sum3A_97[15] : i32 from vector<16xi32>
    %eq3A_99 = arith.constant 5 : i32
    %eq3A_100 = vector.broadcast %eq3A_99 : i32 to vector<16xi32>
    %eq3A_101 = arith.cmpi eq, %iota3A, %eq3A_100 : vector<16xi32>
    %broadcast_in_dim3A_102 = vector.broadcast %reduce_sum3A_98 : i32 to vector<16xi32>
    %select_n3A_103 = arith.select %eq3A_101, %broadcast_in_dim3A_102, %select_n3A_94 : vector<16xi1>, vector<16xi32>
    %reduce_sum3A_104 = arith.constant true
    %reduce_sum3A_105 = vector.broadcast %reduce_sum3A_104 : i1 to vector<16xi1>
    %reduce_sum3A_106 = tpu.scan <sum>, %scan3A_45#8 masked %reduce_sum3A_105 : vector<16xi32>, vector<16xi1> -> vector<16xi32>
    %reduce_sum3A_107 = vector.extract %reduce_sum3A_106[15] : i32 from vector<16xi32>
    %eq3A_108 = arith.constant 6 : i32
    %eq3A_109 = vector.broadcast %eq3A_108 : i32 to vector<16xi32>
    %eq3A_110 = arith.cmpi eq, %iota3A, %eq3A_109 : vector<16xi32>
    %broadcast_in_dim3A_111 = vector.broadcast %reduce_sum3A_107 : i32 to vector<16xi32>
    %select_n3A_112 = arith.select %eq3A_110, %broadcast_in_dim3A_111, %select_n3A_103 : vector<16xi1>, vector<16xi32>
    %reduce_sum3A_113 = arith.constant true
    %reduce_sum3A_114 = vector.broadcast %reduce_sum3A_113 : i1 to vector<16xi1>
    %reduce_sum3A_115 = tpu.scan <sum>, %scan3A_45#9 masked %reduce_sum3A_114 : vector<16xi32>, vector<16xi1> -> vector<16xi32>
    %reduce_sum3A_116 = vector.extract %reduce_sum3A_115[15] : i32 from vector<16xi32>
    %eq3A_117 = arith.constant 7 : i32
    %eq3A_118 = vector.broadcast %eq3A_117 : i32 to vector<16xi32>
    %eq3A_119 = arith.cmpi eq, %iota3A, %eq3A_118 : vector<16xi32>
    %broadcast_in_dim3A_120 = vector.broadcast %reduce_sum3A_116 : i32 to vector<16xi32>
    %select_n3A_121 = arith.select %eq3A_119, %broadcast_in_dim3A_120, %select_n3A_112 : vector<16xi1>, vector<16xi32>
    %reduce_sum3A_122 = arith.constant true
    %reduce_sum3A_123 = vector.broadcast %reduce_sum3A_122 : i1 to vector<16xi1>
    %reduce_sum3A_124 = tpu.scan <sum>, %scan3A_45#10 masked %reduce_sum3A_123 : vector<16xi32>, vector<16xi1> -> vector<16xi32>
    %reduce_sum3A_125 = vector.extract %reduce_sum3A_124[15] : i32 from vector<16xi32>
    %eq3A_126 = arith.constant 8 : i32
    %eq3A_127 = vector.broadcast %eq3A_126 : i32 to vector<16xi32>
    %eq3A_128 = arith.cmpi eq, %iota3A, %eq3A_127 : vector<16xi32>
    %broadcast_in_dim3A_129 = vector.broadcast %reduce_sum3A_125 : i32 to vector<16xi32>
    %select_n3A_130 = arith.select %eq3A_128, %broadcast_in_dim3A_129, %select_n3A_121 : vector<16xi1>, vector<16xi32>
    %swap3A = arith.constant 0 : index
    %swap3A_131 = tpu.vector_load %arg11[%swap3A] {strides = array<i32>} : memref<16xi32, #tpu.memory_space<vmem>>, vector<16xi32>,
    tpu.vector_store %arg11[%swap3A], %select_n3A_130 {strides = array<i32>} : memref<16xi32, #tpu.memory_space<vmem>>, vector<16xi32>,
    "tpu.region"() ({
      %run_scoped3A = tpu.sem_alloc : memref<!tpu.dma_semaphore, #tpu.memory_space<semaphore_mem>>
      %dma_start3A_132 = arith.constant 0 : i32
      %dma_start3A_133 = tpu.memref_slice %arg5[%add3A, %dma_start3A_132] : memref<32x16xi32, #tpu.memory_space<hbm>> -> memref<1x16xi32, #tpu.memory_space<hbm>>
      %dma_start3A_134 = tpu.memref_squeeze %dma_start3A_133 : memref<1x16xi32, #tpu.memory_space<hbm>> -> memref<16xi32, #tpu.memory_space<hbm>>
      %dma_start3A_135 = arith.constant 0 : i32
      %dma_start3A_136 = tpu.memref_slice %arg5[%add3A, %dma_start3A_135] : memref<32x16xi32, #tpu.memory_space<hbm>> -> memref<1x16xi32, #tpu.memory_space<hbm>>
      %dma_start3A_137 = tpu.memref_squeeze %dma_start3A_136 : memref<1x16xi32, #tpu.memory_space<hbm>> -> memref<16xi32, #tpu.memory_space<hbm>>
      tpu.enqueue_dma source(%arg11 : memref<16xi32, #tpu.memory_space<vmem>>) target(%dma_start3A_137 : memref<16xi32, #tpu.memory_space<hbm>>) target_semaphore(%run_scoped3A : memref<!tpu.dma_semaphore, #tpu.memory_space<semaphore_mem>>)
      %dma_wait3A_138 = arith.constant 0 : i32
      %dma_wait3A_139 = tpu.memref_slice %arg5[%add3A, %dma_wait3A_138] : memref<32x16xi32, #tpu.memory_space<hbm>> -> memref<1x16xi32, #tpu.memory_space<hbm>>
      %dma_wait3A_140 = tpu.memref_squeeze %dma_wait3A_139 : memref<1x16xi32, #tpu.memory_space<hbm>> -> memref<16xi32, #tpu.memory_space<hbm>>
      %dma_wait3A_141 = arith.constant 0 : i32
      %dma_wait3A_142 = tpu.memref_slice %arg5[%add3A, %dma_wait3A_141] : memref<32x16xi32, #tpu.memory_space<hbm>> -> memref<1x16xi32, #tpu.memory_space<hbm>>
      %dma_wait3A_143 = tpu.memref_squeeze %dma_wait3A_142 : memref<1x16xi32, #tpu.memory_space<hbm>> -> memref<16xi32, #tpu.memory_space<hbm>>
      tpu.wait_dma2 semaphore(%run_scoped3A : memref<!tpu.dma_semaphore, #tpu.memory_space<semaphore_mem>>) src(%arg11 : memref<16xi32, #tpu.memory_space<vmem>>) dst(%dma_wait3A_143 : memref<16xi32, #tpu.memory_space<hbm>>)
      tpu.yield
    }) : () -> ()
    return
  }
}

module attributes {stable_mosaic.version = 14 : i64} {
  func.func @_prepass_kernel(%arg0: i32, %arg1: memref<1024x128xf32, #tpu.memory_space<vmem>>, %arg2: memref<1024x128xi32, #tpu.memory_space<vmem>>, %arg3: memref<1024x128xi32, #tpu.memory_space<vmem>>, %arg4: memref<1024x128xi32, #tpu.memory_space<vmem>>, %arg5: memref<8x128xi32, #tpu.memory_space<vmem>>) attributes {dimension_semantics = [#tpu.dimension_semantics<arbitrary>], iteration_bounds = array<i64: 16>, scalar_prefetch = 0 : i64, scratch_operands = 0 : i64, tpu.core_type = #tpu.core_type<tc>, window_params = [{transform_indices = @transform_0, window_bounds = array<i64: 1024, 128>}, {transform_indices = @transform_1, window_bounds = array<i64: 1024, 128>}, {transform_indices = @transform_2, window_bounds = array<i64: 1024, 128>}, {transform_indices = @transform_3, window_bounds = array<i64: 1024, 128>}, {pipeline_mode = #tpu.pipeline_mode<synchronous>, transform_indices = @transform_4, window_bounds = array<i64: 8, 128>}]} {
    %get3A = arith.constant 0 : index
    %get3A_0 = arith.constant 0 : index
    %get3A_1 = vector.load %arg1[%get3A, %get3A_0] : memref<1024x128xf32, #tpu.memory_space<vmem>>, vector<1024x128xf32>
    %logistic3A = arith.negf %get3A_1 : vector<1024x128xf32>
    %logistic3A_2 = math.exp %logistic3A : vector<1024x128xf32>
    %logistic3A_3 = arith.constant 1.000000e+00 : f32
    %logistic3A_4 = vector.broadcast %logistic3A_3 : f32 to vector<1024x128xf32>
    %logistic3A_5 = arith.addf %logistic3A_4, %logistic3A_2 : vector<1024x128xf32>
    %logistic3A_6 = arith.divf %logistic3A_4, %logistic3A_5 : vector<1024x128xf32>
    %get3A_7 = arith.constant 0 : index
    %get3A_8 = arith.constant 0 : index
    %get3A_9 = vector.load %arg2[%get3A_7, %get3A_8] : memref<1024x128xi32, #tpu.memory_space<vmem>>, vector<1024x128xi32>
    %bitcast_convert_type3A = tpu.bitcast %logistic3A_6 : vector<1024x128xf32> -> vector<1024x128xi32>
    %ne3A = arith.constant 0 : i32
    %ne3A_10 = vector.broadcast %ne3A : i32 to vector<1024x128xi32>
    %ne3A_11 = arith.cmpi ne, %bitcast_convert_type3A, %ne3A_10 : vector<1024x128xi32>
    %and3A = arith.constant 16383 : i32
    %and3A_12 = vector.broadcast %and3A : i32 to vector<1024x128xi32>
    %and3A_13 = arith.andi %bitcast_convert_type3A, %and3A_12 : vector<1024x128xi32>
    %jit3A = arith.constant 16384 : i32
    %broadcast_in_dim3A = vector.broadcast %jit3A : i32 to vector<1024x128xi32>
    %select_n3A = arith.select %ne3A_11, %and3A_13, %broadcast_in_dim3A : vector<1024x128xi1>, vector<1024x128xi32>
    %shift_right_arithmetic3A = arith.constant 14 : i32
    %shift_right_arithmetic3A_14 = vector.broadcast %shift_right_arithmetic3A : i32 to vector<1024x128xi32>
    %shift_right_arithmetic3A_15 = arith.shrsi %bitcast_convert_type3A, %shift_right_arithmetic3A_14 : vector<1024x128xi32>
    %shift_left3A = arith.constant 4 : i32
    %shift_left3A_16 = vector.broadcast %shift_left3A : i32 to vector<1024x128xi32>
    %shift_left3A_17 = arith.shli %shift_right_arithmetic3A_15, %shift_left3A_16 : vector<1024x128xi32>
    %or3A = arith.ori %shift_left3A_17, %get3A_9 : vector<1024x128xi32>
    %swap3A = arith.constant 0 : index
    %swap3A_18 = arith.constant 0 : index
    %swap3A_19 = vector.load %arg3[%swap3A, %swap3A_18] : memref<1024x128xi32, #tpu.memory_space<vmem>>, vector<1024x128xi32>
    tpu.vector_store %arg3[%swap3A, %swap3A_18], %select_n3A {strides = array<i32>} : memref<1024x128xi32, #tpu.memory_space<vmem>>, vector<1024x128xi32>,
    %swap3A_20 = arith.constant 0 : index
    %swap3A_21 = arith.constant 0 : index
    %swap3A_22 = vector.load %arg4[%swap3A_20, %swap3A_21] : memref<1024x128xi32, #tpu.memory_space<vmem>>, vector<1024x128xi32>
    tpu.vector_store %arg4[%swap3A_20, %swap3A_21], %or3A {strides = array<i32>} : memref<1024x128xi32, #tpu.memory_space<vmem>>, vector<1024x128xi32>,
    %iota3A = tpu.iota {dimensions = array<i32: 0>} : vector<8x128xi32>
    %iota3A_23 = tpu.iota {dimensions = array<i32: 1>} : vector<8x128xi32>
    %broadcast_in_dim3A_24 = arith.constant 0 : i32
    %broadcast_in_dim3A_25 = vector.broadcast %broadcast_in_dim3A_24 : i32 to vector<8x128xi32>
    %eq3A = arith.constant 0 : i32
    %eq3A_26 = vector.broadcast %eq3A : i32 to vector<1024x128xi32>
    %eq3A_27 = arith.cmpi eq, %get3A_9, %eq3A_26 : vector<1024x128xi32>
    %convert_element_type3A = arith.extui %eq3A_27 : vector<1024x128xi1> to vector<1024x128xi32>
    %reduce_sum3A = vector.shape_cast %convert_element_type3A : vector<1024x128xi32> to vector<1x1024x128xi32>
    %reduce_sum3A_28 = arith.constant dense<0> : vector<1xi32>
    %reduce_sum3A_29 = vector.multi_reduction <add>, %reduce_sum3A, %reduce_sum3A_28 [1, 2] : vector<1x1024x128xi32> to vector<1xi32>
    %reduce_sum3A_30 = vector.shape_cast %reduce_sum3A_29 : vector<1xi32> to vector<1x1x1xi32>
    %reduce_sum3A_31 = vector.extract %reduce_sum3A_30[0, 0, 0] : i32 from vector<1x1x1xi32>
    %and3A_32 = arith.andi %eq3A_27, %ne3A_11 : vector<1024x128xi1>
    %convert_element_type3A_33 = arith.extui %and3A_32 : vector<1024x128xi1> to vector<1024x128xi32>
    %reduce_sum3A_34 = vector.shape_cast %convert_element_type3A_33 : vector<1024x128xi32> to vector<1x1024x128xi32>
    %reduce_sum3A_35 = arith.constant dense<0> : vector<1xi32>
    %reduce_sum3A_36 = vector.multi_reduction <add>, %reduce_sum3A_34, %reduce_sum3A_35 [1, 2] : vector<1x1024x128xi32> to vector<1xi32>
    %reduce_sum3A_37 = vector.shape_cast %reduce_sum3A_36 : vector<1xi32> to vector<1x1x1xi32>
    %reduce_sum3A_38 = vector.extract %reduce_sum3A_37[0, 0, 0] : i32 from vector<1x1x1xi32>
    %eq3A_39 = arith.constant 0 : i32
    %eq3A_40 = vector.broadcast %eq3A_39 : i32 to vector<8x128xi32>
    %eq3A_41 = arith.cmpi eq, %iota3A, %eq3A_40 : vector<8x128xi32>
    %eq3A_42 = arith.constant 0 : i32
    %eq3A_43 = vector.broadcast %eq3A_42 : i32 to vector<8x128xi32>
    %eq3A_44 = arith.cmpi eq, %iota3A_23, %eq3A_43 : vector<8x128xi32>
    %and3A_45 = arith.andi %eq3A_41, %eq3A_44 : vector<8x128xi1>
    %jit3A_46 = arith.constant 0 : i32
    %broadcast_in_dim3A_47 = vector.broadcast %reduce_sum3A_31 : i32 to vector<8x128xi32>
    %broadcast_in_dim3A_48 = vector.broadcast %jit3A_46 : i32 to vector<8x128xi32>
    %select_n3A_49 = arith.select %and3A_45, %broadcast_in_dim3A_47, %broadcast_in_dim3A_48 : vector<8x128xi1>, vector<8x128xi32>
    %add3A = arith.addi %broadcast_in_dim3A_25, %select_n3A_49 : vector<8x128xi32>
    %eq3A_50 = arith.constant 1 : i32
    %eq3A_51 = vector.broadcast %eq3A_50 : i32 to vector<8x128xi32>
    %eq3A_52 = arith.cmpi eq, %iota3A, %eq3A_51 : vector<8x128xi32>
    %eq3A_53 = arith.constant 0 : i32
    %eq3A_54 = vector.broadcast %eq3A_53 : i32 to vector<8x128xi32>
    %eq3A_55 = arith.cmpi eq, %iota3A_23, %eq3A_54 : vector<8x128xi32>
    %and3A_56 = arith.andi %eq3A_52, %eq3A_55 : vector<8x128xi1>
    %jit3A_57 = arith.constant 0 : i32
    %broadcast_in_dim3A_58 = vector.broadcast %reduce_sum3A_38 : i32 to vector<8x128xi32>
    %broadcast_in_dim3A_59 = vector.broadcast %jit3A_57 : i32 to vector<8x128xi32>
    %select_n3A_60 = arith.select %and3A_56, %broadcast_in_dim3A_58, %broadcast_in_dim3A_59 : vector<8x128xi1>, vector<8x128xi32>
    %add3A_61 = arith.addi %add3A, %select_n3A_60 : vector<8x128xi32>
    %eq3A_62 = arith.constant 1 : i32
    %eq3A_63 = vector.broadcast %eq3A_62 : i32 to vector<1024x128xi32>
    %eq3A_64 = arith.cmpi eq, %get3A_9, %eq3A_63 : vector<1024x128xi32>
    %convert_element_type3A_65 = arith.extui %eq3A_64 : vector<1024x128xi1> to vector<1024x128xi32>
    %reduce_sum3A_66 = vector.shape_cast %convert_element_type3A_65 : vector<1024x128xi32> to vector<1x1024x128xi32>
    %reduce_sum3A_67 = arith.constant dense<0> : vector<1xi32>
    %reduce_sum3A_68 = vector.multi_reduction <add>, %reduce_sum3A_66, %reduce_sum3A_67 [1, 2] : vector<1x1024x128xi32> to vector<1xi32>
    %reduce_sum3A_69 = vector.shape_cast %reduce_sum3A_68 : vector<1xi32> to vector<1x1x1xi32>
    %reduce_sum3A_70 = vector.extract %reduce_sum3A_69[0, 0, 0] : i32 from vector<1x1x1xi32>
    %and3A_71 = arith.andi %eq3A_64, %ne3A_11 : vector<1024x128xi1>
    %convert_element_type3A_72 = arith.extui %and3A_71 : vector<1024x128xi1> to vector<1024x128xi32>
    %reduce_sum3A_73 = vector.shape_cast %convert_element_type3A_72 : vector<1024x128xi32> to vector<1x1024x128xi32>
    %reduce_sum3A_74 = arith.constant dense<0> : vector<1xi32>
    %reduce_sum3A_75 = vector.multi_reduction <add>, %reduce_sum3A_73, %reduce_sum3A_74 [1, 2] : vector<1x1024x128xi32> to vector<1xi32>
    %reduce_sum3A_76 = vector.shape_cast %reduce_sum3A_75 : vector<1xi32> to vector<1x1x1xi32>
    %reduce_sum3A_77 = vector.extract %reduce_sum3A_76[0, 0, 0] : i32 from vector<1x1x1xi32>
    %eq3A_78 = arith.constant 0 : i32
    %eq3A_79 = vector.broadcast %eq3A_78 : i32 to vector<8x128xi32>
    %eq3A_80 = arith.cmpi eq, %iota3A, %eq3A_79 : vector<8x128xi32>
    %eq3A_81 = arith.constant 1 : i32
    %eq3A_82 = vector.broadcast %eq3A_81 : i32 to vector<8x128xi32>
    %eq3A_83 = arith.cmpi eq, %iota3A_23, %eq3A_82 : vector<8x128xi32>
    %and3A_84 = arith.andi %eq3A_80, %eq3A_83 : vector<8x128xi1>
    %jit3A_85 = arith.constant 0 : i32
    %broadcast_in_dim3A_86 = vector.broadcast %reduce_sum3A_70 : i32 to vector<8x128xi32>
    %broadcast_in_dim3A_87 = vector.broadcast %jit3A_85 : i32 to vector<8x128xi32>
    %select_n3A_88 = arith.select %and3A_84, %broadcast_in_dim3A_86, %broadcast_in_dim3A_87 : vector<8x128xi1>, vector<8x128xi32>
    %add3A_89 = arith.addi %add3A_61, %select_n3A_88 : vector<8x128xi32>
    %eq3A_90 = arith.constant 1 : i32
    %eq3A_91 = vector.broadcast %eq3A_90 : i32 to vector<8x128xi32>
    %eq3A_92 = arith.cmpi eq, %iota3A, %eq3A_91 : vector<8x128xi32>
    %eq3A_93 = arith.constant 1 : i32
    %eq3A_94 = vector.broadcast %eq3A_93 : i32 to vector<8x128xi32>
    %eq3A_95 = arith.cmpi eq, %iota3A_23, %eq3A_94 : vector<8x128xi32>
    %and3A_96 = arith.andi %eq3A_92, %eq3A_95 : vector<8x128xi1>
    %jit3A_97 = arith.constant 0 : i32
    %broadcast_in_dim3A_98 = vector.broadcast %reduce_sum3A_77 : i32 to vector<8x128xi32>
    %broadcast_in_dim3A_99 = vector.broadcast %jit3A_97 : i32 to vector<8x128xi32>
    %select_n3A_100 = arith.select %and3A_96, %broadcast_in_dim3A_98, %broadcast_in_dim3A_99 : vector<8x128xi1>, vector<8x128xi32>
    %add3A_101 = arith.addi %add3A_89, %select_n3A_100 : vector<8x128xi32>
    %eq3A_102 = arith.constant 2 : i32
    %eq3A_103 = vector.broadcast %eq3A_102 : i32 to vector<1024x128xi32>
    %eq3A_104 = arith.cmpi eq, %get3A_9, %eq3A_103 : vector<1024x128xi32>
    %convert_element_type3A_105 = arith.extui %eq3A_104 : vector<1024x128xi1> to vector<1024x128xi32>
    %reduce_sum3A_106 = vector.shape_cast %convert_element_type3A_105 : vector<1024x128xi32> to vector<1x1024x128xi32>
    %reduce_sum3A_107 = arith.constant dense<0> : vector<1xi32>
    %reduce_sum3A_108 = vector.multi_reduction <add>, %reduce_sum3A_106, %reduce_sum3A_107 [1, 2] : vector<1x1024x128xi32> to vector<1xi32>
    %reduce_sum3A_109 = vector.shape_cast %reduce_sum3A_108 : vector<1xi32> to vector<1x1x1xi32>
    %reduce_sum3A_110 = vector.extract %reduce_sum3A_109[0, 0, 0] : i32 from vector<1x1x1xi32>
    %and3A_111 = arith.andi %eq3A_104, %ne3A_11 : vector<1024x128xi1>
    %convert_element_type3A_112 = arith.extui %and3A_111 : vector<1024x128xi1> to vector<1024x128xi32>
    %reduce_sum3A_113 = vector.shape_cast %convert_element_type3A_112 : vector<1024x128xi32> to vector<1x1024x128xi32>
    %reduce_sum3A_114 = arith.constant dense<0> : vector<1xi32>
    %reduce_sum3A_115 = vector.multi_reduction <add>, %reduce_sum3A_113, %reduce_sum3A_114 [1, 2] : vector<1x1024x128xi32> to vector<1xi32>
    %reduce_sum3A_116 = vector.shape_cast %reduce_sum3A_115 : vector<1xi32> to vector<1x1x1xi32>
    %reduce_sum3A_117 = vector.extract %reduce_sum3A_116[0, 0, 0] : i32 from vector<1x1x1xi32>
    %eq3A_118 = arith.constant 0 : i32
    %eq3A_119 = vector.broadcast %eq3A_118 : i32 to vector<8x128xi32>
    %eq3A_120 = arith.cmpi eq, %iota3A, %eq3A_119 : vector<8x128xi32>
    %eq3A_121 = arith.constant 2 : i32
    %eq3A_122 = vector.broadcast %eq3A_121 : i32 to vector<8x128xi32>
    %eq3A_123 = arith.cmpi eq, %iota3A_23, %eq3A_122 : vector<8x128xi32>
    %and3A_124 = arith.andi %eq3A_120, %eq3A_123 : vector<8x128xi1>
    %jit3A_125 = arith.constant 0 : i32
    %broadcast_in_dim3A_126 = vector.broadcast %reduce_sum3A_110 : i32 to vector<8x128xi32>
    %broadcast_in_dim3A_127 = vector.broadcast %jit3A_125 : i32 to vector<8x128xi32>
    %select_n3A_128 = arith.select %and3A_124, %broadcast_in_dim3A_126, %broadcast_in_dim3A_127 : vector<8x128xi1>, vector<8x128xi32>
    %add3A_129 = arith.addi %add3A_101, %select_n3A_128 : vector<8x128xi32>
    %eq3A_130 = arith.constant 1 : i32
    %eq3A_131 = vector.broadcast %eq3A_130 : i32 to vector<8x128xi32>
    %eq3A_132 = arith.cmpi eq, %iota3A, %eq3A_131 : vector<8x128xi32>
    %eq3A_133 = arith.constant 2 : i32
    %eq3A_134 = vector.broadcast %eq3A_133 : i32 to vector<8x128xi32>
    %eq3A_135 = arith.cmpi eq, %iota3A_23, %eq3A_134 : vector<8x128xi32>
    %and3A_136 = arith.andi %eq3A_132, %eq3A_135 : vector<8x128xi1>
    %jit3A_137 = arith.constant 0 : i32
    %broadcast_in_dim3A_138 = vector.broadcast %reduce_sum3A_117 : i32 to vector<8x128xi32>
    %broadcast_in_dim3A_139 = vector.broadcast %jit3A_137 : i32 to vector<8x128xi32>
    %select_n3A_140 = arith.select %and3A_136, %broadcast_in_dim3A_138, %broadcast_in_dim3A_139 : vector<8x128xi1>, vector<8x128xi32>
    %add3A_141 = arith.addi %add3A_129, %select_n3A_140 : vector<8x128xi32>
    %eq3A_142 = arith.constant 3 : i32
    %eq3A_143 = vector.broadcast %eq3A_142 : i32 to vector<1024x128xi32>
    %eq3A_144 = arith.cmpi eq, %get3A_9, %eq3A_143 : vector<1024x128xi32>
    %convert_element_type3A_145 = arith.extui %eq3A_144 : vector<1024x128xi1> to vector<1024x128xi32>
    %reduce_sum3A_146 = vector.shape_cast %convert_element_type3A_145 : vector<1024x128xi32> to vector<1x1024x128xi32>
    %reduce_sum3A_147 = arith.constant dense<0> : vector<1xi32>
    %reduce_sum3A_148 = vector.multi_reduction <add>, %reduce_sum3A_146, %reduce_sum3A_147 [1, 2] : vector<1x1024x128xi32> to vector<1xi32>
    %reduce_sum3A_149 = vector.shape_cast %reduce_sum3A_148 : vector<1xi32> to vector<1x1x1xi32>
    %reduce_sum3A_150 = vector.extract %reduce_sum3A_149[0, 0, 0] : i32 from vector<1x1x1xi32>
    %and3A_151 = arith.andi %eq3A_144, %ne3A_11 : vector<1024x128xi1>
    %convert_element_type3A_152 = arith.extui %and3A_151 : vector<1024x128xi1> to vector<1024x128xi32>
    %reduce_sum3A_153 = vector.shape_cast %convert_element_type3A_152 : vector<1024x128xi32> to vector<1x1024x128xi32>
    %reduce_sum3A_154 = arith.constant dense<0> : vector<1xi32>
    %reduce_sum3A_155 = vector.multi_reduction <add>, %reduce_sum3A_153, %reduce_sum3A_154 [1, 2] : vector<1x1024x128xi32> to vector<1xi32>
    %reduce_sum3A_156 = vector.shape_cast %reduce_sum3A_155 : vector<1xi32> to vector<1x1x1xi32>
    %reduce_sum3A_157 = vector.extract %reduce_sum3A_156[0, 0, 0] : i32 from vector<1x1x1xi32>
    %eq3A_158 = arith.constant 0 : i32
    %eq3A_159 = vector.broadcast %eq3A_158 : i32 to vector<8x128xi32>
    %eq3A_160 = arith.cmpi eq, %iota3A, %eq3A_159 : vector<8x128xi32>
    %eq3A_161 = arith.constant 3 : i32
    %eq3A_162 = vector.broadcast %eq3A_161 : i32 to vector<8x128xi32>
    %eq3A_163 = arith.cmpi eq, %iota3A_23, %eq3A_162 : vector<8x128xi32>
    %and3A_164 = arith.andi %eq3A_160, %eq3A_163 : vector<8x128xi1>
    %jit3A_165 = arith.constant 0 : i32
    %broadcast_in_dim3A_166 = vector.broadcast %reduce_sum3A_150 : i32 to vector<8x128xi32>
    %broadcast_in_dim3A_167 = vector.broadcast %jit3A_165 : i32 to vector<8x128xi32>
    %select_n3A_168 = arith.select %and3A_164, %broadcast_in_dim3A_166, %broadcast_in_dim3A_167 : vector<8x128xi1>, vector<8x128xi32>
    %add3A_169 = arith.addi %add3A_141, %select_n3A_168 : vector<8x128xi32>
    %eq3A_170 = arith.constant 1 : i32
    %eq3A_171 = vector.broadcast %eq3A_170 : i32 to vector<8x128xi32>
    %eq3A_172 = arith.cmpi eq, %iota3A, %eq3A_171 : vector<8x128xi32>
    %eq3A_173 = arith.constant 3 : i32
    %eq3A_174 = vector.broadcast %eq3A_173 : i32 to vector<8x128xi32>
    %eq3A_175 = arith.cmpi eq, %iota3A_23, %eq3A_174 : vector<8x128xi32>
    %and3A_176 = arith.andi %eq3A_172, %eq3A_175 : vector<8x128xi1>
    %jit3A_177 = arith.constant 0 : i32
    %broadcast_in_dim3A_178 = vector.broadcast %reduce_sum3A_157 : i32 to vector<8x128xi32>
    %broadcast_in_dim3A_179 = vector.broadcast %jit3A_177 : i32 to vector<8x128xi32>
    %select_n3A_180 = arith.select %and3A_176, %broadcast_in_dim3A_178, %broadcast_in_dim3A_179 : vector<8x128xi1>, vector<8x128xi32>
    %add3A_181 = arith.addi %add3A_169, %select_n3A_180 : vector<8x128xi32>
    %eq3A_182 = arith.constant 4 : i32
    %eq3A_183 = vector.broadcast %eq3A_182 : i32 to vector<1024x128xi32>
    %eq3A_184 = arith.cmpi eq, %get3A_9, %eq3A_183 : vector<1024x128xi32>
    %convert_element_type3A_185 = arith.extui %eq3A_184 : vector<1024x128xi1> to vector<1024x128xi32>
    %reduce_sum3A_186 = vector.shape_cast %convert_element_type3A_185 : vector<1024x128xi32> to vector<1x1024x128xi32>
    %reduce_sum3A_187 = arith.constant dense<0> : vector<1xi32>
    %reduce_sum3A_188 = vector.multi_reduction <add>, %reduce_sum3A_186, %reduce_sum3A_187 [1, 2] : vector<1x1024x128xi32> to vector<1xi32>
    %reduce_sum3A_189 = vector.shape_cast %reduce_sum3A_188 : vector<1xi32> to vector<1x1x1xi32>
    %reduce_sum3A_190 = vector.extract %reduce_sum3A_189[0, 0, 0] : i32 from vector<1x1x1xi32>
    %and3A_191 = arith.andi %eq3A_184, %ne3A_11 : vector<1024x128xi1>
    %convert_element_type3A_192 = arith.extui %and3A_191 : vector<1024x128xi1> to vector<1024x128xi32>
    %reduce_sum3A_193 = vector.shape_cast %convert_element_type3A_192 : vector<1024x128xi32> to vector<1x1024x128xi32>
    %reduce_sum3A_194 = arith.constant dense<0> : vector<1xi32>
    %reduce_sum3A_195 = vector.multi_reduction <add>, %reduce_sum3A_193, %reduce_sum3A_194 [1, 2] : vector<1x1024x128xi32> to vector<1xi32>
    %reduce_sum3A_196 = vector.shape_cast %reduce_sum3A_195 : vector<1xi32> to vector<1x1x1xi32>
    %reduce_sum3A_197 = vector.extract %reduce_sum3A_196[0, 0, 0] : i32 from vector<1x1x1xi32>
    %eq3A_198 = arith.constant 0 : i32
    %eq3A_199 = vector.broadcast %eq3A_198 : i32 to vector<8x128xi32>
    %eq3A_200 = arith.cmpi eq, %iota3A, %eq3A_199 : vector<8x128xi32>
    %eq3A_201 = arith.constant 4 : i32
    %eq3A_202 = vector.broadcast %eq3A_201 : i32 to vector<8x128xi32>
    %eq3A_203 = arith.cmpi eq, %iota3A_23, %eq3A_202 : vector<8x128xi32>
    %and3A_204 = arith.andi %eq3A_200, %eq3A_203 : vector<8x128xi1>
    %jit3A_205 = arith.constant 0 : i32
    %broadcast_in_dim3A_206 = vector.broadcast %reduce_sum3A_190 : i32 to vector<8x128xi32>
    %broadcast_in_dim3A_207 = vector.broadcast %jit3A_205 : i32 to vector<8x128xi32>
    %select_n3A_208 = arith.select %and3A_204, %broadcast_in_dim3A_206, %broadcast_in_dim3A_207 : vector<8x128xi1>, vector<8x128xi32>
    %add3A_209 = arith.addi %add3A_181, %select_n3A_208 : vector<8x128xi32>
    %eq3A_210 = arith.constant 1 : i32
    %eq3A_211 = vector.broadcast %eq3A_210 : i32 to vector<8x128xi32>
    %eq3A_212 = arith.cmpi eq, %iota3A, %eq3A_211 : vector<8x128xi32>
    %eq3A_213 = arith.constant 4 : i32
    %eq3A_214 = vector.broadcast %eq3A_213 : i32 to vector<8x128xi32>
    %eq3A_215 = arith.cmpi eq, %iota3A_23, %eq3A_214 : vector<8x128xi32>
    %and3A_216 = arith.andi %eq3A_212, %eq3A_215 : vector<8x128xi1>
    %jit3A_217 = arith.constant 0 : i32
    %broadcast_in_dim3A_218 = vector.broadcast %reduce_sum3A_197 : i32 to vector<8x128xi32>
    %broadcast_in_dim3A_219 = vector.broadcast %jit3A_217 : i32 to vector<8x128xi32>
    %select_n3A_220 = arith.select %and3A_216, %broadcast_in_dim3A_218, %broadcast_in_dim3A_219 : vector<8x128xi1>, vector<8x128xi32>
    %add3A_221 = arith.addi %add3A_209, %select_n3A_220 : vector<8x128xi32>
    %eq3A_222 = arith.constant 5 : i32
    %eq3A_223 = vector.broadcast %eq3A_222 : i32 to vector<1024x128xi32>
    %eq3A_224 = arith.cmpi eq, %get3A_9, %eq3A_223 : vector<1024x128xi32>
    %convert_element_type3A_225 = arith.extui %eq3A_224 : vector<1024x128xi1> to vector<1024x128xi32>
    %reduce_sum3A_226 = vector.shape_cast %convert_element_type3A_225 : vector<1024x128xi32> to vector<1x1024x128xi32>
    %reduce_sum3A_227 = arith.constant dense<0> : vector<1xi32>
    %reduce_sum3A_228 = vector.multi_reduction <add>, %reduce_sum3A_226, %reduce_sum3A_227 [1, 2] : vector<1x1024x128xi32> to vector<1xi32>
    %reduce_sum3A_229 = vector.shape_cast %reduce_sum3A_228 : vector<1xi32> to vector<1x1x1xi32>
    %reduce_sum3A_230 = vector.extract %reduce_sum3A_229[0, 0, 0] : i32 from vector<1x1x1xi32>
    %and3A_231 = arith.andi %eq3A_224, %ne3A_11 : vector<1024x128xi1>
    %convert_element_type3A_232 = arith.extui %and3A_231 : vector<1024x128xi1> to vector<1024x128xi32>
    %reduce_sum3A_233 = vector.shape_cast %convert_element_type3A_232 : vector<1024x128xi32> to vector<1x1024x128xi32>
    %reduce_sum3A_234 = arith.constant dense<0> : vector<1xi32>
    %reduce_sum3A_235 = vector.multi_reduction <add>, %reduce_sum3A_233, %reduce_sum3A_234 [1, 2] : vector<1x1024x128xi32> to vector<1xi32>
    %reduce_sum3A_236 = vector.shape_cast %reduce_sum3A_235 : vector<1xi32> to vector<1x1x1xi32>
    %reduce_sum3A_237 = vector.extract %reduce_sum3A_236[0, 0, 0] : i32 from vector<1x1x1xi32>
    %eq3A_238 = arith.constant 0 : i32
    %eq3A_239 = vector.broadcast %eq3A_238 : i32 to vector<8x128xi32>
    %eq3A_240 = arith.cmpi eq, %iota3A, %eq3A_239 : vector<8x128xi32>
    %eq3A_241 = arith.constant 5 : i32
    %eq3A_242 = vector.broadcast %eq3A_241 : i32 to vector<8x128xi32>
    %eq3A_243 = arith.cmpi eq, %iota3A_23, %eq3A_242 : vector<8x128xi32>
    %and3A_244 = arith.andi %eq3A_240, %eq3A_243 : vector<8x128xi1>
    %jit3A_245 = arith.constant 0 : i32
    %broadcast_in_dim3A_246 = vector.broadcast %reduce_sum3A_230 : i32 to vector<8x128xi32>
    %broadcast_in_dim3A_247 = vector.broadcast %jit3A_245 : i32 to vector<8x128xi32>
    %select_n3A_248 = arith.select %and3A_244, %broadcast_in_dim3A_246, %broadcast_in_dim3A_247 : vector<8x128xi1>, vector<8x128xi32>
    %add3A_249 = arith.addi %add3A_221, %select_n3A_248 : vector<8x128xi32>
    %eq3A_250 = arith.constant 1 : i32
    %eq3A_251 = vector.broadcast %eq3A_250 : i32 to vector<8x128xi32>
    %eq3A_252 = arith.cmpi eq, %iota3A, %eq3A_251 : vector<8x128xi32>
    %eq3A_253 = arith.constant 5 : i32
    %eq3A_254 = vector.broadcast %eq3A_253 : i32 to vector<8x128xi32>
    %eq3A_255 = arith.cmpi eq, %iota3A_23, %eq3A_254 : vector<8x128xi32>
    %and3A_256 = arith.andi %eq3A_252, %eq3A_255 : vector<8x128xi1>
    %jit3A_257 = arith.constant 0 : i32
    %broadcast_in_dim3A_258 = vector.broadcast %reduce_sum3A_237 : i32 to vector<8x128xi32>
    %broadcast_in_dim3A_259 = vector.broadcast %jit3A_257 : i32 to vector<8x128xi32>
    %select_n3A_260 = arith.select %and3A_256, %broadcast_in_dim3A_258, %broadcast_in_dim3A_259 : vector<8x128xi1>, vector<8x128xi32>
    %add3A_261 = arith.addi %add3A_249, %select_n3A_260 : vector<8x128xi32>
    %eq3A_262 = arith.constant 6 : i32
    %eq3A_263 = vector.broadcast %eq3A_262 : i32 to vector<1024x128xi32>
    %eq3A_264 = arith.cmpi eq, %get3A_9, %eq3A_263 : vector<1024x128xi32>
    %convert_element_type3A_265 = arith.extui %eq3A_264 : vector<1024x128xi1> to vector<1024x128xi32>
    %reduce_sum3A_266 = vector.shape_cast %convert_element_type3A_265 : vector<1024x128xi32> to vector<1x1024x128xi32>
    %reduce_sum3A_267 = arith.constant dense<0> : vector<1xi32>
    %reduce_sum3A_268 = vector.multi_reduction <add>, %reduce_sum3A_266, %reduce_sum3A_267 [1, 2] : vector<1x1024x128xi32> to vector<1xi32>
    %reduce_sum3A_269 = vector.shape_cast %reduce_sum3A_268 : vector<1xi32> to vector<1x1x1xi32>
    %reduce_sum3A_270 = vector.extract %reduce_sum3A_269[0, 0, 0] : i32 from vector<1x1x1xi32>
    %and3A_271 = arith.andi %eq3A_264, %ne3A_11 : vector<1024x128xi1>
    %convert_element_type3A_272 = arith.extui %and3A_271 : vector<1024x128xi1> to vector<1024x128xi32>
    %reduce_sum3A_273 = vector.shape_cast %convert_element_type3A_272 : vector<1024x128xi32> to vector<1x1024x128xi32>
    %reduce_sum3A_274 = arith.constant dense<0> : vector<1xi32>
    %reduce_sum3A_275 = vector.multi_reduction <add>, %reduce_sum3A_273, %reduce_sum3A_274 [1, 2] : vector<1x1024x128xi32> to vector<1xi32>
    %reduce_sum3A_276 = vector.shape_cast %reduce_sum3A_275 : vector<1xi32> to vector<1x1x1xi32>
    %reduce_sum3A_277 = vector.extract %reduce_sum3A_276[0, 0, 0] : i32 from vector<1x1x1xi32>
    %eq3A_278 = arith.constant 0 : i32
    %eq3A_279 = vector.broadcast %eq3A_278 : i32 to vector<8x128xi32>
    %eq3A_280 = arith.cmpi eq, %iota3A, %eq3A_279 : vector<8x128xi32>
    %eq3A_281 = arith.constant 6 : i32
    %eq3A_282 = vector.broadcast %eq3A_281 : i32 to vector<8x128xi32>
    %eq3A_283 = arith.cmpi eq, %iota3A_23, %eq3A_282 : vector<8x128xi32>
    %and3A_284 = arith.andi %eq3A_280, %eq3A_283 : vector<8x128xi1>
    %jit3A_285 = arith.constant 0 : i32
    %broadcast_in_dim3A_286 = vector.broadcast %reduce_sum3A_270 : i32 to vector<8x128xi32>
    %broadcast_in_dim3A_287 = vector.broadcast %jit3A_285 : i32 to vector<8x128xi32>
    %select_n3A_288 = arith.select %and3A_284, %broadcast_in_dim3A_286, %broadcast_in_dim3A_287 : vector<8x128xi1>, vector<8x128xi32>
    %add3A_289 = arith.addi %add3A_261, %select_n3A_288 : vector<8x128xi32>
    %eq3A_290 = arith.constant 1 : i32
    %eq3A_291 = vector.broadcast %eq3A_290 : i32 to vector<8x128xi32>
    %eq3A_292 = arith.cmpi eq, %iota3A, %eq3A_291 : vector<8x128xi32>
    %eq3A_293 = arith.constant 6 : i32
    %eq3A_294 = vector.broadcast %eq3A_293 : i32 to vector<8x128xi32>
    %eq3A_295 = arith.cmpi eq, %iota3A_23, %eq3A_294 : vector<8x128xi32>
    %and3A_296 = arith.andi %eq3A_292, %eq3A_295 : vector<8x128xi1>
    %jit3A_297 = arith.constant 0 : i32
    %broadcast_in_dim3A_298 = vector.broadcast %reduce_sum3A_277 : i32 to vector<8x128xi32>
    %broadcast_in_dim3A_299 = vector.broadcast %jit3A_297 : i32 to vector<8x128xi32>
    %select_n3A_300 = arith.select %and3A_296, %broadcast_in_dim3A_298, %broadcast_in_dim3A_299 : vector<8x128xi1>, vector<8x128xi32>
    %add3A_301 = arith.addi %add3A_289, %select_n3A_300 : vector<8x128xi32>
    %eq3A_302 = arith.constant 7 : i32
    %eq3A_303 = vector.broadcast %eq3A_302 : i32 to vector<1024x128xi32>
    %eq3A_304 = arith.cmpi eq, %get3A_9, %eq3A_303 : vector<1024x128xi32>
    %convert_element_type3A_305 = arith.extui %eq3A_304 : vector<1024x128xi1> to vector<1024x128xi32>
    %reduce_sum3A_306 = vector.shape_cast %convert_element_type3A_305 : vector<1024x128xi32> to vector<1x1024x128xi32>
    %reduce_sum3A_307 = arith.constant dense<0> : vector<1xi32>
    %reduce_sum3A_308 = vector.multi_reduction <add>, %reduce_sum3A_306, %reduce_sum3A_307 [1, 2] : vector<1x1024x128xi32> to vector<1xi32>
    %reduce_sum3A_309 = vector.shape_cast %reduce_sum3A_308 : vector<1xi32> to vector<1x1x1xi32>
    %reduce_sum3A_310 = vector.extract %reduce_sum3A_309[0, 0, 0] : i32 from vector<1x1x1xi32>
    %and3A_311 = arith.andi %eq3A_304, %ne3A_11 : vector<1024x128xi1>
    %convert_element_type3A_312 = arith.extui %and3A_311 : vector<1024x128xi1> to vector<1024x128xi32>
    %reduce_sum3A_313 = vector.shape_cast %convert_element_type3A_312 : vector<1024x128xi32> to vector<1x1024x128xi32>
    %reduce_sum3A_314 = arith.constant dense<0> : vector<1xi32>
    %reduce_sum3A_315 = vector.multi_reduction <add>, %reduce_sum3A_313, %reduce_sum3A_314 [1, 2] : vector<1x1024x128xi32> to vector<1xi32>
    %reduce_sum3A_316 = vector.shape_cast %reduce_sum3A_315 : vector<1xi32> to vector<1x1x1xi32>
    %reduce_sum3A_317 = vector.extract %reduce_sum3A_316[0, 0, 0] : i32 from vector<1x1x1xi32>
    %eq3A_318 = arith.constant 0 : i32
    %eq3A_319 = vector.broadcast %eq3A_318 : i32 to vector<8x128xi32>
    %eq3A_320 = arith.cmpi eq, %iota3A, %eq3A_319 : vector<8x128xi32>
    %eq3A_321 = arith.constant 7 : i32
    %eq3A_322 = vector.broadcast %eq3A_321 : i32 to vector<8x128xi32>
    %eq3A_323 = arith.cmpi eq, %iota3A_23, %eq3A_322 : vector<8x128xi32>
    %and3A_324 = arith.andi %eq3A_320, %eq3A_323 : vector<8x128xi1>
    %jit3A_325 = arith.constant 0 : i32
    %broadcast_in_dim3A_326 = vector.broadcast %reduce_sum3A_310 : i32 to vector<8x128xi32>
    %broadcast_in_dim3A_327 = vector.broadcast %jit3A_325 : i32 to vector<8x128xi32>
    %select_n3A_328 = arith.select %and3A_324, %broadcast_in_dim3A_326, %broadcast_in_dim3A_327 : vector<8x128xi1>, vector<8x128xi32>
    %add3A_329 = arith.addi %add3A_301, %select_n3A_328 : vector<8x128xi32>
    %eq3A_330 = arith.constant 1 : i32
    %eq3A_331 = vector.broadcast %eq3A_330 : i32 to vector<8x128xi32>
    %eq3A_332 = arith.cmpi eq, %iota3A, %eq3A_331 : vector<8x128xi32>
    %eq3A_333 = arith.constant 7 : i32
    %eq3A_334 = vector.broadcast %eq3A_333 : i32 to vector<8x128xi32>
    %eq3A_335 = arith.cmpi eq, %iota3A_23, %eq3A_334 : vector<8x128xi32>
    %and3A_336 = arith.andi %eq3A_332, %eq3A_335 : vector<8x128xi1>
    %jit3A_337 = arith.constant 0 : i32
    %broadcast_in_dim3A_338 = vector.broadcast %reduce_sum3A_317 : i32 to vector<8x128xi32>
    %broadcast_in_dim3A_339 = vector.broadcast %jit3A_337 : i32 to vector<8x128xi32>
    %select_n3A_340 = arith.select %and3A_336, %broadcast_in_dim3A_338, %broadcast_in_dim3A_339 : vector<8x128xi1>, vector<8x128xi32>
    %add3A_341 = arith.addi %add3A_329, %select_n3A_340 : vector<8x128xi32>
    %eq3A_342 = arith.constant 8 : i32
    %eq3A_343 = vector.broadcast %eq3A_342 : i32 to vector<1024x128xi32>
    %eq3A_344 = arith.cmpi eq, %get3A_9, %eq3A_343 : vector<1024x128xi32>
    %convert_element_type3A_345 = arith.extui %eq3A_344 : vector<1024x128xi1> to vector<1024x128xi32>
    %reduce_sum3A_346 = vector.shape_cast %convert_element_type3A_345 : vector<1024x128xi32> to vector<1x1024x128xi32>
    %reduce_sum3A_347 = arith.constant dense<0> : vector<1xi32>
    %reduce_sum3A_348 = vector.multi_reduction <add>, %reduce_sum3A_346, %reduce_sum3A_347 [1, 2] : vector<1x1024x128xi32> to vector<1xi32>
    %reduce_sum3A_349 = vector.shape_cast %reduce_sum3A_348 : vector<1xi32> to vector<1x1x1xi32>
    %reduce_sum3A_350 = vector.extract %reduce_sum3A_349[0, 0, 0] : i32 from vector<1x1x1xi32>
    %and3A_351 = arith.andi %eq3A_344, %ne3A_11 : vector<1024x128xi1>
    %convert_element_type3A_352 = arith.extui %and3A_351 : vector<1024x128xi1> to vector<1024x128xi32>
    %reduce_sum3A_353 = vector.shape_cast %convert_element_type3A_352 : vector<1024x128xi32> to vector<1x1024x128xi32>
    %reduce_sum3A_354 = arith.constant dense<0> : vector<1xi32>
    %reduce_sum3A_355 = vector.multi_reduction <add>, %reduce_sum3A_353, %reduce_sum3A_354 [1, 2] : vector<1x1024x128xi32> to vector<1xi32>
    %reduce_sum3A_356 = vector.shape_cast %reduce_sum3A_355 : vector<1xi32> to vector<1x1x1xi32>
    %reduce_sum3A_357 = vector.extract %reduce_sum3A_356[0, 0, 0] : i32 from vector<1x1x1xi32>
    %eq3A_358 = arith.constant 0 : i32
    %eq3A_359 = vector.broadcast %eq3A_358 : i32 to vector<8x128xi32>
    %eq3A_360 = arith.cmpi eq, %iota3A, %eq3A_359 : vector<8x128xi32>
    %eq3A_361 = arith.constant 8 : i32
    %eq3A_362 = vector.broadcast %eq3A_361 : i32 to vector<8x128xi32>
    %eq3A_363 = arith.cmpi eq, %iota3A_23, %eq3A_362 : vector<8x128xi32>
    %and3A_364 = arith.andi %eq3A_360, %eq3A_363 : vector<8x128xi1>
    %jit3A_365 = arith.constant 0 : i32
    %broadcast_in_dim3A_366 = vector.broadcast %reduce_sum3A_350 : i32 to vector<8x128xi32>
    %broadcast_in_dim3A_367 = vector.broadcast %jit3A_365 : i32 to vector<8x128xi32>
    %select_n3A_368 = arith.select %and3A_364, %broadcast_in_dim3A_366, %broadcast_in_dim3A_367 : vector<8x128xi1>, vector<8x128xi32>
    %add3A_369 = arith.addi %add3A_341, %select_n3A_368 : vector<8x128xi32>
    %eq3A_370 = arith.constant 1 : i32
    %eq3A_371 = vector.broadcast %eq3A_370 : i32 to vector<8x128xi32>
    %eq3A_372 = arith.cmpi eq, %iota3A, %eq3A_371 : vector<8x128xi32>
    %eq3A_373 = arith.constant 8 : i32
    %eq3A_374 = vector.broadcast %eq3A_373 : i32 to vector<8x128xi32>
    %eq3A_375 = arith.cmpi eq, %iota3A_23, %eq3A_374 : vector<8x128xi32>
    %and3A_376 = arith.andi %eq3A_372, %eq3A_375 : vector<8x128xi1>
    %jit3A_377 = arith.constant 0 : i32
    %broadcast_in_dim3A_378 = vector.broadcast %reduce_sum3A_357 : i32 to vector<8x128xi32>
    %broadcast_in_dim3A_379 = vector.broadcast %jit3A_377 : i32 to vector<8x128xi32>
    %select_n3A_380 = arith.select %and3A_376, %broadcast_in_dim3A_378, %broadcast_in_dim3A_379 : vector<8x128xi1>, vector<8x128xi32>
    %add3A_381 = arith.addi %add3A_369, %select_n3A_380 : vector<8x128xi32>
    %eq3A_382 = arith.constant 0 : i32
    %eq3A_383 = arith.cmpi eq, %arg0, %eq3A_382 : i32
    %convert_element_type3A_384 = arith.extui %eq3A_383 : i1 to i32
    %cond3A = arith.constant 0 : i32
    %cond3A_385 = arith.cmpi ne, %convert_element_type3A_384, %cond3A : i32
    scf.if %cond3A_385 {
      %swap3A_391 = arith.constant 0 : index
      %swap3A_392 = arith.constant 0 : index
      %swap3A_393 = vector.load %arg5[%swap3A_391, %swap3A_392] : memref<8x128xi32, #tpu.memory_space<vmem>>, vector<8x128xi32>
      tpu.vector_store %arg5[%swap3A_391, %swap3A_392], %add3A_381 {strides = array<i32>} : memref<8x128xi32, #tpu.memory_space<vmem>>, vector<8x128xi32>,
    } else {
    }
    %ne3A_386 = arith.constant 0 : i32
    %ne3A_387 = arith.cmpi ne, %arg0, %ne3A_386 : i32
    %convert_element_type3A_388 = arith.extui %ne3A_387 : i1 to i32
    %cond3A_389 = arith.constant 0 : i32
    %cond3A_390 = arith.cmpi ne, %convert_element_type3A_388, %cond3A_389 : i32
    scf.if %cond3A_390 {
      %get3A_391 = arith.constant 0 : index
      %get3A_392 = arith.constant 0 : index
      %get3A_393 = vector.load %arg5[%get3A_391, %get3A_392] : memref<8x128xi32, #tpu.memory_space<vmem>>, vector<8x128xi32>
      %add3A_394 = arith.addi %get3A_393, %add3A_381 : vector<8x128xi32>
      %swap3A_395 = arith.constant 0 : index
      %swap3A_396 = arith.constant 0 : index
      %swap3A_397 = vector.load %arg5[%swap3A_395, %swap3A_396] : memref<8x128xi32, #tpu.memory_space<vmem>>, vector<8x128xi32>
      tpu.vector_store %arg5[%swap3A_395, %swap3A_396], %add3A_394 {strides = array<i32>} : memref<8x128xi32, #tpu.memory_space<vmem>>, vector<8x128xi32>,
    } else {
    }
    return
  }
  func.func @transform_0(%arg0: i32) -> (i32, i32) {
    %c0_i32 = arith.constant 0 : i32
    %c0_i32_0 = arith.constant 0 : i32
    return %arg0, %c0_i32 : i32, i32
  }
  func.func @transform_1(%arg0: i32) -> (i32, i32) {
    %c0_i32 = arith.constant 0 : i32
    %c0_i32_0 = arith.constant 0 : i32
    return %arg0, %c0_i32 : i32, i32
  }
  func.func @transform_2(%arg0: i32) -> (i32, i32) {
    %c0_i32 = arith.constant 0 : i32
    %c0_i32_0 = arith.constant 0 : i32
    return %arg0, %c0_i32 : i32, i32
  }
  func.func @transform_3(%arg0: i32) -> (i32, i32) {
    %c0_i32 = arith.constant 0 : i32
    %c0_i32_0 = arith.constant 0 : i32
    return %arg0, %c0_i32 : i32, i32
  }
  func.func @transform_4(%arg0: i32) -> (i32, i32) {
    %c0_i32 = arith.constant 0 : i32
    %c0_i32_0 = arith.constant 0 : i32
    %c0_i32_1 = arith.constant 0 : i32
    return %c0_i32, %c0_i32_0 : i32, i32
  }
}

module attributes {stable_mosaic.version = 14 : i64} {
  func.func @_final_kernel(%arg0: memref<1x128xf32, #tpu.memory_space<vmem>>, %arg1: memref<1x1xf32, #tpu.memory_space<vmem>>) attributes {dimension_semantics = [], scalar_prefetch = 0 : i64, scratch_operands = 0 : i64, tpu.core_type = #tpu.core_type<tc>} {
    %get3A = arith.constant 0 : index
    %get3A_0 = arith.constant 0 : index
    %get3A_1 = vector.load %arg0[%get3A, %get3A_0] : memref<1x128xf32, #tpu.memory_space<vmem>>, vector<1x128xf32>
    %get3A_2 = vector.shape_cast %get3A_1 : vector<1x128xf32> to vector<128xf32>
    %slice3A = vector.extract_strided_slice %get3A_2 {offsets = [0], sizes = [9], strides = [1]} : vector<128xf32> to vector<9xf32>
    %slice3A_3 = vector.extract_strided_slice %get3A_2 {offsets = [16], sizes = [9], strides = [1]} : vector<128xf32> to vector<9xf32>
    %slice3A_4 = vector.extract_strided_slice %get3A_2 {offsets = [32], sizes = [9], strides = [1]} : vector<128xf32> to vector<9xf32>
    %slice3A_5 = vector.extract_strided_slice %get3A_2 {offsets = [48], sizes = [1], strides = [1]} : vector<128xf32> to vector<1xf32>
    %squeeze3A = vector.extract %slice3A_5[0] : f32 from vector<1xf32>
    %slice3A_6 = vector.extract_strided_slice %get3A_2 {offsets = [49], sizes = [1], strides = [1]} : vector<128xf32> to vector<1xf32>
    %squeeze3A_7 = vector.extract %slice3A_6[0] : f32 from vector<1xf32>
    %iota3A = tpu.iota {dimensions = array<i32: 1>} : vector<1x9xi32>
    %iota3A_8 = vector.shape_cast %iota3A : vector<1x9xi32> to vector<9xi32>
    %convert_element_type3A = arith.sitofp %iota3A_8 : vector<9xi32> to vector<9xf32>
    %gt3A = arith.constant 0.000000e+00 : f32
    %gt3A_9 = vector.broadcast %gt3A : f32 to vector<9xf32>
    %gt3A_10 = arith.cmpf ogt, %slice3A_3, %gt3A_9 : vector<9xf32>
    %ge3A = arith.constant 1.000000e+00 : f32
    %ge3A_11 = vector.broadcast %ge3A : f32 to vector<9xf32>
    %ge3A_12 = arith.cmpf oge, %convert_element_type3A, %ge3A_11 : vector<9xf32>
    %and3A = arith.andi %gt3A_10, %ge3A_12 : vector<9xi1>
    %le3A = vector.broadcast %squeeze3A : f32 to vector<9xf32>
    %le3A_13 = arith.cmpf ole, %convert_element_type3A, %le3A : vector<9xf32>
    %and3A_14 = arith.andi %and3A, %le3A_13 : vector<9xi1>
    %mul3A = arith.constant 2.000000e+00 : f32
    %mul3A_15 = vector.broadcast %mul3A : f32 to vector<9xf32>
    %mul3A_16 = arith.mulf %mul3A_15, %slice3A_3 : vector<9xf32>
    %add3A = arith.addf %slice3A_4, %slice3A : vector<9xf32>
    %add3A_17 = arith.constant 1.000000e+00 : f32
    %add3A_18 = vector.broadcast %add3A_17 : f32 to vector<9xf32>
    %add3A_19 = arith.addf %add3A, %add3A_18 : vector<9xf32>
    %div3A = arith.divf %mul3A_16, %add3A_19 : vector<9xf32>
    %jit3A = arith.constant 0.000000e+00 : f32
    %broadcast_in_dim3A = vector.broadcast %jit3A : f32 to vector<9xf32>
    %select_n3A = arith.select %and3A_14, %div3A, %broadcast_in_dim3A : vector<9xi1>, vector<9xf32>
    %reduce_sum3A = vector.shape_cast %select_n3A : vector<9xf32> to vector<1x9xf32>
    %reduce_sum3A_20 = arith.constant dense<0.000000e+00> : vector<1xf32>
    %reduce_sum3A_21 = vector.multi_reduction <add>, %reduce_sum3A, %reduce_sum3A_20 [1] : vector<1x9xf32> to vector<1xf32>
    %reduce_sum3A_22 = vector.shape_cast %reduce_sum3A_21 : vector<1xf32> to vector<1x1xf32>
    %reduce_sum3A_23 = vector.extract %reduce_sum3A_22[0, 0] : f32 from vector<1x1xf32>
    %add3A_24 = arith.addf %squeeze3A, %squeeze3A_7 : f32
    %div3A_25 = arith.divf %reduce_sum3A_23, %add3A_24 : f32
    %reshape3A = vector.broadcast %div3A_25 : f32 to vector<1x1xf32>
    %swap3A = arith.constant 0 : index
    %swap3A_26 = arith.constant 0 : index
    %swap3A_27 = vector.load %arg1[%swap3A, %swap3A_26] : memref<1x1xf32, #tpu.memory_space<vmem>>, vector<1x1xf32>
    tpu.vector_store %arg1[%swap3A, %swap3A_26], %reshape3A {strides = array<i32>} : memref<1x1xf32, #tpu.memory_space<vmem>>, vector<1x1xf32>,
    return
  }
}

</mosaic_0001>

<sc_bundles>
// kernel: kernel.10.cloned.1.call-start
scs
__scs_entry_jumppad:
0x0: {  	(pc) =	sbr.rel $0x88, $3  }
0x1: {  	(tag) =	ssettag $0x0;
	lr =	simm.s32 $0x1  }
0x2: {  	[smem:$0x3F9F] =	sst lr;
	_ =	strace $0xD0000000  }
0x3: {  	_ = 	snop  }
0x4: {  	_ = 	snop  }
0x5: {  	_ = 	snop  }
0x6: {  	_ = 	snop  }
0x7: {  	_ = 	snop  }
__scs_overlays_trampoline_lowered:
0x8: {  	[smem:$0x3FAE] =	sst s0  }
0x9: {  	[smem:$0x3FAF] =	sst s1  }
0xa: {  	[smem:$0x3FB0] =	sst s2  }
0xb: {  	[smem:$0x3FB1] =	sst s3  }
0xc: {  	[smem:$0x3FB2] =	sst s4  }
0xd: {  	[smem:$0x3FB3] =	sst s5  }
0xe: {  	[smem:$0x3FB4] =	sst s6  }
0xf: {  	[smem:$0x3FB5] =	sst s7  }
0x10: {  	[smem:$0x3FB6] =	sst s8  }
0x11: {  	[smem:$0x3FB7] =	sst s9;
	s0 =	simm.s32 @!p0 $0x0  }
0x12: {  	s1 =	sld [smem:$0x3F9D];
	s0 =	simm.s32 @p0 $0x1  }
0x13: {  	[smem:$0x3FB8] =	sst s0;
	s0 =	simm.s32 @!p1 $0x0  }
0x14: {  	s2 =	sld [smem:$0x3F9C];
	s0 =	simm.s32 @p1 $0x1  }
0x15: {  	[smem:$0x3FB9] =	sst s0;
	s0 =	simm.s32 @!p2 $0x0  }
0x16: {  	s3 =	sld [smem:$0x3FDB];
	s0 =	simm.s32 @p2 $0x1  }
0x17: {  	s4 =	simm.s32 $0x1BF5;
	[smem:$0x3FBB] =	sst s0  }
0x18: {  	s0 =	sld [smem:$0x3F9E];
	_ =	swait.ge [sflag:s4], $0x0  }
0x19: {  	s7 =	sld [smem:$0x3F9F]  }
0x1a: {  	s8 =	sadd.s32 $0xFFFFE003, lr  }
0x1b: {  	s9 =	sadd.s32 $0xFFFFFEF7, lr;
	s5 =	simm.s32 $0xFFFFFFFF;
	p2 =	slt.u32 s8, $0xFFFFF086  }
0x1c: {  	p1 =	slt.u32 s9, $0xF7A;
	s5 =	simm.s32 @!p2 $0x0  }
0x1d: {  	s5 =	simm.s32 @p1 $0x1;
	p0 =	seq.s32 s7, s2  }
0x1e: {  	s7 =	smul.u32 @!p0 $0xF7A, s2;
	p2 =	seq.s32 @!p0 s5, $0x0  }
0x1f: {  	s9 =	smul.u32 $0xF7A, s1;
	s8 =	simm.s32 @!p0 $0x1BF5;
	p2 =	por !p2, p0  }
0x20: {  	[sflag:s8] =	ssyncset.s32 @!p0 $0xFFFFF086;
	s6 =	sadd.s32 @!p0 s3, s7;
	s7 =	simm.s32 @!p0 $0x108  }
0x21: {  	s3 =	sadd.s32 s3, s9;
	s6 =	sadd.s32 @!p0 $0x88, s6;
	s7 =	simm.s32 @p2 $0x1082  }
0x22: {  	[simem:s7], [sflag:s8] =	dma.local @!p0 [hbm:s6], $0xF7A  }
0x23: {  	s9 =	sor.u32 $0xD0000000, s2;
	s6 =	simm.s32 $0x108;
	_ =	swait.ge @!p0 [sflag:s8], $0x0  }
0x24: {  	s3 =	sadd.s32 $0x88, s3;
	s6 =	simm.s32 @!p1 $0x1082;
	[sflag:s4] =	ssyncset.s32 $0xFFFFF086  }
0x25: {  	[simem:s6], [sflag:s4] =	dma.local [hbm:s3], $0xF7A  }
0x26: {  	[smem:$0x3F9F] =	sst s1;
	(tag) =	ssettag s2;
	_ =	strace s9  }
0x27: {  	s1 =	sld [smem:$0x3FAF]  }
0x28: {  	s2 =	sld [smem:$0x3FB0]  }
0x29: {  	s4 =	sld [smem:$0x3FB2]  }
0x2a: {  	p0 =	seq.s32 s5, $0x0;
	s5 =	sld [smem:$0x3FB3]  }
0x2b: {  	s6 =	sld [smem:$0x3FB4]  }
0x2c: {  	s7 =	sld [smem:$0x3FB5]  }
0x2d: {  	s3 =	simm.s32 $0x108;
	s8 =	sld [smem:$0x3FB6]  }
0x2e: {  	s3 =	simm.s32 @!p0 $0x1082;
	s9 =	sld [smem:$0x3FB7]  }
0x2f: {  	lr =	sadd.s32 s0, s3;
	s0 =	sld [smem:$0x3FAE]  }
0x30: {  	s3 =	sld [smem:$0x3FB1]  }
0x31: {  	[smem:$0x3FBA] =	sst s10  }
0x32: {  	s10 =	sld [smem:$0x3FB8];
	_ =	sdelay $0x3  }
0x33: {  	p0 =	seq.s32 s10, $0x1;
	s10 =	sld [smem:$0x3FBA];
	_ =	sdelay $0x3  }
0x34: {  	[smem:$0x3FBA] =	sst s10  }
0x35: {  	s10 =	sld [smem:$0x3FB9];
	_ =	sdelay $0x3  }
0x36: {  	p1 =	seq.s32 s10, $0x1;
	s10 =	sld [smem:$0x3FBA];
	_ =	sdelay $0x3  }
0x37: {  	[smem:$0x3FBA] =	sst s10  }
0x38: {  	s10 =	sld [smem:$0x3FBB]  }
0x39: {  	_ = 	snop;
	(pc) =	sbr.ind lr, $3  }
0x3a: {  	_ = 	snop  }
0x3b: {  	_ = 	snop  }
0x3c: {  	p2 =	seq.s32 s10, $0x1;
	s10 =	sld [smem:$0x3FBA]  }
0x3d: {  	_ =	shalt  }
0x3e: {  	_ =	shalt  }
0x3f: {  	_ =	shalt  }
0x40: {  	_ =	shalt  }
0x41: {  	_ =	shalt  }
0x42: {  	_ =	shalt  }
0x43: {  	_ =	shalt  }
0x44: {  	_ =	shalt  }
0x45: {  	_ =	shalt  }
0x46: {  	_ =	shalt  }
0x47: {  	_ =	shalt  }
0x48: {  	_ =	shalt  }
0x49: {  	_ =	shalt  }
0x4a: {  	_ =	shalt  }
0x4b: {  	_ =	shalt  }
0x4c: {  	_ =	shalt  }
0x4d: {  	_ =	shalt  }
0x4e: {  	_ =	shalt  }
0x4f: {  	_ =	shalt  }
0x50: {  	_ =	shalt  }
0x51: {  	_ =	shalt  }
0x52: {  	_ =	shalt  }
0x53: {  	_ =	shalt  }
0x54: {  	_ =	shalt  }
0x55: {  	_ =	shalt  }
0x56: {  	_ =	shalt  }
0x57: {  	_ =	shalt  }
0x58: {  	_ =	shalt  }
0x59: {  	_ =	shalt  }
0x5a: {  	_ =	shalt  }
0x5b: {  	_ =	shalt  }
0x5c: {  	_ =	shalt  }
0x5d: {  	_ =	shalt  }
0x5e: {  	_ =	shalt  }
0x5f: {  	_ =	shalt  }
0x60: {  	_ =	shalt  }
0x61: {  	_ =	shalt  }
0x62: {  	_ =	shalt  }
0x63: {  	_ =	shalt  }
0x64: {  	_ =	shalt  }
0x65: {  	_ =	shalt  }
0x66: {  	_ =	shalt  }
0x67: {  	_ =	shalt  }
0x68: {  	_ =	shalt  }
0x69: {  	_ =	shalt  }
0x6a: {  	_ =	shalt  }
0x6b: {  	_ =	shalt  }
0x6c: {  	_ =	shalt  }
0x6d: {  	_ =	shalt  }
0x6e: {  	_ =	shalt  }
0x6f: {  	_ =	shalt  }
0x70: {  	_ =	shalt  }
0x71: {  	_ =	shalt  }
0x72: {  	_ =	shalt  }
0x73: {  	_ =	shalt  }
0x74: {  	_ =	shalt  }
0x75: {  	_ =	shalt  }
0x76: {  	_ =	shalt  }
0x77: {  	_ =	shalt  }
0x78: {  	_ =	shalt  }
0x79: {  	_ =	shalt  }
0x7a: {  	_ =	shalt  }
0x7b: {  	_ =	shalt  }
0x7c: {  	_ =	shalt  }
0x7d: {  	_ =	shalt  }
0x7e: {  	_ =	shalt  }
0x7f: {  	_ =	shalt  }
0x80: {  	_ =	shalt  }
0x81: {  	_ =	shalt  }
0x82: {  	_ =	shalt  }
0x83: {  	_ =	shalt  }
0x84: {  	_ =	shalt  }
0x85: {  	_ =	shalt  }
0x86: {  	_ =	shalt  }
0x87: {  	_ =	shalt  }
.Lfunc_end0:
.L_simem_size_0:
called_computation.1_lowered:
.L_overlay_start_0:
0x88: {  	s2 =	sld [smem:$0x3FD9]  }
0x89: {  	s3 =	sld [smem:$0x3FFE];
	_ =	sdelay $0x1  }
0x8a: {  	s1 =	srdreg.scid  }
0x8b: {  	s0 =	sand.u32 $0x1, s1  }
0x8c: {  	s16 =	sshll.u32 s0, $0xA;
	s2 =	sadd.s32 s3, s2  }
0x8d: {  	s2 =	sadd.s32 s2, s16  }
0x8e: {  	[smem:$0x3FC6] =	sst s2  }
0x8f: {  	_ = 	snop  }
0x90: {  	(tm) =	ssettm $0x1  }
0x91: {  	s17 =	sld [smem:$0x3FFB];
	_ =	sdelay $0x3  }
0x92: {  	_ =	strace s17  }
0x93: {  	s2 =	sld [smem:$0x3FFC];
	_ =	sdelay $0x3  }
0x94: {  	_ =	strace s2  }
0x95: {  	s2 =	sld [smem:$0x3FFD];
	_ =	sdelay $0x3  }
0x96: {  	_ =	strace s2  }
0x97: {  	_ =	strace $0x8FFFFFFF  }
0x98: {  	s18 =	sld [smem:$0x3FDB];
	_ =	sdelay $0x1  }
0x99: {  	s19 =	simm.s32 $_scs_section_size  }
0x9a: {  	s4 =	simm.s32 $_size__tile_overlayer_lowered;
	s5 =	simm.s32 $_tile_overlayer_lowered  }
0x9b: {  	s22 =	simm.s32 $0x1BFF;
	s21 =	sshll.u32 s5, $0x1;
	s2 =	sadd.s32 s19, s18  }
0x9c: {  	s6 =	simm.s32 $0x0;
	s20 =	sshll.u32 s4, $0x1;
	s4 =	sadd.s32 s21, s2  }
0x9d: {  	[timem:s6], [sflag:s22] =	dma.local [hbm:s4], s20  }
0x9e: {  	_ =	swait.ge [sflag:s22], s20  }
0x9f: {  	s3 =	ssub.s32 $0x0, s20;
	[sflag:s22] =	ssyncset.done $0x0  }
0xa0: {  	[sflag:s22] =	ssyncadd.s32 s3;
	_ =	sdelay $0x1  }
0xa1: {  	s23 =	simm.s32 $0x1B8B  }
0xa2: {  	_ =	swait.ge [sflag:s23], $0x1  }
0xa3: {  	[sflag:s23] =	ssyncset.done $0x0  }
0xa4: {  	s25 =	simm.s32 $0x1B8E;
	s24 =	sld [smem:$0x3FFE];
	[sflag:s23] =	ssyncadd.s32 $0xFFFFFFFF  }
0xa5: {  	s26 =	simm.s32 $execute0_lowered;
	[smem:$0x3FD2] =	sst s25  }
0xa6: {  	s4 =	sshll.u32 s26, $0x1;
	_ =	strace $0x80000049;
	[dreg:$0x1] =	wrdreg $0xFFFFFFFF  }
0xa7: {  	s28 =	simm.s32 $_size_execute0_lowered;
	s2 =	sadd.s32 s2, s4;
	[dreg:$0x0] =	wrdreg $0x0  }
0xa8: {  	s4 =	sshll.u32 s28, $0x1;
	[dreg:$0x2] =	wrdreg s2  }
0xa9: {  	[dreg:$0x3] =	wrdreg s4  }
0xaa: {  	[dreg:$0x4] =	wrdreg $0xC0  }
0xab: {  	_ =	task [dreg:s6], $0x5FFFF  }
0xac: {  	[dreg:$0x1] =	wrdreg $0xFFFFFFFF  }
0xad: {  	[dreg:$0x0] =	wrdreg $0x60  }
0xae: {  	[dreg:$0x2] =	wrdreg s24  }
0xaf: {  	[dreg:$0x3] =	wrdreg $0x9  }
0xb0: {  	_ =	task.clear_ibuf [dreg:s6], $0x4FFFF;
	_ =	strace $0x90000049  }
0xb1: {  	s29 =	simm.s32 $0x9;
	_ =	strace $0x8000004B  }
0xb2: {  	_ =	swait.ge [sflag:s29], $0x1  }
0xb3: {  	[sflag:s29] =	ssyncadd.s32 $0xFFFFFFFF  }
0xb4: {  	_ =	strace $0x9000004B  }
0xb5: {  	_ =	sfence  }
0xb6: {  	s30 =	sld [smem:$0x0];
	_ =	sdelay $0x2  }
0xb7: {  	s31 =	sshll.u32 s1, $0xD;
	s1 =	sshrl.u32 s1, $0x2  }
0xb8: {  	s3 =	sand.u32 $0x4000, s31;
	s1 =	sadd.s32 s1, s30  }
0xb9: {  	s0 =	sor.u32 s3, s0;
	s1 =	sshll.u32 s1, $0x11  }
0xba: {  	s0 =	sor.u32 s1, s0  }
0xbb: {  	s0 =	sadd.s32 $0x8F2B, s0  }
0xbc: {  	[sflag:s0] =	ssyncadd.remote.s32 $0x1  }
0xbd: {  	_ =	sfence.sel $0xFFFF  }
0xbe: {  	[dreg:$0x0] =	wrdreg $0xFFFFFFFF;
	(pc) =	sbr.abs _section_cstart, $3  }
0xbf: {  	[dreg:$0x1] =	wrdreg $0xFFFFFFFF  }
0xc0: {  	_ =	task.clear_ibuf [dreg:s6], $0x2FFFF;
	_ =	strace $0x9FFFFFFF  }
0xc1: {  	(tm) =	ssettm $0x7FFFFFFF  }
tec
execute0_lowered:
.L_overlay_start_1:
0x0: {  	(tag) =	ssettag $0x1  }
0x1: {  	s0 =	srdreg.scid  }
0x2: {  	s2 =	stileid.u32;
	s12 =	simm.s32 $0x80;
	s13 =	simm.s32 $0x400  }
0x3: {  	s14 =	simm.s32 $0x5;
	s15 =	simm.s32 $0x4080;
	s16 =	simm.s32 $0x5080  }
0x4: {  	s17 =	simm.s32 $0x1;
	s18 =	simm.s32 $0x6080;
	s19 =	simm.s32 $0x7080  }
0x5: {  	s20 =	simm.s32 $0x1000;
	s21 =	simm.s32 $0x8080;
	s22 =	simm.s32 $0x9080  }
0x6: {  	s23 =	simm.s32 $0x2;
	s24 =	simm.s32 $0xA080;
	s25 =	simm.s32 $0xB080  }
0x7: {  	s26 =	simm.s32 $0x3;
	s28 =	simm.s32 $0x4;
	s29 =	simm.s32 $0x0  }
0x8: {  	v0 =	vimm.s32 $0xFFEDCBA9;
	v1 =	vimm.s32 $0x87654321;
	s0 =	sand.u32 $0x1, s0;
	s1 =	sshll.u32 s2, $0x1;
	s3 =	sshrl.u32 s2, $0x2  }
0x9: {  	v2 =	vimm.s32 $0xEDCBA987;
	v3 =	vimm.s32 $0x65432100;
	s2 =	rddreg [dreg:$0x0];
	s1 =	sor.u32 s0, s1;
	s4 =	smul.u32 $0x20400, s3  }
0xa: {  	v0 =	vunpack.c.l.s4.s8 v0;
	v1 =	vunpack.c.l.s4.s8 v1;
	v2 =	vunpack.c.l.s4.s8 v2;
	s3 =	simm.s32 $0x0;
	s0 =	ssub.s32 $0x2, s0;
	s5 =	sshll.u32 s1, $0x7  }
0xb: {  	v3 =	vunpack.c.l.s4.s8 v3;
	[smem:$0x7FF] =	sst s3;
	s7 =	sshrl.u32 s0, $0x1;
	s8 =	sshll.u32 s1, $0xD  }
0xc: {  	s1 =	sshll.u32 s1, $0x10;
	v0 =	vunpack.c.0.s8.s32 v0;
	v1 =	vunpack.c.0.s8.s32 v1;
	v2 =	vunpack.c.0.s8.s32 v2;
	s5 =	sand.u32 $0x380, s5;
	_ =	strace $0x8000004A  }
0xd: {  	v3 =	vunpack.c.0.s8.s32 v3;
	s0 =	ssub.s32 s0, s7;
	s7 =	sadd.s32 s2, s8;
	s4 =	sor.u32 s4, s5  }
0xe: {  	s9 =	sor.u32 $0x1000, s1;
	s10 =	sor.u32 $0x2000, s1;
	v1 =	vcombine.low v1, v0;
	v0 =	vand.u32 $0xF, v2;
	s5 =	sshrl.u32 s4, $0x3  }
0xf: {  	vm0 =	vcmask $0x3F3C;
	s11 =	smax.u32 s0, $0x1;
	v2 =	vlaneseq.u32;
	s4 =	sadd.s32 $0x40000, s2;
	v0 =	vcombine.low v3, v0;
	s6 =	sadd.s32 s5, s2  }
0x10: {  	v3 =	vor.u32 $0x80000000, v2;
	v4 =	vadd.s32 $0x1, v2;
	s5 =	sadd.s32 $0x90200, s2;
	s8 =	sadd.s32 s4, s8;
	v1 =	vand.u32 $0xF, v1;
	s6 =	sadd.s32 $0x80000, s6  }
.LBB2_1:
0x11: {  	[tilespmem:s3], [sflag:$0x5] =	stream.strided.gather [hbm4b:s6+s12], $0x4080, s13, s12, $0x38;
	[tilespmem:$0xC080] =	vst v63  }
0x12: {  	_ =	swait.ge [sflag:s14], $0x4080  }
0x13: {  	[sflag:s14] =	ssyncset.done $0x0  }
0x14: {  	[sflag:s14] =	ssyncadd.s32 $0xFFFFBF80  }
0x15: {  	[tilespmem:s15], [sflag:$0x1] =	stream.linear.gather [hbm4b:s7+s3], $0x1000, $0x38;
	[tilespmem:$0xC080] =	vst v63  }
0x16: {  	s30 =	simm.s32 $0x0  }
0x17: {  	[tilespmem:s16], [sflag:$0x1] =	stream.linear.gather [hbm4b:s8+s3], $0x1000, $0x38;
	[tilespmem:$0xC080] =	vst v63  }
.LBB2_2:
0x18: {  	_ =	swait.ge [sflag:s17], $0x1000  }
0x19: {  	[sflag:s17] =	ssyncset.done $0x0  }
0x1a: {  	s0 =	sshll.u32 s30, $0xD;
	[sflag:s17] =	ssyncadd.s32 $0xFFFFF000  }
0x1b: {  	s0 =	sadd.s32 s9, s0;
	_ =	swait.ge [sflag:s17], $0x1000  }
0x1c: {  	s0 =	sshrl.u32 s0, $0x3;
	[sflag:s17] =	ssyncset.done $0x0  }
0x1d: {  	s1 =	sadd.s32 s2, s0;
	[sflag:s17] =	ssyncadd.s32 $0xFFFFF000  }
0x1e: {  	[tilespmem:s18], [sflag:$0x2] =	stream.linear.gather [hbm4b:s1+s3], $0x1000, $0x38;
	[tilespmem:$0xC080] =	vst v63  }
0x1f: {  	p0 =	seq.s32 s30, $0x0;
	s0 =	sadd.s32 s4, s0  }
0x20: {  	[tilespmem:s19], [sflag:$0x2] =	stream.linear.gather [hbm4b:s0+s3], $0x1000, $0x38;
	[tilespmem:$0xC080] =	vst v63  }
0x21: {  	s0 =	simm.s32 @!p0 $0x3  }
0x22: {  	_ =	swait.ge @!p0 [sflag:s0], $0x1000  }
0x23: {  	[sflag:s0] =	ssyncset.done @!p0 $0x0  }
0x24: {  	s31 =	sshll.u32 s30, $0x1;
	s1 =	simm.s32 $0x0;
	[sflag:s0] =	ssyncadd.s32 @!p0 $0xFFFFF000  }
.LBB2_3:
0x25: {  	s0 =	sshra.s32 s1, $0x2  }
0x26: {  	v5 =	vld [tilespmem:s0+$0x4080]  }
0x27: {  	v6 =	vld [tilespmem:s0+$0x5080];
	_ =	sdelay $0x3  }
0x28: {  	v5 =	vxor.u32 $0x80000000, v5  }
0x29: {  	(xrf1) =	vsort.ascd.msk.u32 $0xffff, v5, v6;
	_ =	sdelay $0xd  }
0x2a: {  	v5, v6, _ =	vpop (xrf1)  }
0x2b: {  	v5 =	vxor.u32 $0x80000000, v5  }
0x2c: {  	v7 =	vperm.xlane v5, v0;
	_ =	sdelay $0x1  }
0x2d: {  	vm1 =	veq.s32 v5, v7  }
0x2e: {  	v7 =	vsel vm1, $0x80000000, v3  }
0x2f: {  	(xrf0) =	vmax.scan.msk.u32 $0xffff, v7  }
0x30: {  	v7 =	vperm.xlane v5, v1;
	_ =	sdelay $0x1  }
0x31: {  	vm1 =	vne.s32 v5, v7;
	v7 =	vld.idx.msk [tilespmem:v5+s3+$0x0], $0xffff  }
0x32: {  	vm1 =	vmor vm1, vm0;
	_ =	sdelay $0x1  }
0x33: {  	v8, _, _ =	vpop (xrf0)  }
0x34: {  	v8 =	vxor.u32 $0x80000000, v8  }
0x35: {  	v7 =	vsub.s32 v7, v8  }
0x36: {  	v8 =	vadd.s32 v4, v7  }
0x37: {  	[tilespmem:v5+s3+$0x0] =	vst.idx.msk vm1, v8  }
0x38: {  	v5 =	vld [tilespmem:s0+$0x4090]  }
0x39: {  	v8 =	vld [tilespmem:s0+$0x5090];
	_ =	sdelay $0x3  }
0x3a: {  	v5 =	vxor.u32 $0x80000000, v5  }
0x3b: {  	(xrf1) =	vsort.ascd.msk.u32 $0xffff, v5, v8;
	_ =	sdelay $0xd  }
0x3c: {  	v5, v8, _ =	vpop (xrf1)  }
0x3d: {  	v5 =	vxor.u32 $0x80000000, v5  }
0x3e: {  	v9 =	vperm.xlane v5, v0;
	_ =	sdelay $0x1  }
0x3f: {  	vm1 =	veq.s32 v5, v9  }
0x40: {  	v9 =	vsel vm1, $0x80000000, v3  }
0x41: {  	v7 =	vadd.s32 v2, v7;
	(xrf0) =	vmax.scan.msk.u32 $0xffff, v9  }
0x42: {  	[tilespmem:s0+$0x8080] =	vst v7;
	v7 =	vperm.xlane v5, v1  }
0x43: {  	[tilespmem:s0+$0x9080] =	vst v6  }
0x44: {  	vm1 =	vne.s32 v5, v7;
	v6 =	vld.idx.msk [tilespmem:v5+s3+$0x0], $0xffff  }
0x45: {  	vm1 =	vmor vm1, vm0;
	_ =	sdelay $0x1  }
0x46: {  	v7, _, _ =	vpop (xrf0)  }
0x47: {  	v7 =	vxor.u32 $0x80000000, v7  }
0x48: {  	v6 =	vsub.s32 v6, v7  }
0x49: {  	v7 =	vadd.s32 v4, v6  }
0x4a: {  	[tilespmem:v5+s3+$0x0] =	vst.idx.msk vm1, v7  }
0x4b: {  	v5 =	vld [tilespmem:s0+$0x40A0]  }
0x4c: {  	v7 =	vld [tilespmem:s0+$0x50A0];
	_ =	sdelay $0x3  }
0x4d: {  	v5 =	vxor.u32 $0x80000000, v5  }
0x4e: {  	(xrf1) =	vsort.ascd.msk.u32 $0xffff, v5, v7;
	_ =	sdelay $0xd  }
0x4f: {  	v5, v7, _ =	vpop (xrf1)  }
0x50: {  	v5 =	vxor.u32 $0x80000000, v5  }
0x51: {  	v55 =	vperm.xlane v5, v0;
	_ =	sdelay $0x1  }
0x52: {  	vm1 =	veq.s32 v5, v55  }
0x53: {  	v9 =	vsel vm1, $0x80000000, v3  }
0x54: {  	v6 =	vadd.s32 v2, v6;
	(xrf0) =	vmax.scan.msk.u32 $0xffff, v9  }
0x55: {  	[tilespmem:s0+$0x8090] =	vst v6;
	v6 =	vperm.xlane v5, v1  }
0x56: {  	[tilespmem:s0+$0x9090] =	vst v8  }
0x57: {  	vm1 =	vne.s32 v5, v6;
	v6 =	vld.idx.msk [tilespmem:v5+s3+$0x0], $0xffff  }
0x58: {  	vm1 =	vmor vm1, vm0;
	_ =	sdelay $0x1  }
0x59: {  	v56, _, _ =	vpop (xrf0)  }
0x5a: {  	v8 =	vxor.u32 $0x80000000, v56  }
0x5b: {  	v6 =	vsub.s32 v6, v8  }
0x5c: {  	v8 =	vadd.s32 v4, v6  }
0x5d: {  	[tilespmem:v5+s3+$0x0] =	vst.idx.msk vm1, v8  }
0x5e: {  	v5 =	vld [tilespmem:s0+$0x40B0]  }
0x5f: {  	v8 =	vld [tilespmem:s0+$0x50B0];
	_ =	sdelay $0x3  }
0x60: {  	v5 =	vxor.u32 $0x80000000, v5  }
0x61: {  	(xrf1) =	vsort.ascd.msk.u32 $0xffff, v5, v8;
	_ =	sdelay $0xd  }
0x62: {  	v5, v8, _ =	vpop (xrf1)  }
0x63: {  	v5 =	vxor.u32 $0x80000000, v5  }
0x64: {  	v57 =	vperm.xlane v5, v0;
	_ =	sdelay $0x1  }
0x65: {  	vm1 =	veq.s32 v5, v57  }
0x66: {  	v9 =	vsel vm1, $0x80000000, v3  }
0x67: {  	v6 =	vadd.s32 v2, v6;
	(xrf0) =	vmax.scan.msk.u32 $0xffff, v9  }
0x68: {  	[tilespmem:s0+$0x80A0] =	vst v6;
	v6 =	vperm.xlane v5, v1  }
0x69: {  	[tilespmem:s0+$0x90A0] =	vst v7  }
0x6a: {  	vm1 =	vne.s32 v5, v6;
	v6 =	vld.idx.msk [tilespmem:v5+s3+$0x0], $0xffff  }
0x6b: {  	vm1 =	vmor vm1, vm0;
	_ =	sdelay $0x1  }
0x6c: {  	v7, _, _ =	vpop (xrf0)  }
0x6d: {  	v7 =	vxor.u32 $0x80000000, v7  }
0x6e: {  	v6 =	vsub.s32 v6, v7  }
0x6f: {  	v7 =	vadd.s32 v4, v6  }
0x70: {  	[tilespmem:v5+s3+$0x0] =	vst.idx.msk vm1, v7  }
0x71: {  	v5 =	vld [tilespmem:s0+$0x40C0]  }
0x72: {  	v7 =	vld [tilespmem:s0+$0x50C0];
	_ =	sdelay $0x3  }
0x73: {  	v5 =	vxor.u32 $0x80000000, v5  }
0x74: {  	(xrf1) =	vsort.ascd.msk.u32 $0xffff, v5, v7;
	_ =	sdelay $0xd  }
0x75: {  	v5, v7, _ =	vpop (xrf1)  }
0x76: {  	v5 =	vxor.u32 $0x80000000, v5  }
0x77: {  	v58 =	vperm.xlane v5, v0;
	_ =	sdelay $0x1  }
0x78: {  	vm1 =	veq.s32 v5, v58  }
0x79: {  	v9 =	vsel vm1, $0x80000000, v3  }
0x7a: {  	v6 =	vadd.s32 v2, v6;
	(xrf0) =	vmax.scan.msk.u32 $0xffff, v9  }
0x7b: {  	[tilespmem:s0+$0x80B0] =	vst v6;
	v6 =	vperm.xlane v5, v1  }
0x7c: {  	[tilespmem:s0+$0x90B0] =	vst v8  }
0x7d: {  	vm1 =	vne.s32 v5, v6;
	v6 =	vld.idx.msk [tilespmem:v5+s3+$0x0], $0xffff  }
0x7e: {  	vm1 =	vmor vm1, vm0;
	_ =	sdelay $0x1  }
0x7f: {  	v59, _, _ =	vpop (xrf0)  }
0x80: {  	v8 =	vxor.u32 $0x80000000, v59  }
0x81: {  	v6 =	vsub.s32 v6, v8  }
0x82: {  	v8 =	vadd.s32 v4, v6  }
0x83: {  	[tilespmem:v5+s3+$0x0] =	vst.idx.msk vm1, v8  }
0x84: {  	v5 =	vld [tilespmem:s0+$0x40D0]  }
0x85: {  	v8 =	vld [tilespmem:s0+$0x50D0];
	_ =	sdelay $0x3  }
0x86: {  	v5 =	vxor.u32 $0x80000000, v5  }
0x87: {  	(xrf1) =	vsort.ascd.msk.u32 $0xffff, v5, v8;
	_ =	sdelay $0xd  }
0x88: {  	v5, v8, _ =	vpop (xrf1)  }
0x89: {  	v5 =	vxor.u32 $0x80000000, v5  }
0x8a: {  	v60 =	vperm.xlane v5, v0;
	_ =	sdelay $0x1  }
0x8b: {  	vm1 =	veq.s32 v5, v60  }
0x8c: {  	v9 =	vsel vm1, $0x80000000, v3  }
0x8d: {  	v6 =	vadd.s32 v2, v6;
	(xrf0) =	vmax.scan.msk.u32 $0xffff, v9  }
0x8e: {  	[tilespmem:s0+$0x80C0] =	vst v6;
	v6 =	vperm.xlane v5, v1  }
0x8f: {  	[tilespmem:s0+$0x90C0] =	vst v7  }
0x90: {  	vm1 =	vne.s32 v5, v6;
	v6 =	vld.idx.msk [tilespmem:v5+s3+$0x0], $0xffff  }
0x91: {  	vm1 =	vmor vm1, vm0;
	_ =	sdelay $0x1  }
0x92: {  	v7, _, _ =	vpop (xrf0)  }
0x93: {  	v7 =	vxor.u32 $0x80000000, v7  }
0x94: {  	v6 =	vsub.s32 v6, v7  }
0x95: {  	v7 =	vadd.s32 v4, v6  }
0x96: {  	[tilespmem:v5+s3+$0x0] =	vst.idx.msk vm1, v7  }
0x97: {  	v5 =	vld [tilespmem:s0+$0x40E0]  }
0x98: {  	v7 =	vld [tilespmem:s0+$0x50E0];
	_ =	sdelay $0x3  }
0x99: {  	v5 =	vxor.u32 $0x80000000, v5  }
0x9a: {  	(xrf1) =	vsort.ascd.msk.u32 $0xffff, v5, v7;
	_ =	sdelay $0xd  }
0x9b: {  	v5, v7, _ =	vpop (xrf1)  }
0x9c: {  	v5 =	vxor.u32 $0x80000000, v5  }
0x9d: {  	v61 =	vperm.xlane v5, v0;
	_ =	sdelay $0x1  }
0x9e: {  	vm1 =	veq.s32 v5, v61  }
0x9f: {  	v9 =	vsel vm1, $0x80000000, v3  }
0xa0: {  	v6 =	vadd.s32 v2, v6;
	(xrf0) =	vmax.scan.msk.u32 $0xffff, v9  }
0xa1: {  	[tilespmem:s0+$0x80D0] =	vst v6;
	v6 =	vperm.xlane v5, v1  }
0xa2: {  	[tilespmem:s0+$0x90D0] =	vst v8  }
0xa3: {  	vm1 =	vne.s32 v5, v6;
	v6 =	vld.idx.msk [tilespmem:v5+s3+$0x0], $0xffff  }
0xa4: {  	vm1 =	vmor vm1, vm0;
	_ =	sdelay $0x1  }
0xa5: {  	v62, _, _ =	vpop (xrf0)  }
0xa6: {  	v8 =	vxor.u32 $0x80000000, v62  }
0xa7: {  	v6 =	vsub.s32 v6, v8  }
0xa8: {  	v8 =	vadd.s32 v4, v6  }
0xa9: {  	[tilespmem:v5+s3+$0x0] =	vst.idx.msk vm1, v8  }
0xaa: {  	v5 =	vld [tilespmem:s0+$0x40F0]  }
0xab: {  	v8 =	vld [tilespmem:s0+$0x50F0];
	_ =	sdelay $0x3  }
0xac: {  	v5 =	vxor.u32 $0x80000000, v5  }
0xad: {  	(xrf1) =	vsort.ascd.msk.u32 $0xffff, v5, v8;
	_ =	sdelay $0xd  }
0xae: {  	v5, v8, _ =	vpop (xrf1)  }
0xaf: {  	v5 =	vxor.u32 $0x80000000, v5  }
0xb0: {  	v63 =	vperm.xlane v5, v0;
	_ =	sdelay $0x1  }
0xb1: {  	vm1 =	veq.s32 v5, v63  }
0xb2: {  	v9 =	vsel vm1, $0x80000000, v3  }
0xb3: {  	v6 =	vadd.s32 v2, v6;
	(xrf0) =	vmax.scan.msk.u32 $0xffff, v9  }
0xb4: {  	[tilespmem:s0+$0x80E0] =	vst v6;
	v6 =	vperm.xlane v5, v1  }
0xb5: {  	[tilespmem:s0+$0x90E0] =	vst v7  }
0xb6: {  	vm1 =	vne.s32 v5, v6;
	v6 =	vld.idx.msk [tilespmem:v5+s3+$0x0], $0xffff  }
0xb7: {  	vm1 =	vmor vm1, vm0;
	_ =	sdelay $0x1  }
0xb8: {  	v7, _, _ =	vpop (xrf0)  }
0xb9: {  	p1 =	sne.s32 s1, $0x3E00;
	v7 =	vxor.u32 $0x80000000, v7  }
.Ltmp0:
0xba: {  	v6 =	vsub.s32 v6, v7;
	(pc) =	sbr.rel @p1 .LBB2_3-.Ltmp0, $4  }
0xbb: {  	v7 =	vadd.s32 v4, v6  }
0xbc: {  	[tilespmem:v5+s3+$0x0] =	vst.idx.msk vm1, v7;
	v5 =	vadd.s32 v2, v6  }
0xbd: {  	[tilespmem:s0+$0x80F0] =	vst v5  }
0xbe: {  	s1 =	sadd.s32 $0x200, s1;
	[tilespmem:s0+$0x90F0] =	vst v8  }
0xbf: {  	[hbm4b:s5+s20] =	stream.indirect.scatter [tilespmem:s22], [sflag:$0x3], $0x1, s21, s20, $0xb8;
	[tilespmem:$0xC080] =	vst v63  }
0xc0: {  	_ =	swait.ge [sflag:s23], $0x1000  }
0xc1: {  	s0 =	smin.u32 s31, $0xD;
	[sflag:s23] =	ssyncset.done $0x0  }
0xc2: {  	s0 =	sshll.u32 s0, $0xC;
	[sflag:s23] =	ssyncadd.s32 $0xFFFFF000  }
0xc3: {  	s0 =	sadd.s32 s0, s10;
	_ =	swait.ge [sflag:s23], $0x1000  }
0xc4: {  	s0 =	sshrl.u32 s0, $0x3;
	[sflag:s23] =	ssyncset.done $0x0  }
0xc5: {  	s1 =	sadd.s32 s2, s0;
	[sflag:s23] =	ssyncadd.s32 $0xFFFFF000  }
0xc6: {  	[tilespmem:s15], [sflag:$0x1] =	stream.linear.gather [hbm4b:s1+s3], $0x1000, $0x38;
	[tilespmem:$0xC080] =	vst v63  }
0xc7: {  	s0 =	sadd.s32 s4, s0  }
0xc8: {  	[tilespmem:s16], [sflag:$0x1] =	stream.linear.gather [hbm4b:s0+s3], $0x1000, $0x38;
	[tilespmem:$0xC080] =	vst v63  }
0xc9: {  	s0 =	simm.s32 @!p0 $0x4  }
0xca: {  	_ =	swait.ge @!p0 [sflag:s0], $0x1000  }
0xcb: {  	[sflag:s0] =	ssyncset.done @!p0 $0x0  }
0xcc: {  	s1 =	simm.s32 $0x0;
	[sflag:s0] =	ssyncadd.s32 @!p0 $0xFFFFF000  }
.LBB2_5:
0xcd: {  	s0 =	sshra.s32 s1, $0x2  }
0xce: {  	v5 =	vld [tilespmem:s0+$0x6080]  }
0xcf: {  	v6 =	vld [tilespmem:s0+$0x7080];
	_ =	sdelay $0x3  }
0xd0: {  	v5 =	vxor.u32 $0x80000000, v5  }
0xd1: {  	(xrf1) =	vsort.ascd.msk.u32 $0xffff, v5, v6;
	_ =	sdelay $0xd  }
0xd2: {  	v5, v6, _ =	vpop (xrf1)  }
0xd3: {  	v5 =	vxor.u32 $0x80000000, v5  }
0xd4: {  	v7 =	vperm.xlane v5, v0;
	_ =	sdelay $0x1  }
0xd5: {  	vm1 =	veq.s32 v5, v7  }
0xd6: {  	v7 =	vsel vm1, $0x80000000, v3  }
0xd7: {  	(xrf0) =	vmax.scan.msk.u32 $0xffff, v7  }
0xd8: {  	v7 =	vperm.xlane v5, v1;
	_ =	sdelay $0x1  }
0xd9: {  	vm1 =	vne.s32 v5, v7;
	v7 =	vld.idx.msk [tilespmem:v5+s3+$0x0], $0xffff  }
0xda: {  	vm1 =	vmor vm1, vm0;
	_ =	sdelay $0x1  }
0xdb: {  	v8, _, _ =	vpop (xrf0)  }
0xdc: {  	v8 =	vxor.u32 $0x80000000, v8  }
0xdd: {  	v7 =	vsub.s32 v7, v8  }
0xde: {  	v8 =	vadd.s32 v4, v7  }
0xdf: {  	[tilespmem:v5+s3+$0x0] =	vst.idx.msk vm1, v8  }
0xe0: {  	v5 =	vld [tilespmem:s0+$0x6090]  }
0xe1: {  	v8 =	vld [tilespmem:s0+$0x7090];
	_ =	sdelay $0x3  }
0xe2: {  	v5 =	vxor.u32 $0x80000000, v5  }
0xe3: {  	(xrf1) =	vsort.ascd.msk.u32 $0xffff, v5, v8;
	_ =	sdelay $0xd  }
0xe4: {  	v5, v8, _ =	vpop (xrf1)  }
0xe5: {  	v5 =	vxor.u32 $0x80000000, v5  }
0xe6: {  	v9 =	vperm.xlane v5, v0;
	_ =	sdelay $0x1  }
0xe7: {  	vm1 =	veq.s32 v5, v9  }
0xe8: {  	v9 =	vsel vm1, $0x80000000, v3  }
0xe9: {  	v7 =	vadd.s32 v2, v7;
	(xrf0) =	vmax.scan.msk.u32 $0xffff, v9  }
0xea: {  	[tilespmem:s0+$0xA080] =	vst v7;
	v7 =	vperm.xlane v5, v1  }
0xeb: {  	[tilespmem:s0+$0xB080] =	vst v6  }
0xec: {  	vm1 =	vne.s32 v5, v7;
	v6 =	vld.idx.msk [tilespmem:v5+s3+$0x0], $0xffff  }
0xed: {  	vm1 =	vmor vm1, vm0;
	_ =	sdelay $0x1  }
0xee: {  	v7, _, _ =	vpop (xrf0)  }
0xef: {  	v7 =	vxor.u32 $0x80000000, v7  }
0xf0: {  	v6 =	vsub.s32 v6, v7  }
0xf1: {  	v7 =	vadd.s32 v4, v6  }
0xf2: {  	[tilespmem:v5+s3+$0x0] =	vst.idx.msk vm1, v7  }
0xf3: {  	v5 =	vld [tilespmem:s0+$0x60A0]  }
0xf4: {  	v7 =	vld [tilespmem:s0+$0x70A0];
	_ =	sdelay $0x3  }
0xf5: {  	v5 =	vxor.u32 $0x80000000, v5  }
0xf6: {  	(xrf1) =	vsort.ascd.msk.u32 $0xffff, v5, v7;
	_ =	sdelay $0xd  }
0xf7: {  	v5, v7, _ =	vpop (xrf1)  }
0xf8: {  	v5 =	vxor.u32 $0x80000000, v5  }
0xf9: {  	v55 =	vperm.xlane v5, v0;
	_ =	sdelay $0x1  }
0xfa: {  	vm1 =	veq.s32 v5, v55  }
0xfb: {  	v9 =	vsel vm1, $0x80000000, v3  }
0xfc: {  	v6 =	vadd.s32 v2, v6;
	(xrf0) =	vmax.scan.msk.u32 $0xffff, v9  }
0xfd: {  	[tilespmem:s0+$0xA090] =	vst v6;
	v6 =	vperm.xlane v5, v1  }
0xfe: {  	[tilespmem:s0+$0xB090] =	vst v8  }
0xff: {  	vm1 =	vne.s32 v5, v6;
	v6 =	vld.idx.msk [tilespmem:v5+s3+$0x0], $0xffff  }
0x100: {  	vm1 =	vmor vm1, vm0;
	_ =	sdelay $0x1  }
0x101: {  	v56, _, _ =	vpop (xrf0)  }
0x102: {  	v8 =	vxor.u32 $0x80000000, v56  }
0x103: {  	v6 =	vsub.s32 v6, v8  }
0x104: {  	v8 =	vadd.s32 v4, v6  }
0x105: {  	[tilespmem:v5+s3+$0x0] =	vst.idx.msk vm1, v8  }
0x106: {  	v5 =	vld [tilespmem:s0+$0x60B0]  }
0x107: {  	v8 =	vld [tilespmem:s0+$0x70B0];
	_ =	sdelay $0x3  }
0x108: {  	v5 =	vxor.u32 $0x80000000, v5  }
0x109: {  	(xrf1) =	vsort.ascd.msk.u32 $0xffff, v5, v8;
	_ =	sdelay $0xd  }
0x10a: {  	v5, v8, _ =	vpop (xrf1)  }
0x10b: {  	v5 =	vxor.u32 $0x80000000, v5  }
0x10c: {  	v57 =	vperm.xlane v5, v0;
	_ =	sdelay $0x1  }
0x10d: {  	vm1 =	veq.s32 v5, v57  }
0x10e: {  	v9 =	vsel vm1, $0x80000000, v3  }
0x10f: {  	v6 =	vadd.s32 v2, v6;
	(xrf0) =	vmax.scan.msk.u32 $0xffff, v9  }
0x110: {  	[tilespmem:s0+$0xA0A0] =	vst v6;
	v6 =	vperm.xlane v5, v1  }
0x111: {  	[tilespmem:s0+$0xB0A0] =	vst v7  }
0x112: {  	vm1 =	vne.s32 v5, v6;
	v6 =	vld.idx.msk [tilespmem:v5+s3+$0x0], $0xffff  }
0x113: {  	vm1 =	vmor vm1, vm0;
	_ =	sdelay $0x1  }
0x114: {  	v7, _, _ =	vpop (xrf0)  }
0x115: {  	v7 =	vxor.u32 $0x80000000, v7  }
0x116: {  	v6 =	vsub.s32 v6, v7  }
0x117: {  	v7 =	vadd.s32 v4, v6  }
0x118: {  	[tilespmem:v5+s3+$0x0] =	vst.idx.msk vm1, v7  }
0x119: {  	v5 =	vld [tilespmem:s0+$0x60C0]  }
0x11a: {  	v7 =	vld [tilespmem:s0+$0x70C0];
	_ =	sdelay $0x3  }
0x11b: {  	v5 =	vxor.u32 $0x80000000, v5  }
0x11c: {  	(xrf1) =	vsort.ascd.msk.u32 $0xffff, v5, v7;
	_ =	sdelay $0xd  }
0x11d: {  	v5, v7, _ =	vpop (xrf1)  }
0x11e: {  	v5 =	vxor.u32 $0x80000000, v5  }
0x11f: {  	v58 =	vperm.xlane v5, v0;
	_ =	sdelay $0x1  }
0x120: {  	vm1 =	veq.s32 v5, v58  }
0x121: {  	v9 =	vsel vm1, $0x80000000, v3  }
0x122: {  	v6 =	vadd.s32 v2, v6;
	(xrf0) =	vmax.scan.msk.u32 $0xffff, v9  }
0x123: {  	[tilespmem:s0+$0xA0B0] =	vst v6;
	v6 =	vperm.xlane v5, v1  }
0x124: {  	[tilespmem:s0+$0xB0B0] =	vst v8  }
0x125: {  	vm1 =	vne.s32 v5, v6;
	v6 =	vld.idx.msk [tilespmem:v5+s3+$0x0], $0xffff  }
0x126: {  	vm1 =	vmor vm1, vm0;
	_ =	sdelay $0x1  }
0x127: {  	v59, _, _ =	vpop (xrf0)  }
0x128: {  	v8 =	vxor.u32 $0x80000000, v59  }
0x129: {  	v6 =	vsub.s32 v6, v8  }
0x12a: {  	v8 =	vadd.s32 v4, v6  }
0x12b: {  	[tilespmem:v5+s3+$0x0] =	vst.idx.msk vm1, v8  }
0x12c: {  	v5 =	vld [tilespmem:s0+$0x60D0]  }
0x12d: {  	v8 =	vld [tilespmem:s0+$0x70D0];
	_ =	sdelay $0x3  }
0x12e: {  	v5 =	vxor.u32 $0x80000000, v5  }
0x12f: {  	(xrf1) =	vsort.ascd.msk.u32 $0xffff, v5, v8;
	_ =	sdelay $0xd  }
0x130: {  	v5, v8, _ =	vpop (xrf1)  }
0x131: {  	v5 =	vxor.u32 $0x80000000, v5  }
0x132: {  	v60 =	vperm.xlane v5, v0;
	_ =	sdelay $0x1  }
0x133: {  	vm1 =	veq.s32 v5, v60  }
0x134: {  	v9 =	vsel vm1, $0x80000000, v3  }
0x135: {  	v6 =	vadd.s32 v2, v6;
	(xrf0) =	vmax.scan.msk.u32 $0xffff, v9  }
0x136: {  	[tilespmem:s0+$0xA0C0] =	vst v6;
	v6 =	vperm.xlane v5, v1  }
0x137: {  	[tilespmem:s0+$0xB0C0] =	vst v7  }
0x138: {  	vm1 =	vne.s32 v5, v6;
	v6 =	vld.idx.msk [tilespmem:v5+s3+$0x0], $0xffff  }
0x139: {  	vm1 =	vmor vm1, vm0;
	_ =	sdelay $0x1  }
0x13a: {  	v7, _, _ =	vpop (xrf0)  }
0x13b: {  	v7 =	vxor.u32 $0x80000000, v7  }
0x13c: {  	v6 =	vsub.s32 v6, v7  }
0x13d: {  	v7 =	vadd.s32 v4, v6  }
0x13e: {  	[tilespmem:v5+s3+$0x0] =	vst.idx.msk vm1, v7  }
0x13f: {  	v5 =	vld [tilespmem:s0+$0x60E0]  }
0x140: {  	v7 =	vld [tilespmem:s0+$0x70E0];
	_ =	sdelay $0x3  }
0x141: {  	v5 =	vxor.u32 $0x80000000, v5  }
0x142: {  	(xrf1) =	vsort.ascd.msk.u32 $0xffff, v5, v7;
	_ =	sdelay $0xd  }
0x143: {  	v5, v7, _ =	vpop (xrf1)  }
0x144: {  	v5 =	vxor.u32 $0x80000000, v5  }
0x145: {  	v61 =	vperm.xlane v5, v0;
	_ =	sdelay $0x1  }
0x146: {  	vm1 =	veq.s32 v5, v61  }
0x147: {  	v9 =	vsel vm1, $0x80000000, v3  }
0x148: {  	v6 =	vadd.s32 v2, v6;
	(xrf0) =	vmax.scan.msk.u32 $0xffff, v9  }
0x149: {  	[tilespmem:s0+$0xA0D0] =	vst v6;
	v6 =	vperm.xlane v5, v1  }
0x14a: {  	[tilespmem:s0+$0xB0D0] =	vst v8  }
0x14b: {  	vm1 =	vne.s32 v5, v6;
	v6 =	vld.idx.msk [tilespmem:v5+s3+$0x0], $0xffff  }
0x14c: {  	vm1 =	vmor vm1, vm0;
	_ =	sdelay $0x1  }
0x14d: {  	v62, _, _ =	vpop (xrf0)  }
0x14e: {  	v8 =	vxor.u32 $0x80000000, v62  }
0x14f: {  	v6 =	vsub.s32 v6, v8  }
0x150: {  	v8 =	vadd.s32 v4, v6  }
0x151: {  	[tilespmem:v5+s3+$0x0] =	vst.idx.msk vm1, v8  }
0x152: {  	v5 =	vld [tilespmem:s0+$0x60F0]  }
0x153: {  	v8 =	vld [tilespmem:s0+$0x70F0];
	_ =	sdelay $0x3  }
0x154: {  	v5 =	vxor.u32 $0x80000000, v5  }
0x155: {  	(xrf1) =	vsort.ascd.msk.u32 $0xffff, v5, v8;
	_ =	sdelay $0xd  }
0x156: {  	v5, v8, _ =	vpop (xrf1)  }
0x157: {  	v5 =	vxor.u32 $0x80000000, v5  }
0x158: {  	v63 =	vperm.xlane v5, v0;
	_ =	sdelay $0x1  }
0x159: {  	vm1 =	veq.s32 v5, v63  }
0x15a: {  	v9 =	vsel vm1, $0x80000000, v3  }
0x15b: {  	v6 =	vadd.s32 v2, v6;
	(xrf0) =	vmax.scan.msk.u32 $0xffff, v9  }
0x15c: {  	[tilespmem:s0+$0xA0E0] =	vst v6;
	v6 =	vperm.xlane v5, v1  }
0x15d: {  	[tilespmem:s0+$0xB0E0] =	vst v7  }
0x15e: {  	vm1 =	vne.s32 v5, v6;
	v6 =	vld.idx.msk [tilespmem:v5+s3+$0x0], $0xffff  }
0x15f: {  	vm1 =	vmor vm1, vm0;
	_ =	sdelay $0x1  }
0x160: {  	v7, _, _ =	vpop (xrf0)  }
0x161: {  	p0 =	sne.s32 s1, $0x3E00;
	v7 =	vxor.u32 $0x80000000, v7  }
.Ltmp1:
0x162: {  	v6 =	vsub.s32 v6, v7;
	(pc) =	sbr.rel @p0 .LBB2_5-.Ltmp1, $4  }
0x163: {  	v7 =	vadd.s32 v4, v6  }
0x164: {  	[tilespmem:v5+s3+$0x0] =	vst.idx.msk vm1, v7;
	v5 =	vadd.s32 v2, v6  }
0x165: {  	[tilespmem:s0+$0xA0F0] =	vst v5  }
0x166: {  	s1 =	sadd.s32 $0x200, s1;
	[tilespmem:s0+$0xB0F0] =	vst v8  }
0x167: {  	s30 =	sadd.s32 $0x1, s30  }
0x168: {  	p0 =	sne.s32 s30, $0x8  }
.Ltmp2:
0x169: {  	_ = 	snop;
	(pc) =	sbr.rel @p0 .LBB2_2-.Ltmp2, $2  }
0x16a: {  	_ =	sdelay $0x2  }
0x16b: {  	[hbm4b:s5+s20] =	stream.indirect.scatter [tilespmem:s25], [sflag:$0x4], $0x1, s24, s20, $0xb8;
	[tilespmem:$0xC080] =	vst v63  }
0x16c: {  	_ =	swait.ge [sflag:s17], $0x1000  }
0x16d: {  	[sflag:s17] =	ssyncset.done $0x0  }
0x16e: {  	[sflag:s17] =	ssyncadd.s32 $0xFFFFF000  }
0x16f: {  	_ =	swait.ge [sflag:s17], $0x1000  }
0x170: {  	[sflag:s17] =	ssyncset.done $0x0  }
0x171: {  	s29 =	sadd.s32 $0x1, s29;
	[sflag:s17] =	ssyncadd.s32 $0xFFFFF000  }
0x172: {  	p0 =	sne.s32 s29, s11;
	_ =	swait.ge [sflag:s26], $0x1000  }
.Ltmp3:
0x173: {  	[sflag:s26] =	ssyncset.done $0x0;
	(pc) =	sbr.rel @p0 .LBB2_1-.Ltmp3, $4  }
0x174: {  	[sflag:s26] =	ssyncadd.s32 $0xFFFFF000  }
0x175: {  	_ =	swait.ge [sflag:s28], $0x1000  }
0x176: {  	[sflag:s28] =	ssyncset.done $0x0  }
0x177: {  	[sflag:s28] =	ssyncadd.s32 $0xFFFFF000  }
0x178: {  	_ =	sfence.sel $0x180000  }
0x179: {  	[bflag:$0x0] =	sbarrier.arrive $0xFFFF  }
0x17a: {  	_ =	strace $0x9000004A  }
0x17b: {  	s0 =	stileid.u32;
	[bflag:$0x2] =	sbarrier.arrive $0xFFFF  }
0x17c: {  	p0 =	sne.s32 s0, $0x0;
	s0 =	rddreg [dreg:$0x1]  }
0x17d: {  	s0 =	sadd.s32 @!p0 $0x100000, s0  }
0x17e: {  	[sflag:s0] =	ssyncadd.tile.s32 @!p0 $0x1;
	_ =	shalt  }
.Lfunc_end2:
_tile_overlayer_lowered:
.L_overlay_start_2:
0x17f: {  	(tag) =	ssettag $0x2  }
0x180: {  	s0 =	rddreg [dreg:$0x0];
	s2 =	stileid.u32  }
0x181: {  	s1 =	rddreg [dreg:$0x1];
	p0 =	sne.s32 s2, $0x0  }
0x182: {  	s3 =	rddreg [dreg:$0x2];
	[bflag:$0x3] =	sbarrier.arrive $0xFFFF;
	s2 =	simm.s32 @!p0 $0x1C05  }
0x183: {  	[timem:s3], [sflag:s2] =	dma.local @!p0 [hbm:s0], s1  }
0x184: {  	s0 =	simm.s32 @!p0 $0x5  }
0x185: {  	_ =	swait.ge @!p0 [sflag:s0], s1  }
0x186: {  	s1 =	ssub.s32 @!p0 $0x0, s1;
	[sflag:s0] =	ssyncset.done @!p0 $0x0  }
0x187: {  	[sflag:s0] =	ssyncadd.s32 @!p0 s1  }
0x188: {  	[bflag:$0x3] =	sbarrier.arrive $0xFFFF  }
0x189: {  	_ =	shalt  }

// kernel: kernel.13.cloned.1.call-start
scs
__scs_entry_jumppad:
0x0: {  	(pc) =	sbr.rel $0x88, $3  }
0x1: {  	(tag) =	ssettag $0x0;
	lr =	simm.s32 $0x1  }
0x2: {  	[smem:$0x3F9F] =	sst lr;
	_ =	strace $0xD0000000  }
0x3: {  	_ = 	snop  }
0x4: {  	_ = 	snop  }
0x5: {  	_ = 	snop  }
0x6: {  	_ = 	snop  }
0x7: {  	_ = 	snop  }
__scs_overlays_trampoline_lowered:
0x8: {  	[smem:$0x3FAE] =	sst s0  }
0x9: {  	[smem:$0x3FAF] =	sst s1  }
0xa: {  	[smem:$0x3FB0] =	sst s2  }
0xb: {  	[smem:$0x3FB1] =	sst s3  }
0xc: {  	[smem:$0x3FB2] =	sst s4  }
0xd: {  	[smem:$0x3FB3] =	sst s5  }
0xe: {  	[smem:$0x3FB4] =	sst s6  }
0xf: {  	[smem:$0x3FB5] =	sst s7  }
0x10: {  	[smem:$0x3FB6] =	sst s8  }
0x11: {  	[smem:$0x3FB7] =	sst s9;
	s0 =	simm.s32 @!p0 $0x0  }
0x12: {  	s1 =	sld [smem:$0x3F9D];
	s0 =	simm.s32 @p0 $0x1  }
0x13: {  	[smem:$0x3FB8] =	sst s0;
	s0 =	simm.s32 @!p1 $0x0  }
0x14: {  	s2 =	sld [smem:$0x3F9C];
	s0 =	simm.s32 @p1 $0x1  }
0x15: {  	[smem:$0x3FB9] =	sst s0;
	s0 =	simm.s32 @!p2 $0x0  }
0x16: {  	s3 =	sld [smem:$0x3FDB];
	s0 =	simm.s32 @p2 $0x1  }
0x17: {  	s4 =	simm.s32 $0x1BF5;
	[smem:$0x3FBB] =	sst s0  }
0x18: {  	s0 =	sld [smem:$0x3F9E];
	_ =	swait.ge [sflag:s4], $0x0  }
0x19: {  	s7 =	sld [smem:$0x3F9F]  }
0x1a: {  	s8 =	sadd.s32 $0xFFFFE003, lr  }
0x1b: {  	s9 =	sadd.s32 $0xFFFFFEF7, lr;
	s5 =	simm.s32 $0xFFFFFFFF;
	p2 =	slt.u32 s8, $0xFFFFF086  }
0x1c: {  	p1 =	slt.u32 s9, $0xF7A;
	s5 =	simm.s32 @!p2 $0x0  }
0x1d: {  	s5 =	simm.s32 @p1 $0x1;
	p0 =	seq.s32 s7, s2  }
0x1e: {  	s7 =	smul.u32 @!p0 $0xF7A, s2;
	p2 =	seq.s32 @!p0 s5, $0x0  }
0x1f: {  	s9 =	smul.u32 $0xF7A, s1;
	s8 =	simm.s32 @!p0 $0x1BF5;
	p2 =	por !p2, p0  }
0x20: {  	[sflag:s8] =	ssyncset.s32 @!p0 $0xFFFFF086;
	s6 =	sadd.s32 @!p0 s3, s7;
	s7 =	simm.s32 @!p0 $0x108  }
0x21: {  	s3 =	sadd.s32 s3, s9;
	s6 =	sadd.s32 @!p0 $0x88, s6;
	s7 =	simm.s32 @p2 $0x1082  }
0x22: {  	[simem:s7], [sflag:s8] =	dma.local @!p0 [hbm:s6], $0xF7A  }
0x23: {  	s9 =	sor.u32 $0xD0000000, s2;
	s6 =	simm.s32 $0x108;
	_ =	swait.ge @!p0 [sflag:s8], $0x0  }
0x24: {  	s3 =	sadd.s32 $0x88, s3;
	s6 =	simm.s32 @!p1 $0x1082;
	[sflag:s4] =	ssyncset.s32 $0xFFFFF086  }
0x25: {  	[simem:s6], [sflag:s4] =	dma.local [hbm:s3], $0xF7A  }
0x26: {  	[smem:$0x3F9F] =	sst s1;
	(tag) =	ssettag s2;
	_ =	strace s9  }
0x27: {  	s1 =	sld [smem:$0x3FAF]  }
0x28: {  	s2 =	sld [smem:$0x3FB0]  }
0x29: {  	s4 =	sld [smem:$0x3FB2]  }
0x2a: {  	p0 =	seq.s32 s5, $0x0;
	s5 =	sld [smem:$0x3FB3]  }
0x2b: {  	s6 =	sld [smem:$0x3FB4]  }
0x2c: {  	s7 =	sld [smem:$0x3FB5]  }
0x2d: {  	s3 =	simm.s32 $0x108;
	s8 =	sld [smem:$0x3FB6]  }
0x2e: {  	s3 =	simm.s32 @!p0 $0x1082;
	s9 =	sld [smem:$0x3FB7]  }
0x2f: {  	lr =	sadd.s32 s0, s3;
	s0 =	sld [smem:$0x3FAE]  }
0x30: {  	s3 =	sld [smem:$0x3FB1]  }
0x31: {  	[smem:$0x3FBA] =	sst s10  }
0x32: {  	s10 =	sld [smem:$0x3FB8];
	_ =	sdelay $0x3  }
0x33: {  	p0 =	seq.s32 s10, $0x1;
	s10 =	sld [smem:$0x3FBA];
	_ =	sdelay $0x3  }
0x34: {  	[smem:$0x3FBA] =	sst s10  }
0x35: {  	s10 =	sld [smem:$0x3FB9];
	_ =	sdelay $0x3  }
0x36: {  	p1 =	seq.s32 s10, $0x1;
	s10 =	sld [smem:$0x3FBA];
	_ =	sdelay $0x3  }
0x37: {  	[smem:$0x3FBA] =	sst s10  }
0x38: {  	s10 =	sld [smem:$0x3FBB]  }
0x39: {  	_ = 	snop;
	(pc) =	sbr.ind lr, $3  }
0x3a: {  	_ = 	snop  }
0x3b: {  	_ = 	snop  }
0x3c: {  	p2 =	seq.s32 s10, $0x1;
	s10 =	sld [smem:$0x3FBA]  }
0x3d: {  	_ =	shalt  }
0x3e: {  	_ =	shalt  }
0x3f: {  	_ =	shalt  }
0x40: {  	_ =	shalt  }
0x41: {  	_ =	shalt  }
0x42: {  	_ =	shalt  }
0x43: {  	_ =	shalt  }
0x44: {  	_ =	shalt  }
0x45: {  	_ =	shalt  }
0x46: {  	_ =	shalt  }
0x47: {  	_ =	shalt  }
0x48: {  	_ =	shalt  }
0x49: {  	_ =	shalt  }
0x4a: {  	_ =	shalt  }
0x4b: {  	_ =	shalt  }
0x4c: {  	_ =	shalt  }
0x4d: {  	_ =	shalt  }
0x4e: {  	_ =	shalt  }
0x4f: {  	_ =	shalt  }
0x50: {  	_ =	shalt  }
0x51: {  	_ =	shalt  }
0x52: {  	_ =	shalt  }
0x53: {  	_ =	shalt  }
0x54: {  	_ =	shalt  }
0x55: {  	_ =	shalt  }
0x56: {  	_ =	shalt  }
0x57: {  	_ =	shalt  }
0x58: {  	_ =	shalt  }
0x59: {  	_ =	shalt  }
0x5a: {  	_ =	shalt  }
0x5b: {  	_ =	shalt  }
0x5c: {  	_ =	shalt  }
0x5d: {  	_ =	shalt  }
0x5e: {  	_ =	shalt  }
0x5f: {  	_ =	shalt  }
0x60: {  	_ =	shalt  }
0x61: {  	_ =	shalt  }
0x62: {  	_ =	shalt  }
0x63: {  	_ =	shalt  }
0x64: {  	_ =	shalt  }
0x65: {  	_ =	shalt  }
0x66: {  	_ =	shalt  }
0x67: {  	_ =	shalt  }
0x68: {  	_ =	shalt  }
0x69: {  	_ =	shalt  }
0x6a: {  	_ =	shalt  }
0x6b: {  	_ =	shalt  }
0x6c: {  	_ =	shalt  }
0x6d: {  	_ =	shalt  }
0x6e: {  	_ =	shalt  }
0x6f: {  	_ =	shalt  }
0x70: {  	_ =	shalt  }
0x71: {  	_ =	shalt  }
0x72: {  	_ =	shalt  }
0x73: {  	_ =	shalt  }
0x74: {  	_ =	shalt  }
0x75: {  	_ =	shalt  }
0x76: {  	_ =	shalt  }
0x77: {  	_ =	shalt  }
0x78: {  	_ =	shalt  }
0x79: {  	_ =	shalt  }
0x7a: {  	_ =	shalt  }
0x7b: {  	_ =	shalt  }
0x7c: {  	_ =	shalt  }
0x7d: {  	_ =	shalt  }
0x7e: {  	_ =	shalt  }
0x7f: {  	_ =	shalt  }
0x80: {  	_ =	shalt  }
0x81: {  	_ =	shalt  }
0x82: {  	_ =	shalt  }
0x83: {  	_ =	shalt  }
0x84: {  	_ =	shalt  }
0x85: {  	_ =	shalt  }
0x86: {  	_ =	shalt  }
0x87: {  	_ =	shalt  }
.Lfunc_end0:
.L_simem_size_0:
called_computation.2_lowered:
.L_overlay_start_0:
0x88: {  	s2 =	sld [smem:$0x3FD9]  }
0x89: {  	s3 =	sld [smem:$0x3FFE];
	_ =	sdelay $0x1  }
0x8a: {  	s1 =	srdreg.scid  }
0x8b: {  	s0 =	sand.u32 $0x1, s1  }
0x8c: {  	s16 =	sshll.u32 s0, $0xA;
	s2 =	sadd.s32 s3, s2  }
0x8d: {  	s2 =	sadd.s32 s2, s16  }
0x8e: {  	[smem:$0x3FC6] =	sst s2  }
0x8f: {  	_ = 	snop  }
0x90: {  	(tm) =	ssettm $0x1  }
0x91: {  	s17 =	sld [smem:$0x3FFB];
	_ =	sdelay $0x3  }
0x92: {  	_ =	strace s17  }
0x93: {  	s2 =	sld [smem:$0x3FFC];
	_ =	sdelay $0x3  }
0x94: {  	_ =	strace s2  }
0x95: {  	s2 =	sld [smem:$0x3FFD];
	_ =	sdelay $0x3  }
0x96: {  	_ =	strace s2  }
0x97: {  	_ =	strace $0x8FFFFFFF  }
0x98: {  	s18 =	sld [smem:$0x3FDB];
	_ =	sdelay $0x1  }
0x99: {  	s19 =	simm.s32 $_scs_section_size  }
0x9a: {  	s4 =	simm.s32 $_size__tile_overlayer_lowered;
	s5 =	simm.s32 $_tile_overlayer_lowered  }
0x9b: {  	s22 =	simm.s32 $0x1BFF;
	s21 =	sshll.u32 s5, $0x1;
	s2 =	sadd.s32 s19, s18  }
0x9c: {  	s6 =	simm.s32 $0x0;
	s20 =	sshll.u32 s4, $0x1;
	s4 =	sadd.s32 s21, s2  }
0x9d: {  	[timem:s6], [sflag:s22] =	dma.local [hbm:s4], s20  }
0x9e: {  	_ =	swait.ge [sflag:s22], s20  }
0x9f: {  	s3 =	ssub.s32 $0x0, s20;
	[sflag:s22] =	ssyncset.done $0x0  }
0xa0: {  	[sflag:s22] =	ssyncadd.s32 s3;
	_ =	sdelay $0x1  }
0xa1: {  	s23 =	simm.s32 $0x1B8B  }
0xa2: {  	_ =	swait.ge [sflag:s23], $0x1  }
0xa3: {  	[sflag:s23] =	ssyncset.done $0x0  }
0xa4: {  	s25 =	simm.s32 $0x1B8E;
	s24 =	sld [smem:$0x3FFE];
	[sflag:s23] =	ssyncadd.s32 $0xFFFFFFFF  }
0xa5: {  	s26 =	simm.s32 $execute0_lowered;
	[smem:$0x3FD2] =	sst s25  }
0xa6: {  	s4 =	sshll.u32 s26, $0x1;
	_ =	strace $0x8000004C;
	[dreg:$0x1] =	wrdreg $0xFFFFFFFF  }
0xa7: {  	s28 =	simm.s32 $_size_execute0_lowered;
	s2 =	sadd.s32 s2, s4;
	[dreg:$0x0] =	wrdreg $0x0  }
0xa8: {  	s4 =	sshll.u32 s28, $0x1;
	[dreg:$0x2] =	wrdreg s2  }
0xa9: {  	[dreg:$0x3] =	wrdreg s4  }
0xaa: {  	[dreg:$0x4] =	wrdreg $0xC0  }
0xab: {  	_ =	task [dreg:s6], $0x5FFFF  }
0xac: {  	[dreg:$0x1] =	wrdreg $0xFFFFFFFF  }
0xad: {  	[dreg:$0x0] =	wrdreg $0x60  }
0xae: {  	[dreg:$0x2] =	wrdreg s24  }
0xaf: {  	[dreg:$0x3] =	wrdreg $0x9  }
0xb0: {  	_ =	task.clear_ibuf [dreg:s6], $0x4FFFF;
	_ =	strace $0x9000004C  }
0xb1: {  	s29 =	simm.s32 $0x9;
	_ =	strace $0x8000004E  }
0xb2: {  	_ =	swait.ge [sflag:s29], $0x1  }
0xb3: {  	[sflag:s29] =	ssyncadd.s32 $0xFFFFFFFF  }
0xb4: {  	_ =	strace $0x9000004E  }
0xb5: {  	_ =	sfence  }
0xb6: {  	s30 =	sld [smem:$0x0];
	_ =	sdelay $0x2  }
0xb7: {  	s31 =	sshll.u32 s1, $0xD;
	s1 =	sshrl.u32 s1, $0x2  }
0xb8: {  	s3 =	sand.u32 $0x4000, s31;
	s1 =	sadd.s32 s1, s30  }
0xb9: {  	s0 =	sor.u32 s3, s0;
	s1 =	sshll.u32 s1, $0x11  }
0xba: {  	s0 =	sor.u32 s1, s0  }
0xbb: {  	s0 =	sadd.s32 $0x8F2B, s0  }
0xbc: {  	[sflag:s0] =	ssyncadd.remote.s32 $0x1  }
0xbd: {  	_ =	sfence.sel $0xFFFF  }
0xbe: {  	[dreg:$0x0] =	wrdreg $0xFFFFFFFF;
	(pc) =	sbr.abs _section_cstart, $3  }
0xbf: {  	[dreg:$0x1] =	wrdreg $0xFFFFFFFF  }
0xc0: {  	_ =	task.clear_ibuf [dreg:s6], $0x2FFFF;
	_ =	strace $0x9FFFFFFF  }
0xc1: {  	(tm) =	ssettm $0x7FFFFFFF  }
tec
execute0_lowered:
.L_overlay_start_1:
0x0: {  	(tag) =	ssettag $0x1  }
0x1: {  	s1 =	rddreg [dreg:$0x0]  }
0x2: {  	s3 =	simm.s32 $0x0;
	s0 =	srdreg.scid;
	s2 =	stileid.u32  }
0x3: {  	s9 =	simm.s32 $0x3;
	s11 =	simm.s32 $0x10300;
	s12 =	simm.s32 $0x1  }
0x4: {  	v0 =	vimm.s32 $0xEDCBA987;
	s13 =	simm.s32 $0x11E80;
	s14 =	simm.s32 $0x2;
	s15 =	simm.s32 $0x13A00  }
0x5: {  	v1 =	vimm.s32 $0x65432100;
	s16 =	simm.s32 $0x0;
	[smem:$0x7FF] =	sst s3;
	v0 =	vunpack.c.l.s4.s8 v0;
	s0 =	sand.u32 $0x1, s0  }
.Ltmp0:
0x6: {  	s2 =	sshll.u32 s2, $0x1;
	v1 =	vunpack.c.l.s4.s8 v1;
	s4 =	sadd.s32 $0x90200, s1;
	(pc) =	sbr.rel .LBB2_1-.Ltmp0, $4  }
0x7: {  	_ =	strace $0x8000004D;
	s2 =	sor.u32 s0, s2;
	s0 =	ssub.s32 $0x2, s0;
	v2 =	vunpack.c.0.s8.s32 v0  }
0x8: {  	v5 =	vimm.s32 $0x1;
	s5 =	sshll.u32 s2, $0x6;
	s2 =	sshll.u32 s2, $0x4;
	s6 =	sshrl.u32 s0, $0x1;
	v3 =	vunpack.c.0.s8.s32 v1  }
0x9: {  	v0 =	vimm.s32 $0x0;
	v1 =	vlaneseq.u32;
	s5 =	sadd.s32 s5, s1;
	s2 =	sadd.s32 s2, s1;
	s0 =	ssub.s32 s0, s6;
	v4 =	vand.u32 $0xF, v2  }
0xa: {  	s5 =	sadd.s32 $0xD0600, s5;
	s6 =	sadd.s32 $0x200, s2;
	s7 =	smax.u32 s0, $0x1;
	v2 =	vor.u32 $0x80010000, v1;
	v3 =	vcombine.low v3, v4;
	v4 =	vor.u32 $0x80000000, v1  }
.LBB2_9:
0xb: {  	_ =	swait.ge [sflag:s12], $0x1B10  }
0xc: {  	(xrf0) =	vadd.scan.msk.s32 $0xffff, v16  }
0xd: {  	(xrf0) =	vadd.scan.msk.s32 $0xffff, v15  }
0xe: {  	(xrf0) =	vadd.scan.msk.s32 $0xffff, v14  }
0xf: {  	(xrf0) =	vadd.scan.msk.s32 $0xffff, v13  }
0x10: {  	(xrf0) =	vadd.scan.msk.s32 $0xffff, v12  }
0x11: {  	(xrf0) =	vadd.scan.msk.s32 $0xffff, v11  }
0x12: {  	v6, _, _ =	vpop (xrf0);
	(xrf0) =	vadd.scan.msk.s32 $0xffff, v10  }
0x13: {  	v6 =	vbroadcast v6, $0xF;
	v7, _, _ =	vpop (xrf0);
	(xrf0) =	vadd.scan.msk.s32 $0xffff, v9  }
0x14: {  	vm0 =	vmmov $0x1;
	v7 =	vbroadcast v7, $0xF;
	v55, _, _ =	vpop (xrf0);
	(xrf0) =	vadd.scan.msk.s32 $0xffff, v8  }
0x15: {  	vm8 =	vcmask $0x324;
	v56, _, _ =	vpop (xrf0);
	v6 =	vnsel vm0, $0x0, v6;
	v9 =	vbroadcast v55, $0xF  }
0x16: {  	vm9 =	vcmask $0x724;
	v57, _, _ =	vpop (xrf0);
	v6 =	vsel vm8, v6, v7;
	v7 =	vbroadcast v56, $0xF  }
0x17: {  	vm10 =	vcmask $0xB24;
	v58, _, _ =	vpop (xrf0);
	v6 =	vsel vm9, v6, v9;
	v59 =	vbroadcast v57, $0xF  }
0x18: {  	vm11 =	vcmask $0xF24;
	v60, _, _ =	vpop (xrf0);
	v6 =	vsel vm10, v6, v7;
	v7 =	vbroadcast v58, $0xF  }
0x19: {  	vm12 =	vcmask $0x1324;
	v61, _, _ =	vpop (xrf0);
	v6 =	vsel vm11, v6, v59;
	v62 =	vbroadcast v60, $0xF  }
0x1a: {  	vm13 =	vcmask $0x1724;
	v6 =	vsel vm12, v6, v7;
	v7 =	vbroadcast v61, $0xF;
	v63, _, _ =	vpop (xrf0)  }
0x1b: {  	vm14 =	vcmask $0x1B24;
	v6 =	vsel vm13, v6, v62;
	v8 =	vbroadcast v63, $0xF  }
0x1c: {  	vm15 =	vcmask $0x1F24;
	s16 =	sadd.s32 $0x1, s16;
	[sflag:s12] =	ssyncset.done $0x0;
	v6 =	vsel vm14, v6, v7  }
0x1d: {  	p0 =	sne.s32 s16, s7;
	[sflag:s12] =	ssyncadd.s32 $0xFFFFE4F0;
	v6 =	vsel vm15, v6, v8  }
.Ltmp1:
0x1e: {  	[tilespmem:$0x13A00] =	vst v6;
	(pc) =	sbr.rel @!p0 .LBB2_10-.Ltmp1, $4  }
0x1f: {  	[hbm4b:s6+s3] =	stream.linear.scatter [tilespmem:s15], [sflag:$0x3], $0x80, $0x38;
	[tilespmem:$0x13A80] =	vst v63  }
0x20: {  	_ =	swait.ge [sflag:s9], $0x80  }
0x21: {  	[sflag:s9] =	ssyncset.done $0x0  }
0x22: {  	[sflag:s9] =	ssyncadd.s32 $0xFFFFFF80  }
.LBB2_1:
0x23: {  	s0 =	simm.s32 $0x40;
	s2 =	simm.s32 $0x0  }
.LBB2_2:
0x24: {  	p0 =	sne.s32 s0, $0x3FFC0;
	[tilespmem:s2+$0x0] =	vst v0;
	s2 =	smov.u32 s0;
	s0 =	sadd.s32 $0x40, s0  }
.Ltmp2:
0x25: {  	(pc) =	sbr.rel @p0 .LBB2_2-.Ltmp2, $2  }
0x26: {  	_ =	sdelay $0x2  }
0x27: {  	s2 =	sshra.s32 s2, $0x2  }
0x28: {  	[tilespmem:s2+$0x0] =	vst v0;
	s28 =	simm.s32 $0x0;
	s0 =	simm.s32 $0x10000  }
0x29: {  	[tilespmem:s0], [sflag:$0x3] =	stream.linear.gather [hbm4b:s5+s28], $0x210, $0x38;
	[tilespmem:$0x13A80] =	vst v63  }
0x2a: {  	_ =	swait.ge [sflag:s9], $0x210  }
0x2b: {  	[sflag:s9] =	ssyncset.done $0x0  }
0x2c: {  	s31 =	simm.s32 $0x10280;
	[sflag:s9] =	ssyncadd.s32 $0xFFFFFDF0  }
0x2d: {  	[tilespmem:s31], [sflag:$0x3] =	stream.linear.gather [hbm4b:s1+s28], $0x80, $0x38;
	[tilespmem:$0x13A80] =	vst v63  }
0x2e: {  	_ =	swait.ge [sflag:s9], $0x80  }
0x2f: {  	[sflag:s9] =	ssyncset.done $0x0  }
0x30: {  	[sflag:s9] =	ssyncadd.s32 $0xFFFFFF80  }
0x31: {  	v6 =	vld [tilespmem:$0x10000];
	_ =	sdelay $0x4  }
0x32: {  	(v2sf) =	vpush v6, $0x0;
	_ =	sdelay $0xe  }
0x33: {  	s17 =	spop (v2sf)  }
0x34: {  	v6 =	vld.msk [tilespmem:$0x10280 ss:$0x0], $0xffff;
	s18 =	sand.u32 $0xFFFFFFF8, s17  }
.Ltmp3:
0x35: {  	p0 =	slt.s32 s18, $0x200000;
	s0 =	smov.u32 s18;
	(pc) =	sbr.rel .LBB2_4-.Ltmp3, $4  }
0x36: {  	v8 =	vimm.s32 $0x0;
	s0 =	simm.s32 @!p0 $0x200000  }
0x37: {  	v9 =	vimm.s32 $0x0;
	v10 =	vimm.s32 $0x0;
	v11 =	vimm.s32 $0x0;
	s21 =	simm.s32 $0x0;
	s22 =	smov.u32 s17;
	s0 =	sshrl.u32 s0, $0x3  }
0x38: {  	v12 =	vimm.s32 $0x0;
	v13 =	vimm.s32 $0x0;
	v14 =	vimm.s32 $0x0;
	s19 =	sadd.s32 $0x1800, s18;
	s20 =	smov.u32 s18;
	s0 =	sadd.s32 s4, s0  }
0x39: {  	v15 =	vimm.s32 $0x0;
	v16 =	vimm.s32 $0x0;
	v7 =	vand.u32 $0x1FF, v6;
	[tilespmem:s11], [sflag:$0x1] =	stream.linear.gather [hbm4b:s0+s28], $0x1B10, $0x38;
	[tilespmem:$0x13A80] =	vst v63  }
.LBB2_28:
0x3a: {  	v16 =	vpsel p0, v16, v16;
	v15 =	vpsel p0, v15, v15;
	v14 =	vpsel p0, v14, v14  }
0x3b: {  	v13 =	vpsel p0, v13, v13;
	v12 =	vpsel p0, v12, v12;
	v11 =	vpsel p0, v11, v11  }
0x3c: {  	s28 =	smov.u32 @p0 s28;
	s22 =	smov.u32 @p0 s22;
	v10 =	vpsel p0, v10, v10;
	v9 =	vpsel p0, v9, v9;
	v8 =	vpsel p0, v8, v8  }
.LBB2_8:
0x3d: {  	s21 =	sadd.s32 $0x1, s21  }
0x3e: {  	p0 =	sne.s32 s21, $0x6  }
.Ltmp4:
0x3f: {  	_ = 	snop;
	(pc) =	sbr.rel @!p0 .LBB2_9-.Ltmp4, $2  }
0x40: {  	_ =	sdelay $0x2  }
0x41: {  	s20 =	sadd.s32 $0x3000, s20;
	s19 =	sadd.s32 $0x3000, s19  }
.LBB2_4:
0x42: {  	s0 =	smul.u32 $0x3000, s21;
	_ =	sdelay $0x1  }
0x43: {  	s2 =	sadd.s32 $0x1800, s0  }
0x44: {  	s23 =	sadd.s32 s18, s2  }
0x45: {  	p0 =	slt.s32 s23, $0x200000  }
0x46: {  	s24 =	sadd.s32 s17, s2;
	s23 =	simm.s32 @!p0 $0x200000;
	p0 =	sgt.s32 s28, $0x1FF  }
0x47: {  	p1 =	sge.s32 @!p0 s22, s24  }
0x48: {  	p1 =	por p0, p1  }
.Ltmp5:
0x49: {  	_ = 	snop;
	(pc) =	sbr.rel @p1 .LBB2_5-.Ltmp5, $4  }
0x4a: {  	_ =	swait.ge [sflag:s12], $0x1B10  }
0x4b: {  	[sflag:s12] =	ssyncset.done $0x0;
	s8 =	sshrl.u32 s23, $0x3  }
0x4c: {  	[sflag:s12] =	ssyncadd.s32 $0xFFFFE4F0;
	s8 =	sadd.s32 s4, s8  }
0x4d: {  	[tilespmem:s13], [sflag:$0x2] =	stream.linear.gather [hbm4b:s8+s3], $0x1B10, $0x38;
	[tilespmem:$0x13A80] =	vst v63  }
0x4e: {  	p0 =	slt.s32 s20, $0x200000;
	s2 =	smov.u32 s20  }
.Ltmp6:
0x4f: {  	s2 =	simm.s32 @!p0 $0x200000;
	(pc) =	sbr.rel .LBB2_14-.Ltmp6, $4  }
0x50: {  	s2 =	sshll.u32 s2, $0x2  }
0x51: {  	s25 =	sadd.s32 s18, s0;
	s2 =	ssub.s32 $0x0, s2  }
0x52: {  	p0 =	slt.s32 s25, $0x200000;
	s31 =	sshra.s32 s2, $0x2  }
0x53: {  	s25 =	simm.s32 @!p0 $0x200000;
	s26 =	sadd.s32 $0x10300, s31  }
.LBB2_5:
.Ltmp7:
0x54: {  	(pc) =	sbr.rel .LBB2_6-.Ltmp7, $4  }
0x55: {  	_ = 	snop  }
0x56: {  	v16 =	vpsel p0, v16, v16;
	v15 =	vpsel p0, v15, v15;
	v14 =	vpsel p0, v14, v14  }
0x57: {  	v13 =	vpsel p0, v13, v13;
	v12 =	vpsel p0, v12, v12;
	v11 =	vpsel p0, v11, v11  }
0x58: {  	s28 =	smov.u32 @p0 s28;
	s22 =	smov.u32 @p0 s22;
	v10 =	vpsel p0, v10, v10;
	v9 =	vpsel p0, v9, v9;
	v8 =	vpsel p0, v8, v8  }
.LBB2_22:
0x59: {  	s0 =	smov.u32 s29  }
.LBB2_26:
0x5a: {  	s0 =	sadd.s32 @p0 $0xFFFFFFF0, s0  }
0x5b: {  	s29 =	smov.u32 @p0 s0  }
0x5c: {  	v18 =	vmov s29  }
0x5d: {  	v17 =	vshrl.u32 v17, $0x4;
	vm0 =	vgt.s32 v18, v1  }
0x5e: {  	v17 =	vand.u32 $0xFFFF, v17;
	_ =	sdelay $0x4  }
0x5f: {  	[tilespmem:v17+s3+$0x0] =	vst.idx.msk vm0, v0  }
.LBB2_11:
0x60: {  	p0 =	sgt.s32 s28, $0x1FE  }
0x61: {  	p1 =	sge.s32 @!p0 s22, s24  }
0x62: {  	p1 =	por p0, p1  }
.Ltmp8:
0x63: {  	_ = 	snop;
	(pc) =	sbr.rel @p1 .LBB2_12-.Ltmp8, $2  }
0x64: {  	_ =	sdelay $0x2  }
0x65: {  	s28 =	sadd.s32 $0x1, s28  }
.LBB2_14:
0x66: {  	v17 =	vld [tilespmem:s28+$0x10001];
	_ =	sdelay $0x4  }
0x67: {  	(v2sf) =	vpush v17, $0x0;
	_ =	sdelay $0xe  }
0x68: {  	s30 =	smov.u32 s22;
	s22 =	spop (v2sf)  }
0x69: {  	s29 =	ssub.s32 s22, s30  }
0x6a: {  	p0 =	slt.s32 s29, $0x300  }
0x6b: {  	p1 =	slt.s32 s29, $0xFFFFFFF2;
	s29 =	simm.s32 @!p0 $0x300  }
0x6c: {  	s0 =	sadd.s32 $0xF, s29  }
0x6d: {  	s2 =	sand.u32 $0xF, s0  }
0x6e: {  	s10 =	sshra.s32 s0, $0x1F;
	p6 =	sne.s32 s2, $0x0  }
0x6f: {  	s2 =	sshrl.u32 s10, $0x1C;
	p0 =	por !p1, !p6  }
0x70: {  	s0 =	sadd.s32 s2, s0;
	s2 =	simm.s32 $0x1;
	p0 =	por !p0, !p0  }
0x71: {  	s0 =	sshra.s32 s0, $0x4;
	s2 =	simm.s32 @!p0 $0x0  }
0x72: {  	s31 =	ssub.s32 s0, s2  }
0x73: {  	p0 =	slt.s32 s31, $0x1  }
.Ltmp9:
0x74: {  	_ = 	snop;
	(pc) =	sbr.rel @p0 .LBB2_11-.Ltmp9, $1  }
0x75: {  	_ =	sdelay $0x3  }
.Ltmp10:
0x76: {  	(pc) =	sbr.rel .LBB2_16-.Ltmp10, $4  }
0x77: {  	_ = 	snop  }
0x78: {  	s0 =	ssub.s32 s30, s25  }
0x79: {  	s2 =	sadd.s32 $0x10300, s0  }
0x7a: {  	s0 =	simm.s32 $0x0;
	v17 =	vmov s2  }
.LBB2_19:
0x7b: {  	v18 =	vld [tilespmem:$0x1FFE0];
	_ =	sdelay $0x4  }
0x7c: {  	vm1 =	vmand vm1, vm2;
	vm2 =	vmand vm15, vm9;
	vm15 =	vnez.u8 v18;
	v18 =	vld [tilespmem:$0x1FFD0];
	_ =	sdelay $0x4  }
0x7d: {  	vm9 =	vmand vm14, vm10;
	vm4 =	vmand vm12, vm4;
	vm12 =	vnez.u8 v18;
	v18 =	vld [tilespmem:$0x1FFC0]  }
0x7e: {  	vm3 =	vmand vm13, vm3;
	v19 =	vsel vm5, $0x1, v0;
	v20 =	vnsel vm2, $0x0, v21  }
0x7f: {  	v30 =	vnsel vm9, $0x0, v21;
	v31 =	vnsel vm3, $0x0, v21;
	v32 =	vnsel vm4, $0x0, v21  }
0x80: {  	v58 =	vadd.s32 v23, v30;
	v59 =	vadd.s32 v24, v31;
	vm8 =	vmand vm15, vm8  }
0x81: {  	v60 =	vadd.s32 v25, v32;
	vm15 =	vmmov vm11;
	v33 =	vnsel vm8, $0x0, v21  }
0x82: {  	v23 =	vnsel vm15, $0x0, v60;
	vm6 =	vmand vm12, vm6;
	vm13 =	vnez.u8 v18;
	v18 =	vld [tilespmem:$0x1FFB0]  }
0x83: {  	v61 =	vadd.s32 v26, v33;
	v34 =	vnsel vm6, $0x0, v21;
	vm7 =	vmand vm13, vm7  }
0x84: {  	v13 =	vadd.s32 v13, v23;
	v62 =	vadd.s32 v27, v34;
	v35 =	vnsel vm7, $0x0, v21  }
0x85: {  	v24 =	vnsel vm15, $0x0, v61;
	v25 =	vnsel vm15, $0x0, v62;
	v63 =	vadd.s32 v28, v35  }
0x86: {  	v12 =	vadd.s32 v12, v24;
	v11 =	vadd.s32 v11, v25;
	v26 =	vnsel vm15, $0x0, v63  }
0x87: {  	vm14 =	vnez.u8 v18;
	v18 =	vsel vm1, $0xFFFFFFFF, v0;
	v10 =	vadd.s32 v10, v26  }
0x88: {  	vm0 =	vmand vm14, vm0;
	v18 =	vadd.s32 v19, v18;
	v19 =	vadd.s32 v22, v20  }
0x89: {  	v20 =	vnsel vm15, $0x0, v58;
	v22 =	vnsel vm15, $0x0, v59;
	v57 =	vnsel vm0, $0x0, v21  }
0x8a: {  	v18 =	vnsel vm15, $0x0, v18;
	v19 =	vnsel vm15, $0x0, v19;
	v21 =	vadd.s32 v29, v57  }
0x8b: {  	v15 =	vadd.s32 v15, v20;
	v14 =	vadd.s32 v14, v22;
	v21 =	vnsel vm15, $0x0, v21  }
0x8c: {  	v8 =	vadd.s32 v8, v18;
	v16 =	vadd.s32 v16, v19;
	v9 =	vadd.s32 v9, v21  }
.LBB2_20:
0x8d: {  	s0 =	sadd.s32 $0x1, s0  }
0x8e: {  	p0 =	seq.s32 s0, s31  }
.Ltmp11:
0x8f: {  	_ = 	snop;
	(pc) =	sbr.rel @p0 .LBB2_21-.Ltmp11, $1  }
0x90: {  	_ =	sdelay $0x3  }
.LBB2_16:
0x91: {  	_ =	sdelay $0x2  }
0x92: {  	s2 =	sshll.u32 s0, $0x4  }
0x93: {  	v18 =	vld.idx.msk [tilespmem:v17+s2+$0x0 ss:$0x1], $0xffff;
	_ =	sdelay $0x4  }
0x94: {  	s2 =	ssub.s32 s29, s2;
	v19 =	vshrl.u32 v18, $0x4  }
0x95: {  	v20 =	vmov s2;
	v19 =	vand.u32 $0xFFFF, v19  }
0x96: {  	vm0 =	vgt.s32 v20, v1;
	v19 =	vor.u32 $0x80000000, v19  }
0x97: {  	v19 =	vsel vm0, v19, v2  }
0x98: {  	(xrf1) =	vsort.ascd.msk.u32 $0xffff, v19, v18;
	_ =	sdelay $0xd  }
0x99: {  	v18, v20, _ =	vpop (xrf1)  }
0x9a: {  	v18 =	vxor.u32 $0x80000000, v18  }
0x9b: {  	v19 =	vperm.xlane v18, v3;
	_ =	sdelay $0x1  }
0x9c: {  	vm14 =	veq.s32 v18, v19  }
0x9d: {  	v19 =	vsel vm14, $0x80000000, v4  }
0x9e: {  	(xrf0) =	vmax.scan.msk.u32 $0xffff, v19;
	_ =	sdelay $0x5  }
0x9f: {  	v19, _, _ =	vpop (xrf0)  }
0xa0: {  	v19 =	vxor.u32 $0x80000000, v19  }
0xa1: {  	v19 =	vsub.s32 v1, v19  }
0xa2: {  	vm15 =	vlt.s32 v18, $0x10000;
	v21 =	vxor.u32 $0x80000000, v19  }
0xa3: {  	v21 =	vnsel vm15, $0x80000000, v21  }
0xa4: {  	(xrf0) =	vmax.scan.msk.u32 $0xffff, v21;
	_ =	sdelay $0x5  }
0xa5: {  	v21, _, _ =	vpop (xrf0)  }
0xa6: {  	(v2sf) =	vpush v21, $0xF;
	_ =	sdelay $0xe  }
0xa7: {  	s2 =	spop (v2sf)  }
0xa8: {  	p0 =	sgt.s32 s2, $0xFFFFFFFF  }
.Ltmp12:
0xa9: {  	_ = 	snop;
	(pc) =	sbr.rel @p0 .LBB2_20-.Ltmp12, $4  }
0xaa: {  	_ = 	snop  }
0xab: {  	v22 =	vimm.s32 $0x0  }
0xac: {  	v22 =	vsel vm15, $0xFFFFFFFF, v22  }
0xad: {  	[tilespmem:$0x1FFF0] =	vst v22  }
0xae: {  	v21 =	vld [tilespmem:$0x1FFF0];
	_ =	sdelay $0x3  }
0xaf: {  	s8 =	simm.s32 $0x0  }
0xb0: {  	vm0 =	veq.s32 v19, s8;
	vm1 =	vnez.u8 v21  }
0xb1: {  	vm11 =	vmand vm1, vm0;
	_ =	sdelay $0x1  }
0xb2: {  	v21 =	vand.u32 $0xF, v20  }
0xb3: {  	v23 =	vimm.s32 $0x0;
	vm0 =	veq.s32 v21, $0x8  }
0xb4: {  	v23 =	vsel vm0, $0xFFFFFFFF, v23  }
0xb5: {  	vm0 =	veq.s32 v21, $0x7;
	[tilespmem:$0x1FFB0] =	vst v23;
	v23 =	vimm.s32 $0x0  }
0xb6: {  	v23 =	vsel vm0, $0xFFFFFFFF, v23;
	v22 =	vld.idx.msk [tilespmem:v18+s3+$0x0], vm11  }
0xb7: {  	vm0 =	veq.s32 v21, $0x6;
	[tilespmem:$0x1FFC0] =	vst v23;
	v23 =	vimm.s32 $0x0  }
0xb8: {  	v20 =	vshll.u32 v5, v21;
	vm12 =	veq.s32 v21, $0x4;
	v23 =	vsel vm0, $0xFFFFFFFF, v23  }
0xb9: {  	vm13 =	veq.s32 v21, $0x3;
	vm0 =	veq.s32 v21, $0x5;
	[tilespmem:$0x1FFD0] =	vst v23;
	v23 =	vimm.s32 $0x0  }
0xba: {  	vm14 =	veq.s32 v21, $0x2;
	vm15 =	veq.s32 v21, $0x1;
	v23 =	vsel vm0, $0xFFFFFFFF, v23  }
0xbb: {  	[tilespmem:$0x1FFE0] =	vst v23;
	v23 =	vshrl.u32 v22, $0x10;
	v24 =	vshrl.u32 v22, $0x11;
	v25 =	vshrl.u32 v22, $0x12  }
0xbc: {  	v26 =	vshrl.u32 v22, $0x13;
	v27 =	vshrl.u32 v22, $0x14;
	v30 =	vand.u32 $0xFFFF, v22  }
0xbd: {  	v28 =	vshrl.u32 v22, $0x15;
	v32 =	vshrl.u32 v22, $0x16;
	v34 =	vshrl.u32 v22, $0x18  }
0xbe: {  	v21 =	vand.u32 $0x1FF, v23;
	v35 =	vand.u32 v7, v23;
	v23 =	vand.u32 $0x1, v25  }
0xbf: {  	v25 =	vand.u32 $0x1, v27;
	v27 =	vand.u32 $0x1, v32;
	vm1 =	vne.s32 v30, $0x0  }
0xc0: {  	s2 =	sxor.u32 $0x80000000, s2;
	v31 =	vor.u32 v20, v21;
	v21 =	vadd.s32 $0x1, v30;
	vm2 =	veq.s32 v35, $0x0  }
0xc1: {  	p0 =	sge.s32 s2, $0x1;
	vm10 =	veq.s32 v23, $0x0;
	vm4 =	veq.s32 v25, $0x0;
	v29 =	vshll.u32 v31, $0x10  }
.Ltmp13:
0xc2: {  	vm6 =	veq.s32 v27, $0x0;
	v31 =	vand.u32 v6, v31;
	v33 =	vor.u32 v21, v29;
	(pc) =	sbr.rel @!p0 .LBB2_19-.Ltmp13, $4  }
0xc3: {  	v29 =	vshrl.u32 v22, $0x17;
	v22 =	vand.u32 $0x1, v24;
	v24 =	vand.u32 $0x1, v26  }
0xc4: {  	v26 =	vand.u32 $0x1, v28;
	vm5 =	veq.s32 v31, $0x0;
	v28 =	vand.u32 $0x1, v29  }
0xc5: {  	v29 =	vand.u32 $0x1, v34;
	vm9 =	veq.s32 v22, $0x0;
	vm3 =	veq.s32 v24, $0x0  }
0xc6: {  	s8 =	simm.s32 $0x1;
	vm8 =	veq.s32 v26, $0x0;
	[tilespmem:v18+s3+$0x0] =	vst.idx.msk vm11, v33;
	vm7 =	veq.s32 v28, $0x0;
	vm0 =	veq.s32 v29, $0x0  }
.LBB2_18:
0xc7: {  	v30 =	vld [tilespmem:$0x1FFE0];
	_ =	sdelay $0x4  }
0xc8: {  	vm1 =	vmand vm1, vm2;
	vm2 =	vmmov vm11;
	vm11 =	vnez.u8 v30;
	v30 =	vld [tilespmem:$0x1FFD0];
	_ =	sdelay $0x4  }
0xc9: {  	vm8 =	vmand vm11, vm8;
	vm11 =	vnez.u8 v30;
	v30 =	vld [tilespmem:$0x1FFC0];
	_ =	sdelay $0x4  }
0xca: {  	vm6 =	vmand vm11, vm6;
	vm11 =	vnez.u8 v30;
	v30 =	vld [tilespmem:$0x1FFB0]  }
0xcb: {  	v32 =	vld [tilespmem:$0x1FFF0]  }
0xcc: {  	vm9 =	vmand vm15, vm9;
	vm10 =	vmand vm14, vm10  }
0xcd: {  	vm3 =	vmand vm13, vm3;
	vm4 =	vmand vm12, vm4;
	v31 =	vsel vm5, $0x1, v0  }
0xce: {  	v60 =	vnsel vm9, $0x0, v21;
	v33 =	vnsel vm10, $0x0, v21;
	v34 =	vnsel vm3, $0x0, v21  }
0xcf: {  	s10 =	smov.u32 s8;
	vm7 =	vmand vm11, vm7;
	vm11 =	vnez.u8 v30;
	v30 =	vsel vm1, $0xFFFFFFFF, v0  }
0xd0: {  	vm1 =	vnez.u8 v32;
	vm0 =	vmand vm11, vm0;
	vm11 =	veq.s32 v19, s10  }
0xd1: {  	v35 =	vnsel vm4, $0x0, v21;
	v22 =	vadd.s32 v22, v60;
	vm11 =	vmand vm1, vm11  }
0xd2: {  	v23 =	vadd.s32 v23, v33;
	v24 =	vadd.s32 v24, v34;
	v25 =	vadd.s32 v25, v35  }
0xd3: {  	v22 =	vnsel vm2, $0x0, v22;
	v23 =	vnsel vm2, $0x0, v23;
	v24 =	vnsel vm2, $0x0, v24  }
0xd4: {  	v25 =	vnsel vm2, $0x0, v25;
	v16 =	vadd.s32 v16, v22;
	v36 =	vnsel vm8, $0x0, v21  }
0xd5: {  	v15 =	vadd.s32 v15, v23;
	v14 =	vadd.s32 v14, v24;
	v26 =	vadd.s32 v26, v36  }
0xd6: {  	v37 =	vnsel vm6, $0x0, v21;
	v38 =	vnsel vm7, $0x0, v21;
	v21 =	vnsel vm0, $0x0, v21  }
0xd7: {  	v26 =	vnsel vm2, $0x0, v26;
	v27 =	vadd.s32 v27, v37;
	v21 =	vadd.s32 v29, v21;
	v29 =	vld.idx.msk [tilespmem:v18+s3+$0x0], vm11  }
0xd8: {  	v13 =	vadd.s32 v13, v25;
	v12 =	vadd.s32 v12, v26;
	v27 =	vnsel vm2, $0x0, v27  }
0xd9: {  	v11 =	vadd.s32 v11, v27;
	v28 =	vadd.s32 v28, v38;
	v30 =	vadd.s32 v31, v30  }
0xda: {  	v28 =	vnsel vm2, $0x0, v28;
	v30 =	vnsel vm2, $0x0, v30;
	v21 =	vnsel vm2, $0x0, v21  }
0xdb: {  	v10 =	vadd.s32 v10, v28;
	v8 =	vadd.s32 v8, v30;
	v9 =	vadd.s32 v9, v21  }
0xdc: {  	v22 =	vshrl.u32 v29, $0x10;
	v23 =	vshrl.u32 v29, $0x11;
	v24 =	vshrl.u32 v29, $0x12  }
0xdd: {  	v25 =	vshrl.u32 v29, $0x13;
	v26 =	vshrl.u32 v29, $0x14;
	v30 =	vand.u32 $0xFFFF, v29  }
0xde: {  	v27 =	vshrl.u32 v29, $0x15;
	v61 =	vshrl.u32 v29, $0x16;
	v62 =	vshrl.u32 v29, $0x17  }
0xdf: {  	v29 =	vshrl.u32 v29, $0x18;
	v21 =	vand.u32 $0x1FF, v22;
	v63 =	vand.u32 v7, v22  }
0xe0: {  	v22 =	vand.u32 $0x1, v23;
	v23 =	vand.u32 $0x1, v24;
	v24 =	vand.u32 $0x1, v25  }
0xe1: {  	s8 =	sadd.s32 $0x1, s8;
	v25 =	vand.u32 $0x1, v26;
	v26 =	vand.u32 $0x1, v27;
	v27 =	vand.u32 $0x1, v61  }
0xe2: {  	p0 =	sle.s32 s8, s2;
	v29 =	vand.u32 $0x1, v29;
	vm1 =	vne.s32 v30, $0x0;
	v31 =	vor.u32 v20, v21  }
.Ltmp14:
0xe3: {  	v21 =	vadd.s32 $0x1, v30;
	vm2 =	veq.s32 v63, $0x0;
	vm9 =	veq.s32 v22, $0x0;
	(pc) =	sbr.rel @p0 .LBB2_18-.Ltmp14, $4  }
0xe4: {  	vm10 =	veq.s32 v23, $0x0;
	vm3 =	veq.s32 v24, $0x0;
	v28 =	vshll.u32 v31, $0x10  }
0xe5: {  	vm4 =	veq.s32 v25, $0x0;
	vm8 =	veq.s32 v26, $0x0;
	v28 =	vor.u32 v21, v28  }
0xe6: {  	vm6 =	veq.s32 v27, $0x0;
	v31 =	vand.u32 v6, v31;
	[tilespmem:v18+s3+$0x0] =	vst.idx.msk vm11, v28;
	v28 =	vand.u32 $0x1, v62  }
0xe7: {  	vm0 =	veq.s32 v29, $0x0;
	vm5 =	veq.s32 v31, $0x0;
	vm7 =	veq.s32 v28, $0x0  }
.Ltmp15:
0xe8: {  	_ = 	snop;
	(pc) =	sbr.rel .LBB2_19-.Ltmp15, $1  }
0xe9: {  	_ =	sdelay $0x3  }
.LBB2_21:
0xea: {  	p1 =	seq.s32 s31, $0x1  }
.Ltmp16:
0xeb: {  	s0 =	sshll.u32 s30, $0x2;
	(pc) =	sbr.rel @p1 .LBB2_22-.Ltmp16, $4  }
0xec: {  	s0 =	sshra.s32 s0, $0x2  }
0xed: {  	s0 =	sadd.s32 s0, s26  }
0xee: {  	v17 =	vld [tilespmem:s0+$0x0]  }
0xef: {  	s8 =	sadd.s32 $0xFFFFFFFF, s31;
	p0 =	por $0x0, $0x0  }
0xf0: {  	_ =	sdelay $0x1  }
0xf1: {  	v18 =	vmov s29  }
0xf2: {  	vm0 =	vgt.s32 v18, v1;
	v17 =	vshrl.u32 v17, $0x4  }
0xf3: {  	v17 =	vand.u32 $0xFFFF, v17;
	_ =	sdelay $0x1  }
0xf4: {  	p1 =	seq.s32 s8, $0x1  }
.Ltmp17:
0xf5: {  	_ = 	snop;
	(pc) =	sbr.rel @p1 .LBB2_24-.Ltmp17, $4  }
0xf6: {  	_ = 	snop  }
0xf7: {  	s2 =	sadd.s32 $0x10, s0;
	[tilespmem:v17+s3+$0x0] =	vst.idx.msk vm0, v0  }
0xf8: {  	v17 =	vld [tilespmem:s2+$0x0]  }
0xf9: {  	s8 =	sadd.s32 $0xFFFFFFFF, s8;
	p0 =	por $0x1, $0x1;
	s0 =	smov.u32 s29  }
.LBB2_25:
0xfa: {  	p1 =	seq.s32 s8, $0x1;
	_ =	sdelay $0x1  }
0xfb: {  	s0 =	sadd.s32 $0xFFFFFFF0, s0  }
0xfc: {  	v18 =	vmov s0  }
0xfd: {  	v17 =	vshrl.u32 v17, $0x4;
	vm0 =	vgt.s32 v18, v1  }
0xfe: {  	v17 =	vand.u32 $0xFFFF, v17;
	_ =	sdelay $0x1  }
.Ltmp18:
0xff: {  	(pc) =	sbr.rel @!p1 .LBB2_25-.Ltmp18, $3  }
0x100: {  	_ =	sdelay $0x1  }
0x101: {  	s2 =	sadd.s32 $0x10, s2;
	[tilespmem:v17+s3+$0x0] =	vst.idx.msk vm0, v0  }
0x102: {  	s8 =	sadd.s32 $0xFFFFFFFF, s8;
	v17 =	vld [tilespmem:s2+$0x0]  }
.Ltmp19:
0x103: {  	_ = 	snop;
	(pc) =	sbr.rel .LBB2_26-.Ltmp19, $1  }
0x104: {  	_ =	sdelay $0x3  }
.LBB2_24:
.Ltmp20:
0x105: {  	(pc) =	sbr.rel .LBB2_26-.Ltmp20, $2  }
0x106: {  	_ =	sdelay $0x2  }
0x107: {  	s0 =	smov.u32 s29  }
.LBB2_12:
0x108: {  	v16 =	vpsel p0, v16, v16;
	v15 =	vpsel p0, v15, v15;
	v14 =	vpsel p0, v14, v14  }
0x109: {  	v13 =	vpsel p0, v13, v13;
	v12 =	vpsel p0, v12, v12;
	v11 =	vpsel p0, v11, v11  }
0x10a: {  	s28 =	smov.u32 @p0 s28;
	s22 =	smov.u32 @p0 s22;
	v10 =	vpsel p0, v10, v10;
	v9 =	vpsel p0, v9, v9;
	v8 =	vpsel p0, v8, v8  }
.LBB2_6:
0x10b: {  	s0 =	sshll.u32 s21, $0x1  }
0x10c: {  	s0 =	sadd.s32 $0x2, s0  }
0x10d: {  	s2 =	smin.u32 s0, $0xB  }
0x10e: {  	s2 =	smul.u32 $0x1800, s2;
	_ =	sdelay $0x1  }
0x10f: {  	s0 =	smul.u32 $0x1800, s0;
	s2 =	sadd.s32 s18, s2  }
0x110: {  	p0 =	slt.s32 s2, $0x200000  }
0x111: {  	s24 =	sadd.s32 s17, s0;
	s2 =	simm.s32 @!p0 $0x200000;
	p0 =	sgt.s32 s28, $0x1FF  }
0x112: {  	p1 =	sge.s32 @!p0 s22, s24  }
0x113: {  	p1 =	por p0, p1  }
.Ltmp21:
0x114: {  	_ = 	snop;
	(pc) =	sbr.rel @p1 .LBB2_7-.Ltmp21, $4  }
0x115: {  	_ =	swait.ge [sflag:s14], $0x1B10  }
0x116: {  	[sflag:s14] =	ssyncset.done $0x0;
	s2 =	sshrl.u32 s2, $0x3  }
0x117: {  	[sflag:s14] =	ssyncadd.s32 $0xFFFFE4F0;
	s2 =	sadd.s32 s4, s2  }
0x118: {  	[tilespmem:s11], [sflag:$0x1] =	stream.linear.gather [hbm4b:s2+s3], $0x1B10, $0x38;
	[tilespmem:$0x13A80] =	vst v63  }
0x119: {  	p0 =	slt.s32 s19, $0x200000;
	s0 =	smov.u32 s19  }
.Ltmp22:
0x11a: {  	s0 =	simm.s32 @!p0 $0x200000;
	(pc) =	sbr.rel .LBB2_30-.Ltmp22, $4  }
0x11b: {  	s0 =	sshll.u32 s0, $0x2  }
0x11c: {  	s0 =	ssub.s32 $0x0, s0  }
0x11d: {  	s0 =	sshra.s32 s0, $0x2  }
0x11e: {  	s25 =	sadd.s32 $0x11E80, s0  }
.LBB2_7:
.Ltmp23:
0x11f: {  	(pc) =	sbr.rel .LBB2_8-.Ltmp23, $4  }
0x120: {  	_ = 	snop  }
0x121: {  	v16 =	vpsel p0, v16, v16;
	v15 =	vpsel p0, v15, v15;
	v14 =	vpsel p0, v14, v14  }
0x122: {  	v13 =	vpsel p0, v13, v13;
	v12 =	vpsel p0, v12, v12;
	v11 =	vpsel p0, v11, v11  }
0x123: {  	s28 =	smov.u32 @p0 s28;
	s22 =	smov.u32 @p0 s22;
	v10 =	vpsel p0, v10, v10;
	v9 =	vpsel p0, v9, v9;
	v8 =	vpsel p0, v8, v8  }
.LBB2_38:
0x124: {  	s0 =	smov.u32 s28  }
.LBB2_42:
0x125: {  	s0 =	sadd.s32 @p0 $0xFFFFFFF0, s0  }
0x126: {  	s28 =	smov.u32 @p0 s0  }
0x127: {  	v18 =	vmov s28  }
0x128: {  	v17 =	vshrl.u32 v17, $0x4;
	vm0 =	vgt.s32 v18, v1  }
0x129: {  	v17 =	vand.u32 $0xFFFF, v17;
	_ =	sdelay $0x4  }
0x12a: {  	[tilespmem:v17+s3+$0x0] =	vst.idx.msk vm0, v0  }
.LBB2_27:
0x12b: {  	p0 =	sgt.s32 s26, $0x1FE  }
0x12c: {  	p1 =	sge.s32 @!p0 s22, s24  }
0x12d: {  	p1 =	por p0, p1  }
.Ltmp24:
0x12e: {  	_ = 	snop;
	(pc) =	sbr.rel @p1 .LBB2_28-.Ltmp24, $2  }
0x12f: {  	_ =	sdelay $0x2  }
0x130: {  	s28 =	sadd.s32 $0x1, s26  }
.LBB2_30:
0x131: {  	v17 =	vld [tilespmem:s28+$0x10001];
	_ =	sdelay $0x4  }
0x132: {  	(v2sf) =	vpush v17, $0x0;
	_ =	sdelay $0xe  }
0x133: {  	s29 =	smov.u32 s22;
	s22 =	spop (v2sf)  }
0x134: {  	s26 =	smov.u32 s28;
	s28 =	ssub.s32 s22, s29  }
0x135: {  	p0 =	slt.s32 s28, $0x300  }
0x136: {  	p1 =	slt.s32 s28, $0xFFFFFFF2;
	s28 =	simm.s32 @!p0 $0x300  }
0x137: {  	s0 =	sadd.s32 $0xF, s28  }
0x138: {  	s2 =	sand.u32 $0xF, s0  }
0x139: {  	s31 =	sshra.s32 s0, $0x1F;
	p6 =	sne.s32 s2, $0x0  }
0x13a: {  	s2 =	sshrl.u32 s31, $0x1C;
	p0 =	por !p1, !p6  }
0x13b: {  	s0 =	sadd.s32 s2, s0;
	s2 =	simm.s32 $0x1;
	p0 =	por !p0, !p0  }
0x13c: {  	s0 =	sshra.s32 s0, $0x4;
	s2 =	simm.s32 @!p0 $0x0  }
0x13d: {  	s30 =	ssub.s32 s0, s2  }
0x13e: {  	p0 =	slt.s32 s30, $0x1  }
.Ltmp25:
0x13f: {  	_ = 	snop;
	(pc) =	sbr.rel @p0 .LBB2_27-.Ltmp25, $1  }
0x140: {  	_ =	sdelay $0x3  }
.Ltmp26:
0x141: {  	(pc) =	sbr.rel .LBB2_32-.Ltmp26, $4  }
0x142: {  	_ = 	snop  }
0x143: {  	s0 =	ssub.s32 s29, s23  }
0x144: {  	s0 =	sadd.s32 $0x11E80, s0  }
0x145: {  	s31 =	simm.s32 $0x0;
	v17 =	vmov s0  }
.LBB2_35:
0x146: {  	v18 =	vsel vm10, $0xFFFFFFFF, v0  }
0x147: {  	v19 =	vsel vm12, $0x1, v0;
	v20 =	vnsel vm8, $0x0, v21;
	v30 =	vnsel vm2, $0x0, v21  }
0x148: {  	v31 =	vnsel vm4, $0x0, v21;
	v32 =	vnsel vm5, $0x0, v21;
	v33 =	vnsel vm3, $0x0, v21  }
0x149: {  	v34 =	vnsel vm6, $0x0, v21;
	v35 =	vnsel vm11, $0x0, v21;
	v18 =	vadd.s32 v19, v18  }
0x14a: {  	v19 =	vnsel vm7, $0x0, v21;
	v20 =	vadd.s32 v22, v20;
	v58 =	vadd.s32 v23, v30  }
0x14b: {  	v59 =	vadd.s32 v24, v31;
	v60 =	vadd.s32 v25, v32;
	v61 =	vadd.s32 v26, v33  }
0x14c: {  	v62 =	vadd.s32 v27, v34;
	v63 =	vadd.s32 v28, v35;
	v19 =	vadd.s32 v29, v19  }
0x14d: {  	v18 =	vnsel vm9, $0x0, v18;
	v20 =	vnsel vm9, $0x0, v20;
	v21 =	vnsel vm9, $0x0, v58  }
0x14e: {  	v22 =	vnsel vm9, $0x0, v59;
	v23 =	vnsel vm9, $0x0, v60;
	v24 =	vnsel vm9, $0x0, v61  }
0x14f: {  	v25 =	vnsel vm9, $0x0, v62;
	v26 =	vnsel vm9, $0x0, v63;
	v19 =	vnsel vm9, $0x0, v19  }
0x150: {  	v8 =	vadd.s32 v8, v18;
	v16 =	vadd.s32 v16, v20;
	v15 =	vadd.s32 v15, v21  }
0x151: {  	v14 =	vadd.s32 v14, v22;
	v13 =	vadd.s32 v13, v23;
	v12 =	vadd.s32 v12, v24  }
0x152: {  	v11 =	vadd.s32 v11, v25;
	v10 =	vadd.s32 v10, v26;
	v9 =	vadd.s32 v9, v19  }
.LBB2_36:
0x153: {  	s31 =	sadd.s32 $0x1, s31  }
0x154: {  	p0 =	seq.s32 s31, s30  }
.Ltmp27:
0x155: {  	_ = 	snop;
	(pc) =	sbr.rel @p0 .LBB2_37-.Ltmp27, $1  }
0x156: {  	_ =	sdelay $0x3  }
.LBB2_32:
0x157: {  	_ =	sdelay $0x2  }
0x158: {  	s0 =	sshll.u32 s31, $0x4  }
0x159: {  	v18 =	vld.idx.msk [tilespmem:v17+s0+$0x0 ss:$0x1], $0xffff;
	_ =	sdelay $0x4  }
0x15a: {  	s0 =	ssub.s32 s28, s0;
	v19 =	vshrl.u32 v18, $0x4  }
0x15b: {  	v20 =	vmov s0;
	v19 =	vand.u32 $0xFFFF, v19  }
0x15c: {  	vm0 =	vgt.s32 v20, v1;
	v19 =	vor.u32 $0x80000000, v19  }
0x15d: {  	v19 =	vsel vm0, v19, v2  }
0x15e: {  	(xrf1) =	vsort.ascd.msk.u32 $0xffff, v19, v18;
	_ =	sdelay $0xd  }
0x15f: {  	v18, v20, _ =	vpop (xrf1)  }
0x160: {  	v18 =	vxor.u32 $0x80000000, v18  }
0x161: {  	v19 =	vperm.xlane v18, v3;
	_ =	sdelay $0x1  }
0x162: {  	vm14 =	veq.s32 v18, v19  }
0x163: {  	v19 =	vsel vm14, $0x80000000, v4  }
0x164: {  	(xrf0) =	vmax.scan.msk.u32 $0xffff, v19;
	_ =	sdelay $0x5  }
0x165: {  	v19, _, _ =	vpop (xrf0)  }
0x166: {  	v19 =	vxor.u32 $0x80000000, v19  }
0x167: {  	v19 =	vsub.s32 v1, v19  }
0x168: {  	vm15 =	vlt.s32 v18, $0x10000;
	v21 =	vxor.u32 $0x80000000, v19  }
0x169: {  	v21 =	vnsel vm15, $0x80000000, v21  }
0x16a: {  	(xrf0) =	vmax.scan.msk.u32 $0xffff, v21;
	_ =	sdelay $0x5  }
0x16b: {  	v21, _, _ =	vpop (xrf0)  }
0x16c: {  	(v2sf) =	vpush v21, $0xF;
	_ =	sdelay $0xe  }
0x16d: {  	s0 =	spop (v2sf)  }
0x16e: {  	p0 =	sgt.s32 s0, $0xFFFFFFFF  }
.Ltmp28:
0x16f: {  	_ = 	snop;
	(pc) =	sbr.rel @p0 .LBB2_36-.Ltmp28, $4  }
0x170: {  	_ = 	snop  }
0x171: {  	v22 =	vimm.s32 $0x0  }
0x172: {  	v22 =	vsel vm15, $0xFFFFFFFF, v22  }
0x173: {  	[tilespmem:$0x1FFA0] =	vst v22  }
0x174: {  	v21 =	vld [tilespmem:$0x1FFA0];
	_ =	sdelay $0x3  }
0x175: {  	s2 =	simm.s32 $0x0  }
0x176: {  	vm0 =	veq.s32 v19, s2;
	vm1 =	vnez.u8 v21  }
0x177: {  	vm0 =	vmand vm1, vm0;
	_ =	sdelay $0x5  }
0x178: {  	v21 =	vand.u32 $0xF, v20;
	v22 =	vld.idx.msk [tilespmem:v18+s3+$0x0], vm0  }
0x179: {  	v23 =	vimm.s32 $0x0;
	v20 =	vshll.u32 v5, v21  }
0x17a: {  	vm1 =	veq.s32 v21, $0x8;
	vm14 =	veq.s32 v21, $0x7;
	vm13 =	veq.s32 v21, $0x6  }
0x17b: {  	vm12 =	veq.s32 v21, $0x4;
	vm15 =	veq.s32 v21, $0x3;
	vm8 =	veq.s32 v21, $0x1  }
0x17c: {  	v23 =	vsel vm1, $0xFFFFFFFF, v23;
	vm9 =	vmmov vm0;
	vm1 =	veq.s32 v21, $0x5  }
0x17d: {  	[tilespmem:$0x1FF90] =	vst v23;
	vm0 =	veq.s32 v21, $0x2;
	v23 =	vshrl.u32 v22, $0x10;
	v24 =	vshrl.u32 v22, $0x11  }
0x17e: {  	v25 =	vshrl.u32 v22, $0x12;
	v26 =	vshrl.u32 v22, $0x13;
	v30 =	vand.u32 $0xFFFF, v22  }
0x17f: {  	v27 =	vshrl.u32 v22, $0x14;
	v21 =	vand.u32 $0x1FF, v23;
	vm6 =	vne.s32 v30, $0x0  }
0x180: {  	v31 =	vor.u32 v20, v21;
	v21 =	vadd.s32 $0x1, v30;
	v30 =	vimm.s32 $0x0  }
0x181: {  	v28 =	vshrl.u32 v22, $0x15;
	v32 =	vshrl.u32 v22, $0x16;
	v30 =	vsel vm8, $0xFFFFFFFF, v30  }
0x182: {  	v34 =	vshrl.u32 v22, $0x18;
	v35 =	vand.u32 v7, v23;
	[tilespmem:$0x1FF40] =	vst v30;
	v30 =	vimm.s32 $0x0  }
0x183: {  	v23 =	vand.u32 $0x1, v25;
	v25 =	vand.u32 $0x1, v27;
	v30 =	vsel vm0, $0xFFFFFFFF, v30  }
0x184: {  	v27 =	vand.u32 $0x1, v32;
	vm2 =	veq.s32 v35, $0x0;
	[tilespmem:$0x1FF50] =	vst v30;
	v30 =	vimm.s32 $0x0  }
0x185: {  	vm4 =	veq.s32 v23, $0x0;
	vm7 =	veq.s32 v25, $0x0;
	v30 =	vsel vm15, $0xFFFFFFFF, v30  }
0x186: {  	v29 =	vshll.u32 v31, $0x10;
	v31 =	vand.u32 v6, v31;
	[tilespmem:$0x1FF60] =	vst v30;
	v30 =	vimm.s32 $0x0  }
0x187: {  	vm10 =	vmand vm6, vm2;
	vm6 =	veq.s32 v27, $0x0;
	v30 =	vsel vm12, $0xFFFFFFFF, v30  }
0x188: {  	vm2 =	vmand vm0, vm4;
	v33 =	vor.u32 v21, v29;
	[tilespmem:$0x1FF70] =	vst v30;
	v30 =	vimm.s32 $0x0  }
0x189: {  	v29 =	vshrl.u32 v22, $0x17;
	v22 =	vand.u32 $0x1, v24;
	v30 =	vsel vm1, $0xFFFFFFFF, v30  }
0x18a: {  	s0 =	sxor.u32 $0x80000000, s0;
	v24 =	vand.u32 $0x1, v26;
	v26 =	vand.u32 $0x1, v28;
	vm6 =	vmand vm13, vm6;
	[tilespmem:$0x1FF80] =	vst v30;
	v30 =	vld [tilespmem:$0x1FF90]  }
0x18b: {  	p0 =	sge.s32 s0, $0x1;
	v28 =	vand.u32 $0x1, v29;
	v29 =	vand.u32 $0x1, v34;
	vm3 =	veq.s32 v22, $0x0  }
.Ltmp29:
0x18c: {  	vm5 =	veq.s32 v24, $0x0;
	vm11 =	veq.s32 v26, $0x0;
	vm0 =	vmmov vm14;
	(pc) =	sbr.rel @!p0 .LBB2_35-.Ltmp29, $4  }
0x18d: {  	vm4 =	vmand vm15, vm5;
	vm5 =	vmand vm12, vm7;
	vm7 =	veq.s32 v28, $0x0  }
0x18e: {  	vm8 =	vmand vm8, vm3;
	vm3 =	vmand vm1, vm11;
	vm11 =	vmand vm14, vm7  }
0x18f: {  	vm12 =	veq.s32 v29, $0x0;
	vm1 =	vmmov vm13;
	vm7 =	vnez.u8 v30  }
0x190: {  	s2 =	simm.s32 $0x1;
	[tilespmem:v18+s3+$0x0] =	vst.idx.msk vm9, v33;
	vm15 =	vmmov vm7;
	vm7 =	vmand vm7, vm12;
	vm12 =	veq.s32 v31, $0x0  }
.LBB2_34:
0x191: {  	v30 =	vsel vm10, $0xFFFFFFFF, v0;
	v31 =	vsel vm12, $0x1, v0  }
0x192: {  	v30 =	vadd.s32 v31, v30;
	v31 =	vld [tilespmem:$0x1FFA0];
	_ =	sdelay $0x3  }
0x193: {  	s8 =	smov.u32 s2;
	v33 =	vnsel vm2, $0x0, v21  }
0x194: {  	v36 =	vnsel vm3, $0x0, v21;
	vm2 =	veq.s32 v19, s8;
	vm3 =	vnez.u8 v31  }
0x195: {  	vm2 =	vmand vm3, vm2  }
0x196: {  	v32 =	vnsel vm8, $0x0, v21;
	v34 =	vnsel vm4, $0x0, v21  }
0x197: {  	v35 =	vnsel vm5, $0x0, v21;
	v37 =	vnsel vm6, $0x0, v21;
	v38 =	vnsel vm11, $0x0, v21  }
0x198: {  	v21 =	vnsel vm7, $0x0, v21;
	v22 =	vadd.s32 v22, v32;
	v23 =	vadd.s32 v23, v33  }
0x199: {  	v24 =	vadd.s32 v24, v34;
	v25 =	vadd.s32 v25, v35;
	v26 =	vadd.s32 v26, v36  }
0x19a: {  	v27 =	vadd.s32 v27, v37;
	v21 =	vadd.s32 v29, v21;
	v29 =	vnsel vm9, $0x0, v30  }
0x19b: {  	v22 =	vnsel vm9, $0x0, v22;
	v23 =	vnsel vm9, $0x0, v23;
	v24 =	vnsel vm9, $0x0, v24;
	v30 =	vld.idx.msk [tilespmem:v18+s3+$0x0], vm2  }
0x19c: {  	v25 =	vnsel vm9, $0x0, v25;
	v26 =	vnsel vm9, $0x0, v26;
	v27 =	vnsel vm9, $0x0, v27  }
0x19d: {  	v21 =	vnsel vm9, $0x0, v21;
	v8 =	vadd.s32 v8, v29;
	v16 =	vadd.s32 v16, v22  }
0x19e: {  	v15 =	vadd.s32 v15, v23;
	v14 =	vadd.s32 v14, v24;
	v13 =	vadd.s32 v13, v25  }
0x19f: {  	v12 =	vadd.s32 v12, v26;
	v11 =	vadd.s32 v11, v27;
	v9 =	vadd.s32 v9, v21  }
0x1a0: {  	v22 =	vshrl.u32 v30, $0x10;
	v23 =	vshrl.u32 v30, $0x11;
	v24 =	vshrl.u32 v30, $0x12  }
0x1a1: {  	v25 =	vshrl.u32 v30, $0x13;
	v26 =	vshrl.u32 v30, $0x14;
	v31 =	vand.u32 $0xFFFF, v30  }
0x1a2: {  	v27 =	vshrl.u32 v30, $0x15;
	v29 =	vshrl.u32 v30, $0x16;
	v62 =	vshrl.u32 v30, $0x17  }
0x1a3: {  	v30 =	vshrl.u32 v30, $0x18;
	v21 =	vand.u32 $0x1FF, v22;
	v63 =	vand.u32 v7, v22  }
0x1a4: {  	v22 =	vand.u32 $0x1, v23;
	v23 =	vand.u32 $0x1, v24;
	v24 =	vand.u32 $0x1, v25  }
0x1a5: {  	v25 =	vand.u32 $0x1, v26;
	v26 =	vand.u32 $0x1, v27;
	v61 =	vor.u32 v20, v21  }
0x1a6: {  	v27 =	vand.u32 $0x1, v29;
	v29 =	vand.u32 $0x1, v30;
	v30 =	vand.u32 v6, v61  }
0x1a7: {  	v28 =	vadd.s32 v28, v38;
	vm12 =	veq.s32 v30, $0x0;
	v30 =	vld [tilespmem:$0x1FF40]  }
0x1a8: {  	v28 =	vnsel vm9, $0x0, v28  }
0x1a9: {  	v10 =	vadd.s32 v10, v28;
	v21 =	vadd.s32 $0x1, v31;
	v28 =	vshll.u32 v61, $0x10  }
0x1aa: {  	v28 =	vor.u32 v21, v28  }
0x1ab: {  	vm9 =	vmmov vm2;
	vm8 =	vne.s32 v31, $0x0;
	[tilespmem:v18+s3+$0x0] =	vst.idx.msk vm2, v28;
	vm2 =	veq.s32 v63, $0x0  }
0x1ac: {  	vm10 =	vmand vm8, vm2;
	vm2 =	vnez.u8 v30;
	v30 =	vld [tilespmem:$0x1FF50];
	_ =	sdelay $0x3  }
0x1ad: {  	vm3 =	veq.s32 v22, $0x0  }
0x1ae: {  	vm8 =	vmand vm2, vm3;
	vm2 =	vnez.u8 v30;
	v30 =	vld [tilespmem:$0x1FF60];
	_ =	sdelay $0x4  }
0x1af: {  	vm3 =	vnez.u8 v30;
	v30 =	vld [tilespmem:$0x1FF70];
	_ =	sdelay $0x3  }
0x1b0: {  	vm4 =	veq.s32 v23, $0x0;
	vm5 =	veq.s32 v24, $0x0  }
0x1b1: {  	s2 =	sadd.s32 $0x1, s2;
	vm2 =	vmand vm2, vm4;
	vm4 =	vmand vm3, vm5;
	vm3 =	vnez.u8 v30;
	v30 =	vld [tilespmem:$0x1FF80]  }
0x1b2: {  	p0 =	sle.s32 s2, s0  }
.Ltmp30:
0x1b3: {  	_ = 	snop;
	(pc) =	sbr.rel @p0 .LBB2_34-.Ltmp30, $4  }
0x1b4: {  	vm6 =	veq.s32 v25, $0x0;
	vm7 =	veq.s32 v26, $0x0;
	v28 =	vand.u32 $0x1, v62  }
0x1b5: {  	vm11 =	veq.s32 v27, $0x0;
	vm14 =	veq.s32 v29, $0x0;
	vm13 =	veq.s32 v28, $0x0  }
0x1b6: {  	vm5 =	vmand vm3, vm6;
	vm6 =	vmand vm1, vm11;
	vm3 =	vnez.u8 v30  }
0x1b7: {  	vm11 =	vmand vm0, vm13;
	vm3 =	vmand vm3, vm7;
	vm7 =	vmand vm15, vm14  }
.Ltmp31:
0x1b8: {  	_ = 	snop;
	(pc) =	sbr.rel .LBB2_35-.Ltmp31, $1  }
0x1b9: {  	_ =	sdelay $0x3  }
.LBB2_37:
0x1ba: {  	p1 =	seq.s32 s30, $0x1  }
.Ltmp32:
0x1bb: {  	s0 =	sshll.u32 s29, $0x2;
	(pc) =	sbr.rel @p1 .LBB2_38-.Ltmp32, $4  }
0x1bc: {  	s0 =	sshra.s32 s0, $0x2  }
0x1bd: {  	s0 =	sadd.s32 s0, s25  }
0x1be: {  	v17 =	vld [tilespmem:s0+$0x0]  }
0x1bf: {  	s8 =	sadd.s32 $0xFFFFFFFF, s30;
	p0 =	por $0x0, $0x0  }
0x1c0: {  	_ =	sdelay $0x1  }
0x1c1: {  	v18 =	vmov s28  }
0x1c2: {  	vm0 =	vgt.s32 v18, v1;
	v17 =	vshrl.u32 v17, $0x4  }
0x1c3: {  	v17 =	vand.u32 $0xFFFF, v17;
	_ =	sdelay $0x1  }
0x1c4: {  	p1 =	seq.s32 s8, $0x1  }
.Ltmp33:
0x1c5: {  	_ = 	snop;
	(pc) =	sbr.rel @p1 .LBB2_40-.Ltmp33, $4  }
0x1c6: {  	_ = 	snop  }
0x1c7: {  	s2 =	sadd.s32 $0x10, s0;
	[tilespmem:v17+s3+$0x0] =	vst.idx.msk vm0, v0  }
0x1c8: {  	v17 =	vld [tilespmem:s2+$0x0]  }
0x1c9: {  	s8 =	sadd.s32 $0xFFFFFFFF, s8;
	p0 =	por $0x1, $0x1;
	s0 =	smov.u32 s28  }
.LBB2_41:
0x1ca: {  	p1 =	seq.s32 s8, $0x1;
	_ =	sdelay $0x1  }
0x1cb: {  	s0 =	sadd.s32 $0xFFFFFFF0, s0  }
0x1cc: {  	v18 =	vmov s0  }
0x1cd: {  	v17 =	vshrl.u32 v17, $0x4;
	vm0 =	vgt.s32 v18, v1  }
0x1ce: {  	v17 =	vand.u32 $0xFFFF, v17;
	_ =	sdelay $0x1  }
.Ltmp34:
0x1cf: {  	(pc) =	sbr.rel @!p1 .LBB2_41-.Ltmp34, $3  }
0x1d0: {  	_ =	sdelay $0x1  }
0x1d1: {  	s2 =	sadd.s32 $0x10, s2;
	[tilespmem:v17+s3+$0x0] =	vst.idx.msk vm0, v0  }
0x1d2: {  	s8 =	sadd.s32 $0xFFFFFFFF, s8;
	v17 =	vld [tilespmem:s2+$0x0]  }
.Ltmp35:
0x1d3: {  	_ = 	snop;
	(pc) =	sbr.rel .LBB2_42-.Ltmp35, $1  }
0x1d4: {  	_ =	sdelay $0x3  }
.LBB2_40:
.Ltmp36:
0x1d5: {  	(pc) =	sbr.rel .LBB2_42-.Ltmp36, $2  }
0x1d6: {  	_ =	sdelay $0x2  }
0x1d7: {  	s0 =	smov.u32 s28  }
.LBB2_10:
0x1d8: {  	_ =	sfence.sel $0x180000  }
0x1d9: {  	[bflag:$0x0] =	sbarrier.arrive $0xFFFF  }
0x1da: {  	_ =	strace $0x9000004D  }
0x1db: {  	s0 =	stileid.u32;
	[bflag:$0x2] =	sbarrier.arrive $0xFFFF  }
0x1dc: {  	p0 =	sne.s32 s0, $0x0;
	s0 =	rddreg [dreg:$0x1]  }
0x1dd: {  	s0 =	sadd.s32 @!p0 $0x100000, s0  }
0x1de: {  	[sflag:s0] =	ssyncadd.tile.s32 @!p0 $0x1;
	_ =	shalt  }
.Lfunc_end2:
_tile_overlayer_lowered:
.L_overlay_start_2:
0x1df: {  	(tag) =	ssettag $0x2  }
0x1e0: {  	s0 =	rddreg [dreg:$0x0];
	s2 =	stileid.u32  }
0x1e1: {  	s1 =	rddreg [dreg:$0x1];
	p0 =	sne.s32 s2, $0x0  }
0x1e2: {  	s3 =	rddreg [dreg:$0x2];
	[bflag:$0x3] =	sbarrier.arrive $0xFFFF;
	s2 =	simm.s32 @!p0 $0x1C03  }
0x1e3: {  	[timem:s3], [sflag:s2] =	dma.local @!p0 [hbm:s0], s1  }
0x1e4: {  	s0 =	simm.s32 @!p0 $0x3  }
0x1e5: {  	_ =	swait.ge @!p0 [sflag:s0], s1  }
0x1e6: {  	s1 =	ssub.s32 @!p0 $0x0, s1;
	[sflag:s0] =	ssyncset.done @!p0 $0x0  }
0x1e7: {  	[sflag:s0] =	ssyncadd.s32 @!p0 s1  }
0x1e8: {  	[bflag:$0x3] =	sbarrier.arrive $0xFFFF  }
0x1e9: {  	_ =	shalt  }

// kernel: kernel.7.cloned.1.call-start
scs
__scs_entry_jumppad:
0x0: {  	(pc) =	sbr.rel $0x88, $3  }
0x1: {  	(tag) =	ssettag $0x0;
	lr =	simm.s32 $0x1  }
0x2: {  	[smem:$0x3F9F] =	sst lr;
	_ =	strace $0xD0000000  }
0x3: {  	_ = 	snop  }
0x4: {  	_ = 	snop  }
0x5: {  	_ = 	snop  }
0x6: {  	_ = 	snop  }
0x7: {  	_ = 	snop  }
__scs_overlays_trampoline_lowered:
0x8: {  	[smem:$0x3FAE] =	sst s0  }
0x9: {  	[smem:$0x3FAF] =	sst s1  }
0xa: {  	[smem:$0x3FB0] =	sst s2  }
0xb: {  	[smem:$0x3FB1] =	sst s3  }
0xc: {  	[smem:$0x3FB2] =	sst s4  }
0xd: {  	[smem:$0x3FB3] =	sst s5  }
0xe: {  	[smem:$0x3FB4] =	sst s6  }
0xf: {  	[smem:$0x3FB5] =	sst s7  }
0x10: {  	[smem:$0x3FB6] =	sst s8  }
0x11: {  	[smem:$0x3FB7] =	sst s9;
	s0 =	simm.s32 @!p0 $0x0  }
0x12: {  	s1 =	sld [smem:$0x3F9D];
	s0 =	simm.s32 @p0 $0x1  }
0x13: {  	[smem:$0x3FB8] =	sst s0;
	s0 =	simm.s32 @!p1 $0x0  }
0x14: {  	s2 =	sld [smem:$0x3F9C];
	s0 =	simm.s32 @p1 $0x1  }
0x15: {  	[smem:$0x3FB9] =	sst s0;
	s0 =	simm.s32 @!p2 $0x0  }
0x16: {  	s3 =	sld [smem:$0x3FDB];
	s0 =	simm.s32 @p2 $0x1  }
0x17: {  	s4 =	simm.s32 $0x1BF5;
	[smem:$0x3FBB] =	sst s0  }
0x18: {  	s0 =	sld [smem:$0x3F9E];
	_ =	swait.ge [sflag:s4], $0x0  }
0x19: {  	s7 =	sld [smem:$0x3F9F]  }
0x1a: {  	s8 =	sadd.s32 $0xFFFFE003, lr  }
0x1b: {  	s9 =	sadd.s32 $0xFFFFFEF7, lr;
	s5 =	simm.s32 $0xFFFFFFFF;
	p2 =	slt.u32 s8, $0xFFFFF086  }
0x1c: {  	p1 =	slt.u32 s9, $0xF7A;
	s5 =	simm.s32 @!p2 $0x0  }
0x1d: {  	s5 =	simm.s32 @p1 $0x1;
	p0 =	seq.s32 s7, s2  }
0x1e: {  	s7 =	smul.u32 @!p0 $0xF7A, s2;
	p2 =	seq.s32 @!p0 s5, $0x0  }
0x1f: {  	s9 =	smul.u32 $0xF7A, s1;
	s8 =	simm.s32 @!p0 $0x1BF5;
	p2 =	por !p2, p0  }
0x20: {  	[sflag:s8] =	ssyncset.s32 @!p0 $0xFFFFF086;
	s6 =	sadd.s32 @!p0 s3, s7;
	s7 =	simm.s32 @!p0 $0x108  }
0x21: {  	s3 =	sadd.s32 s3, s9;
	s6 =	sadd.s32 @!p0 $0x88, s6;
	s7 =	simm.s32 @p2 $0x1082  }
0x22: {  	[simem:s7], [sflag:s8] =	dma.local @!p0 [hbm:s6], $0xF7A  }
0x23: {  	s9 =	sor.u32 $0xD0000000, s2;
	s6 =	simm.s32 $0x108;
	_ =	swait.ge @!p0 [sflag:s8], $0x0  }
0x24: {  	s3 =	sadd.s32 $0x88, s3;
	s6 =	simm.s32 @!p1 $0x1082;
	[sflag:s4] =	ssyncset.s32 $0xFFFFF086  }
0x25: {  	[simem:s6], [sflag:s4] =	dma.local [hbm:s3], $0xF7A  }
0x26: {  	[smem:$0x3F9F] =	sst s1;
	(tag) =	ssettag s2;
	_ =	strace s9  }
0x27: {  	s1 =	sld [smem:$0x3FAF]  }
0x28: {  	s2 =	sld [smem:$0x3FB0]  }
0x29: {  	s4 =	sld [smem:$0x3FB2]  }
0x2a: {  	p0 =	seq.s32 s5, $0x0;
	s5 =	sld [smem:$0x3FB3]  }
0x2b: {  	s6 =	sld [smem:$0x3FB4]  }
0x2c: {  	s7 =	sld [smem:$0x3FB5]  }
0x2d: {  	s3 =	simm.s32 $0x108;
	s8 =	sld [smem:$0x3FB6]  }
0x2e: {  	s3 =	simm.s32 @!p0 $0x1082;
	s9 =	sld [smem:$0x3FB7]  }
0x2f: {  	lr =	sadd.s32 s0, s3;
	s0 =	sld [smem:$0x3FAE]  }
0x30: {  	s3 =	sld [smem:$0x3FB1]  }
0x31: {  	[smem:$0x3FBA] =	sst s10  }
0x32: {  	s10 =	sld [smem:$0x3FB8];
	_ =	sdelay $0x3  }
0x33: {  	p0 =	seq.s32 s10, $0x1;
	s10 =	sld [smem:$0x3FBA];
	_ =	sdelay $0x3  }
0x34: {  	[smem:$0x3FBA] =	sst s10  }
0x35: {  	s10 =	sld [smem:$0x3FB9];
	_ =	sdelay $0x3  }
0x36: {  	p1 =	seq.s32 s10, $0x1;
	s10 =	sld [smem:$0x3FBA];
	_ =	sdelay $0x3  }
0x37: {  	[smem:$0x3FBA] =	sst s10  }
0x38: {  	s10 =	sld [smem:$0x3FBB]  }
0x39: {  	_ = 	snop;
	(pc) =	sbr.ind lr, $3  }
0x3a: {  	_ = 	snop  }
0x3b: {  	_ = 	snop  }
0x3c: {  	p2 =	seq.s32 s10, $0x1;
	s10 =	sld [smem:$0x3FBA]  }
0x3d: {  	_ =	shalt  }
0x3e: {  	_ =	shalt  }
0x3f: {  	_ =	shalt  }
0x40: {  	_ =	shalt  }
0x41: {  	_ =	shalt  }
0x42: {  	_ =	shalt  }
0x43: {  	_ =	shalt  }
0x44: {  	_ =	shalt  }
0x45: {  	_ =	shalt  }
0x46: {  	_ =	shalt  }
0x47: {  	_ =	shalt  }
0x48: {  	_ =	shalt  }
0x49: {  	_ =	shalt  }
0x4a: {  	_ =	shalt  }
0x4b: {  	_ =	shalt  }
0x4c: {  	_ =	shalt  }
0x4d: {  	_ =	shalt  }
0x4e: {  	_ =	shalt  }
0x4f: {  	_ =	shalt  }
0x50: {  	_ =	shalt  }
0x51: {  	_ =	shalt  }
0x52: {  	_ =	shalt  }
0x53: {  	_ =	shalt  }
0x54: {  	_ =	shalt  }
0x55: {  	_ =	shalt  }
0x56: {  	_ =	shalt  }
0x57: {  	_ =	shalt  }
0x58: {  	_ =	shalt  }
0x59: {  	_ =	shalt  }
0x5a: {  	_ =	shalt  }
0x5b: {  	_ =	shalt  }
0x5c: {  	_ =	shalt  }
0x5d: {  	_ =	shalt  }
0x5e: {  	_ =	shalt  }
0x5f: {  	_ =	shalt  }
0x60: {  	_ =	shalt  }
0x61: {  	_ =	shalt  }
0x62: {  	_ =	shalt  }
0x63: {  	_ =	shalt  }
0x64: {  	_ =	shalt  }
0x65: {  	_ =	shalt  }
0x66: {  	_ =	shalt  }
0x67: {  	_ =	shalt  }
0x68: {  	_ =	shalt  }
0x69: {  	_ =	shalt  }
0x6a: {  	_ =	shalt  }
0x6b: {  	_ =	shalt  }
0x6c: {  	_ =	shalt  }
0x6d: {  	_ =	shalt  }
0x6e: {  	_ =	shalt  }
0x6f: {  	_ =	shalt  }
0x70: {  	_ =	shalt  }
0x71: {  	_ =	shalt  }
0x72: {  	_ =	shalt  }
0x73: {  	_ =	shalt  }
0x74: {  	_ =	shalt  }
0x75: {  	_ =	shalt  }
0x76: {  	_ =	shalt  }
0x77: {  	_ =	shalt  }
0x78: {  	_ =	shalt  }
0x79: {  	_ =	shalt  }
0x7a: {  	_ =	shalt  }
0x7b: {  	_ =	shalt  }
0x7c: {  	_ =	shalt  }
0x7d: {  	_ =	shalt  }
0x7e: {  	_ =	shalt  }
0x7f: {  	_ =	shalt  }
0x80: {  	_ =	shalt  }
0x81: {  	_ =	shalt  }
0x82: {  	_ =	shalt  }
0x83: {  	_ =	shalt  }
0x84: {  	_ =	shalt  }
0x85: {  	_ =	shalt  }
0x86: {  	_ =	shalt  }
0x87: {  	_ =	shalt  }
.Lfunc_end0:
.L_simem_size_0:
called_computation_lowered:
.L_overlay_start_0:
0x88: {  	s2 =	sld [smem:$0x3FD9]  }
0x89: {  	s3 =	sld [smem:$0x3FFE];
	_ =	sdelay $0x1  }
0x8a: {  	s1 =	srdreg.scid  }
0x8b: {  	s0 =	sand.u32 $0x1, s1  }
0x8c: {  	s16 =	sshll.u32 s0, $0xA;
	s2 =	sadd.s32 s3, s2  }
0x8d: {  	s2 =	sadd.s32 s2, s16  }
0x8e: {  	[smem:$0x3FC6] =	sst s2  }
0x8f: {  	_ = 	snop  }
0x90: {  	(tm) =	ssettm $0x1  }
0x91: {  	s17 =	sld [smem:$0x3FFB];
	_ =	sdelay $0x3  }
0x92: {  	_ =	strace s17  }
0x93: {  	s2 =	sld [smem:$0x3FFC];
	_ =	sdelay $0x3  }
0x94: {  	_ =	strace s2  }
0x95: {  	s2 =	sld [smem:$0x3FFD];
	_ =	sdelay $0x3  }
0x96: {  	_ =	strace s2  }
0x97: {  	_ =	strace $0x8FFFFFFF  }
0x98: {  	s18 =	sld [smem:$0x3FDB];
	_ =	sdelay $0x1  }
0x99: {  	s19 =	simm.s32 $_scs_section_size  }
0x9a: {  	s4 =	simm.s32 $_size__tile_overlayer_lowered;
	s5 =	simm.s32 $_tile_overlayer_lowered  }
0x9b: {  	s22 =	simm.s32 $0x1BFF;
	s21 =	sshll.u32 s5, $0x1;
	s2 =	sadd.s32 s19, s18  }
0x9c: {  	s6 =	simm.s32 $0x0;
	s20 =	sshll.u32 s4, $0x1;
	s4 =	sadd.s32 s21, s2  }
0x9d: {  	[timem:s6], [sflag:s22] =	dma.local [hbm:s4], s20  }
0x9e: {  	_ =	swait.ge [sflag:s22], s20  }
0x9f: {  	s3 =	ssub.s32 $0x0, s20;
	[sflag:s22] =	ssyncset.done $0x0  }
0xa0: {  	[sflag:s22] =	ssyncadd.s32 s3;
	_ =	sdelay $0x1  }
0xa1: {  	s23 =	simm.s32 $0x1B8B  }
0xa2: {  	_ =	swait.ge [sflag:s23], $0x1  }
0xa3: {  	[sflag:s23] =	ssyncset.done $0x0  }
0xa4: {  	s25 =	simm.s32 $0x1B8E;
	s24 =	sld [smem:$0x3FFE];
	[sflag:s23] =	ssyncadd.s32 $0xFFFFFFFF  }
0xa5: {  	s26 =	simm.s32 $execute0_lowered;
	[smem:$0x3FD2] =	sst s25  }
0xa6: {  	s4 =	sshll.u32 s26, $0x1;
	_ =	strace $0x80000046;
	[dreg:$0x1] =	wrdreg $0xFFFFFFFF  }
0xa7: {  	s28 =	simm.s32 $_size_execute0_lowered;
	s2 =	sadd.s32 s2, s4;
	[dreg:$0x0] =	wrdreg $0x0  }
0xa8: {  	s4 =	sshll.u32 s28, $0x1;
	[dreg:$0x2] =	wrdreg s2  }
0xa9: {  	[dreg:$0x3] =	wrdreg s4  }
0xaa: {  	[dreg:$0x4] =	wrdreg $0xC0  }
0xab: {  	_ =	task [dreg:s6], $0x5FFFF  }
0xac: {  	[dreg:$0x1] =	wrdreg $0xFFFFFFFF  }
0xad: {  	[dreg:$0x0] =	wrdreg $0x60  }
0xae: {  	[dreg:$0x2] =	wrdreg s24  }
0xaf: {  	[dreg:$0x3] =	wrdreg $0x9  }
0xb0: {  	_ =	task.clear_ibuf [dreg:s6], $0x4FFFF;
	_ =	strace $0x90000046  }
0xb1: {  	s29 =	simm.s32 $0x9;
	_ =	strace $0x80000048  }
0xb2: {  	_ =	swait.ge [sflag:s29], $0x1  }
0xb3: {  	[sflag:s29] =	ssyncadd.s32 $0xFFFFFFFF  }
0xb4: {  	_ =	strace $0x90000048  }
0xb5: {  	_ =	sfence  }
0xb6: {  	s30 =	sld [smem:$0x0];
	_ =	sdelay $0x2  }
0xb7: {  	s31 =	sshll.u32 s1, $0xD;
	s1 =	sshrl.u32 s1, $0x2  }
0xb8: {  	s3 =	sand.u32 $0x4000, s31;
	s1 =	sadd.s32 s1, s30  }
0xb9: {  	s0 =	sor.u32 s3, s0;
	s1 =	sshll.u32 s1, $0x11  }
0xba: {  	s0 =	sor.u32 s1, s0  }
0xbb: {  	s0 =	sadd.s32 $0x8F2B, s0  }
0xbc: {  	[sflag:s0] =	ssyncadd.remote.s32 $0x1  }
0xbd: {  	_ =	sfence.sel $0xFFFF  }
0xbe: {  	[dreg:$0x0] =	wrdreg $0xFFFFFFFF;
	(pc) =	sbr.abs _section_cstart, $3  }
0xbf: {  	[dreg:$0x1] =	wrdreg $0xFFFFFFFF  }
0xc0: {  	_ =	task.clear_ibuf [dreg:s6], $0x2FFFF;
	_ =	strace $0x9FFFFFFF  }
0xc1: {  	(tm) =	ssettm $0x7FFFFFFF  }
tec
execute0_lowered:
.L_overlay_start_1:
0x0: {  	(tag) =	ssettag $0x1  }
0x1: {  	s1 =	srdreg.scid;
	s0 =	stileid.u32  }
0x2: {  	s5 =	rddreg [dreg:$0x0];
	s2 =	simm.s32 $0x0;
	s8 =	simm.s32 $0x80  }
0x3: {  	v1 =	vimm.s32 $0xEDCBA987;
	s9 =	simm.s32 $0x400;
	s3 =	sand.u32 $0x1, s1;
	s29 =	sshll.u32 s0, $0x1  }
0x4: {  	v0 =	vimm.s32 $0x65432100;
	s10 =	simm.s32 $0x0;
	s30 =	sshrl.u32 s0, $0x2;
	v1 =	vunpack.c.l.s4.s8 v1;
	s4 =	sor.u32 s3, s29  }
0x5: {  	v2 =	vimm.s32 $0xFFEDCBA9;
	v3 =	vimm.s32 $0x87654321;
	s1 =	rddreg [dreg:$0x1];
	v0 =	vunpack.c.l.s4.s8 v0;
	s6 =	smul.u32 $0x20400, s30;
	s7 =	sshll.u32 s4, $0x7  }
0x6: {  	[smem:$0x7FF] =	sst s2;
	v2 =	vunpack.c.l.s4.s8 v2;
	v3 =	vunpack.c.l.s4.s8 v3;
	s3 =	ssub.s32 $0x2, s3;
	v1 =	vunpack.c.0.s8.s32 v1;
	s7 =	sand.u32 $0x380, s7  }
0x7: {  	vm0 =	vcmask $0x3F3C;
	_ =	strace $0x80000047;
	s31 =	sshrl.u32 s3, $0x1;
	v4 =	vunpack.c.0.s8.s32 v0;
	s6 =	sor.u32 s6, s7  }
0x8: {  	s4 =	sshll.u32 s4, $0xD;
	v2 =	vunpack.c.0.s8.s32 v2;
	v3 =	vunpack.c.0.s8.s32 v3;
	s7 =	ssub.s32 s3, s31;
	v1 =	vand.u32 $0xF, v1;
	s6 =	sshrl.u32 s6, $0x3  }
0x9: {  	v0 =	vimm.s32 $0x0;
	s3 =	sadd.s32 s5, s4;
	v1 =	vcombine.low v4, v1;
	v4 =	vlaneseq.u32;
	s6 =	sadd.s32 s6, s5;
	s5 =	smax.u32 s7, $0x1  }
0xa: {  	v2 =	vcombine.low v3, v2;
	s7 =	simm.s32 $0x1;
	v3 =	vor.u32 $0x80000000, v4;
	v4 =	vadd.s32 $0x2, v4;
	s4 =	sadd.s32 $0x80000, s6;
	s6 =	simm.s32 $0x4080  }
.LBB2_1:
0xb: {  	s11 =	simm.s32 $0x40;
	s12 =	simm.s32 $0x0  }
.LBB2_2:
0xc: {  	p0 =	sne.s32 s11, $0x10000;
	[tilespmem:s12+$0x0] =	vst v0;
	s12 =	smov.u32 s11;
	s11 =	sadd.s32 $0x40, s11  }
.Ltmp0:
0xd: {  	(pc) =	sbr.rel @p0 .LBB2_2-.Ltmp0, $2  }
0xe: {  	_ =	sdelay $0x2  }
0xf: {  	s12 =	sshra.s32 s12, $0x2  }
0x10: {  	[tilespmem:s12+$0x0] =	vst v0;
	s11 =	simm.s32 $0x0;
	s12 =	simm.s32 $0x0  }
.LBB2_4:
0x11: {  	s13 =	sshll.u32 s12, $0x8  }
0x12: {  	s13 =	sadd.s32 s13, s3  }
0x13: {  	[tilespmem:s6], [sflag:$0x1] =	stream.linear.gather [hbm4b:s13+s11], $0x800, $0x38;
	[tilespmem:$0x4880] =	vst v63  }
0x14: {  	_ =	swait.ge [sflag:s7], $0x800  }
0x15: {  	[sflag:s7] =	ssyncset.done $0x0  }
0x16: {  	s14 =	simm.s32 $0x0;
	s13 =	simm.s32 $0x40;
	[sflag:s7] =	ssyncadd.s32 $0xFFFFF800  }
.LBB2_5:
0x17: {  	p0 =	sne.s32 s13, $0x1FC0;
	v5 =	vld [tilespmem:s14+$0x4080];
	_ =	sdelay $0x4  }
0x18: {  	v6 =	vxor.u32 $0x80000000, v5  }
0x19: {  	(xrf1) =	vsort.ascd.msk.u32 $0xffff, v6, v5;
	_ =	sdelay $0xd  }
0x1a: {  	v5, _, _ =	vpop (xrf1)  }
0x1b: {  	v5 =	vxor.u32 $0x80000000, v5  }
0x1c: {  	v6 =	vperm.xlane v5, v1;
	_ =	sdelay $0x1  }
0x1d: {  	vm1 =	veq.s32 v5, v6  }
0x1e: {  	v6 =	vsel vm1, $0x80000000, v3  }
0x1f: {  	(xrf0) =	vmax.scan.msk.u32 $0xffff, v6  }
0x20: {  	v6 =	vperm.xlane v5, v2  }
0x21: {  	v7 =	vld.idx.msk [tilespmem:v5+s2+$0x0], $0xffff  }
0x22: {  	vm1 =	vne.s32 v5, v6  }
0x23: {  	vm1 =	vmor vm1, vm0;
	_ =	sdelay $0x1  }
.Ltmp1:
0x24: {  	v6, _, _ =	vpop (xrf0);
	(pc) =	sbr.rel @p0 .LBB2_5-.Ltmp1, $4  }
0x25: {  	v6 =	vxor.u32 $0x7FFFFFFF, v6  }
0x26: {  	v6 =	vadd.s32 v6, v7  }
0x27: {  	v6 =	vadd.s32 v4, v6  }
0x28: {  	s14 =	sshra.s32 s13, $0x2;
	s13 =	sadd.s32 $0x40, s13;
	[tilespmem:v5+s2+$0x0] =	vst.idx.msk vm1, v6  }
0x29: {  	v5 =	vld [tilespmem:s14+$0x4080];
	_ =	sdelay $0x4  }
0x2a: {  	v6 =	vxor.u32 $0x80000000, v5  }
0x2b: {  	(xrf1) =	vsort.ascd.msk.u32 $0xffff, v6, v5;
	_ =	sdelay $0xd  }
0x2c: {  	v5, _, _ =	vpop (xrf1)  }
0x2d: {  	v5 =	vxor.u32 $0x80000000, v5  }
0x2e: {  	v6 =	vperm.xlane v5, v1;
	_ =	sdelay $0x1  }
0x2f: {  	vm1 =	veq.s32 v5, v6  }
0x30: {  	v6 =	vsel vm1, $0x80000000, v3  }
0x31: {  	(xrf0) =	vmax.scan.msk.u32 $0xffff, v6  }
0x32: {  	v6 =	vperm.xlane v5, v2;
	_ =	sdelay $0x1  }
0x33: {  	v7 =	vld.idx.msk [tilespmem:v5+s2+$0x0], $0xffff;
	vm1 =	vne.s32 v5, v6  }
0x34: {  	s12 =	sadd.s32 $0x1, s12;
	vm1 =	vmor vm1, vm0  }
0x35: {  	p0 =	sne.s32 s12, $0x20  }
.Ltmp2:
0x36: {  	v6, _, _ =	vpop (xrf0);
	(pc) =	sbr.rel @p0 .LBB2_4-.Ltmp2, $4  }
0x37: {  	v6 =	vxor.u32 $0x7FFFFFFF, v6  }
0x38: {  	v6 =	vadd.s32 v6, v7  }
0x39: {  	v6 =	vadd.s32 v4, v6  }
0x3a: {  	[tilespmem:v5+s2+$0x0] =	vst.idx.msk vm1, v6  }
0x3b: {  	s10 =	sadd.s32 $0x1, s10  }
0x3c: {  	p0 =	sne.s32 s10, s5  }
.Ltmp3:
0x3d: {  	_ = 	snop;
	(pc) =	sbr.rel @p0 .LBB2_1-.Ltmp3, $4  }
0x3e: {  	[hbm4b:s4+s8] =	stream.strided.scatter [tilespmem:s2], [sflag:$0x1], $0x4080, s9, s8, $0x38;
	[tilespmem:$0x4880] =	vst v63  }
0x3f: {  	_ =	swait.ge [sflag:s7], $0x4080  }
0x40: {  	[sflag:s7] =	ssyncset.done $0x0  }
0x41: {  	[sflag:s7] =	ssyncadd.s32 $0xFFFFBF80  }
0x42: {  	_ =	sfence.sel $0x180000  }
0x43: {  	[bflag:$0x0] =	sbarrier.arrive $0xFFFF  }
0x44: {  	p0 =	sne.s32 s0, $0x0;
	_ =	strace $0x90000047  }
0x45: {  	s0 =	sadd.s32 @!p0 $0x100000, s1;
	[bflag:$0x2] =	sbarrier.arrive $0xFFFF  }
0x46: {  	[sflag:s0] =	ssyncadd.tile.s32 @!p0 $0x1;
	_ =	shalt  }
.Lfunc_end2:
_tile_overlayer_lowered:
.L_overlay_start_2:
0x47: {  	(tag) =	ssettag $0x2  }
0x48: {  	s0 =	rddreg [dreg:$0x0];
	s2 =	stileid.u32  }
0x49: {  	s1 =	rddreg [dreg:$0x1];
	p0 =	sne.s32 s2, $0x0  }
0x4a: {  	s3 =	rddreg [dreg:$0x2];
	[bflag:$0x3] =	sbarrier.arrive $0xFFFF;
	s2 =	simm.s32 @!p0 $0x1C01  }
0x4b: {  	[timem:s3], [sflag:s2] =	dma.local @!p0 [hbm:s0], s1  }
0x4c: {  	s0 =	simm.s32 @!p0 $0x1  }
0x4d: {  	_ =	swait.ge @!p0 [sflag:s0], s1  }
0x4e: {  	s1 =	ssub.s32 @!p0 $0x0, s1;
	[sflag:s0] =	ssyncset.done @!p0 $0x0  }
0x4f: {  	[sflag:s0] =	ssyncadd.s32 @!p0 s1  }
0x50: {  	[bflag:$0x3] =	sbarrier.arrive $0xFFFF  }
0x51: {  	_ =	shalt  }

</sc_bundles>
